<compile_context>
chip_gen: v7x
topology: tpu7x:2x2x1
jax: 0.10.2.dev20260603
libtpu: 0.0.44.dev20260713+nightly
codegen_flags: <defaults>
</compile_context>

<pallas_src>
import functools

import jax
import jax.numpy as jnp
from jax import lax
from jax.experimental import pallas as pl
from jax.experimental.pallas import tpu as pltpu
from jax.experimental.pallas import tpu_sc as plsc

NS = 16
CK = 112
NI = 6


def _leaky(v):
    return jnp.where(v >= 0, v, 0.01 * v)


def _make_deg_kernel(n_pad, e_rows):
    rows_t = n_pad // NS
    ert = e_rows // NS
    mesh = plsc.VectorSubcoreMesh(core_axis_name="c", subcore_axis_name="s")
    f32 = jnp.float32

    def body(dst1, dst2, d1, d2, idx0_v, idx1_v, tab_v, red_v, degb_v, red_sh,
             sem0, sem1):
        s = lax.axis_index("s")
        c = lax.axis_index("c")

        def run(dst, d_out):
            def z(i, carry):
                tab_v[pl.ds(i * 16, 16)] = jnp.zeros((16,), f32)
                return carry

            lax.fori_loop(0, n_pad // 16, z, 0)
            base = s * ert
            pltpu.sync_copy(dst.at[base], idx0_v)
            pltpu.async_copy(dst.at[base + 1], idx1_v, sem1)

            def scat(idx_v):
                def sc16(i, carry2):
                    iv = idx_v[pl.ds(i * 16, 16)]
                    plsc.addupdate_scatter(tab_v, [iv],
                                           jnp.ones((16,), f32))
                    return carry2

                lax.fori_loop(0, CK // 16, sc16, 0)

            def pair(t, carry):
                c0 = 2 * t
                scat(idx0_v)

                @pl.when(c0 + 2 < ert)
                def _():
                    pltpu.async_copy(dst.at[base + c0 + 2], idx0_v, sem0)

                pltpu.make_async_copy(dst.at[base], idx1_v, sem1).wait()
                scat(idx1_v)

                @pl.when(c0 + 3 < ert)
                def _():
                    pltpu.async_copy(dst.at[base + c0 + 3], idx1_v, sem1)

                @pl.when(c0 + 2 < ert)
                def _():
                    pltpu.make_async_copy(dst.at[base], idx0_v, sem0).wait()

                return carry

            lax.fori_loop(0, ert // 2, pair, 0)
            pltpu.sync_copy(tab_v, red_sh.at[s])
            plsc.subcore_barrier()
            pltpu.sync_copy(red_sh.at[:, pl.ds(s * rows_t, rows_t)], red_v)

            def red(cix, carry):
                acc = jnp.zeros((16,), f32)
                for t in range(NS):
                    acc = acc + red_v[t, pl.ds(cix * 16, 16)]
                tab_v[pl.ds(cix * 16, 16)] = acc
                return carry

            lax.fori_loop(0, rows_t // 16, red, 0)

            def bc(nix, carry):
                vec = plsc.load_gather(tab_v, [jnp.full((16,), nix,
                                                        jnp.int32)])
                for cix in range(8):
                    degb_v[nix, pl.ds(cix * 16, 16)] = vec
                return carry

            lax.fori_loop(0, rows_t, bc, 0)
            pltpu.sync_copy(degb_v, d_out.at[pl.ds(s * rows_t, rows_t)])

        @pl.when(c == 0)
        def _():
            run(dst1, d1)

        @pl.when(c == 1)
        def _():
            run(dst2, d2)

    return pl.kernel(
        body,
        out_type=[jax.ShapeDtypeStruct((n_pad, 128), jnp.float32)] * 2,
        mesh=mesh,
        scratch_types=[
            pltpu.VMEM((CK,), jnp.int32),
            pltpu.VMEM((CK,), jnp.int32),
            pltpu.VMEM((n_pad,), jnp.float32),
            pltpu.VMEM((NS, n_pad // NS), jnp.float32),
            pltpu.VMEM((n_pad // NS, 128), jnp.float32),
            pltpu.VMEM_SHARED((NS, n_pad), jnp.float32),
            pltpu.SemaphoreType.DMA,
            pltpu.SemaphoreType.DMA,
        ],
        compiler_params=pltpu.CompilerParams(needs_layout_passes=False),
    )


def _make_agg_kernel(n_pad, e_rows, d):
    rows_t = n_pad // NS
    ert = e_rows // NS
    mesh = plsc.VectorSubcoreMesh(core_axis_name="c", subcore_axis_name="s")

    NB = 3

    def body(src1, dst1, y1, src2, dst2, y2, agg1, agg2, sidx, didx,
             rows, agg_sh, sem_g, sem_s, sem_i):
        s = lax.axis_index("s")
        c = lax.axis_index("c")

        def run(src, dst, y, agg_out):
            pltpu.sync_copy(y.at[pl.ds(s * rows_t, rows_t)],
                            agg_sh.at[pl.ds(s * rows_t, rows_t)])
            plsc.subcore_barrier()

            base = s * ert
            for k in range(NB):
                pltpu.sync_copy(src.at[base + k], sidx[k])
                pltpu.sync_copy(dst.at[base + k], didx[k])
                pltpu.async_copy(y.at[sidx[k]], rows[k], sem_g[k])

            def octet(t, carry):
                for k in range(NI):
                    ck = NI * t + k
                    srot = k % NB
                    prot = (k + NB) % NI
                    pltpu.make_async_copy(y.at[sidx[k]], rows[srot],
                                          sem_g[srot]).wait()
                    sc = pltpu.async_copy(rows[srot], agg_sh.at[didx[k]],
                                          sem_s, add=True)

                    @pl.when(ck + NB < ert)
                    def _():
                        pltpu.async_copy(src.at[base + ck + NB], sidx[prot],
                                         sem_i)
                        pltpu.async_copy(dst.at[base + ck + NB], didx[prot],
                                         sem_i)

                    sc.wait()

                    @pl.when(ck + NB < ert)
                    def _():
                        pltpu.make_async_copy(src.at[base], sidx[prot],
                                              sem_i).wait()
                        pltpu.make_async_copy(dst.at[base], didx[prot],
                                              sem_i).wait()
                        pltpu.async_copy(y.at[sidx[prot]], rows[srot],
                                         sem_g[srot])

                return carry

            lax.fori_loop(0, ert // NI, octet, 0)
            plsc.subcore_barrier()
            pltpu.sync_copy(agg_sh.at[pl.ds(s * rows_t, rows_t)],
                            agg_out.at[pl.ds(s * rows_t, rows_t)])

        @pl.when(c == 0)
        def _():
            run(src1, dst1, y1, agg1)

        @pl.when(c == 1)
        def _():
            run(src2, dst2, y2, agg2)

    return pl.kernel(
        body,
        out_type=[jax.ShapeDtypeStruct((n_pad, d), jnp.float32)] * 2,
        mesh=mesh,
        scratch_types=[
            [pltpu.VMEM((CK,), jnp.int32)] * NI,
            [pltpu.VMEM((CK,), jnp.int32)] * NI,
            [pltpu.VMEM((CK, d), jnp.float32)] * NB,
            pltpu.VMEM_SHARED((n_pad, d), jnp.float32),
            [pltpu.SemaphoreType.DMA] * NB,
            pltpu.SemaphoreType.DMA,
            pltpu.SemaphoreType.DMA,
        ],
    )


def _xw_body(x1_ref, w1_ref, h1_ref, x2_ref, w2_ref, h2_ref, y1_ref, y2_ref):
    d1 = lax.rsqrt(h1_ref[...] + 1.0)
    d2 = lax.rsqrt(h2_ref[...] + 1.0)
    y1_ref[...] = jnp.dot(x1_ref[...], w1_ref[...],
                          preferred_element_type=jnp.float32) * d1
    y2_ref[...] = jnp.dot(x2_ref[...], w2_ref[...],
                          preferred_element_type=jnp.float32) * d2


def _make_xw_kernel(n_pad, d, out):
    rb = 512
    grid = (n_pad // rb,)
    row = lambda i: (i, 0)
    fixed = lambda i: (0, 0)
    return pl.pallas_call(
        _xw_body,
        grid=grid,
        in_specs=[
            pl.BlockSpec((rb, d), row),
            pl.BlockSpec((d, out), fixed),
            pl.BlockSpec((rb, 128), row),
            pl.BlockSpec((rb, d), row),
            pl.BlockSpec((d, out), fixed),
            pl.BlockSpec((rb, 128), row),
        ],
        out_specs=[
            pl.BlockSpec((rb, out), row),
            pl.BlockSpec((rb, out), row),
        ],
        out_shape=[jax.ShapeDtypeStruct((n_pad, out), jnp.float32)] * 2,
    )


def _make_head_kernel(n_pad, out, n_graphs):
    rb = 512
    nblk = n_pad // rb

    def body(agg1_ref, h1_ref, bv1_ref, agg2_ref, h2_ref, bv2_ref,
             bc1_ref, bc2_ref, wp1_ref, bp1_ref, wp2_ref, bp2_ref,
             w1_ref, b1_ref, w2_ref, b2_ref, wo_ref, bo_ref, o_ref,
             pool1, pool2):
        i = pl.program_id(0)

        @pl.when(i == 0)
        def _():
            pool1[...] = jnp.full((n_graphs + 1, out), -jnp.inf, jnp.float32)
            pool2[...] = jnp.full((n_graphs + 1, out), -jnp.inf, jnp.float32)

        def accum(agg_ref, h_ref, bv_ref, bc_ref, pool):
            dinv = lax.rsqrt(h_ref[...] + 1.0)
            t = _leaky(dinv * agg_ref[...] + bc_ref[...])
            bv = bv_ref[...]
            g_lo = jnp.min(bv)
            g_hi = jnp.max(bv)

            def upd(g, carry):
                m = bv == g
                cand = jnp.max(jnp.where(m, t, -jnp.inf), axis=0,
                               keepdims=True)
                pool[pl.ds(g, 1), :] = jnp.maximum(pool[pl.ds(g, 1), :], cand)
                return carry

            lax.fori_loop(g_lo, g_hi + 1, upd, 0)

        accum(agg1_ref, h1_ref, bv1_ref, bc1_ref, pool1)
        accum(agg2_ref, h2_ref, bv2_ref, bc2_ref, pool2)

        @pl.when(i == nblk - 1)
        def _():
            p1 = pool1[0:n_graphs, :]
            p1 = jnp.where(jnp.isfinite(p1), p1, 0.0)
            p2 = pool2[0:n_graphs, :]
            p2 = jnp.where(jnp.isfinite(p2), p2, 0.0)
            p1 = _leaky(jnp.dot(p1, wp1_ref[...],
                                preferred_element_type=jnp.float32)
                        + bp1_ref[...])
            p2 = _leaky(jnp.dot(p2, wp2_ref[...],
                                preferred_element_type=jnp.float32)
                        + bp2_ref[...])
            cc = jnp.concatenate([p1, p2], axis=1)
            cc = _leaky(jnp.dot(cc, w1_ref[...],
                                preferred_element_type=jnp.float32)
                        + b1_ref[...])
            cc = _leaky(jnp.dot(cc, w2_ref[...],
                                preferred_element_type=jnp.float32)
                        + b2_ref[...])
            z = jnp.dot(cc, wo_ref[...],
                        preferred_element_type=jnp.float32) + bo_ref[...]
            o_ref[...] = 1.0 / (1.0 + jnp.exp(-z))

    row = lambda i: (i, 0)
    fixed = lambda i: (0, 0)
    per_graph = [
        pl.BlockSpec((rb, out), row),
        pl.BlockSpec((rb, 128), row),
        pl.BlockSpec((rb, 1), row),
    ]
    return pl.pallas_call(
        body,
        grid=(nblk,),
        in_specs=per_graph + per_graph + [
            pl.BlockSpec((1, out), fixed),
            pl.BlockSpec((1, out), fixed),
            pl.BlockSpec((out, out), fixed),
            pl.BlockSpec((1, out), fixed),
            pl.BlockSpec((out, out), fixed),
            pl.BlockSpec((1, out), fixed),
            pl.BlockSpec((2 * out, 256), fixed),
            pl.BlockSpec((1, 256), fixed),
            pl.BlockSpec((256, 64), fixed),
            pl.BlockSpec((1, 64), fixed),
            pl.BlockSpec((64, 1), fixed),
            pl.BlockSpec((1, 1), fixed),
        ],
        out_specs=pl.BlockSpec((n_graphs, 1), fixed),
        out_shape=jax.ShapeDtypeStruct((n_graphs, 1), jnp.float32),
        scratch_shapes=[
            pltpu.VMEM((n_graphs + 1, out), jnp.float32),
            pltpu.VMEM((n_graphs + 1, out), jnp.float32),
        ],
    )


def kernel(pro1_x, pro1_edge_index, pro1_batch, pro2_x, pro2_edge_index,
           pro2_batch, W_conv1, b_conv1, W_fc_p1, b_fc_p1, W_conv2, b_conv2,
           W_fc_p2, b_fc_p2, W_fc1, b_fc1, W_fc2, b_fc2, W_out, b_out):
    n, d = pro1_x.shape
    out = W_conv1.shape[1]
    e = pro1_edge_index.shape[1]
    n_graphs = 64

    n_pad = -(-n // (NS * 128)) * (NS * 128)
    scrap = n
    ert = -(-e // (NS * CK))
    ert = -(-ert // NI) * NI
    e_pad = ert * NS * CK
    e_rows = e_pad // CK

    i32 = jnp.int32
    f32 = jnp.float32

    def prep_graph(x, ei, batch):
        ei = ei.astype(i32)
        pad_e = e_pad - e
        src = jnp.concatenate([ei[0], jnp.zeros((pad_e,), i32)])
        dst = jnp.concatenate([ei[1], jnp.full((pad_e,), scrap, i32)])
        src = src.reshape(e_rows, CK)
        dst = dst.reshape(e_rows, CK)
        xp = jnp.concatenate([x, jnp.zeros((n_pad - n, d), f32)], axis=0)
        bp = jnp.concatenate(
            [batch.astype(i32), jnp.full((n_pad - n,), n_graphs, i32)]
        ).reshape(n_pad, 1)
        return src, dst, xp, bp

    src1, dst1, x1p, b1p = prep_graph(pro1_x, pro1_edge_index, pro1_batch)
    src2, dst2, x2p, b2p = prep_graph(pro2_x, pro2_edge_index, pro2_batch)

    h1, h2 = _make_deg_kernel(n_pad, e_rows)(dst1, dst2)
    y1, y2 = _make_xw_kernel(n_pad, d, out)(x1p, W_conv1, h1, x2p, W_conv2,
                                            h2)
    agg1, agg2 = _make_agg_kernel(n_pad, e_rows, out)(src1, dst1, y1, src2,
                                                      dst2, y2)

    res = _make_head_kernel(n_pad, out, n_graphs)(
        agg1, h1, b1p, agg2, h2, b2p,
        b_conv1.reshape(1, out), b_conv2.reshape(1, out),
        W_fc_p1, b_fc_p1.reshape(1, out), W_fc_p2, b_fc_p2.reshape(1, out),
        W_fc1, b_fc1.reshape(1, 256), W_fc2, b_fc2.reshape(1, 64),
        W_out, b_out.reshape(1, 1))
    return res

# --- scband reference (transcript-rebuilt; emitter-appended) ---
"""Pipeline reference for scband-protein-interaction-gnn-24764781428928 (READ-ONLY COPY).

The authoritative reference and input builder live on the scoring server;
editing this copy changes nothing except your own understanding.
"""

import jax, jax.numpy as jnp
import numpy as np

N = 10000
E = 320000
D = 128
OUT = 128
B_GRAPHS = 64


def leaky_relu(v):
    return jnp.where(v >= 0, v, 0.01 * v)


def gcn_conv(x, edge_index, W, b, n):
    # PyG GCNConv: x' = D^-1/2 (A + I) D^-1/2 X W + b
    xw = x @ W
    loop = jnp.arange(n)
    src = jnp.concatenate([edge_index[0], loop])
    dst = jnp.concatenate([edge_index[1], loop])
    deg = jnp.zeros(n, dtype=x.dtype).at[dst].add(1.0)
    dinv = jnp.where(deg > 0, jax.lax.rsqrt(deg), 0.0)
    norm = dinv[src] * dinv[dst]
    msgs = xw[src] * norm[:, None]
    out = jnp.zeros_like(xw).at[dst].add(msgs)
    return out + b


def global_max_pool(x, batch, num_graphs):
    p = jax.ops.segment_max(x, batch, num_segments=num_graphs)
    return jnp.where(jnp.isfinite(p), p, 0.0)


def setup_inputs(seed: int = 0) -> dict:
    key = jax.random.key(seed)
    ks = jax.random.split(key, 20)
    inp = {}
    inp['pro1_x'] = jax.random.normal(ks[0], (N, D), dtype=jnp.float32)
    inp['pro1_edge_index'] = jax.random.randint(ks[1], (2, E), 0, N, dtype=jnp.int64)
    inp['pro1_batch'] = jnp.sort(jax.random.randint(ks[2], (N,), 0, B_GRAPHS, dtype=jnp.int64))
    inp['pro2_x'] = jax.random.normal(ks[3], (N, D), dtype=jnp.float32)
    inp['pro2_edge_index'] = jax.random.randint(ks[4], (2, E), 0, N, dtype=jnp.int64)
    inp['pro2_batch'] = jnp.sort(jax.random.randint(ks[5], (N,), 0, B_GRAPHS, dtype=jnp.int64))
    s = 0.05
    inp['W_conv1'] = jax.random.normal(ks[6], (D, OUT), dtype=jnp.float32) * s
    inp['b_conv1'] = jnp.zeros((OUT,), dtype=jnp.float32)
    inp['W_fc_p1'] = jax.random.normal(ks[7], (OUT, OUT), dtype=jnp.float32) * s
    inp['b_fc_p1'] = jnp.zeros((OUT,), dtype=jnp.float32)
    inp['W_conv2'] = jax.random.normal(ks[8], (D, OUT), dtype=jnp.float32) * s
    inp['b_conv2'] = jnp.zeros((OUT,), dtype=jnp.float32)
    inp['W_fc_p2'] = jax.random.normal(ks[9], (OUT, OUT), dtype=jnp.float32) * s
    inp['b_fc_p2'] = jnp.zeros((OUT,), dtype=jnp.float32)
    inp['W_fc1'] = jax.random.normal(ks[10], (2 * OUT, 256), dtype=jnp.float32) * s
    inp['b_fc1'] = jnp.zeros((256,), dtype=jnp.float32)
    inp['W_fc2'] = jax.random.normal(ks[11], (256, 64), dtype=jnp.float32) * s
    inp['b_fc2'] = jnp.zeros((64,), dtype=jnp.float32)
    inp['W_out'] = jax.random.normal(ks[12], (64, 1), dtype=jnp.float32) * s
    inp['b_out'] = jnp.zeros((1,), dtype=jnp.float32)
    return inp


def reference(pro1_x, pro1_edge_index, pro1_batch, pro2_x, pro2_edge_index, pro2_batch,
              W_conv1, b_conv1, W_fc_p1, b_fc_p1, W_conv2, b_conv2, W_fc_p2, b_fc_p2,
              W_fc1, b_fc1, W_fc2, b_fc2, W_out, b_out):
    # dropout is identity in eval mode
    x1 = gcn_conv(pro1_x, pro1_edge_index, W_conv1, b_conv1, N)
    x1 = leaky_relu(x1)
    x1 = global_max_pool(x1, pro1_batch, B_GRAPHS)
    x1 = leaky_relu(x1 @ W_fc_p1 + b_fc_p1)
    x2 = gcn_conv(pro2_x, pro2_edge_index, W_conv2, b_conv2, N)
    x2 = leaky_relu(x2)
    x2 = global_max_pool(x2, pro2_batch, B_GRAPHS)
    x2 = leaky_relu(x2 @ W_fc_p2 + b_fc_p2)
    c = jnp.concatenate([x1, x2], axis=1)
    c = leaky_relu(c @ W_fc1 + b_fc1)
    c = leaky_relu(c @ W_fc2 + b_fc2)
    out = c @ W_out + b_out
    return jax.nn.sigmoid(out)

if __name__ == "__main__":
    import jax
    _d = setup_inputs()
    print(jax.jit(kernel)(*tuple(_d.values())))

</pallas_src>

<mosaic_0001>
#map = affine_map<(d0, d1) -> (0, 0)>
module attributes {stable_mosaic.version = 14 : i64} {
  func.func @body(%arg0: i32, %arg1: i32, %arg2: memref<2880x112xi32, #tpu.memory_space<hbm>>, %arg3: memref<2880x112xi32, #tpu.memory_space<hbm>>, %arg4: memref<10240x128xf32, #tpu.memory_space<hbm>>, %arg5: memref<10240x128xf32, #tpu.memory_space<hbm>>, %arg6: memref<112xi32, #tpu.memory_space<vmem>>, %arg7: memref<112xi32, #tpu.memory_space<vmem>>, %arg8: memref<10240xf32, #tpu.memory_space<vmem>>, %arg9: memref<16x640xf32, #tpu.memory_space<vmem>>, %arg10: memref<640x128xf32, #tpu.memory_space<vmem>>, %arg11: memref<16x10240xf32, #tpu.memory_space<vmem_shared>>, %arg12: memref<!tpu.dma_semaphore, #tpu.memory_space<semaphore_mem>>, %arg13: memref<!tpu.dma_semaphore, #tpu.memory_space<semaphore_mem>>) attributes {dimension_semantics = [#tpu.dimension_semantics<core_parallel>, #tpu.dimension_semantics<subcore_parallel>], iteration_bounds = array<i64: 2, 16>, scalar_prefetch = 0 : i64, scratch_operands = 8 : i64, tpu.core_type = #tpu.core_type<sc_vector_subcore>, window_params = [{transform_indices = #map}, {transform_indices = #map}, {transform_indices = #map}, {transform_indices = #map}]} {
    %eq3A = arith.constant 0 : i32
    %eq3A_0 = arith.cmpi eq, %arg0, %eq3A : i32
    %convert_element_type3A = arith.extui %eq3A_0 : i1 to i32
    %cond3A = arith.constant 0 : i32
    %cond3A_1 = arith.cmpi ne, %convert_element_type3A, %cond3A : i32
    scf.if %cond3A_1 {
      %scan3A = arith.constant 0 : i32
      %scan3A_7 = arith.constant 0 : i32
      %scan3A_8 = arith.constant 640 : i32
      %scan3A_9 = arith.addi %scan3A_7, %scan3A_8 : i32
      %scan3A_10 = arith.constant 1 : i32
      scf.for %scan3A_41 = %scan3A_7 to %scan3A_9 step %scan3A_10  : i32 {
        %broadcast_in_dim3A = arith.constant 0.000000e+00 : f32
        %broadcast_in_dim3A_42 = vector.broadcast %broadcast_in_dim3A : f32 to vector<16xf32>
        %mul3A_43 = arith.constant 16 : i32
        %mul3A_44 = arith.muli %scan3A_41, %mul3A_43 : i32
        %swap3A = arith.index_cast %mul3A_44 : i32 to index
        %swap3A_45 = tpu.vector_load %arg8[%swap3A] {strides = array<i32>} : memref<10240xf32, #tpu.memory_space<vmem>>, vector<16xf32>,
        tpu.vector_store %arg8[%swap3A], %broadcast_in_dim3A_42 {strides = array<i32>} : memref<10240xf32, #tpu.memory_space<vmem>>, vector<16xf32>,
      }
      %scan3A_11 = arith.constant 640 : i32
      %mul3A = arith.constant 180 : i32
      %mul3A_12 = arith.muli %arg1, %mul3A : i32
      "tpu.region"() ({
        %run_scoped3A = tpu.sem_alloc : memref<!tpu.dma_semaphore, #tpu.memory_space<semaphore_mem>>
        %dma_start3A_41 = arith.constant 0 : i32
        %dma_start3A_42 = tpu.memref_slice %arg2[%mul3A_12, %dma_start3A_41] : memref<2880x112xi32, #tpu.memory_space<hbm>> -> memref<1x112xi32, #tpu.memory_space<hbm>>
        %dma_start3A_43 = tpu.memref_squeeze %dma_start3A_42 : memref<1x112xi32, #tpu.memory_space<hbm>> -> memref<112xi32, #tpu.memory_space<hbm>>
        %dma_start3A_44 = arith.constant 0 : i32
        %dma_start3A_45 = tpu.memref_slice %arg2[%mul3A_12, %dma_start3A_44] : memref<2880x112xi32, #tpu.memory_space<hbm>> -> memref<1x112xi32, #tpu.memory_space<hbm>>
        %dma_start3A_46 = tpu.memref_squeeze %dma_start3A_45 : memref<1x112xi32, #tpu.memory_space<hbm>> -> memref<112xi32, #tpu.memory_space<hbm>>
        tpu.enqueue_dma source(%dma_start3A_46 : memref<112xi32, #tpu.memory_space<hbm>>) target(%arg6 : memref<112xi32, #tpu.memory_space<vmem>>) target_semaphore(%run_scoped3A : memref<!tpu.dma_semaphore, #tpu.memory_space<semaphore_mem>>)
        %dma_wait3A = arith.constant 0 : i32
        %dma_wait3A_47 = tpu.memref_slice %arg2[%mul3A_12, %dma_wait3A] : memref<2880x112xi32, #tpu.memory_space<hbm>> -> memref<1x112xi32, #tpu.memory_space<hbm>>
        %dma_wait3A_48 = tpu.memref_squeeze %dma_wait3A_47 : memref<1x112xi32, #tpu.memory_space<hbm>> -> memref<112xi32, #tpu.memory_space<hbm>>
        %dma_wait3A_49 = arith.constant 0 : i32
        %dma_wait3A_50 = tpu.memref_slice %arg2[%mul3A_12, %dma_wait3A_49] : memref<2880x112xi32, #tpu.memory_space<hbm>> -> memref<1x112xi32, #tpu.memory_space<hbm>>
        %dma_wait3A_51 = tpu.memref_squeeze %dma_wait3A_50 : memref<1x112xi32, #tpu.memory_space<hbm>> -> memref<112xi32, #tpu.memory_space<hbm>>
        tpu.wait_dma2 semaphore(%run_scoped3A : memref<!tpu.dma_semaphore, #tpu.memory_space<semaphore_mem>>) src(%dma_wait3A_51 : memref<112xi32, #tpu.memory_space<hbm>>) dst(%arg6 : memref<112xi32, #tpu.memory_space<vmem>>)
        tpu.yield
      }) : () -> ()
      %add3A = arith.constant 1 : i32
      %add3A_13 = arith.addi %mul3A_12, %add3A : i32
      %dma_start3A = arith.constant 0 : i32
      %dma_start3A_14 = tpu.memref_slice %arg2[%add3A_13, %dma_start3A] : memref<2880x112xi32, #tpu.memory_space<hbm>> -> memref<1x112xi32, #tpu.memory_space<hbm>>
      %dma_start3A_15 = tpu.memref_squeeze %dma_start3A_14 : memref<1x112xi32, #tpu.memory_space<hbm>> -> memref<112xi32, #tpu.memory_space<hbm>>
      %dma_start3A_16 = arith.constant 0 : i32
      %dma_start3A_17 = tpu.memref_slice %arg2[%add3A_13, %dma_start3A_16] : memref<2880x112xi32, #tpu.memory_space<hbm>> -> memref<1x112xi32, #tpu.memory_space<hbm>>
      %dma_start3A_18 = tpu.memref_squeeze %dma_start3A_17 : memref<1x112xi32, #tpu.memory_space<hbm>> -> memref<112xi32, #tpu.memory_space<hbm>>
      tpu.enqueue_dma source(%dma_start3A_18 : memref<112xi32, #tpu.memory_space<hbm>>) target(%arg7 : memref<112xi32, #tpu.memory_space<vmem>>) target_semaphore(%arg13 : memref<!tpu.dma_semaphore, #tpu.memory_space<semaphore_mem>>)
      %scan3A_19 = arith.constant 0 : i32
      %scan3A_20 = arith.constant 0 : i32
      %scan3A_21 = arith.constant 90 : i32
      %scan3A_22 = arith.addi %scan3A_20, %scan3A_21 : i32
      %scan3A_23 = arith.constant 1 : i32
      scf.for %scan3A_41 = %scan3A_20 to %scan3A_22 step %scan3A_23  : i32 {
        %mul3A_42 = arith.constant 2 : i32
        %mul3A_43 = arith.muli %mul3A_42, %scan3A_41 : i32
        %scan3A_44 = arith.constant 0 : i32
        %scan3A_45 = arith.constant 0 : i32
        %scan3A_46 = arith.constant 7 : i32
        %scan3A_47 = arith.addi %scan3A_45, %scan3A_46 : i32
        %scan3A_48 = arith.constant 1 : i32
        scf.for %scan3A_81 = %scan3A_45 to %scan3A_47 step %scan3A_48  : i32 {
          %mul3A_82 = arith.constant 16 : i32
          %mul3A_83 = arith.muli %scan3A_81, %mul3A_82 : i32
          %get3A = arith.index_cast %mul3A_83 : i32 to index
          %get3A_84 = tpu.vector_load %arg6[%get3A] {strides = array<i32>} : memref<112xi32, #tpu.memory_space<vmem>>, vector<16xi32>,
          %broadcast_in_dim3A = arith.constant 1.000000e+00 : f32
          %broadcast_in_dim3A_85 = vector.broadcast %broadcast_in_dim3A : f32 to vector<16xf32>
          tpu.vector_store_idx %arg8[%get3A_84], %broadcast_in_dim3A_85 {add = true} : memref<10240xf32, #tpu.memory_space<vmem>>[vector<16xi32>], vector<16xf32>,
        }
        %scan3A_49 = arith.constant 7 : i32
        %add3A_50 = arith.constant 2 : i32
        %add3A_51 = arith.addi %mul3A_43, %add3A_50 : i32
        %lt3A = arith.constant 180 : i32
        %lt3A_52 = arith.cmpi slt, %add3A_51, %lt3A : i32
        %convert_element_type3A_53 = arith.extui %lt3A_52 : i1 to i32
        %cond3A_54 = arith.constant 0 : i32
        %cond3A_55 = arith.cmpi ne, %convert_element_type3A_53, %cond3A_54 : i32
        scf.if %cond3A_55 {
          %add3A_81 = arith.addi %mul3A_12, %mul3A_43 : i32
          %add3A_82 = arith.constant 2 : i32
          %add3A_83 = arith.addi %add3A_81, %add3A_82 : i32
          %dma_start3A_84 = arith.constant 0 : i32
          %dma_start3A_85 = tpu.memref_slice %arg2[%add3A_83, %dma_start3A_84] : memref<2880x112xi32, #tpu.memory_space<hbm>> -> memref<1x112xi32, #tpu.memory_space<hbm>>
          %dma_start3A_86 = tpu.memref_squeeze %dma_start3A_85 : memref<1x112xi32, #tpu.memory_space<hbm>> -> memref<112xi32, #tpu.memory_space<hbm>>
          %dma_start3A_87 = arith.constant 0 : i32
          %dma_start3A_88 = tpu.memref_slice %arg2[%add3A_83, %dma_start3A_87] : memref<2880x112xi32, #tpu.memory_space<hbm>> -> memref<1x112xi32, #tpu.memory_space<hbm>>
          %dma_start3A_89 = tpu.memref_squeeze %dma_start3A_88 : memref<1x112xi32, #tpu.memory_space<hbm>> -> memref<112xi32, #tpu.memory_space<hbm>>
          tpu.enqueue_dma source(%dma_start3A_89 : memref<112xi32, #tpu.memory_space<hbm>>) target(%arg6 : memref<112xi32, #tpu.memory_space<vmem>>) target_semaphore(%arg12 : memref<!tpu.dma_semaphore, #tpu.memory_space<semaphore_mem>>)
        } else {
        }
        %dma_wait3A = arith.constant 0 : i32
        %dma_wait3A_56 = tpu.memref_slice %arg2[%mul3A_12, %dma_wait3A] : memref<2880x112xi32, #tpu.memory_space<hbm>> -> memref<1x112xi32, #tpu.memory_space<hbm>>
        %dma_wait3A_57 = tpu.memref_squeeze %dma_wait3A_56 : memref<1x112xi32, #tpu.memory_space<hbm>> -> memref<112xi32, #tpu.memory_space<hbm>>
        %dma_wait3A_58 = arith.constant 0 : i32
        %dma_wait3A_59 = tpu.memref_slice %arg2[%mul3A_12, %dma_wait3A_58] : memref<2880x112xi32, #tpu.memory_space<hbm>> -> memref<1x112xi32, #tpu.memory_space<hbm>>
        %dma_wait3A_60 = tpu.memref_squeeze %dma_wait3A_59 : memref<1x112xi32, #tpu.memory_space<hbm>> -> memref<112xi32, #tpu.memory_space<hbm>>
        tpu.wait_dma2 semaphore(%arg13 : memref<!tpu.dma_semaphore, #tpu.memory_space<semaphore_mem>>) src(%dma_wait3A_60 : memref<112xi32, #tpu.memory_space<hbm>>) dst(%arg7 : memref<112xi32, #tpu.memory_space<vmem>>)
        %scan3A_61 = arith.constant 0 : i32
        %scan3A_62 = arith.constant 0 : i32
        %scan3A_63 = arith.constant 7 : i32
        %scan3A_64 = arith.addi %scan3A_62, %scan3A_63 : i32
        %scan3A_65 = arith.constant 1 : i32
        scf.for %scan3A_81 = %scan3A_62 to %scan3A_64 step %scan3A_65  : i32 {
          %mul3A_82 = arith.constant 16 : i32
          %mul3A_83 = arith.muli %scan3A_81, %mul3A_82 : i32
          %get3A = arith.index_cast %mul3A_83 : i32 to index
          %get3A_84 = tpu.vector_load %arg7[%get3A] {strides = array<i32>} : memref<112xi32, #tpu.memory_space<vmem>>, vector<16xi32>,
          %broadcast_in_dim3A = arith.constant 1.000000e+00 : f32
          %broadcast_in_dim3A_85 = vector.broadcast %broadcast_in_dim3A : f32 to vector<16xf32>
          tpu.vector_store_idx %arg8[%get3A_84], %broadcast_in_dim3A_85 {add = true} : memref<10240xf32, #tpu.memory_space<vmem>>[vector<16xi32>], vector<16xf32>,
        }
        %scan3A_66 = arith.constant 7 : i32
        %add3A_67 = arith.constant 3 : i32
        %add3A_68 = arith.addi %mul3A_43, %add3A_67 : i32
        %lt3A_69 = arith.constant 180 : i32
        %lt3A_70 = arith.cmpi slt, %add3A_68, %lt3A_69 : i32
        %convert_element_type3A_71 = arith.extui %lt3A_70 : i1 to i32
        %cond3A_72 = arith.constant 0 : i32
        %cond3A_73 = arith.cmpi ne, %convert_element_type3A_71, %cond3A_72 : i32
        scf.if %cond3A_73 {
          %add3A_81 = arith.addi %mul3A_12, %mul3A_43 : i32
          %add3A_82 = arith.constant 3 : i32
          %add3A_83 = arith.addi %add3A_81, %add3A_82 : i32
          %dma_start3A_84 = arith.constant 0 : i32
          %dma_start3A_85 = tpu.memref_slice %arg2[%add3A_83, %dma_start3A_84] : memref<2880x112xi32, #tpu.memory_space<hbm>> -> memref<1x112xi32, #tpu.memory_space<hbm>>
          %dma_start3A_86 = tpu.memref_squeeze %dma_start3A_85 : memref<1x112xi32, #tpu.memory_space<hbm>> -> memref<112xi32, #tpu.memory_space<hbm>>
          %dma_start3A_87 = arith.constant 0 : i32
          %dma_start3A_88 = tpu.memref_slice %arg2[%add3A_83, %dma_start3A_87] : memref<2880x112xi32, #tpu.memory_space<hbm>> -> memref<1x112xi32, #tpu.memory_space<hbm>>
          %dma_start3A_89 = tpu.memref_squeeze %dma_start3A_88 : memref<1x112xi32, #tpu.memory_space<hbm>> -> memref<112xi32, #tpu.memory_space<hbm>>
          tpu.enqueue_dma source(%dma_start3A_89 : memref<112xi32, #tpu.memory_space<hbm>>) target(%arg7 : memref<112xi32, #tpu.memory_space<vmem>>) target_semaphore(%arg13 : memref<!tpu.dma_semaphore, #tpu.memory_space<semaphore_mem>>)
        } else {
        }
        %add3A_74 = arith.constant 2 : i32
        %add3A_75 = arith.addi %mul3A_43, %add3A_74 : i32
        %lt3A_76 = arith.constant 180 : i32
        %lt3A_77 = arith.cmpi slt, %add3A_75, %lt3A_76 : i32
        %convert_element_type3A_78 = arith.extui %lt3A_77 : i1 to i32
        %cond3A_79 = arith.constant 0 : i32
        %cond3A_80 = arith.cmpi ne, %convert_element_type3A_78, %cond3A_79 : i32
        scf.if %cond3A_80 {
          %dma_wait3A_81 = arith.constant 0 : i32
          %dma_wait3A_82 = tpu.memref_slice %arg2[%mul3A_12, %dma_wait3A_81] : memref<2880x112xi32, #tpu.memory_space<hbm>> -> memref<1x112xi32, #tpu.memory_space<hbm>>
          %dma_wait3A_83 = tpu.memref_squeeze %dma_wait3A_82 : memref<1x112xi32, #tpu.memory_space<hbm>> -> memref<112xi32, #tpu.memory_space<hbm>>
          %dma_wait3A_84 = arith.constant 0 : i32
          %dma_wait3A_85 = tpu.memref_slice %arg2[%mul3A_12, %dma_wait3A_84] : memref<2880x112xi32, #tpu.memory_space<hbm>> -> memref<1x112xi32, #tpu.memory_space<hbm>>
          %dma_wait3A_86 = tpu.memref_squeeze %dma_wait3A_85 : memref<1x112xi32, #tpu.memory_space<hbm>> -> memref<112xi32, #tpu.memory_space<hbm>>
          tpu.wait_dma2 semaphore(%arg12 : memref<!tpu.dma_semaphore, #tpu.memory_space<semaphore_mem>>) src(%dma_wait3A_86 : memref<112xi32, #tpu.memory_space<hbm>>) dst(%arg6 : memref<112xi32, #tpu.memory_space<vmem>>)
        } else {
        }
      }
      %scan3A_24 = arith.constant 90 : i32
      "tpu.region"() ({
        %run_scoped3A = tpu.sem_alloc : memref<!tpu.dma_semaphore, #tpu.memory_space<semaphore_mem>>
        %dma_start3A_41 = arith.constant 0 : i32
        %dma_start3A_42 = tpu.memref_slice %arg11[%arg1, %dma_start3A_41] : memref<16x10240xf32, #tpu.memory_space<vmem_shared>> -> memref<1x10240xf32, #tpu.memory_space<vmem_shared>>
        %dma_start3A_43 = tpu.memref_squeeze %dma_start3A_42 : memref<1x10240xf32, #tpu.memory_space<vmem_shared>> -> memref<10240xf32, #tpu.memory_space<vmem_shared>>
        %dma_start3A_44 = arith.constant 0 : i32
        %dma_start3A_45 = tpu.memref_slice %arg11[%arg1, %dma_start3A_44] : memref<16x10240xf32, #tpu.memory_space<vmem_shared>> -> memref<1x10240xf32, #tpu.memory_space<vmem_shared>>
        %dma_start3A_46 = tpu.memref_squeeze %dma_start3A_45 : memref<1x10240xf32, #tpu.memory_space<vmem_shared>> -> memref<10240xf32, #tpu.memory_space<vmem_shared>>
        tpu.enqueue_dma source(%arg8 : memref<10240xf32, #tpu.memory_space<vmem>>) target(%dma_start3A_46 : memref<10240xf32, #tpu.memory_space<vmem_shared>>) target_semaphore(%run_scoped3A : memref<!tpu.dma_semaphore, #tpu.memory_space<semaphore_mem>>)
        %dma_wait3A = arith.constant 0 : i32
        %dma_wait3A_47 = tpu.memref_slice %arg11[%arg1, %dma_wait3A] : memref<16x10240xf32, #tpu.memory_space<vmem_shared>> -> memref<1x10240xf32, #tpu.memory_space<vmem_shared>>
        %dma_wait3A_48 = tpu.memref_squeeze %dma_wait3A_47 : memref<1x10240xf32, #tpu.memory_space<vmem_shared>> -> memref<10240xf32, #tpu.memory_space<vmem_shared>>
        %dma_wait3A_49 = arith.constant 0 : i32
        %dma_wait3A_50 = tpu.memref_slice %arg11[%arg1, %dma_wait3A_49] : memref<16x10240xf32, #tpu.memory_space<vmem_shared>> -> memref<1x10240xf32, #tpu.memory_space<vmem_shared>>
        %dma_wait3A_51 = tpu.memref_squeeze %dma_wait3A_50 : memref<1x10240xf32, #tpu.memory_space<vmem_shared>> -> memref<10240xf32, #tpu.memory_space<vmem_shared>>
        tpu.wait_dma2 semaphore(%run_scoped3A : memref<!tpu.dma_semaphore, #tpu.memory_space<semaphore_mem>>) src(%arg8 : memref<10240xf32, #tpu.memory_space<vmem>>) dst(%dma_wait3A_51 : memref<10240xf32, #tpu.memory_space<vmem_shared>>)
        tpu.yield
      }) : () -> ()
      %barrier3A = arith.constant 0 : index
      tpu.barrier barrier_id(%barrier3A)
      %mul3A_25 = arith.constant 640 : i32
      %mul3A_26 = arith.muli %arg1, %mul3A_25 : i32
      "tpu.region"() ({
        %run_scoped3A = tpu.sem_alloc : memref<!tpu.dma_semaphore, #tpu.memory_space<semaphore_mem>>
        %dma_start3A_41 = arith.constant 0 : i32
        %dma_start3A_42 = tpu.memref_slice %arg11[%dma_start3A_41, %mul3A_26] : memref<16x10240xf32, #tpu.memory_space<vmem_shared>> -> memref<16x640xf32, #tpu.memory_space<vmem_shared>>
        %dma_start3A_43 = arith.constant 0 : i32
        %dma_start3A_44 = tpu.memref_slice %arg11[%dma_start3A_43, %mul3A_26] : memref<16x10240xf32, #tpu.memory_space<vmem_shared>> -> memref<16x640xf32, #tpu.memory_space<vmem_shared>>
        tpu.enqueue_dma source(%dma_start3A_44 : memref<16x640xf32, #tpu.memory_space<vmem_shared>>) target(%arg9 : memref<16x640xf32, #tpu.memory_space<vmem>>) target_semaphore(%run_scoped3A : memref<!tpu.dma_semaphore, #tpu.memory_space<semaphore_mem>>)
        %dma_wait3A = arith.constant 0 : i32
        %dma_wait3A_45 = tpu.memref_slice %arg11[%dma_wait3A, %mul3A_26] : memref<16x10240xf32, #tpu.memory_space<vmem_shared>> -> memref<16x640xf32, #tpu.memory_space<vmem_shared>>
        %dma_wait3A_46 = arith.constant 0 : i32
        %dma_wait3A_47 = tpu.memref_slice %arg11[%dma_wait3A_46, %mul3A_26] : memref<16x10240xf32, #tpu.memory_space<vmem_shared>> -> memref<16x640xf32, #tpu.memory_space<vmem_shared>>
        tpu.wait_dma2 semaphore(%run_scoped3A : memref<!tpu.dma_semaphore, #tpu.memory_space<semaphore_mem>>) src(%dma_wait3A_47 : memref<16x640xf32, #tpu.memory_space<vmem_shared>>) dst(%arg9 : memref<16x640xf32, #tpu.memory_space<vmem>>)
        tpu.yield
      }) : () -> ()
      %scan3A_27 = arith.constant 0 : i32
      %scan3A_28 = arith.constant 0 : i32
      %scan3A_29 = arith.constant 40 : i32
      %scan3A_30 = arith.addi %scan3A_28, %scan3A_29 : i32
      %scan3A_31 = arith.constant 1 : i32
      scf.for %scan3A_41 = %scan3A_28 to %scan3A_30 step %scan3A_31  : i32 {
        %broadcast_in_dim3A = arith.constant 0.000000e+00 : f32
        %broadcast_in_dim3A_42 = vector.broadcast %broadcast_in_dim3A : f32 to vector<16xf32>
        %mul3A_43 = arith.constant 16 : i32
        %mul3A_44 = arith.muli %scan3A_41, %mul3A_43 : i32
        %get3A = arith.constant 0 : i32
        %get3A_45 = arith.index_cast %get3A : i32 to index
        %get3A_46 = arith.index_cast %mul3A_44 : i32 to index
        %get3A_47 = tpu.vector_load %arg9[%get3A_45, %get3A_46] {strides = array<i32>} : memref<16x640xf32, #tpu.memory_space<vmem>>, vector<16xf32>,
        %add3A_48 = arith.addf %broadcast_in_dim3A_42, %get3A_47 : vector<16xf32>
        %mul3A_49 = arith.constant 16 : i32
        %mul3A_50 = arith.muli %scan3A_41, %mul3A_49 : i32
        %get3A_51 = arith.constant 1 : i32
        %get3A_52 = arith.index_cast %get3A_51 : i32 to index
        %get3A_53 = arith.index_cast %mul3A_50 : i32 to index
        %get3A_54 = tpu.vector_load %arg9[%get3A_52, %get3A_53] {strides = array<i32>} : memref<16x640xf32, #tpu.memory_space<vmem>>, vector<16xf32>,
        %add3A_55 = arith.addf %add3A_48, %get3A_54 : vector<16xf32>
        %mul3A_56 = arith.constant 16 : i32
        %mul3A_57 = arith.muli %scan3A_41, %mul3A_56 : i32
        %get3A_58 = arith.constant 2 : i32
        %get3A_59 = arith.index_cast %get3A_58 : i32 to index
        %get3A_60 = arith.index_cast %mul3A_57 : i32 to index
        %get3A_61 = tpu.vector_load %arg9[%get3A_59, %get3A_60] {strides = array<i32>} : memref<16x640xf32, #tpu.memory_space<vmem>>, vector<16xf32>,
        %add3A_62 = arith.addf %add3A_55, %get3A_61 : vector<16xf32>
        %mul3A_63 = arith.constant 16 : i32
        %mul3A_64 = arith.muli %scan3A_41, %mul3A_63 : i32
        %get3A_65 = arith.constant 3 : i32
        %get3A_66 = arith.index_cast %get3A_65 : i32 to index
        %get3A_67 = arith.index_cast %mul3A_64 : i32 to index
        %get3A_68 = tpu.vector_load %arg9[%get3A_66, %get3A_67] {strides = array<i32>} : memref<16x640xf32, #tpu.memory_space<vmem>>, vector<16xf32>,
        %add3A_69 = arith.addf %add3A_62, %get3A_68 : vector<16xf32>
        %mul3A_70 = arith.constant 16 : i32
        %mul3A_71 = arith.muli %scan3A_41, %mul3A_70 : i32
        %get3A_72 = arith.constant 4 : i32
        %get3A_73 = arith.index_cast %get3A_72 : i32 to index
        %get3A_74 = arith.index_cast %mul3A_71 : i32 to index
        %get3A_75 = tpu.vector_load %arg9[%get3A_73, %get3A_74] {strides = array<i32>} : memref<16x640xf32, #tpu.memory_space<vmem>>, vector<16xf32>,
        %add3A_76 = arith.addf %add3A_69, %get3A_75 : vector<16xf32>
        %mul3A_77 = arith.constant 16 : i32
        %mul3A_78 = arith.muli %scan3A_41, %mul3A_77 : i32
        %get3A_79 = arith.constant 5 : i32
        %get3A_80 = arith.index_cast %get3A_79 : i32 to index
        %get3A_81 = arith.index_cast %mul3A_78 : i32 to index
        %get3A_82 = tpu.vector_load %arg9[%get3A_80, %get3A_81] {strides = array<i32>} : memref<16x640xf32, #tpu.memory_space<vmem>>, vector<16xf32>,
        %add3A_83 = arith.addf %add3A_76, %get3A_82 : vector<16xf32>
        %mul3A_84 = arith.constant 16 : i32
        %mul3A_85 = arith.muli %scan3A_41, %mul3A_84 : i32
        %get3A_86 = arith.constant 6 : i32
        %get3A_87 = arith.index_cast %get3A_86 : i32 to index
        %get3A_88 = arith.index_cast %mul3A_85 : i32 to index
        %get3A_89 = tpu.vector_load %arg9[%get3A_87, %get3A_88] {strides = array<i32>} : memref<16x640xf32, #tpu.memory_space<vmem>>, vector<16xf32>,
        %add3A_90 = arith.addf %add3A_83, %get3A_89 : vector<16xf32>
        %mul3A_91 = arith.constant 16 : i32
        %mul3A_92 = arith.muli %scan3A_41, %mul3A_91 : i32
        %get3A_93 = arith.constant 7 : i32
        %get3A_94 = arith.index_cast %get3A_93 : i32 to index
        %get3A_95 = arith.index_cast %mul3A_92 : i32 to index
        %get3A_96 = tpu.vector_load %arg9[%get3A_94, %get3A_95] {strides = array<i32>} : memref<16x640xf32, #tpu.memory_space<vmem>>, vector<16xf32>,
        %add3A_97 = arith.addf %add3A_90, %get3A_96 : vector<16xf32>
        %mul3A_98 = arith.constant 16 : i32
        %mul3A_99 = arith.muli %scan3A_41, %mul3A_98 : i32
        %get3A_100 = arith.constant 8 : i32
        %get3A_101 = arith.index_cast %get3A_100 : i32 to index
        %get3A_102 = arith.index_cast %mul3A_99 : i32 to index
        %get3A_103 = tpu.vector_load %arg9[%get3A_101, %get3A_102] {strides = array<i32>} : memref<16x640xf32, #tpu.memory_space<vmem>>, vector<16xf32>,
        %add3A_104 = arith.addf %add3A_97, %get3A_103 : vector<16xf32>
        %mul3A_105 = arith.constant 16 : i32
        %mul3A_106 = arith.muli %scan3A_41, %mul3A_105 : i32
        %get3A_107 = arith.constant 9 : i32
        %get3A_108 = arith.index_cast %get3A_107 : i32 to index
        %get3A_109 = arith.index_cast %mul3A_106 : i32 to index
        %get3A_110 = tpu.vector_load %arg9[%get3A_108, %get3A_109] {strides = array<i32>} : memref<16x640xf32, #tpu.memory_space<vmem>>, vector<16xf32>,
        %add3A_111 = arith.addf %add3A_104, %get3A_110 : vector<16xf32>
        %mul3A_112 = arith.constant 16 : i32
        %mul3A_113 = arith.muli %scan3A_41, %mul3A_112 : i32
        %get3A_114 = arith.constant 10 : i32
        %get3A_115 = arith.index_cast %get3A_114 : i32 to index
        %get3A_116 = arith.index_cast %mul3A_113 : i32 to index
        %get3A_117 = tpu.vector_load %arg9[%get3A_115, %get3A_116] {strides = array<i32>} : memref<16x640xf32, #tpu.memory_space<vmem>>, vector<16xf32>,
        %add3A_118 = arith.addf %add3A_111, %get3A_117 : vector<16xf32>
        %mul3A_119 = arith.constant 16 : i32
        %mul3A_120 = arith.muli %scan3A_41, %mul3A_119 : i32
        %get3A_121 = arith.constant 11 : i32
        %get3A_122 = arith.index_cast %get3A_121 : i32 to index
        %get3A_123 = arith.index_cast %mul3A_120 : i32 to index
        %get3A_124 = tpu.vector_load %arg9[%get3A_122, %get3A_123] {strides = array<i32>} : memref<16x640xf32, #tpu.memory_space<vmem>>, vector<16xf32>,
        %add3A_125 = arith.addf %add3A_118, %get3A_124 : vector<16xf32>
        %mul3A_126 = arith.constant 16 : i32
        %mul3A_127 = arith.muli %scan3A_41, %mul3A_126 : i32
        %get3A_128 = arith.constant 12 : i32
        %get3A_129 = arith.index_cast %get3A_128 : i32 to index
        %get3A_130 = arith.index_cast %mul3A_127 : i32 to index
        %get3A_131 = tpu.vector_load %arg9[%get3A_129, %get3A_130] {strides = array<i32>} : memref<16x640xf32, #tpu.memory_space<vmem>>, vector<16xf32>,
        %add3A_132 = arith.addf %add3A_125, %get3A_131 : vector<16xf32>
        %mul3A_133 = arith.constant 16 : i32
        %mul3A_134 = arith.muli %scan3A_41, %mul3A_133 : i32
        %get3A_135 = arith.constant 13 : i32
        %get3A_136 = arith.index_cast %get3A_135 : i32 to index
        %get3A_137 = arith.index_cast %mul3A_134 : i32 to index
        %get3A_138 = tpu.vector_load %arg9[%get3A_136, %get3A_137] {strides = array<i32>} : memref<16x640xf32, #tpu.memory_space<vmem>>, vector<16xf32>,
        %add3A_139 = arith.addf %add3A_132, %get3A_138 : vector<16xf32>
        %mul3A_140 = arith.constant 16 : i32
        %mul3A_141 = arith.muli %scan3A_41, %mul3A_140 : i32
        %get3A_142 = arith.constant 14 : i32
        %get3A_143 = arith.index_cast %get3A_142 : i32 to index
        %get3A_144 = arith.index_cast %mul3A_141 : i32 to index
        %get3A_145 = tpu.vector_load %arg9[%get3A_143, %get3A_144] {strides = array<i32>} : memref<16x640xf32, #tpu.memory_space<vmem>>, vector<16xf32>,
        %add3A_146 = arith.addf %add3A_139, %get3A_145 : vector<16xf32>
        %mul3A_147 = arith.constant 16 : i32
        %mul3A_148 = arith.muli %scan3A_41, %mul3A_147 : i32
        %get3A_149 = arith.constant 15 : i32
        %get3A_150 = arith.index_cast %get3A_149 : i32 to index
        %get3A_151 = arith.index_cast %mul3A_148 : i32 to index
        %get3A_152 = tpu.vector_load %arg9[%get3A_150, %get3A_151] {strides = array<i32>} : memref<16x640xf32, #tpu.memory_space<vmem>>, vector<16xf32>,
        %add3A_153 = arith.addf %add3A_146, %get3A_152 : vector<16xf32>
        %mul3A_154 = arith.constant 16 : i32
        %mul3A_155 = arith.muli %scan3A_41, %mul3A_154 : i32
        %swap3A = arith.index_cast %mul3A_155 : i32 to index
        %swap3A_156 = tpu.vector_load %arg8[%swap3A] {strides = array<i32>} : memref<10240xf32, #tpu.memory_space<vmem>>, vector<16xf32>,
        tpu.vector_store %arg8[%swap3A], %add3A_153 {strides = array<i32>} : memref<10240xf32, #tpu.memory_space<vmem>>, vector<16xf32>,
      }
      %scan3A_32 = arith.constant 40 : i32
      %scan3A_33 = arith.constant 0 : i32
      %scan3A_34 = arith.constant 0 : i32
      %scan3A_35 = arith.constant 640 : i32
      %scan3A_36 = arith.addi %scan3A_34, %scan3A_35 : i32
      %scan3A_37 = arith.constant 1 : i32
      scf.for %scan3A_41 = %scan3A_34 to %scan3A_36 step %scan3A_37  : i32 {
        %broadcast_in_dim3A = vector.broadcast %scan3A_41 : i32 to vector<16xi32>
        %gather3A = tpu.vector_load_idx %arg8[%broadcast_in_dim3A] : memref<10240xf32, #tpu.memory_space<vmem>>[vector<16xi32>], vector<16xf32>,
        %swap3A = arith.index_cast %scan3A_41 : i32 to index
        %swap3A_42 = arith.constant 0 : index
        %swap3A_43 = tpu.vector_load %arg10[%swap3A, %swap3A_42] {strides = array<i32>} : memref<640x128xf32, #tpu.memory_space<vmem>>, vector<16xf32>,
        tpu.vector_store %arg10[%swap3A, %swap3A_42], %gather3A {strides = array<i32>} : memref<640x128xf32, #tpu.memory_space<vmem>>, vector<16xf32>,
        %swap3A_44 = arith.index_cast %scan3A_41 : i32 to index
        %swap3A_45 = arith.constant 16 : index
        %swap3A_46 = tpu.vector_load %arg10[%swap3A_44, %swap3A_45] {strides = array<i32>} : memref<640x128xf32, #tpu.memory_space<vmem>>, vector<16xf32>,
        tpu.vector_store %arg10[%swap3A_44, %swap3A_45], %gather3A {strides = array<i32>} : memref<640x128xf32, #tpu.memory_space<vmem>>, vector<16xf32>,
        %swap3A_47 = arith.index_cast %scan3A_41 : i32 to index
        %swap3A_48 = arith.constant 32 : index
        %swap3A_49 = tpu.vector_load %arg10[%swap3A_47, %swap3A_48] {strides = array<i32>} : memref<640x128xf32, #tpu.memory_space<vmem>>, vector<16xf32>,
        tpu.vector_store %arg10[%swap3A_47, %swap3A_48], %gather3A {strides = array<i32>} : memref<640x128xf32, #tpu.memory_space<vmem>>, vector<16xf32>,
        %swap3A_50 = arith.index_cast %scan3A_41 : i32 to index
        %swap3A_51 = arith.constant 48 : index
        %swap3A_52 = tpu.vector_load %arg10[%swap3A_50, %swap3A_51] {strides = array<i32>} : memref<640x128xf32, #tpu.memory_space<vmem>>, vector<16xf32>,
        tpu.vector_store %arg10[%swap3A_50, %swap3A_51], %gather3A {strides = array<i32>} : memref<640x128xf32, #tpu.memory_space<vmem>>, vector<16xf32>,
        %swap3A_53 = arith.index_cast %scan3A_41 : i32 to index
        %swap3A_54 = arith.constant 64 : index
        %swap3A_55 = tpu.vector_load %arg10[%swap3A_53, %swap3A_54] {strides = array<i32>} : memref<640x128xf32, #tpu.memory_space<vmem>>, vector<16xf32>,
        tpu.vector_store %arg10[%swap3A_53, %swap3A_54], %gather3A {strides = array<i32>} : memref<640x128xf32, #tpu.memory_space<vmem>>, vector<16xf32>,
        %swap3A_56 = arith.index_cast %scan3A_41 : i32 to index
        %swap3A_57 = arith.constant 80 : index
        %swap3A_58 = tpu.vector_load %arg10[%swap3A_56, %swap3A_57] {strides = array<i32>} : memref<640x128xf32, #tpu.memory_space<vmem>>, vector<16xf32>,
        tpu.vector_store %arg10[%swap3A_56, %swap3A_57], %gather3A {strides = array<i32>} : memref<640x128xf32, #tpu.memory_space<vmem>>, vector<16xf32>,
        %swap3A_59 = arith.index_cast %scan3A_41 : i32 to index
        %swap3A_60 = arith.constant 96 : index
        %swap3A_61 = tpu.vector_load %arg10[%swap3A_59, %swap3A_60] {strides = array<i32>} : memref<640x128xf32, #tpu.memory_space<vmem>>, vector<16xf32>,
        tpu.vector_store %arg10[%swap3A_59, %swap3A_60], %gather3A {strides = array<i32>} : memref<640x128xf32, #tpu.memory_space<vmem>>, vector<16xf32>,
        %swap3A_62 = arith.index_cast %scan3A_41 : i32 to index
        %swap3A_63 = arith.constant 112 : index
        %swap3A_64 = tpu.vector_load %arg10[%swap3A_62, %swap3A_63] {strides = array<i32>} : memref<640x128xf32, #tpu.memory_space<vmem>>, vector<16xf32>,
        tpu.vector_store %arg10[%swap3A_62, %swap3A_63], %gather3A {strides = array<i32>} : memref<640x128xf32, #tpu.memory_space<vmem>>, vector<16xf32>,
      }
      %scan3A_38 = arith.constant 640 : i32
      %mul3A_39 = arith.constant 640 : i32
      %mul3A_40 = arith.muli %arg1, %mul3A_39 : i32
      "tpu.region"() ({
        %run_scoped3A = tpu.sem_alloc : memref<!tpu.dma_semaphore, #tpu.memory_space<semaphore_mem>>
        %dma_start3A_41 = arith.constant 0 : i32
        %dma_start3A_42 = tpu.memref_slice %arg4[%mul3A_40, %dma_start3A_41] : memref<10240x128xf32, #tpu.memory_space<hbm>> -> memref<640x128xf32, #tpu.memory_space<hbm>>
        %dma_start3A_43 = arith.constant 0 : i32
        %dma_start3A_44 = tpu.memref_slice %arg4[%mul3A_40, %dma_start3A_43] : memref<10240x128xf32, #tpu.memory_space<hbm>> -> memref<640x128xf32, #tpu.memory_space<hbm>>
        tpu.enqueue_dma source(%arg10 : memref<640x128xf32, #tpu.memory_space<vmem>>) target(%dma_start3A_44 : memref<640x128xf32, #tpu.memory_space<hbm>>) target_semaphore(%run_scoped3A : memref<!tpu.dma_semaphore, #tpu.memory_space<semaphore_mem>>)
        %dma_wait3A = arith.constant 0 : i32
        %dma_wait3A_45 = tpu.memref_slice %arg4[%mul3A_40, %dma_wait3A] : memref<10240x128xf32, #tpu.memory_space<hbm>> -> memref<640x128xf32, #tpu.memory_space<hbm>>
        %dma_wait3A_46 = arith.constant 0 : i32
        %dma_wait3A_47 = tpu.memref_slice %arg4[%mul3A_40, %dma_wait3A_46] : memref<10240x128xf32, #tpu.memory_space<hbm>> -> memref<640x128xf32, #tpu.memory_space<hbm>>
        tpu.wait_dma2 semaphore(%run_scoped3A : memref<!tpu.dma_semaphore, #tpu.memory_space<semaphore_mem>>) src(%arg10 : memref<640x128xf32, #tpu.memory_space<vmem>>) dst(%dma_wait3A_47 : memref<640x128xf32, #tpu.memory_space<hbm>>)
        tpu.yield
      }) : () -> ()
    } else {
    }
    %eq3A_2 = arith.constant 1 : i32
    %eq3A_3 = arith.cmpi eq, %arg0, %eq3A_2 : i32
    %convert_element_type3A_4 = arith.extui %eq3A_3 : i1 to i32
    %cond3A_5 = arith.constant 0 : i32
    %cond3A_6 = arith.cmpi ne, %convert_element_type3A_4, %cond3A_5 : i32
    scf.if %cond3A_6 {
      %scan3A = arith.constant 0 : i32
      %scan3A_7 = arith.constant 0 : i32
      %scan3A_8 = arith.constant 640 : i32
      %scan3A_9 = arith.addi %scan3A_7, %scan3A_8 : i32
      %scan3A_10 = arith.constant 1 : i32
      scf.for %scan3A_41 = %scan3A_7 to %scan3A_9 step %scan3A_10  : i32 {
        %broadcast_in_dim3A = arith.constant 0.000000e+00 : f32
        %broadcast_in_dim3A_42 = vector.broadcast %broadcast_in_dim3A : f32 to vector<16xf32>
        %mul3A_43 = arith.constant 16 : i32
        %mul3A_44 = arith.muli %scan3A_41, %mul3A_43 : i32
        %swap3A = arith.index_cast %mul3A_44 : i32 to index
        %swap3A_45 = tpu.vector_load %arg8[%swap3A] {strides = array<i32>} : memref<10240xf32, #tpu.memory_space<vmem>>, vector<16xf32>,
        tpu.vector_store %arg8[%swap3A], %broadcast_in_dim3A_42 {strides = array<i32>} : memref<10240xf32, #tpu.memory_space<vmem>>, vector<16xf32>,
      }
      %scan3A_11 = arith.constant 640 : i32
      %mul3A = arith.constant 180 : i32
      %mul3A_12 = arith.muli %arg1, %mul3A : i32
      "tpu.region"() ({
        %run_scoped3A = tpu.sem_alloc : memref<!tpu.dma_semaphore, #tpu.memory_space<semaphore_mem>>
        %dma_start3A_41 = arith.constant 0 : i32
        %dma_start3A_42 = tpu.memref_slice %arg3[%mul3A_12, %dma_start3A_41] : memref<2880x112xi32, #tpu.memory_space<hbm>> -> memref<1x112xi32, #tpu.memory_space<hbm>>
        %dma_start3A_43 = tpu.memref_squeeze %dma_start3A_42 : memref<1x112xi32, #tpu.memory_space<hbm>> -> memref<112xi32, #tpu.memory_space<hbm>>
        %dma_start3A_44 = arith.constant 0 : i32
        %dma_start3A_45 = tpu.memref_slice %arg3[%mul3A_12, %dma_start3A_44] : memref<2880x112xi32, #tpu.memory_space<hbm>> -> memref<1x112xi32, #tpu.memory_space<hbm>>
        %dma_start3A_46 = tpu.memref_squeeze %dma_start3A_45 : memref<1x112xi32, #tpu.memory_space<hbm>> -> memref<112xi32, #tpu.memory_space<hbm>>
        tpu.enqueue_dma source(%dma_start3A_46 : memref<112xi32, #tpu.memory_space<hbm>>) target(%arg6 : memref<112xi32, #tpu.memory_space<vmem>>) target_semaphore(%run_scoped3A : memref<!tpu.dma_semaphore, #tpu.memory_space<semaphore_mem>>)
        %dma_wait3A = arith.constant 0 : i32
        %dma_wait3A_47 = tpu.memref_slice %arg3[%mul3A_12, %dma_wait3A] : memref<2880x112xi32, #tpu.memory_space<hbm>> -> memref<1x112xi32, #tpu.memory_space<hbm>>
        %dma_wait3A_48 = tpu.memref_squeeze %dma_wait3A_47 : memref<1x112xi32, #tpu.memory_space<hbm>> -> memref<112xi32, #tpu.memory_space<hbm>>
        %dma_wait3A_49 = arith.constant 0 : i32
        %dma_wait3A_50 = tpu.memref_slice %arg3[%mul3A_12, %dma_wait3A_49] : memref<2880x112xi32, #tpu.memory_space<hbm>> -> memref<1x112xi32, #tpu.memory_space<hbm>>
        %dma_wait3A_51 = tpu.memref_squeeze %dma_wait3A_50 : memref<1x112xi32, #tpu.memory_space<hbm>> -> memref<112xi32, #tpu.memory_space<hbm>>
        tpu.wait_dma2 semaphore(%run_scoped3A : memref<!tpu.dma_semaphore, #tpu.memory_space<semaphore_mem>>) src(%dma_wait3A_51 : memref<112xi32, #tpu.memory_space<hbm>>) dst(%arg6 : memref<112xi32, #tpu.memory_space<vmem>>)
        tpu.yield
      }) : () -> ()
      %add3A = arith.constant 1 : i32
      %add3A_13 = arith.addi %mul3A_12, %add3A : i32
      %dma_start3A = arith.constant 0 : i32
      %dma_start3A_14 = tpu.memref_slice %arg3[%add3A_13, %dma_start3A] : memref<2880x112xi32, #tpu.memory_space<hbm>> -> memref<1x112xi32, #tpu.memory_space<hbm>>
      %dma_start3A_15 = tpu.memref_squeeze %dma_start3A_14 : memref<1x112xi32, #tpu.memory_space<hbm>> -> memref<112xi32, #tpu.memory_space<hbm>>
      %dma_start3A_16 = arith.constant 0 : i32
      %dma_start3A_17 = tpu.memref_slice %arg3[%add3A_13, %dma_start3A_16] : memref<2880x112xi32, #tpu.memory_space<hbm>> -> memref<1x112xi32, #tpu.memory_space<hbm>>
      %dma_start3A_18 = tpu.memref_squeeze %dma_start3A_17 : memref<1x112xi32, #tpu.memory_space<hbm>> -> memref<112xi32, #tpu.memory_space<hbm>>
      tpu.enqueue_dma source(%dma_start3A_18 : memref<112xi32, #tpu.memory_space<hbm>>) target(%arg7 : memref<112xi32, #tpu.memory_space<vmem>>) target_semaphore(%arg13 : memref<!tpu.dma_semaphore, #tpu.memory_space<semaphore_mem>>)
      %scan3A_19 = arith.constant 0 : i32
      %scan3A_20 = arith.constant 0 : i32
      %scan3A_21 = arith.constant 90 : i32
      %scan3A_22 = arith.addi %scan3A_20, %scan3A_21 : i32
      %scan3A_23 = arith.constant 1 : i32
      scf.for %scan3A_41 = %scan3A_20 to %scan3A_22 step %scan3A_23  : i32 {
        %mul3A_42 = arith.constant 2 : i32
        %mul3A_43 = arith.muli %mul3A_42, %scan3A_41 : i32
        %scan3A_44 = arith.constant 0 : i32
        %scan3A_45 = arith.constant 0 : i32
        %scan3A_46 = arith.constant 7 : i32
        %scan3A_47 = arith.addi %scan3A_45, %scan3A_46 : i32
        %scan3A_48 = arith.constant 1 : i32
        scf.for %scan3A_81 = %scan3A_45 to %scan3A_47 step %scan3A_48  : i32 {
          %mul3A_82 = arith.constant 16 : i32
          %mul3A_83 = arith.muli %scan3A_81, %mul3A_82 : i32
          %get3A = arith.index_cast %mul3A_83 : i32 to index
          %get3A_84 = tpu.vector_load %arg6[%get3A] {strides = array<i32>} : memref<112xi32, #tpu.memory_space<vmem>>, vector<16xi32>,
          %broadcast_in_dim3A = arith.constant 1.000000e+00 : f32
          %broadcast_in_dim3A_85 = vector.broadcast %broadcast_in_dim3A : f32 to vector<16xf32>
          tpu.vector_store_idx %arg8[%get3A_84], %broadcast_in_dim3A_85 {add = true} : memref<10240xf32, #tpu.memory_space<vmem>>[vector<16xi32>], vector<16xf32>,
        }
        %scan3A_49 = arith.constant 7 : i32
        %add3A_50 = arith.constant 2 : i32
        %add3A_51 = arith.addi %mul3A_43, %add3A_50 : i32
        %lt3A = arith.constant 180 : i32
        %lt3A_52 = arith.cmpi slt, %add3A_51, %lt3A : i32
        %convert_element_type3A_53 = arith.extui %lt3A_52 : i1 to i32
        %cond3A_54 = arith.constant 0 : i32
        %cond3A_55 = arith.cmpi ne, %convert_element_type3A_53, %cond3A_54 : i32
        scf.if %cond3A_55 {
          %add3A_81 = arith.addi %mul3A_12, %mul3A_43 : i32
          %add3A_82 = arith.constant 2 : i32
          %add3A_83 = arith.addi %add3A_81, %add3A_82 : i32
          %dma_start3A_84 = arith.constant 0 : i32
          %dma_start3A_85 = tpu.memref_slice %arg3[%add3A_83, %dma_start3A_84] : memref<2880x112xi32, #tpu.memory_space<hbm>> -> memref<1x112xi32, #tpu.memory_space<hbm>>
          %dma_start3A_86 = tpu.memref_squeeze %dma_start3A_85 : memref<1x112xi32, #tpu.memory_space<hbm>> -> memref<112xi32, #tpu.memory_space<hbm>>
          %dma_start3A_87 = arith.constant 0 : i32
          %dma_start3A_88 = tpu.memref_slice %arg3[%add3A_83, %dma_start3A_87] : memref<2880x112xi32, #tpu.memory_space<hbm>> -> memref<1x112xi32, #tpu.memory_space<hbm>>
          %dma_start3A_89 = tpu.memref_squeeze %dma_start3A_88 : memref<1x112xi32, #tpu.memory_space<hbm>> -> memref<112xi32, #tpu.memory_space<hbm>>
          tpu.enqueue_dma source(%dma_start3A_89 : memref<112xi32, #tpu.memory_space<hbm>>) target(%arg6 : memref<112xi32, #tpu.memory_space<vmem>>) target_semaphore(%arg12 : memref<!tpu.dma_semaphore, #tpu.memory_space<semaphore_mem>>)
        } else {
        }
        %dma_wait3A = arith.constant 0 : i32
        %dma_wait3A_56 = tpu.memref_slice %arg3[%mul3A_12, %dma_wait3A] : memref<2880x112xi32, #tpu.memory_space<hbm>> -> memref<1x112xi32, #tpu.memory_space<hbm>>
        %dma_wait3A_57 = tpu.memref_squeeze %dma_wait3A_56 : memref<1x112xi32, #tpu.memory_space<hbm>> -> memref<112xi32, #tpu.memory_space<hbm>>
        %dma_wait3A_58 = arith.constant 0 : i32
        %dma_wait3A_59 = tpu.memref_slice %arg3[%mul3A_12, %dma_wait3A_58] : memref<2880x112xi32, #tpu.memory_space<hbm>> -> memref<1x112xi32, #tpu.memory_space<hbm>>
        %dma_wait3A_60 = tpu.memref_squeeze %dma_wait3A_59 : memref<1x112xi32, #tpu.memory_space<hbm>> -> memref<112xi32, #tpu.memory_space<hbm>>
        tpu.wait_dma2 semaphore(%arg13 : memref<!tpu.dma_semaphore, #tpu.memory_space<semaphore_mem>>) src(%dma_wait3A_60 : memref<112xi32, #tpu.memory_space<hbm>>) dst(%arg7 : memref<112xi32, #tpu.memory_space<vmem>>)
        %scan3A_61 = arith.constant 0 : i32
        %scan3A_62 = arith.constant 0 : i32
        %scan3A_63 = arith.constant 7 : i32
        %scan3A_64 = arith.addi %scan3A_62, %scan3A_63 : i32
        %scan3A_65 = arith.constant 1 : i32
        scf.for %scan3A_81 = %scan3A_62 to %scan3A_64 step %scan3A_65  : i32 {
          %mul3A_82 = arith.constant 16 : i32
          %mul3A_83 = arith.muli %scan3A_81, %mul3A_82 : i32
          %get3A = arith.index_cast %mul3A_83 : i32 to index
          %get3A_84 = tpu.vector_load %arg7[%get3A] {strides = array<i32>} : memref<112xi32, #tpu.memory_space<vmem>>, vector<16xi32>,
          %broadcast_in_dim3A = arith.constant 1.000000e+00 : f32
          %broadcast_in_dim3A_85 = vector.broadcast %broadcast_in_dim3A : f32 to vector<16xf32>
          tpu.vector_store_idx %arg8[%get3A_84], %broadcast_in_dim3A_85 {add = true} : memref<10240xf32, #tpu.memory_space<vmem>>[vector<16xi32>], vector<16xf32>,
        }
        %scan3A_66 = arith.constant 7 : i32
        %add3A_67 = arith.constant 3 : i32
        %add3A_68 = arith.addi %mul3A_43, %add3A_67 : i32
        %lt3A_69 = arith.constant 180 : i32
        %lt3A_70 = arith.cmpi slt, %add3A_68, %lt3A_69 : i32
        %convert_element_type3A_71 = arith.extui %lt3A_70 : i1 to i32
        %cond3A_72 = arith.constant 0 : i32
        %cond3A_73 = arith.cmpi ne, %convert_element_type3A_71, %cond3A_72 : i32
        scf.if %cond3A_73 {
          %add3A_81 = arith.addi %mul3A_12, %mul3A_43 : i32
          %add3A_82 = arith.constant 3 : i32
          %add3A_83 = arith.addi %add3A_81, %add3A_82 : i32
          %dma_start3A_84 = arith.constant 0 : i32
          %dma_start3A_85 = tpu.memref_slice %arg3[%add3A_83, %dma_start3A_84] : memref<2880x112xi32, #tpu.memory_space<hbm>> -> memref<1x112xi32, #tpu.memory_space<hbm>>
          %dma_start3A_86 = tpu.memref_squeeze %dma_start3A_85 : memref<1x112xi32, #tpu.memory_space<hbm>> -> memref<112xi32, #tpu.memory_space<hbm>>
          %dma_start3A_87 = arith.constant 0 : i32
          %dma_start3A_88 = tpu.memref_slice %arg3[%add3A_83, %dma_start3A_87] : memref<2880x112xi32, #tpu.memory_space<hbm>> -> memref<1x112xi32, #tpu.memory_space<hbm>>
          %dma_start3A_89 = tpu.memref_squeeze %dma_start3A_88 : memref<1x112xi32, #tpu.memory_space<hbm>> -> memref<112xi32, #tpu.memory_space<hbm>>
          tpu.enqueue_dma source(%dma_start3A_89 : memref<112xi32, #tpu.memory_space<hbm>>) target(%arg7 : memref<112xi32, #tpu.memory_space<vmem>>) target_semaphore(%arg13 : memref<!tpu.dma_semaphore, #tpu.memory_space<semaphore_mem>>)
        } else {
        }
        %add3A_74 = arith.constant 2 : i32
        %add3A_75 = arith.addi %mul3A_43, %add3A_74 : i32
        %lt3A_76 = arith.constant 180 : i32
        %lt3A_77 = arith.cmpi slt, %add3A_75, %lt3A_76 : i32
        %convert_element_type3A_78 = arith.extui %lt3A_77 : i1 to i32
        %cond3A_79 = arith.constant 0 : i32
        %cond3A_80 = arith.cmpi ne, %convert_element_type3A_78, %cond3A_79 : i32
        scf.if %cond3A_80 {
          %dma_wait3A_81 = arith.constant 0 : i32
          %dma_wait3A_82 = tpu.memref_slice %arg3[%mul3A_12, %dma_wait3A_81] : memref<2880x112xi32, #tpu.memory_space<hbm>> -> memref<1x112xi32, #tpu.memory_space<hbm>>
          %dma_wait3A_83 = tpu.memref_squeeze %dma_wait3A_82 : memref<1x112xi32, #tpu.memory_space<hbm>> -> memref<112xi32, #tpu.memory_space<hbm>>
          %dma_wait3A_84 = arith.constant 0 : i32
          %dma_wait3A_85 = tpu.memref_slice %arg3[%mul3A_12, %dma_wait3A_84] : memref<2880x112xi32, #tpu.memory_space<hbm>> -> memref<1x112xi32, #tpu.memory_space<hbm>>
          %dma_wait3A_86 = tpu.memref_squeeze %dma_wait3A_85 : memref<1x112xi32, #tpu.memory_space<hbm>> -> memref<112xi32, #tpu.memory_space<hbm>>
          tpu.wait_dma2 semaphore(%arg12 : memref<!tpu.dma_semaphore, #tpu.memory_space<semaphore_mem>>) src(%dma_wait3A_86 : memref<112xi32, #tpu.memory_space<hbm>>) dst(%arg6 : memref<112xi32, #tpu.memory_space<vmem>>)
        } else {
        }
      }
      %scan3A_24 = arith.constant 90 : i32
      "tpu.region"() ({
        %run_scoped3A = tpu.sem_alloc : memref<!tpu.dma_semaphore, #tpu.memory_space<semaphore_mem>>
        %dma_start3A_41 = arith.constant 0 : i32
        %dma_start3A_42 = tpu.memref_slice %arg11[%arg1, %dma_start3A_41] : memref<16x10240xf32, #tpu.memory_space<vmem_shared>> -> memref<1x10240xf32, #tpu.memory_space<vmem_shared>>
        %dma_start3A_43 = tpu.memref_squeeze %dma_start3A_42 : memref<1x10240xf32, #tpu.memory_space<vmem_shared>> -> memref<10240xf32, #tpu.memory_space<vmem_shared>>
        %dma_start3A_44 = arith.constant 0 : i32
        %dma_start3A_45 = tpu.memref_slice %arg11[%arg1, %dma_start3A_44] : memref<16x10240xf32, #tpu.memory_space<vmem_shared>> -> memref<1x10240xf32, #tpu.memory_space<vmem_shared>>
        %dma_start3A_46 = tpu.memref_squeeze %dma_start3A_45 : memref<1x10240xf32, #tpu.memory_space<vmem_shared>> -> memref<10240xf32, #tpu.memory_space<vmem_shared>>
        tpu.enqueue_dma source(%arg8 : memref<10240xf32, #tpu.memory_space<vmem>>) target(%dma_start3A_46 : memref<10240xf32, #tpu.memory_space<vmem_shared>>) target_semaphore(%run_scoped3A : memref<!tpu.dma_semaphore, #tpu.memory_space<semaphore_mem>>)
        %dma_wait3A = arith.constant 0 : i32
        %dma_wait3A_47 = tpu.memref_slice %arg11[%arg1, %dma_wait3A] : memref<16x10240xf32, #tpu.memory_space<vmem_shared>> -> memref<1x10240xf32, #tpu.memory_space<vmem_shared>>
        %dma_wait3A_48 = tpu.memref_squeeze %dma_wait3A_47 : memref<1x10240xf32, #tpu.memory_space<vmem_shared>> -> memref<10240xf32, #tpu.memory_space<vmem_shared>>
        %dma_wait3A_49 = arith.constant 0 : i32
        %dma_wait3A_50 = tpu.memref_slice %arg11[%arg1, %dma_wait3A_49] : memref<16x10240xf32, #tpu.memory_space<vmem_shared>> -> memref<1x10240xf32, #tpu.memory_space<vmem_shared>>
        %dma_wait3A_51 = tpu.memref_squeeze %dma_wait3A_50 : memref<1x10240xf32, #tpu.memory_space<vmem_shared>> -> memref<10240xf32, #tpu.memory_space<vmem_shared>>
        tpu.wait_dma2 semaphore(%run_scoped3A : memref<!tpu.dma_semaphore, #tpu.memory_space<semaphore_mem>>) src(%arg8 : memref<10240xf32, #tpu.memory_space<vmem>>) dst(%dma_wait3A_51 : memref<10240xf32, #tpu.memory_space<vmem_shared>>)
        tpu.yield
      }) : () -> ()
      %barrier3A = arith.constant 0 : index
      tpu.barrier barrier_id(%barrier3A)
      %mul3A_25 = arith.constant 640 : i32
      %mul3A_26 = arith.muli %arg1, %mul3A_25 : i32
      "tpu.region"() ({
        %run_scoped3A = tpu.sem_alloc : memref<!tpu.dma_semaphore, #tpu.memory_space<semaphore_mem>>
        %dma_start3A_41 = arith.constant 0 : i32
        %dma_start3A_42 = tpu.memref_slice %arg11[%dma_start3A_41, %mul3A_26] : memref<16x10240xf32, #tpu.memory_space<vmem_shared>> -> memref<16x640xf32, #tpu.memory_space<vmem_shared>>
        %dma_start3A_43 = arith.constant 0 : i32
        %dma_start3A_44 = tpu.memref_slice %arg11[%dma_start3A_43, %mul3A_26] : memref<16x10240xf32, #tpu.memory_space<vmem_shared>> -> memref<16x640xf32, #tpu.memory_space<vmem_shared>>
        tpu.enqueue_dma source(%dma_start3A_44 : memref<16x640xf32, #tpu.memory_space<vmem_shared>>) target(%arg9 : memref<16x640xf32, #tpu.memory_space<vmem>>) target_semaphore(%run_scoped3A : memref<!tpu.dma_semaphore, #tpu.memory_space<semaphore_mem>>)
        %dma_wait3A = arith.constant 0 : i32
        %dma_wait3A_45 = tpu.memref_slice %arg11[%dma_wait3A, %mul3A_26] : memref<16x10240xf32, #tpu.memory_space<vmem_shared>> -> memref<16x640xf32, #tpu.memory_space<vmem_shared>>
        %dma_wait3A_46 = arith.constant 0 : i32
        %dma_wait3A_47 = tpu.memref_slice %arg11[%dma_wait3A_46, %mul3A_26] : memref<16x10240xf32, #tpu.memory_space<vmem_shared>> -> memref<16x640xf32, #tpu.memory_space<vmem_shared>>
        tpu.wait_dma2 semaphore(%run_scoped3A : memref<!tpu.dma_semaphore, #tpu.memory_space<semaphore_mem>>) src(%dma_wait3A_47 : memref<16x640xf32, #tpu.memory_space<vmem_shared>>) dst(%arg9 : memref<16x640xf32, #tpu.memory_space<vmem>>)
        tpu.yield
      }) : () -> ()
      %scan3A_27 = arith.constant 0 : i32
      %scan3A_28 = arith.constant 0 : i32
      %scan3A_29 = arith.constant 40 : i32
      %scan3A_30 = arith.addi %scan3A_28, %scan3A_29 : i32
      %scan3A_31 = arith.constant 1 : i32
      scf.for %scan3A_41 = %scan3A_28 to %scan3A_30 step %scan3A_31  : i32 {
        %broadcast_in_dim3A = arith.constant 0.000000e+00 : f32
        %broadcast_in_dim3A_42 = vector.broadcast %broadcast_in_dim3A : f32 to vector<16xf32>
        %mul3A_43 = arith.constant 16 : i32
        %mul3A_44 = arith.muli %scan3A_41, %mul3A_43 : i32
        %get3A = arith.constant 0 : i32
        %get3A_45 = arith.index_cast %get3A : i32 to index
        %get3A_46 = arith.index_cast %mul3A_44 : i32 to index
        %get3A_47 = tpu.vector_load %arg9[%get3A_45, %get3A_46] {strides = array<i32>} : memref<16x640xf32, #tpu.memory_space<vmem>>, vector<16xf32>,
        %add3A_48 = arith.addf %broadcast_in_dim3A_42, %get3A_47 : vector<16xf32>
        %mul3A_49 = arith.constant 16 : i32
        %mul3A_50 = arith.muli %scan3A_41, %mul3A_49 : i32
        %get3A_51 = arith.constant 1 : i32
        %get3A_52 = arith.index_cast %get3A_51 : i32 to index
        %get3A_53 = arith.index_cast %mul3A_50 : i32 to index
        %get3A_54 = tpu.vector_load %arg9[%get3A_52, %get3A_53] {strides = array<i32>} : memref<16x640xf32, #tpu.memory_space<vmem>>, vector<16xf32>,
        %add3A_55 = arith.addf %add3A_48, %get3A_54 : vector<16xf32>
        %mul3A_56 = arith.constant 16 : i32
        %mul3A_57 = arith.muli %scan3A_41, %mul3A_56 : i32
        %get3A_58 = arith.constant 2 : i32
        %get3A_59 = arith.index_cast %get3A_58 : i32 to index
        %get3A_60 = arith.index_cast %mul3A_57 : i32 to index
        %get3A_61 = tpu.vector_load %arg9[%get3A_59, %get3A_60] {strides = array<i32>} : memref<16x640xf32, #tpu.memory_space<vmem>>, vector<16xf32>,
        %add3A_62 = arith.addf %add3A_55, %get3A_61 : vector<16xf32>
        %mul3A_63 = arith.constant 16 : i32
        %mul3A_64 = arith.muli %scan3A_41, %mul3A_63 : i32
        %get3A_65 = arith.constant 3 : i32
        %get3A_66 = arith.index_cast %get3A_65 : i32 to index
        %get3A_67 = arith.index_cast %mul3A_64 : i32 to index
        %get3A_68 = tpu.vector_load %arg9[%get3A_66, %get3A_67] {strides = array<i32>} : memref<16x640xf32, #tpu.memory_space<vmem>>, vector<16xf32>,
        %add3A_69 = arith.addf %add3A_62, %get3A_68 : vector<16xf32>
        %mul3A_70 = arith.constant 16 : i32
        %mul3A_71 = arith.muli %scan3A_41, %mul3A_70 : i32
        %get3A_72 = arith.constant 4 : i32
        %get3A_73 = arith.index_cast %get3A_72 : i32 to index
        %get3A_74 = arith.index_cast %mul3A_71 : i32 to index
        %get3A_75 = tpu.vector_load %arg9[%get3A_73, %get3A_74] {strides = array<i32>} : memref<16x640xf32, #tpu.memory_space<vmem>>, vector<16xf32>,
        %add3A_76 = arith.addf %add3A_69, %get3A_75 : vector<16xf32>
        %mul3A_77 = arith.constant 16 : i32
        %mul3A_78 = arith.muli %scan3A_41, %mul3A_77 : i32
        %get3A_79 = arith.constant 5 : i32
        %get3A_80 = arith.index_cast %get3A_79 : i32 to index
        %get3A_81 = arith.index_cast %mul3A_78 : i32 to index
        %get3A_82 = tpu.vector_load %arg9[%get3A_80, %get3A_81] {strides = array<i32>} : memref<16x640xf32, #tpu.memory_space<vmem>>, vector<16xf32>,
        %add3A_83 = arith.addf %add3A_76, %get3A_82 : vector<16xf32>
        %mul3A_84 = arith.constant 16 : i32
        %mul3A_85 = arith.muli %scan3A_41, %mul3A_84 : i32
        %get3A_86 = arith.constant 6 : i32
        %get3A_87 = arith.index_cast %get3A_86 : i32 to index
        %get3A_88 = arith.index_cast %mul3A_85 : i32 to index
        %get3A_89 = tpu.vector_load %arg9[%get3A_87, %get3A_88] {strides = array<i32>} : memref<16x640xf32, #tpu.memory_space<vmem>>, vector<16xf32>,
        %add3A_90 = arith.addf %add3A_83, %get3A_89 : vector<16xf32>
        %mul3A_91 = arith.constant 16 : i32
        %mul3A_92 = arith.muli %scan3A_41, %mul3A_91 : i32
        %get3A_93 = arith.constant 7 : i32
        %get3A_94 = arith.index_cast %get3A_93 : i32 to index
        %get3A_95 = arith.index_cast %mul3A_92 : i32 to index
        %get3A_96 = tpu.vector_load %arg9[%get3A_94, %get3A_95] {strides = array<i32>} : memref<16x640xf32, #tpu.memory_space<vmem>>, vector<16xf32>,
        %add3A_97 = arith.addf %add3A_90, %get3A_96 : vector<16xf32>
        %mul3A_98 = arith.constant 16 : i32
        %mul3A_99 = arith.muli %scan3A_41, %mul3A_98 : i32
        %get3A_100 = arith.constant 8 : i32
        %get3A_101 = arith.index_cast %get3A_100 : i32 to index
        %get3A_102 = arith.index_cast %mul3A_99 : i32 to index
        %get3A_103 = tpu.vector_load %arg9[%get3A_101, %get3A_102] {strides = array<i32>} : memref<16x640xf32, #tpu.memory_space<vmem>>, vector<16xf32>,
        %add3A_104 = arith.addf %add3A_97, %get3A_103 : vector<16xf32>
        %mul3A_105 = arith.constant 16 : i32
        %mul3A_106 = arith.muli %scan3A_41, %mul3A_105 : i32
        %get3A_107 = arith.constant 9 : i32
        %get3A_108 = arith.index_cast %get3A_107 : i32 to index
        %get3A_109 = arith.index_cast %mul3A_106 : i32 to index
        %get3A_110 = tpu.vector_load %arg9[%get3A_108, %get3A_109] {strides = array<i32>} : memref<16x640xf32, #tpu.memory_space<vmem>>, vector<16xf32>,
        %add3A_111 = arith.addf %add3A_104, %get3A_110 : vector<16xf32>
        %mul3A_112 = arith.constant 16 : i32
        %mul3A_113 = arith.muli %scan3A_41, %mul3A_112 : i32
        %get3A_114 = arith.constant 10 : i32
        %get3A_115 = arith.index_cast %get3A_114 : i32 to index
        %get3A_116 = arith.index_cast %mul3A_113 : i32 to index
        %get3A_117 = tpu.vector_load %arg9[%get3A_115, %get3A_116] {strides = array<i32>} : memref<16x640xf32, #tpu.memory_space<vmem>>, vector<16xf32>,
        %add3A_118 = arith.addf %add3A_111, %get3A_117 : vector<16xf32>
        %mul3A_119 = arith.constant 16 : i32
        %mul3A_120 = arith.muli %scan3A_41, %mul3A_119 : i32
        %get3A_121 = arith.constant 11 : i32
        %get3A_122 = arith.index_cast %get3A_121 : i32 to index
        %get3A_123 = arith.index_cast %mul3A_120 : i32 to index
        %get3A_124 = tpu.vector_load %arg9[%get3A_122, %get3A_123] {strides = array<i32>} : memref<16x640xf32, #tpu.memory_space<vmem>>, vector<16xf32>,
        %add3A_125 = arith.addf %add3A_118, %get3A_124 : vector<16xf32>
        %mul3A_126 = arith.constant 16 : i32
        %mul3A_127 = arith.muli %scan3A_41, %mul3A_126 : i32
        %get3A_128 = arith.constant 12 : i32
        %get3A_129 = arith.index_cast %get3A_128 : i32 to index
        %get3A_130 = arith.index_cast %mul3A_127 : i32 to index
        %get3A_131 = tpu.vector_load %arg9[%get3A_129, %get3A_130] {strides = array<i32>} : memref<16x640xf32, #tpu.memory_space<vmem>>, vector<16xf32>,
        %add3A_132 = arith.addf %add3A_125, %get3A_131 : vector<16xf32>
        %mul3A_133 = arith.constant 16 : i32
        %mul3A_134 = arith.muli %scan3A_41, %mul3A_133 : i32
        %get3A_135 = arith.constant 13 : i32
        %get3A_136 = arith.index_cast %get3A_135 : i32 to index
        %get3A_137 = arith.index_cast %mul3A_134 : i32 to index
        %get3A_138 = tpu.vector_load %arg9[%get3A_136, %get3A_137] {strides = array<i32>} : memref<16x640xf32, #tpu.memory_space<vmem>>, vector<16xf32>,
        %add3A_139 = arith.addf %add3A_132, %get3A_138 : vector<16xf32>
        %mul3A_140 = arith.constant 16 : i32
        %mul3A_141 = arith.muli %scan3A_41, %mul3A_140 : i32
        %get3A_142 = arith.constant 14 : i32
        %get3A_143 = arith.index_cast %get3A_142 : i32 to index
        %get3A_144 = arith.index_cast %mul3A_141 : i32 to index
        %get3A_145 = tpu.vector_load %arg9[%get3A_143, %get3A_144] {strides = array<i32>} : memref<16x640xf32, #tpu.memory_space<vmem>>, vector<16xf32>,
        %add3A_146 = arith.addf %add3A_139, %get3A_145 : vector<16xf32>
        %mul3A_147 = arith.constant 16 : i32
        %mul3A_148 = arith.muli %scan3A_41, %mul3A_147 : i32
        %get3A_149 = arith.constant 15 : i32
        %get3A_150 = arith.index_cast %get3A_149 : i32 to index
        %get3A_151 = arith.index_cast %mul3A_148 : i32 to index
        %get3A_152 = tpu.vector_load %arg9[%get3A_150, %get3A_151] {strides = array<i32>} : memref<16x640xf32, #tpu.memory_space<vmem>>, vector<16xf32>,
        %add3A_153 = arith.addf %add3A_146, %get3A_152 : vector<16xf32>
        %mul3A_154 = arith.constant 16 : i32
        %mul3A_155 = arith.muli %scan3A_41, %mul3A_154 : i32
        %swap3A = arith.index_cast %mul3A_155 : i32 to index
        %swap3A_156 = tpu.vector_load %arg8[%swap3A] {strides = array<i32>} : memref<10240xf32, #tpu.memory_space<vmem>>, vector<16xf32>,
        tpu.vector_store %arg8[%swap3A], %add3A_153 {strides = array<i32>} : memref<10240xf32, #tpu.memory_space<vmem>>, vector<16xf32>,
      }
      %scan3A_32 = arith.constant 40 : i32
      %scan3A_33 = arith.constant 0 : i32
      %scan3A_34 = arith.constant 0 : i32
      %scan3A_35 = arith.constant 640 : i32
      %scan3A_36 = arith.addi %scan3A_34, %scan3A_35 : i32
      %scan3A_37 = arith.constant 1 : i32
      scf.for %scan3A_41 = %scan3A_34 to %scan3A_36 step %scan3A_37  : i32 {
        %broadcast_in_dim3A = vector.broadcast %scan3A_41 : i32 to vector<16xi32>
        %gather3A = tpu.vector_load_idx %arg8[%broadcast_in_dim3A] : memref<10240xf32, #tpu.memory_space<vmem>>[vector<16xi32>], vector<16xf32>,
        %swap3A = arith.index_cast %scan3A_41 : i32 to index
        %swap3A_42 = arith.constant 0 : index
        %swap3A_43 = tpu.vector_load %arg10[%swap3A, %swap3A_42] {strides = array<i32>} : memref<640x128xf32, #tpu.memory_space<vmem>>, vector<16xf32>,
        tpu.vector_store %arg10[%swap3A, %swap3A_42], %gather3A {strides = array<i32>} : memref<640x128xf32, #tpu.memory_space<vmem>>, vector<16xf32>,
        %swap3A_44 = arith.index_cast %scan3A_41 : i32 to index
        %swap3A_45 = arith.constant 16 : index
        %swap3A_46 = tpu.vector_load %arg10[%swap3A_44, %swap3A_45] {strides = array<i32>} : memref<640x128xf32, #tpu.memory_space<vmem>>, vector<16xf32>,
        tpu.vector_store %arg10[%swap3A_44, %swap3A_45], %gather3A {strides = array<i32>} : memref<640x128xf32, #tpu.memory_space<vmem>>, vector<16xf32>,
        %swap3A_47 = arith.index_cast %scan3A_41 : i32 to index
        %swap3A_48 = arith.constant 32 : index
        %swap3A_49 = tpu.vector_load %arg10[%swap3A_47, %swap3A_48] {strides = array<i32>} : memref<640x128xf32, #tpu.memory_space<vmem>>, vector<16xf32>,
        tpu.vector_store %arg10[%swap3A_47, %swap3A_48], %gather3A {strides = array<i32>} : memref<640x128xf32, #tpu.memory_space<vmem>>, vector<16xf32>,
        %swap3A_50 = arith.index_cast %scan3A_41 : i32 to index
        %swap3A_51 = arith.constant 48 : index
        %swap3A_52 = tpu.vector_load %arg10[%swap3A_50, %swap3A_51] {strides = array<i32>} : memref<640x128xf32, #tpu.memory_space<vmem>>, vector<16xf32>,
        tpu.vector_store %arg10[%swap3A_50, %swap3A_51], %gather3A {strides = array<i32>} : memref<640x128xf32, #tpu.memory_space<vmem>>, vector<16xf32>,
        %swap3A_53 = arith.index_cast %scan3A_41 : i32 to index
        %swap3A_54 = arith.constant 64 : index
        %swap3A_55 = tpu.vector_load %arg10[%swap3A_53, %swap3A_54] {strides = array<i32>} : memref<640x128xf32, #tpu.memory_space<vmem>>, vector<16xf32>,
        tpu.vector_store %arg10[%swap3A_53, %swap3A_54], %gather3A {strides = array<i32>} : memref<640x128xf32, #tpu.memory_space<vmem>>, vector<16xf32>,
        %swap3A_56 = arith.index_cast %scan3A_41 : i32 to index
        %swap3A_57 = arith.constant 80 : index
        %swap3A_58 = tpu.vector_load %arg10[%swap3A_56, %swap3A_57] {strides = array<i32>} : memref<640x128xf32, #tpu.memory_space<vmem>>, vector<16xf32>,
        tpu.vector_store %arg10[%swap3A_56, %swap3A_57], %gather3A {strides = array<i32>} : memref<640x128xf32, #tpu.memory_space<vmem>>, vector<16xf32>,
        %swap3A_59 = arith.index_cast %scan3A_41 : i32 to index
        %swap3A_60 = arith.constant 96 : index
        %swap3A_61 = tpu.vector_load %arg10[%swap3A_59, %swap3A_60] {strides = array<i32>} : memref<640x128xf32, #tpu.memory_space<vmem>>, vector<16xf32>,
        tpu.vector_store %arg10[%swap3A_59, %swap3A_60], %gather3A {strides = array<i32>} : memref<640x128xf32, #tpu.memory_space<vmem>>, vector<16xf32>,
        %swap3A_62 = arith.index_cast %scan3A_41 : i32 to index
        %swap3A_63 = arith.constant 112 : index
        %swap3A_64 = tpu.vector_load %arg10[%swap3A_62, %swap3A_63] {strides = array<i32>} : memref<640x128xf32, #tpu.memory_space<vmem>>, vector<16xf32>,
        tpu.vector_store %arg10[%swap3A_62, %swap3A_63], %gather3A {strides = array<i32>} : memref<640x128xf32, #tpu.memory_space<vmem>>, vector<16xf32>,
      }
      %scan3A_38 = arith.constant 640 : i32
      %mul3A_39 = arith.constant 640 : i32
      %mul3A_40 = arith.muli %arg1, %mul3A_39 : i32
      "tpu.region"() ({
        %run_scoped3A = tpu.sem_alloc : memref<!tpu.dma_semaphore, #tpu.memory_space<semaphore_mem>>
        %dma_start3A_41 = arith.constant 0 : i32
        %dma_start3A_42 = tpu.memref_slice %arg5[%mul3A_40, %dma_start3A_41] : memref<10240x128xf32, #tpu.memory_space<hbm>> -> memref<640x128xf32, #tpu.memory_space<hbm>>
        %dma_start3A_43 = arith.constant 0 : i32
        %dma_start3A_44 = tpu.memref_slice %arg5[%mul3A_40, %dma_start3A_43] : memref<10240x128xf32, #tpu.memory_space<hbm>> -> memref<640x128xf32, #tpu.memory_space<hbm>>
        tpu.enqueue_dma source(%arg10 : memref<640x128xf32, #tpu.memory_space<vmem>>) target(%dma_start3A_44 : memref<640x128xf32, #tpu.memory_space<hbm>>) target_semaphore(%run_scoped3A : memref<!tpu.dma_semaphore, #tpu.memory_space<semaphore_mem>>)
        %dma_wait3A = arith.constant 0 : i32
        %dma_wait3A_45 = tpu.memref_slice %arg5[%mul3A_40, %dma_wait3A] : memref<10240x128xf32, #tpu.memory_space<hbm>> -> memref<640x128xf32, #tpu.memory_space<hbm>>
        %dma_wait3A_46 = arith.constant 0 : i32
        %dma_wait3A_47 = tpu.memref_slice %arg5[%mul3A_40, %dma_wait3A_46] : memref<10240x128xf32, #tpu.memory_space<hbm>> -> memref<640x128xf32, #tpu.memory_space<hbm>>
        tpu.wait_dma2 semaphore(%run_scoped3A : memref<!tpu.dma_semaphore, #tpu.memory_space<semaphore_mem>>) src(%arg10 : memref<640x128xf32, #tpu.memory_space<vmem>>) dst(%dma_wait3A_47 : memref<640x128xf32, #tpu.memory_space<hbm>>)
        tpu.yield
      }) : () -> ()
    } else {
    }
    return
  }
}

#map = affine_map<(d0, d1) -> (0, 0)>
module attributes {stable_mosaic.version = 14 : i64} {
  func.func @body(%arg0: i32, %arg1: i32, %arg2: memref<2880x112xi32, #tpu.memory_space<hbm>>, %arg3: memref<2880x112xi32, #tpu.memory_space<hbm>>, %arg4: memref<10240x128xf32, #tpu.memory_space<hbm>>, %arg5: memref<2880x112xi32, #tpu.memory_space<hbm>>, %arg6: memref<2880x112xi32, #tpu.memory_space<hbm>>, %arg7: memref<10240x128xf32, #tpu.memory_space<hbm>>, %arg8: memref<10240x128xf32, #tpu.memory_space<hbm>>, %arg9: memref<10240x128xf32, #tpu.memory_space<hbm>>, %arg10: memref<112xi32, #tpu.memory_space<vmem>>, %arg11: memref<112xi32, #tpu.memory_space<vmem>>, %arg12: memref<112xi32, #tpu.memory_space<vmem>>, %arg13: memref<112xi32, #tpu.memory_space<vmem>>, %arg14: memref<112xi32, #tpu.memory_space<vmem>>, %arg15: memref<112xi32, #tpu.memory_space<vmem>>, %arg16: memref<112xi32, #tpu.memory_space<vmem>>, %arg17: memref<112xi32, #tpu.memory_space<vmem>>, %arg18: memref<112xi32, #tpu.memory_space<vmem>>, %arg19: memref<112xi32, #tpu.memory_space<vmem>>, %arg20: memref<112xi32, #tpu.memory_space<vmem>>, %arg21: memref<112xi32, #tpu.memory_space<vmem>>, %arg22: memref<112x128xf32, #tpu.memory_space<vmem>>, %arg23: memref<112x128xf32, #tpu.memory_space<vmem>>, %arg24: memref<112x128xf32, #tpu.memory_space<vmem>>, %arg25: memref<10240x128xf32, #tpu.memory_space<vmem_shared>>, %arg26: memref<!tpu.dma_semaphore, #tpu.memory_space<semaphore_mem>>, %arg27: memref<!tpu.dma_semaphore, #tpu.memory_space<semaphore_mem>>, %arg28: memref<!tpu.dma_semaphore, #tpu.memory_space<semaphore_mem>>, %arg29: memref<!tpu.dma_semaphore, #tpu.memory_space<semaphore_mem>>, %arg30: memref<!tpu.dma_semaphore, #tpu.memory_space<semaphore_mem>>) attributes {dimension_semantics = [#tpu.dimension_semantics<core_parallel>, #tpu.dimension_semantics<subcore_parallel>], iteration_bounds = array<i64: 2, 16>, scalar_prefetch = 0 : i64, scratch_operands = 21 : i64, tpu.core_type = #tpu.core_type<sc_vector_subcore>, window_params = [{transform_indices = #map}, {transform_indices = #map}, {transform_indices = #map}, {transform_indices = #map}, {transform_indices = #map}, {transform_indices = #map}, {transform_indices = #map}, {transform_indices = #map}]} {
    %eq3A = arith.constant 0 : i32
    %eq3A_0 = arith.cmpi eq, %arg0, %eq3A : i32
    %convert_element_type3A = arith.extui %eq3A_0 : i1 to i32
    %cond3A = arith.constant 0 : i32
    %cond3A_1 = arith.cmpi ne, %convert_element_type3A, %cond3A : i32
    scf.if %cond3A_1 {
      %mul3A = arith.constant 640 : i32
      %mul3A_7 = arith.muli %arg1, %mul3A : i32
      %mul3A_8 = arith.constant 640 : i32
      %mul3A_9 = arith.muli %arg1, %mul3A_8 : i32
      "tpu.region"() ({
        %run_scoped3A = tpu.sem_alloc : memref<!tpu.dma_semaphore, #tpu.memory_space<semaphore_mem>>
        %dma_start3A_41 = arith.constant 0 : i32
        %dma_start3A_42 = tpu.memref_slice %arg25[%mul3A_9, %dma_start3A_41] : memref<10240x128xf32, #tpu.memory_space<vmem_shared>> -> memref<640x128xf32, #tpu.memory_space<vmem_shared>>
        %dma_start3A_43 = arith.constant 0 : i32
        %dma_start3A_44 = tpu.memref_slice %arg4[%mul3A_7, %dma_start3A_43] : memref<10240x128xf32, #tpu.memory_space<hbm>> -> memref<640x128xf32, #tpu.memory_space<hbm>>
        tpu.enqueue_dma source(%dma_start3A_44 : memref<640x128xf32, #tpu.memory_space<hbm>>) target(%dma_start3A_42 : memref<640x128xf32, #tpu.memory_space<vmem_shared>>) target_semaphore(%run_scoped3A : memref<!tpu.dma_semaphore, #tpu.memory_space<semaphore_mem>>)
        %dma_wait3A = arith.constant 0 : i32
        %dma_wait3A_45 = tpu.memref_slice %arg25[%mul3A_9, %dma_wait3A] : memref<10240x128xf32, #tpu.memory_space<vmem_shared>> -> memref<640x128xf32, #tpu.memory_space<vmem_shared>>
        %dma_wait3A_46 = arith.constant 0 : i32
        %dma_wait3A_47 = tpu.memref_slice %arg4[%mul3A_7, %dma_wait3A_46] : memref<10240x128xf32, #tpu.memory_space<hbm>> -> memref<640x128xf32, #tpu.memory_space<hbm>>
        tpu.wait_dma2 semaphore(%run_scoped3A : memref<!tpu.dma_semaphore, #tpu.memory_space<semaphore_mem>>) src(%dma_wait3A_47 : memref<640x128xf32, #tpu.memory_space<hbm>>) dst(%dma_wait3A_45 : memref<640x128xf32, #tpu.memory_space<vmem_shared>>)
        tpu.yield
      }) : () -> ()
      %barrier3A = arith.constant 0 : index
      tpu.barrier barrier_id(%barrier3A)
      %mul3A_10 = arith.constant 180 : i32
      %mul3A_11 = arith.muli %arg1, %mul3A_10 : i32
      %add3A = arith.constant 0 : i32
      %add3A_12 = arith.addi %mul3A_11, %add3A : i32
      "tpu.region"() ({
        %run_scoped3A = tpu.sem_alloc : memref<!tpu.dma_semaphore, #tpu.memory_space<semaphore_mem>>
        %dma_start3A_41 = arith.constant 0 : i32
        %dma_start3A_42 = tpu.memref_slice %arg2[%add3A_12, %dma_start3A_41] : memref<2880x112xi32, #tpu.memory_space<hbm>> -> memref<1x112xi32, #tpu.memory_space<hbm>>
        %dma_start3A_43 = tpu.memref_squeeze %dma_start3A_42 : memref<1x112xi32, #tpu.memory_space<hbm>> -> memref<112xi32, #tpu.memory_space<hbm>>
        %dma_start3A_44 = arith.constant 0 : i32
        %dma_start3A_45 = tpu.memref_slice %arg2[%add3A_12, %dma_start3A_44] : memref<2880x112xi32, #tpu.memory_space<hbm>> -> memref<1x112xi32, #tpu.memory_space<hbm>>
        %dma_start3A_46 = tpu.memref_squeeze %dma_start3A_45 : memref<1x112xi32, #tpu.memory_space<hbm>> -> memref<112xi32, #tpu.memory_space<hbm>>
        tpu.enqueue_dma source(%dma_start3A_46 : memref<112xi32, #tpu.memory_space<hbm>>) target(%arg10 : memref<112xi32, #tpu.memory_space<vmem>>) target_semaphore(%run_scoped3A : memref<!tpu.dma_semaphore, #tpu.memory_space<semaphore_mem>>)
        %dma_wait3A = arith.constant 0 : i32
        %dma_wait3A_47 = tpu.memref_slice %arg2[%add3A_12, %dma_wait3A] : memref<2880x112xi32, #tpu.memory_space<hbm>> -> memref<1x112xi32, #tpu.memory_space<hbm>>
        %dma_wait3A_48 = tpu.memref_squeeze %dma_wait3A_47 : memref<1x112xi32, #tpu.memory_space<hbm>> -> memref<112xi32, #tpu.memory_space<hbm>>
        %dma_wait3A_49 = arith.constant 0 : i32
        %dma_wait3A_50 = tpu.memref_slice %arg2[%add3A_12, %dma_wait3A_49] : memref<2880x112xi32, #tpu.memory_space<hbm>> -> memref<1x112xi32, #tpu.memory_space<hbm>>
        %dma_wait3A_51 = tpu.memref_squeeze %dma_wait3A_50 : memref<1x112xi32, #tpu.memory_space<hbm>> -> memref<112xi32, #tpu.memory_space<hbm>>
        tpu.wait_dma2 semaphore(%run_scoped3A : memref<!tpu.dma_semaphore, #tpu.memory_space<semaphore_mem>>) src(%dma_wait3A_51 : memref<112xi32, #tpu.memory_space<hbm>>) dst(%arg10 : memref<112xi32, #tpu.memory_space<vmem>>)
        tpu.yield
      }) : () -> ()
      %add3A_13 = arith.constant 0 : i32
      %add3A_14 = arith.addi %mul3A_11, %add3A_13 : i32
      "tpu.region"() ({
        %run_scoped3A = tpu.sem_alloc : memref<!tpu.dma_semaphore, #tpu.memory_space<semaphore_mem>>
        %dma_start3A_41 = arith.constant 0 : i32
        %dma_start3A_42 = tpu.memref_slice %arg3[%add3A_14, %dma_start3A_41] : memref<2880x112xi32, #tpu.memory_space<hbm>> -> memref<1x112xi32, #tpu.memory_space<hbm>>
        %dma_start3A_43 = tpu.memref_squeeze %dma_start3A_42 : memref<1x112xi32, #tpu.memory_space<hbm>> -> memref<112xi32, #tpu.memory_space<hbm>>
        %dma_start3A_44 = arith.constant 0 : i32
        %dma_start3A_45 = tpu.memref_slice %arg3[%add3A_14, %dma_start3A_44] : memref<2880x112xi32, #tpu.memory_space<hbm>> -> memref<1x112xi32, #tpu.memory_space<hbm>>
        %dma_start3A_46 = tpu.memref_squeeze %dma_start3A_45 : memref<1x112xi32, #tpu.memory_space<hbm>> -> memref<112xi32, #tpu.memory_space<hbm>>
        tpu.enqueue_dma source(%dma_start3A_46 : memref<112xi32, #tpu.memory_space<hbm>>) target(%arg16 : memref<112xi32, #tpu.memory_space<vmem>>) target_semaphore(%run_scoped3A : memref<!tpu.dma_semaphore, #tpu.memory_space<semaphore_mem>>)
        %dma_wait3A = arith.constant 0 : i32
        %dma_wait3A_47 = tpu.memref_slice %arg3[%add3A_14, %dma_wait3A] : memref<2880x112xi32, #tpu.memory_space<hbm>> -> memref<1x112xi32, #tpu.memory_space<hbm>>
        %dma_wait3A_48 = tpu.memref_squeeze %dma_wait3A_47 : memref<1x112xi32, #tpu.memory_space<hbm>> -> memref<112xi32, #tpu.memory_space<hbm>>
        %dma_wait3A_49 = arith.constant 0 : i32
        %dma_wait3A_50 = tpu.memref_slice %arg3[%add3A_14, %dma_wait3A_49] : memref<2880x112xi32, #tpu.memory_space<hbm>> -> memref<1x112xi32, #tpu.memory_space<hbm>>
        %dma_wait3A_51 = tpu.memref_squeeze %dma_wait3A_50 : memref<1x112xi32, #tpu.memory_space<hbm>> -> memref<112xi32, #tpu.memory_space<hbm>>
        tpu.wait_dma2 semaphore(%run_scoped3A : memref<!tpu.dma_semaphore, #tpu.memory_space<semaphore_mem>>) src(%dma_wait3A_51 : memref<112xi32, #tpu.memory_space<hbm>>) dst(%arg16 : memref<112xi32, #tpu.memory_space<vmem>>)
        tpu.yield
      }) : () -> ()
      %dma_start3A = arith.constant 0 : i32
      %dma_start3A_15 = arith.constant 0 : i32
      %dma_start3A_16 = tpu.memref_slice %arg4[%dma_start3A, %dma_start3A_15] : memref<10240x128xf32, #tpu.memory_space<hbm>> -> memref<10240x128xf32, #tpu.memory_space<hbm>>
      tpu.enqueue_indirect_dma source(%dma_start3A_16 : memref<10240x128xf32, #tpu.memory_space<hbm>>) target(%arg22 : memref<112x128xf32, #tpu.memory_space<vmem>>) offsets(%arg10 : memref<112xi32, #tpu.memory_space<vmem>>) semaphore(%arg26 : memref<!tpu.dma_semaphore, #tpu.memory_space<semaphore_mem>>)
      %add3A_17 = arith.constant 1 : i32
      %add3A_18 = arith.addi %mul3A_11, %add3A_17 : i32
      "tpu.region"() ({
        %run_scoped3A = tpu.sem_alloc : memref<!tpu.dma_semaphore, #tpu.memory_space<semaphore_mem>>
        %dma_start3A_41 = arith.constant 0 : i32
        %dma_start3A_42 = tpu.memref_slice %arg2[%add3A_18, %dma_start3A_41] : memref<2880x112xi32, #tpu.memory_space<hbm>> -> memref<1x112xi32, #tpu.memory_space<hbm>>
        %dma_start3A_43 = tpu.memref_squeeze %dma_start3A_42 : memref<1x112xi32, #tpu.memory_space<hbm>> -> memref<112xi32, #tpu.memory_space<hbm>>
        %dma_start3A_44 = arith.constant 0 : i32
        %dma_start3A_45 = tpu.memref_slice %arg2[%add3A_18, %dma_start3A_44] : memref<2880x112xi32, #tpu.memory_space<hbm>> -> memref<1x112xi32, #tpu.memory_space<hbm>>
        %dma_start3A_46 = tpu.memref_squeeze %dma_start3A_45 : memref<1x112xi32, #tpu.memory_space<hbm>> -> memref<112xi32, #tpu.memory_space<hbm>>
        tpu.enqueue_dma source(%dma_start3A_46 : memref<112xi32, #tpu.memory_space<hbm>>) target(%arg11 : memref<112xi32, #tpu.memory_space<vmem>>) target_semaphore(%run_scoped3A : memref<!tpu.dma_semaphore, #tpu.memory_space<semaphore_mem>>)
        %dma_wait3A = arith.constant 0 : i32
        %dma_wait3A_47 = tpu.memref_slice %arg2[%add3A_18, %dma_wait3A] : memref<2880x112xi32, #tpu.memory_space<hbm>> -> memref<1x112xi32, #tpu.memory_space<hbm>>
        %dma_wait3A_48 = tpu.memref_squeeze %dma_wait3A_47 : memref<1x112xi32, #tpu.memory_space<hbm>> -> memref<112xi32, #tpu.memory_space<hbm>>
        %dma_wait3A_49 = arith.constant 0 : i32
        %dma_wait3A_50 = tpu.memref_slice %arg2[%add3A_18, %dma_wait3A_49] : memref<2880x112xi32, #tpu.memory_space<hbm>> -> memref<1x112xi32, #tpu.memory_space<hbm>>
        %dma_wait3A_51 = tpu.memref_squeeze %dma_wait3A_50 : memref<1x112xi32, #tpu.memory_space<hbm>> -> memref<112xi32, #tpu.memory_space<hbm>>
        tpu.wait_dma2 semaphore(%run_scoped3A : memref<!tpu.dma_semaphore, #tpu.memory_space<semaphore_mem>>) src(%dma_wait3A_51 : memref<112xi32, #tpu.memory_space<hbm>>) dst(%arg11 : memref<112xi32, #tpu.memory_space<vmem>>)
        tpu.yield
      }) : () -> ()
      %add3A_19 = arith.constant 1 : i32
      %add3A_20 = arith.addi %mul3A_11, %add3A_19 : i32
      "tpu.region"() ({
        %run_scoped3A = tpu.sem_alloc : memref<!tpu.dma_semaphore, #tpu.memory_space<semaphore_mem>>
        %dma_start3A_41 = arith.constant 0 : i32
        %dma_start3A_42 = tpu.memref_slice %arg3[%add3A_20, %dma_start3A_41] : memref<2880x112xi32, #tpu.memory_space<hbm>> -> memref<1x112xi32, #tpu.memory_space<hbm>>
        %dma_start3A_43 = tpu.memref_squeeze %dma_start3A_42 : memref<1x112xi32, #tpu.memory_space<hbm>> -> memref<112xi32, #tpu.memory_space<hbm>>
        %dma_start3A_44 = arith.constant 0 : i32
        %dma_start3A_45 = tpu.memref_slice %arg3[%add3A_20, %dma_start3A_44] : memref<2880x112xi32, #tpu.memory_space<hbm>> -> memref<1x112xi32, #tpu.memory_space<hbm>>
        %dma_start3A_46 = tpu.memref_squeeze %dma_start3A_45 : memref<1x112xi32, #tpu.memory_space<hbm>> -> memref<112xi32, #tpu.memory_space<hbm>>
        tpu.enqueue_dma source(%dma_start3A_46 : memref<112xi32, #tpu.memory_space<hbm>>) target(%arg17 : memref<112xi32, #tpu.memory_space<vmem>>) target_semaphore(%run_scoped3A : memref<!tpu.dma_semaphore, #tpu.memory_space<semaphore_mem>>)
        %dma_wait3A = arith.constant 0 : i32
        %dma_wait3A_47 = tpu.memref_slice %arg3[%add3A_20, %dma_wait3A] : memref<2880x112xi32, #tpu.memory_space<hbm>> -> memref<1x112xi32, #tpu.memory_space<hbm>>
        %dma_wait3A_48 = tpu.memref_squeeze %dma_wait3A_47 : memref<1x112xi32, #tpu.memory_space<hbm>> -> memref<112xi32, #tpu.memory_space<hbm>>
        %dma_wait3A_49 = arith.constant 0 : i32
        %dma_wait3A_50 = tpu.memref_slice %arg3[%add3A_20, %dma_wait3A_49] : memref<2880x112xi32, #tpu.memory_space<hbm>> -> memref<1x112xi32, #tpu.memory_space<hbm>>
        %dma_wait3A_51 = tpu.memref_squeeze %dma_wait3A_50 : memref<1x112xi32, #tpu.memory_space<hbm>> -> memref<112xi32, #tpu.memory_space<hbm>>
        tpu.wait_dma2 semaphore(%run_scoped3A : memref<!tpu.dma_semaphore, #tpu.memory_space<semaphore_mem>>) src(%dma_wait3A_51 : memref<112xi32, #tpu.memory_space<hbm>>) dst(%arg17 : memref<112xi32, #tpu.memory_space<vmem>>)
        tpu.yield
      }) : () -> ()
      %dma_start3A_21 = arith.constant 0 : i32
      %dma_start3A_22 = arith.constant 0 : i32
      %dma_start3A_23 = tpu.memref_slice %arg4[%dma_start3A_21, %dma_start3A_22] : memref<10240x128xf32, #tpu.memory_space<hbm>> -> memref<10240x128xf32, #tpu.memory_space<hbm>>
      tpu.enqueue_indirect_dma source(%dma_start3A_23 : memref<10240x128xf32, #tpu.memory_space<hbm>>) target(%arg23 : memref<112x128xf32, #tpu.memory_space<vmem>>) offsets(%arg11 : memref<112xi32, #tpu.memory_space<vmem>>) semaphore(%arg27 : memref<!tpu.dma_semaphore, #tpu.memory_space<semaphore_mem>>)
      %add3A_24 = arith.constant 2 : i32
      %add3A_25 = arith.addi %mul3A_11, %add3A_24 : i32
      "tpu.region"() ({
        %run_scoped3A = tpu.sem_alloc : memref<!tpu.dma_semaphore, #tpu.memory_space<semaphore_mem>>
        %dma_start3A_41 = arith.constant 0 : i32
        %dma_start3A_42 = tpu.memref_slice %arg2[%add3A_25, %dma_start3A_41] : memref<2880x112xi32, #tpu.memory_space<hbm>> -> memref<1x112xi32, #tpu.memory_space<hbm>>
        %dma_start3A_43 = tpu.memref_squeeze %dma_start3A_42 : memref<1x112xi32, #tpu.memory_space<hbm>> -> memref<112xi32, #tpu.memory_space<hbm>>
        %dma_start3A_44 = arith.constant 0 : i32
        %dma_start3A_45 = tpu.memref_slice %arg2[%add3A_25, %dma_start3A_44] : memref<2880x112xi32, #tpu.memory_space<hbm>> -> memref<1x112xi32, #tpu.memory_space<hbm>>
        %dma_start3A_46 = tpu.memref_squeeze %dma_start3A_45 : memref<1x112xi32, #tpu.memory_space<hbm>> -> memref<112xi32, #tpu.memory_space<hbm>>
        tpu.enqueue_dma source(%dma_start3A_46 : memref<112xi32, #tpu.memory_space<hbm>>) target(%arg12 : memref<112xi32, #tpu.memory_space<vmem>>) target_semaphore(%run_scoped3A : memref<!tpu.dma_semaphore, #tpu.memory_space<semaphore_mem>>)
        %dma_wait3A = arith.constant 0 : i32
        %dma_wait3A_47 = tpu.memref_slice %arg2[%add3A_25, %dma_wait3A] : memref<2880x112xi32, #tpu.memory_space<hbm>> -> memref<1x112xi32, #tpu.memory_space<hbm>>
        %dma_wait3A_48 = tpu.memref_squeeze %dma_wait3A_47 : memref<1x112xi32, #tpu.memory_space<hbm>> -> memref<112xi32, #tpu.memory_space<hbm>>
        %dma_wait3A_49 = arith.constant 0 : i32
        %dma_wait3A_50 = tpu.memref_slice %arg2[%add3A_25, %dma_wait3A_49] : memref<2880x112xi32, #tpu.memory_space<hbm>> -> memref<1x112xi32, #tpu.memory_space<hbm>>
        %dma_wait3A_51 = tpu.memref_squeeze %dma_wait3A_50 : memref<1x112xi32, #tpu.memory_space<hbm>> -> memref<112xi32, #tpu.memory_space<hbm>>
        tpu.wait_dma2 semaphore(%run_scoped3A : memref<!tpu.dma_semaphore, #tpu.memory_space<semaphore_mem>>) src(%dma_wait3A_51 : memref<112xi32, #tpu.memory_space<hbm>>) dst(%arg12 : memref<112xi32, #tpu.memory_space<vmem>>)
        tpu.yield
      }) : () -> ()
      %add3A_26 = arith.constant 2 : i32
      %add3A_27 = arith.addi %mul3A_11, %add3A_26 : i32
      "tpu.region"() ({
        %run_scoped3A = tpu.sem_alloc : memref<!tpu.dma_semaphore, #tpu.memory_space<semaphore_mem>>
        %dma_start3A_41 = arith.constant 0 : i32
        %dma_start3A_42 = tpu.memref_slice %arg3[%add3A_27, %dma_start3A_41] : memref<2880x112xi32, #tpu.memory_space<hbm>> -> memref<1x112xi32, #tpu.memory_space<hbm>>
        %dma_start3A_43 = tpu.memref_squeeze %dma_start3A_42 : memref<1x112xi32, #tpu.memory_space<hbm>> -> memref<112xi32, #tpu.memory_space<hbm>>
        %dma_start3A_44 = arith.constant 0 : i32
        %dma_start3A_45 = tpu.memref_slice %arg3[%add3A_27, %dma_start3A_44] : memref<2880x112xi32, #tpu.memory_space<hbm>> -> memref<1x112xi32, #tpu.memory_space<hbm>>
        %dma_start3A_46 = tpu.memref_squeeze %dma_start3A_45 : memref<1x112xi32, #tpu.memory_space<hbm>> -> memref<112xi32, #tpu.memory_space<hbm>>
        tpu.enqueue_dma source(%dma_start3A_46 : memref<112xi32, #tpu.memory_space<hbm>>) target(%arg18 : memref<112xi32, #tpu.memory_space<vmem>>) target_semaphore(%run_scoped3A : memref<!tpu.dma_semaphore, #tpu.memory_space<semaphore_mem>>)
        %dma_wait3A = arith.constant 0 : i32
        %dma_wait3A_47 = tpu.memref_slice %arg3[%add3A_27, %dma_wait3A] : memref<2880x112xi32, #tpu.memory_space<hbm>> -> memref<1x112xi32, #tpu.memory_space<hbm>>
        %dma_wait3A_48 = tpu.memref_squeeze %dma_wait3A_47 : memref<1x112xi32, #tpu.memory_space<hbm>> -> memref<112xi32, #tpu.memory_space<hbm>>
        %dma_wait3A_49 = arith.constant 0 : i32
        %dma_wait3A_50 = tpu.memref_slice %arg3[%add3A_27, %dma_wait3A_49] : memref<2880x112xi32, #tpu.memory_space<hbm>> -> memref<1x112xi32, #tpu.memory_space<hbm>>
        %dma_wait3A_51 = tpu.memref_squeeze %dma_wait3A_50 : memref<1x112xi32, #tpu.memory_space<hbm>> -> memref<112xi32, #tpu.memory_space<hbm>>
        tpu.wait_dma2 semaphore(%run_scoped3A : memref<!tpu.dma_semaphore, #tpu.memory_space<semaphore_mem>>) src(%dma_wait3A_51 : memref<112xi32, #tpu.memory_space<hbm>>) dst(%arg18 : memref<112xi32, #tpu.memory_space<vmem>>)
        tpu.yield
      }) : () -> ()
      %dma_start3A_28 = arith.constant 0 : i32
      %dma_start3A_29 = arith.constant 0 : i32
      %dma_start3A_30 = tpu.memref_slice %arg4[%dma_start3A_28, %dma_start3A_29] : memref<10240x128xf32, #tpu.memory_space<hbm>> -> memref<10240x128xf32, #tpu.memory_space<hbm>>
      tpu.enqueue_indirect_dma source(%dma_start3A_30 : memref<10240x128xf32, #tpu.memory_space<hbm>>) target(%arg24 : memref<112x128xf32, #tpu.memory_space<vmem>>) offsets(%arg12 : memref<112xi32, #tpu.memory_space<vmem>>) semaphore(%arg28 : memref<!tpu.dma_semaphore, #tpu.memory_space<semaphore_mem>>)
      %scan3A = arith.constant 0 : i32
      %scan3A_31 = arith.constant 0 : i32
      %scan3A_32 = arith.constant 30 : i32
      %scan3A_33 = arith.addi %scan3A_31, %scan3A_32 : i32
      %scan3A_34 = arith.constant 1 : i32
      scf.for %scan3A_41 = %scan3A_31 to %scan3A_33 step %scan3A_34  : i32 {
        %mul3A_42 = arith.constant 6 : i32
        %mul3A_43 = arith.muli %mul3A_42, %scan3A_41 : i32
        %add3A_44 = arith.constant 0 : i32
        %add3A_45 = arith.addi %mul3A_43, %add3A_44 : i32
        %dma_wait3A = arith.constant 0 : i32
        %dma_wait3A_46 = arith.constant 0 : i32
        %dma_wait3A_47 = tpu.memref_slice %arg4[%dma_wait3A, %dma_wait3A_46] : memref<10240x128xf32, #tpu.memory_space<hbm>> -> memref<10240x128xf32, #tpu.memory_space<hbm>>
        tpu.wait_indirect_dma semaphore(%arg26 : memref<!tpu.dma_semaphore, #tpu.memory_space<semaphore_mem>>) src(%dma_wait3A_47 : memref<10240x128xf32, #tpu.memory_space<hbm>>) dst(%arg22 : memref<112x128xf32, #tpu.memory_space<vmem>>)
        %dma_start3A_48 = arith.constant 0 : i32
        %dma_start3A_49 = arith.constant 0 : i32
        %dma_start3A_50 = tpu.memref_slice %arg25[%dma_start3A_48, %dma_start3A_49] : memref<10240x128xf32, #tpu.memory_space<vmem_shared>> -> memref<10240x128xf32, #tpu.memory_space<vmem_shared>>
        tpu.enqueue_indirect_dma source(%arg22 : memref<112x128xf32, #tpu.memory_space<vmem>>) target(%dma_start3A_50 : memref<10240x128xf32, #tpu.memory_space<vmem_shared>>) offsets(%arg16 : memref<112xi32, #tpu.memory_space<vmem>>) semaphore(%arg29 : memref<!tpu.dma_semaphore, #tpu.memory_space<semaphore_mem>>) {add = true}
        %add3A_51 = arith.constant 3 : i32
        %add3A_52 = arith.addi %add3A_45, %add3A_51 : i32
        %lt3A = arith.constant 180 : i32
        %lt3A_53 = arith.cmpi slt, %add3A_52, %lt3A : i32
        %convert_element_type3A_54 = arith.extui %lt3A_53 : i1 to i32
        %cond3A_55 = arith.constant 0 : i32
        %cond3A_56 = arith.cmpi ne, %convert_element_type3A_54, %cond3A_55 : i32
        scf.if %cond3A_56 {
          %add3A_202 = arith.addi %mul3A_11, %add3A_45 : i32
          %add3A_203 = arith.constant 3 : i32
          %add3A_204 = arith.addi %add3A_202, %add3A_203 : i32
          %dma_start3A_205 = arith.constant 0 : i32
          %dma_start3A_206 = tpu.memref_slice %arg2[%add3A_204, %dma_start3A_205] : memref<2880x112xi32, #tpu.memory_space<hbm>> -> memref<1x112xi32, #tpu.memory_space<hbm>>
          %dma_start3A_207 = tpu.memref_squeeze %dma_start3A_206 : memref<1x112xi32, #tpu.memory_space<hbm>> -> memref<112xi32, #tpu.memory_space<hbm>>
          %dma_start3A_208 = arith.constant 0 : i32
          %dma_start3A_209 = tpu.memref_slice %arg2[%add3A_204, %dma_start3A_208] : memref<2880x112xi32, #tpu.memory_space<hbm>> -> memref<1x112xi32, #tpu.memory_space<hbm>>
          %dma_start3A_210 = tpu.memref_squeeze %dma_start3A_209 : memref<1x112xi32, #tpu.memory_space<hbm>> -> memref<112xi32, #tpu.memory_space<hbm>>
          tpu.enqueue_dma source(%dma_start3A_210 : memref<112xi32, #tpu.memory_space<hbm>>) target(%arg13 : memref<112xi32, #tpu.memory_space<vmem>>) target_semaphore(%arg30 : memref<!tpu.dma_semaphore, #tpu.memory_space<semaphore_mem>>)
          %add3A_211 = arith.addi %mul3A_11, %add3A_45 : i32
          %add3A_212 = arith.constant 3 : i32
          %add3A_213 = arith.addi %add3A_211, %add3A_212 : i32
          %dma_start3A_214 = arith.constant 0 : i32
          %dma_start3A_215 = tpu.memref_slice %arg3[%add3A_213, %dma_start3A_214] : memref<2880x112xi32, #tpu.memory_space<hbm>> -> memref<1x112xi32, #tpu.memory_space<hbm>>
          %dma_start3A_216 = tpu.memref_squeeze %dma_start3A_215 : memref<1x112xi32, #tpu.memory_space<hbm>> -> memref<112xi32, #tpu.memory_space<hbm>>
          %dma_start3A_217 = arith.constant 0 : i32
          %dma_start3A_218 = tpu.memref_slice %arg3[%add3A_213, %dma_start3A_217] : memref<2880x112xi32, #tpu.memory_space<hbm>> -> memref<1x112xi32, #tpu.memory_space<hbm>>
          %dma_start3A_219 = tpu.memref_squeeze %dma_start3A_218 : memref<1x112xi32, #tpu.memory_space<hbm>> -> memref<112xi32, #tpu.memory_space<hbm>>
          tpu.enqueue_dma source(%dma_start3A_219 : memref<112xi32, #tpu.memory_space<hbm>>) target(%arg19 : memref<112xi32, #tpu.memory_space<vmem>>) target_semaphore(%arg30 : memref<!tpu.dma_semaphore, #tpu.memory_space<semaphore_mem>>)
        } else {
        }
        %dma_wait3A_57 = arith.constant 0 : i32
        %dma_wait3A_58 = arith.constant 0 : i32
        %dma_wait3A_59 = tpu.memref_slice %arg25[%dma_wait3A_57, %dma_wait3A_58] : memref<10240x128xf32, #tpu.memory_space<vmem_shared>> -> memref<10240x128xf32, #tpu.memory_space<vmem_shared>>
        tpu.wait_indirect_dma semaphore(%arg29 : memref<!tpu.dma_semaphore, #tpu.memory_space<semaphore_mem>>) src(%arg22 : memref<112x128xf32, #tpu.memory_space<vmem>>) dst(%dma_wait3A_59 : memref<10240x128xf32, #tpu.memory_space<vmem_shared>>)
        %add3A_60 = arith.constant 3 : i32
        %add3A_61 = arith.addi %add3A_45, %add3A_60 : i32
        %lt3A_62 = arith.constant 180 : i32
        %lt3A_63 = arith.cmpi slt, %add3A_61, %lt3A_62 : i32
        %convert_element_type3A_64 = arith.extui %lt3A_63 : i1 to i32
        %cond3A_65 = arith.constant 0 : i32
        %cond3A_66 = arith.cmpi ne, %convert_element_type3A_64, %cond3A_65 : i32
        scf.if %cond3A_66 {
          %dma_wait3A_202 = arith.constant 0 : i32
          %dma_wait3A_203 = tpu.memref_slice %arg2[%mul3A_11, %dma_wait3A_202] : memref<2880x112xi32, #tpu.memory_space<hbm>> -> memref<1x112xi32, #tpu.memory_space<hbm>>
          %dma_wait3A_204 = tpu.memref_squeeze %dma_wait3A_203 : memref<1x112xi32, #tpu.memory_space<hbm>> -> memref<112xi32, #tpu.memory_space<hbm>>
          %dma_wait3A_205 = arith.constant 0 : i32
          %dma_wait3A_206 = tpu.memref_slice %arg2[%mul3A_11, %dma_wait3A_205] : memref<2880x112xi32, #tpu.memory_space<hbm>> -> memref<1x112xi32, #tpu.memory_space<hbm>>
          %dma_wait3A_207 = tpu.memref_squeeze %dma_wait3A_206 : memref<1x112xi32, #tpu.memory_space<hbm>> -> memref<112xi32, #tpu.memory_space<hbm>>
          tpu.wait_dma2 semaphore(%arg30 : memref<!tpu.dma_semaphore, #tpu.memory_space<semaphore_mem>>) src(%dma_wait3A_207 : memref<112xi32, #tpu.memory_space<hbm>>) dst(%arg13 : memref<112xi32, #tpu.memory_space<vmem>>)
          %dma_wait3A_208 = arith.constant 0 : i32
          %dma_wait3A_209 = tpu.memref_slice %arg3[%mul3A_11, %dma_wait3A_208] : memref<2880x112xi32, #tpu.memory_space<hbm>> -> memref<1x112xi32, #tpu.memory_space<hbm>>
          %dma_wait3A_210 = tpu.memref_squeeze %dma_wait3A_209 : memref<1x112xi32, #tpu.memory_space<hbm>> -> memref<112xi32, #tpu.memory_space<hbm>>
          %dma_wait3A_211 = arith.constant 0 : i32
          %dma_wait3A_212 = tpu.memref_slice %arg3[%mul3A_11, %dma_wait3A_211] : memref<2880x112xi32, #tpu.memory_space<hbm>> -> memref<1x112xi32, #tpu.memory_space<hbm>>
          %dma_wait3A_213 = tpu.memref_squeeze %dma_wait3A_212 : memref<1x112xi32, #tpu.memory_space<hbm>> -> memref<112xi32, #tpu.memory_space<hbm>>
          tpu.wait_dma2 semaphore(%arg30 : memref<!tpu.dma_semaphore, #tpu.memory_space<semaphore_mem>>) src(%dma_wait3A_213 : memref<112xi32, #tpu.memory_space<hbm>>) dst(%arg19 : memref<112xi32, #tpu.memory_space<vmem>>)
          %dma_start3A_214 = arith.constant 0 : i32
          %dma_start3A_215 = arith.constant 0 : i32
          %dma_start3A_216 = tpu.memref_slice %arg4[%dma_start3A_214, %dma_start3A_215] : memref<10240x128xf32, #tpu.memory_space<hbm>> -> memref<10240x128xf32, #tpu.memory_space<hbm>>
          tpu.enqueue_indirect_dma source(%dma_start3A_216 : memref<10240x128xf32, #tpu.memory_space<hbm>>) target(%arg22 : memref<112x128xf32, #tpu.memory_space<vmem>>) offsets(%arg13 : memref<112xi32, #tpu.memory_space<vmem>>) semaphore(%arg26 : memref<!tpu.dma_semaphore, #tpu.memory_space<semaphore_mem>>)
        } else {
        }
        %mul3A_67 = arith.constant 6 : i32
        %mul3A_68 = arith.muli %mul3A_67, %scan3A_41 : i32
        %add3A_69 = arith.constant 1 : i32
        %add3A_70 = arith.addi %mul3A_68, %add3A_69 : i32
        %dma_wait3A_71 = arith.constant 0 : i32
        %dma_wait3A_72 = arith.constant 0 : i32
        %dma_wait3A_73 = tpu.memref_slice %arg4[%dma_wait3A_71, %dma_wait3A_72] : memref<10240x128xf32, #tpu.memory_space<hbm>> -> memref<10240x128xf32, #tpu.memory_space<hbm>>
        tpu.wait_indirect_dma semaphore(%arg27 : memref<!tpu.dma_semaphore, #tpu.memory_space<semaphore_mem>>) src(%dma_wait3A_73 : memref<10240x128xf32, #tpu.memory_space<hbm>>) dst(%arg23 : memref<112x128xf32, #tpu.memory_space<vmem>>)
        %dma_start3A_74 = arith.constant 0 : i32
        %dma_start3A_75 = arith.constant 0 : i32
        %dma_start3A_76 = tpu.memref_slice %arg25[%dma_start3A_74, %dma_start3A_75] : memref<10240x128xf32, #tpu.memory_space<vmem_shared>> -> memref<10240x128xf32, #tpu.memory_space<vmem_shared>>
        tpu.enqueue_indirect_dma source(%arg23 : memref<112x128xf32, #tpu.memory_space<vmem>>) target(%dma_start3A_76 : memref<10240x128xf32, #tpu.memory_space<vmem_shared>>) offsets(%arg17 : memref<112xi32, #tpu.memory_space<vmem>>) semaphore(%arg29 : memref<!tpu.dma_semaphore, #tpu.memory_space<semaphore_mem>>) {add = true}
        %add3A_77 = arith.constant 3 : i32
        %add3A_78 = arith.addi %add3A_70, %add3A_77 : i32
        %lt3A_79 = arith.constant 180 : i32
        %lt3A_80 = arith.cmpi slt, %add3A_78, %lt3A_79 : i32
        %convert_element_type3A_81 = arith.extui %lt3A_80 : i1 to i32
        %cond3A_82 = arith.constant 0 : i32
        %cond3A_83 = arith.cmpi ne, %convert_element_type3A_81, %cond3A_82 : i32
        scf.if %cond3A_83 {
          %add3A_202 = arith.addi %mul3A_11, %add3A_70 : i32
          %add3A_203 = arith.constant 3 : i32
          %add3A_204 = arith.addi %add3A_202, %add3A_203 : i32
          %dma_start3A_205 = arith.constant 0 : i32
          %dma_start3A_206 = tpu.memref_slice %arg2[%add3A_204, %dma_start3A_205] : memref<2880x112xi32, #tpu.memory_space<hbm>> -> memref<1x112xi32, #tpu.memory_space<hbm>>
          %dma_start3A_207 = tpu.memref_squeeze %dma_start3A_206 : memref<1x112xi32, #tpu.memory_space<hbm>> -> memref<112xi32, #tpu.memory_space<hbm>>
          %dma_start3A_208 = arith.constant 0 : i32
          %dma_start3A_209 = tpu.memref_slice %arg2[%add3A_204, %dma_start3A_208] : memref<2880x112xi32, #tpu.memory_space<hbm>> -> memref<1x112xi32, #tpu.memory_space<hbm>>
          %dma_start3A_210 = tpu.memref_squeeze %dma_start3A_209 : memref<1x112xi32, #tpu.memory_space<hbm>> -> memref<112xi32, #tpu.memory_space<hbm>>
          tpu.enqueue_dma source(%dma_start3A_210 : memref<112xi32, #tpu.memory_space<hbm>>) target(%arg14 : memref<112xi32, #tpu.memory_space<vmem>>) target_semaphore(%arg30 : memref<!tpu.dma_semaphore, #tpu.memory_space<semaphore_mem>>)
          %add3A_211 = arith.addi %mul3A_11, %add3A_70 : i32
          %add3A_212 = arith.constant 3 : i32
          %add3A_213 = arith.addi %add3A_211, %add3A_212 : i32
          %dma_start3A_214 = arith.constant 0 : i32
          %dma_start3A_215 = tpu.memref_slice %arg3[%add3A_213, %dma_start3A_214] : memref<2880x112xi32, #tpu.memory_space<hbm>> -> memref<1x112xi32, #tpu.memory_space<hbm>>
          %dma_start3A_216 = tpu.memref_squeeze %dma_start3A_215 : memref<1x112xi32, #tpu.memory_space<hbm>> -> memref<112xi32, #tpu.memory_space<hbm>>
          %dma_start3A_217 = arith.constant 0 : i32
          %dma_start3A_218 = tpu.memref_slice %arg3[%add3A_213, %dma_start3A_217] : memref<2880x112xi32, #tpu.memory_space<hbm>> -> memref<1x112xi32, #tpu.memory_space<hbm>>
          %dma_start3A_219 = tpu.memref_squeeze %dma_start3A_218 : memref<1x112xi32, #tpu.memory_space<hbm>> -> memref<112xi32, #tpu.memory_space<hbm>>
          tpu.enqueue_dma source(%dma_start3A_219 : memref<112xi32, #tpu.memory_space<hbm>>) target(%arg20 : memref<112xi32, #tpu.memory_space<vmem>>) target_semaphore(%arg30 : memref<!tpu.dma_semaphore, #tpu.memory_space<semaphore_mem>>)
        } else {
        }
        %dma_wait3A_84 = arith.constant 0 : i32
        %dma_wait3A_85 = arith.constant 0 : i32
        %dma_wait3A_86 = tpu.memref_slice %arg25[%dma_wait3A_84, %dma_wait3A_85] : memref<10240x128xf32, #tpu.memory_space<vmem_shared>> -> memref<10240x128xf32, #tpu.memory_space<vmem_shared>>
        tpu.wait_indirect_dma semaphore(%arg29 : memref<!tpu.dma_semaphore, #tpu.memory_space<semaphore_mem>>) src(%arg23 : memref<112x128xf32, #tpu.memory_space<vmem>>) dst(%dma_wait3A_86 : memref<10240x128xf32, #tpu.memory_space<vmem_shared>>)
        %add3A_87 = arith.constant 3 : i32
        %add3A_88 = arith.addi %add3A_70, %add3A_87 : i32
        %lt3A_89 = arith.constant 180 : i32
        %lt3A_90 = arith.cmpi slt, %add3A_88, %lt3A_89 : i32
        %convert_element_type3A_91 = arith.extui %lt3A_90 : i1 to i32
        %cond3A_92 = arith.constant 0 : i32
        %cond3A_93 = arith.cmpi ne, %convert_element_type3A_91, %cond3A_92 : i32
        scf.if %cond3A_93 {
          %dma_wait3A_202 = arith.constant 0 : i32
          %dma_wait3A_203 = tpu.memref_slice %arg2[%mul3A_11, %dma_wait3A_202] : memref<2880x112xi32, #tpu.memory_space<hbm>> -> memref<1x112xi32, #tpu.memory_space<hbm>>
          %dma_wait3A_204 = tpu.memref_squeeze %dma_wait3A_203 : memref<1x112xi32, #tpu.memory_space<hbm>> -> memref<112xi32, #tpu.memory_space<hbm>>
          %dma_wait3A_205 = arith.constant 0 : i32
          %dma_wait3A_206 = tpu.memref_slice %arg2[%mul3A_11, %dma_wait3A_205] : memref<2880x112xi32, #tpu.memory_space<hbm>> -> memref<1x112xi32, #tpu.memory_space<hbm>>
          %dma_wait3A_207 = tpu.memref_squeeze %dma_wait3A_206 : memref<1x112xi32, #tpu.memory_space<hbm>> -> memref<112xi32, #tpu.memory_space<hbm>>
          tpu.wait_dma2 semaphore(%arg30 : memref<!tpu.dma_semaphore, #tpu.memory_space<semaphore_mem>>) src(%dma_wait3A_207 : memref<112xi32, #tpu.memory_space<hbm>>) dst(%arg14 : memref<112xi32, #tpu.memory_space<vmem>>)
          %dma_wait3A_208 = arith.constant 0 : i32
          %dma_wait3A_209 = tpu.memref_slice %arg3[%mul3A_11, %dma_wait3A_208] : memref<2880x112xi32, #tpu.memory_space<hbm>> -> memref<1x112xi32, #tpu.memory_space<hbm>>
          %dma_wait3A_210 = tpu.memref_squeeze %dma_wait3A_209 : memref<1x112xi32, #tpu.memory_space<hbm>> -> memref<112xi32, #tpu.memory_space<hbm>>
          %dma_wait3A_211 = arith.constant 0 : i32
          %dma_wait3A_212 = tpu.memref_slice %arg3[%mul3A_11, %dma_wait3A_211] : memref<2880x112xi32, #tpu.memory_space<hbm>> -> memref<1x112xi32, #tpu.memory_space<hbm>>
          %dma_wait3A_213 = tpu.memref_squeeze %dma_wait3A_212 : memref<1x112xi32, #tpu.memory_space<hbm>> -> memref<112xi32, #tpu.memory_space<hbm>>
          tpu.wait_dma2 semaphore(%arg30 : memref<!tpu.dma_semaphore, #tpu.memory_space<semaphore_mem>>) src(%dma_wait3A_213 : memref<112xi32, #tpu.memory_space<hbm>>) dst(%arg20 : memref<112xi32, #tpu.memory_space<vmem>>)
          %dma_start3A_214 = arith.constant 0 : i32
          %dma_start3A_215 = arith.constant 0 : i32
          %dma_start3A_216 = tpu.memref_slice %arg4[%dma_start3A_214, %dma_start3A_215] : memref<10240x128xf32, #tpu.memory_space<hbm>> -> memref<10240x128xf32, #tpu.memory_space<hbm>>
          tpu.enqueue_indirect_dma source(%dma_start3A_216 : memref<10240x128xf32, #tpu.memory_space<hbm>>) target(%arg23 : memref<112x128xf32, #tpu.memory_space<vmem>>) offsets(%arg14 : memref<112xi32, #tpu.memory_space<vmem>>) semaphore(%arg27 : memref<!tpu.dma_semaphore, #tpu.memory_space<semaphore_mem>>)
        } else {
        }
        %mul3A_94 = arith.constant 6 : i32
        %mul3A_95 = arith.muli %mul3A_94, %scan3A_41 : i32
        %add3A_96 = arith.constant 2 : i32
        %add3A_97 = arith.addi %mul3A_95, %add3A_96 : i32
        %dma_wait3A_98 = arith.constant 0 : i32
        %dma_wait3A_99 = arith.constant 0 : i32
        %dma_wait3A_100 = tpu.memref_slice %arg4[%dma_wait3A_98, %dma_wait3A_99] : memref<10240x128xf32, #tpu.memory_space<hbm>> -> memref<10240x128xf32, #tpu.memory_space<hbm>>
        tpu.wait_indirect_dma semaphore(%arg28 : memref<!tpu.dma_semaphore, #tpu.memory_space<semaphore_mem>>) src(%dma_wait3A_100 : memref<10240x128xf32, #tpu.memory_space<hbm>>) dst(%arg24 : memref<112x128xf32, #tpu.memory_space<vmem>>)
        %dma_start3A_101 = arith.constant 0 : i32
        %dma_start3A_102 = arith.constant 0 : i32
        %dma_start3A_103 = tpu.memref_slice %arg25[%dma_start3A_101, %dma_start3A_102] : memref<10240x128xf32, #tpu.memory_space<vmem_shared>> -> memref<10240x128xf32, #tpu.memory_space<vmem_shared>>
        tpu.enqueue_indirect_dma source(%arg24 : memref<112x128xf32, #tpu.memory_space<vmem>>) target(%dma_start3A_103 : memref<10240x128xf32, #tpu.memory_space<vmem_shared>>) offsets(%arg18 : memref<112xi32, #tpu.memory_space<vmem>>) semaphore(%arg29 : memref<!tpu.dma_semaphore, #tpu.memory_space<semaphore_mem>>) {add = true}
        %add3A_104 = arith.constant 3 : i32
        %add3A_105 = arith.addi %add3A_97, %add3A_104 : i32
        %lt3A_106 = arith.constant 180 : i32
        %lt3A_107 = arith.cmpi slt, %add3A_105, %lt3A_106 : i32
        %convert_element_type3A_108 = arith.extui %lt3A_107 : i1 to i32
        %cond3A_109 = arith.constant 0 : i32
        %cond3A_110 = arith.cmpi ne, %convert_element_type3A_108, %cond3A_109 : i32
        scf.if %cond3A_110 {
          %add3A_202 = arith.addi %mul3A_11, %add3A_97 : i32
          %add3A_203 = arith.constant 3 : i32
          %add3A_204 = arith.addi %add3A_202, %add3A_203 : i32
          %dma_start3A_205 = arith.constant 0 : i32
          %dma_start3A_206 = tpu.memref_slice %arg2[%add3A_204, %dma_start3A_205] : memref<2880x112xi32, #tpu.memory_space<hbm>> -> memref<1x112xi32, #tpu.memory_space<hbm>>
          %dma_start3A_207 = tpu.memref_squeeze %dma_start3A_206 : memref<1x112xi32, #tpu.memory_space<hbm>> -> memref<112xi32, #tpu.memory_space<hbm>>
          %dma_start3A_208 = arith.constant 0 : i32
          %dma_start3A_209 = tpu.memref_slice %arg2[%add3A_204, %dma_start3A_208] : memref<2880x112xi32, #tpu.memory_space<hbm>> -> memref<1x112xi32, #tpu.memory_space<hbm>>
          %dma_start3A_210 = tpu.memref_squeeze %dma_start3A_209 : memref<1x112xi32, #tpu.memory_space<hbm>> -> memref<112xi32, #tpu.memory_space<hbm>>
          tpu.enqueue_dma source(%dma_start3A_210 : memref<112xi32, #tpu.memory_space<hbm>>) target(%arg15 : memref<112xi32, #tpu.memory_space<vmem>>) target_semaphore(%arg30 : memref<!tpu.dma_semaphore, #tpu.memory_space<semaphore_mem>>)
          %add3A_211 = arith.addi %mul3A_11, %add3A_97 : i32
          %add3A_212 = arith.constant 3 : i32
          %add3A_213 = arith.addi %add3A_211, %add3A_212 : i32
          %dma_start3A_214 = arith.constant 0 : i32
          %dma_start3A_215 = tpu.memref_slice %arg3[%add3A_213, %dma_start3A_214] : memref<2880x112xi32, #tpu.memory_space<hbm>> -> memref<1x112xi32, #tpu.memory_space<hbm>>
          %dma_start3A_216 = tpu.memref_squeeze %dma_start3A_215 : memref<1x112xi32, #tpu.memory_space<hbm>> -> memref<112xi32, #tpu.memory_space<hbm>>
          %dma_start3A_217 = arith.constant 0 : i32
          %dma_start3A_218 = tpu.memref_slice %arg3[%add3A_213, %dma_start3A_217] : memref<2880x112xi32, #tpu.memory_space<hbm>> -> memref<1x112xi32, #tpu.memory_space<hbm>>
          %dma_start3A_219 = tpu.memref_squeeze %dma_start3A_218 : memref<1x112xi32, #tpu.memory_space<hbm>> -> memref<112xi32, #tpu.memory_space<hbm>>
          tpu.enqueue_dma source(%dma_start3A_219 : memref<112xi32, #tpu.memory_space<hbm>>) target(%arg21 : memref<112xi32, #tpu.memory_space<vmem>>) target_semaphore(%arg30 : memref<!tpu.dma_semaphore, #tpu.memory_space<semaphore_mem>>)
        } else {
        }
        %dma_wait3A_111 = arith.constant 0 : i32
        %dma_wait3A_112 = arith.constant 0 : i32
        %dma_wait3A_113 = tpu.memref_slice %arg25[%dma_wait3A_111, %dma_wait3A_112] : memref<10240x128xf32, #tpu.memory_space<vmem_shared>> -> memref<10240x128xf32, #tpu.memory_space<vmem_shared>>
        tpu.wait_indirect_dma semaphore(%arg29 : memref<!tpu.dma_semaphore, #tpu.memory_space<semaphore_mem>>) src(%arg24 : memref<112x128xf32, #tpu.memory_space<vmem>>) dst(%dma_wait3A_113 : memref<10240x128xf32, #tpu.memory_space<vmem_shared>>)
        %add3A_114 = arith.constant 3 : i32
        %add3A_115 = arith.addi %add3A_97, %add3A_114 : i32
        %lt3A_116 = arith.constant 180 : i32
        %lt3A_117 = arith.cmpi slt, %add3A_115, %lt3A_116 : i32
        %convert_element_type3A_118 = arith.extui %lt3A_117 : i1 to i32
        %cond3A_119 = arith.constant 0 : i32
        %cond3A_120 = arith.cmpi ne, %convert_element_type3A_118, %cond3A_119 : i32
        scf.if %cond3A_120 {
          %dma_wait3A_202 = arith.constant 0 : i32
          %dma_wait3A_203 = tpu.memref_slice %arg2[%mul3A_11, %dma_wait3A_202] : memref<2880x112xi32, #tpu.memory_space<hbm>> -> memref<1x112xi32, #tpu.memory_space<hbm>>
          %dma_wait3A_204 = tpu.memref_squeeze %dma_wait3A_203 : memref<1x112xi32, #tpu.memory_space<hbm>> -> memref<112xi32, #tpu.memory_space<hbm>>
          %dma_wait3A_205 = arith.constant 0 : i32
          %dma_wait3A_206 = tpu.memref_slice %arg2[%mul3A_11, %dma_wait3A_205] : memref<2880x112xi32, #tpu.memory_space<hbm>> -> memref<1x112xi32, #tpu.memory_space<hbm>>
          %dma_wait3A_207 = tpu.memref_squeeze %dma_wait3A_206 : memref<1x112xi32, #tpu.memory_space<hbm>> -> memref<112xi32, #tpu.memory_space<hbm>>
          tpu.wait_dma2 semaphore(%arg30 : memref<!tpu.dma_semaphore, #tpu.memory_space<semaphore_mem>>) src(%dma_wait3A_207 : memref<112xi32, #tpu.memory_space<hbm>>) dst(%arg15 : memref<112xi32, #tpu.memory_space<vmem>>)
          %dma_wait3A_208 = arith.constant 0 : i32
          %dma_wait3A_209 = tpu.memref_slice %arg3[%mul3A_11, %dma_wait3A_208] : memref<2880x112xi32, #tpu.memory_space<hbm>> -> memref<1x112xi32, #tpu.memory_space<hbm>>
          %dma_wait3A_210 = tpu.memref_squeeze %dma_wait3A_209 : memref<1x112xi32, #tpu.memory_space<hbm>> -> memref<112xi32, #tpu.memory_space<hbm>>
          %dma_wait3A_211 = arith.constant 0 : i32
          %dma_wait3A_212 = tpu.memref_slice %arg3[%mul3A_11, %dma_wait3A_211] : memref<2880x112xi32, #tpu.memory_space<hbm>> -> memref<1x112xi32, #tpu.memory_space<hbm>>
          %dma_wait3A_213 = tpu.memref_squeeze %dma_wait3A_212 : memref<1x112xi32, #tpu.memory_space<hbm>> -> memref<112xi32, #tpu.memory_space<hbm>>
          tpu.wait_dma2 semaphore(%arg30 : memref<!tpu.dma_semaphore, #tpu.memory_space<semaphore_mem>>) src(%dma_wait3A_213 : memref<112xi32, #tpu.memory_space<hbm>>) dst(%arg21 : memref<112xi32, #tpu.memory_space<vmem>>)
          %dma_start3A_214 = arith.constant 0 : i32
          %dma_start3A_215 = arith.constant 0 : i32
          %dma_start3A_216 = tpu.memref_slice %arg4[%dma_start3A_214, %dma_start3A_215] : memref<10240x128xf32, #tpu.memory_space<hbm>> -> memref<10240x128xf32, #tpu.memory_space<hbm>>
          tpu.enqueue_indirect_dma source(%dma_start3A_216 : memref<10240x128xf32, #tpu.memory_space<hbm>>) target(%arg24 : memref<112x128xf32, #tpu.memory_space<vmem>>) offsets(%arg15 : memref<112xi32, #tpu.memory_space<vmem>>) semaphore(%arg28 : memref<!tpu.dma_semaphore, #tpu.memory_space<semaphore_mem>>)
        } else {
        }
        %mul3A_121 = arith.constant 6 : i32
        %mul3A_122 = arith.muli %mul3A_121, %scan3A_41 : i32
        %add3A_123 = arith.constant 3 : i32
        %add3A_124 = arith.addi %mul3A_122, %add3A_123 : i32
        %dma_wait3A_125 = arith.constant 0 : i32
        %dma_wait3A_126 = arith.constant 0 : i32
        %dma_wait3A_127 = tpu.memref_slice %arg4[%dma_wait3A_125, %dma_wait3A_126] : memref<10240x128xf32, #tpu.memory_space<hbm>> -> memref<10240x128xf32, #tpu.memory_space<hbm>>
        tpu.wait_indirect_dma semaphore(%arg26 : memref<!tpu.dma_semaphore, #tpu.memory_space<semaphore_mem>>) src(%dma_wait3A_127 : memref<10240x128xf32, #tpu.memory_space<hbm>>) dst(%arg22 : memref<112x128xf32, #tpu.memory_space<vmem>>)
        %dma_start3A_128 = arith.constant 0 : i32
        %dma_start3A_129 = arith.constant 0 : i32
        %dma_start3A_130 = tpu.memref_slice %arg25[%dma_start3A_128, %dma_start3A_129] : memref<10240x128xf32, #tpu.memory_space<vmem_shared>> -> memref<10240x128xf32, #tpu.memory_space<vmem_shared>>
        tpu.enqueue_indirect_dma source(%arg22 : memref<112x128xf32, #tpu.memory_space<vmem>>) target(%dma_start3A_130 : memref<10240x128xf32, #tpu.memory_space<vmem_shared>>) offsets(%arg19 : memref<112xi32, #tpu.memory_space<vmem>>) semaphore(%arg29 : memref<!tpu.dma_semaphore, #tpu.memory_space<semaphore_mem>>) {add = true}
        %add3A_131 = arith.constant 3 : i32
        %add3A_132 = arith.addi %add3A_124, %add3A_131 : i32
        %lt3A_133 = arith.constant 180 : i32
        %lt3A_134 = arith.cmpi slt, %add3A_132, %lt3A_133 : i32
        %convert_element_type3A_135 = arith.extui %lt3A_134 : i1 to i32
        %cond3A_136 = arith.constant 0 : i32
        %cond3A_137 = arith.cmpi ne, %convert_element_type3A_135, %cond3A_136 : i32
        scf.if %cond3A_137 {
          %add3A_202 = arith.addi %mul3A_11, %add3A_124 : i32
          %add3A_203 = arith.constant 3 : i32
          %add3A_204 = arith.addi %add3A_202, %add3A_203 : i32
          %dma_start3A_205 = arith.constant 0 : i32
          %dma_start3A_206 = tpu.memref_slice %arg2[%add3A_204, %dma_start3A_205] : memref<2880x112xi32, #tpu.memory_space<hbm>> -> memref<1x112xi32, #tpu.memory_space<hbm>>
          %dma_start3A_207 = tpu.memref_squeeze %dma_start3A_206 : memref<1x112xi32, #tpu.memory_space<hbm>> -> memref<112xi32, #tpu.memory_space<hbm>>
          %dma_start3A_208 = arith.constant 0 : i32
          %dma_start3A_209 = tpu.memref_slice %arg2[%add3A_204, %dma_start3A_208] : memref<2880x112xi32, #tpu.memory_space<hbm>> -> memref<1x112xi32, #tpu.memory_space<hbm>>
          %dma_start3A_210 = tpu.memref_squeeze %dma_start3A_209 : memref<1x112xi32, #tpu.memory_space<hbm>> -> memref<112xi32, #tpu.memory_space<hbm>>
          tpu.enqueue_dma source(%dma_start3A_210 : memref<112xi32, #tpu.memory_space<hbm>>) target(%arg10 : memref<112xi32, #tpu.memory_space<vmem>>) target_semaphore(%arg30 : memref<!tpu.dma_semaphore, #tpu.memory_space<semaphore_mem>>)
          %add3A_211 = arith.addi %mul3A_11, %add3A_124 : i32
          %add3A_212 = arith.constant 3 : i32
          %add3A_213 = arith.addi %add3A_211, %add3A_212 : i32
          %dma_start3A_214 = arith.constant 0 : i32
          %dma_start3A_215 = tpu.memref_slice %arg3[%add3A_213, %dma_start3A_214] : memref<2880x112xi32, #tpu.memory_space<hbm>> -> memref<1x112xi32, #tpu.memory_space<hbm>>
          %dma_start3A_216 = tpu.memref_squeeze %dma_start3A_215 : memref<1x112xi32, #tpu.memory_space<hbm>> -> memref<112xi32, #tpu.memory_space<hbm>>
          %dma_start3A_217 = arith.constant 0 : i32
          %dma_start3A_218 = tpu.memref_slice %arg3[%add3A_213, %dma_start3A_217] : memref<2880x112xi32, #tpu.memory_space<hbm>> -> memref<1x112xi32, #tpu.memory_space<hbm>>
          %dma_start3A_219 = tpu.memref_squeeze %dma_start3A_218 : memref<1x112xi32, #tpu.memory_space<hbm>> -> memref<112xi32, #tpu.memory_space<hbm>>
          tpu.enqueue_dma source(%dma_start3A_219 : memref<112xi32, #tpu.memory_space<hbm>>) target(%arg16 : memref<112xi32, #tpu.memory_space<vmem>>) target_semaphore(%arg30 : memref<!tpu.dma_semaphore, #tpu.memory_space<semaphore_mem>>)
        } else {
        }
        %dma_wait3A_138 = arith.constant 0 : i32
        %dma_wait3A_139 = arith.constant 0 : i32
        %dma_wait3A_140 = tpu.memref_slice %arg25[%dma_wait3A_138, %dma_wait3A_139] : memref<10240x128xf32, #tpu.memory_space<vmem_shared>> -> memref<10240x128xf32, #tpu.memory_space<vmem_shared>>
        tpu.wait_indirect_dma semaphore(%arg29 : memref<!tpu.dma_semaphore, #tpu.memory_space<semaphore_mem>>) src(%arg22 : memref<112x128xf32, #tpu.memory_space<vmem>>) dst(%dma_wait3A_140 : memref<10240x128xf32, #tpu.memory_space<vmem_shared>>)
        %add3A_141 = arith.constant 3 : i32
        %add3A_142 = arith.addi %add3A_124, %add3A_141 : i32
        %lt3A_143 = arith.constant 180 : i32
        %lt3A_144 = arith.cmpi slt, %add3A_142, %lt3A_143 : i32
        %convert_element_type3A_145 = arith.extui %lt3A_144 : i1 to i32
        %cond3A_146 = arith.constant 0 : i32
        %cond3A_147 = arith.cmpi ne, %convert_element_type3A_145, %cond3A_146 : i32
        scf.if %cond3A_147 {
          %dma_wait3A_202 = arith.constant 0 : i32
          %dma_wait3A_203 = tpu.memref_slice %arg2[%mul3A_11, %dma_wait3A_202] : memref<2880x112xi32, #tpu.memory_space<hbm>> -> memref<1x112xi32, #tpu.memory_space<hbm>>
          %dma_wait3A_204 = tpu.memref_squeeze %dma_wait3A_203 : memref<1x112xi32, #tpu.memory_space<hbm>> -> memref<112xi32, #tpu.memory_space<hbm>>
          %dma_wait3A_205 = arith.constant 0 : i32
          %dma_wait3A_206 = tpu.memref_slice %arg2[%mul3A_11, %dma_wait3A_205] : memref<2880x112xi32, #tpu.memory_space<hbm>> -> memref<1x112xi32, #tpu.memory_space<hbm>>
          %dma_wait3A_207 = tpu.memref_squeeze %dma_wait3A_206 : memref<1x112xi32, #tpu.memory_space<hbm>> -> memref<112xi32, #tpu.memory_space<hbm>>
          tpu.wait_dma2 semaphore(%arg30 : memref<!tpu.dma_semaphore, #tpu.memory_space<semaphore_mem>>) src(%dma_wait3A_207 : memref<112xi32, #tpu.memory_space<hbm>>) dst(%arg10 : memref<112xi32, #tpu.memory_space<vmem>>)
          %dma_wait3A_208 = arith.constant 0 : i32
          %dma_wait3A_209 = tpu.memref_slice %arg3[%mul3A_11, %dma_wait3A_208] : memref<2880x112xi32, #tpu.memory_space<hbm>> -> memref<1x112xi32, #tpu.memory_space<hbm>>
          %dma_wait3A_210 = tpu.memref_squeeze %dma_wait3A_209 : memref<1x112xi32, #tpu.memory_space<hbm>> -> memref<112xi32, #tpu.memory_space<hbm>>
          %dma_wait3A_211 = arith.constant 0 : i32
          %dma_wait3A_212 = tpu.memref_slice %arg3[%mul3A_11, %dma_wait3A_211] : memref<2880x112xi32, #tpu.memory_space<hbm>> -> memref<1x112xi32, #tpu.memory_space<hbm>>
          %dma_wait3A_213 = tpu.memref_squeeze %dma_wait3A_212 : memref<1x112xi32, #tpu.memory_space<hbm>> -> memref<112xi32, #tpu.memory_space<hbm>>
          tpu.wait_dma2 semaphore(%arg30 : memref<!tpu.dma_semaphore, #tpu.memory_space<semaphore_mem>>) src(%dma_wait3A_213 : memref<112xi32, #tpu.memory_space<hbm>>) dst(%arg16 : memref<112xi32, #tpu.memory_space<vmem>>)
          %dma_start3A_214 = arith.constant 0 : i32
          %dma_start3A_215 = arith.constant 0 : i32
          %dma_start3A_216 = tpu.memref_slice %arg4[%dma_start3A_214, %dma_start3A_215] : memref<10240x128xf32, #tpu.memory_space<hbm>> -> memref<10240x128xf32, #tpu.memory_space<hbm>>
          tpu.enqueue_indirect_dma source(%dma_start3A_216 : memref<10240x128xf32, #tpu.memory_space<hbm>>) target(%arg22 : memref<112x128xf32, #tpu.memory_space<vmem>>) offsets(%arg10 : memref<112xi32, #tpu.memory_space<vmem>>) semaphore(%arg26 : memref<!tpu.dma_semaphore, #tpu.memory_space<semaphore_mem>>)
        } else {
        }
        %mul3A_148 = arith.constant 6 : i32
        %mul3A_149 = arith.muli %mul3A_148, %scan3A_41 : i32
        %add3A_150 = arith.constant 4 : i32
        %add3A_151 = arith.addi %mul3A_149, %add3A_150 : i32
        %dma_wait3A_152 = arith.constant 0 : i32
        %dma_wait3A_153 = arith.constant 0 : i32
        %dma_wait3A_154 = tpu.memref_slice %arg4[%dma_wait3A_152, %dma_wait3A_153] : memref<10240x128xf32, #tpu.memory_space<hbm>> -> memref<10240x128xf32, #tpu.memory_space<hbm>>
        tpu.wait_indirect_dma semaphore(%arg27 : memref<!tpu.dma_semaphore, #tpu.memory_space<semaphore_mem>>) src(%dma_wait3A_154 : memref<10240x128xf32, #tpu.memory_space<hbm>>) dst(%arg23 : memref<112x128xf32, #tpu.memory_space<vmem>>)
        %dma_start3A_155 = arith.constant 0 : i32
        %dma_start3A_156 = arith.constant 0 : i32
        %dma_start3A_157 = tpu.memref_slice %arg25[%dma_start3A_155, %dma_start3A_156] : memref<10240x128xf32, #tpu.memory_space<vmem_shared>> -> memref<10240x128xf32, #tpu.memory_space<vmem_shared>>
        tpu.enqueue_indirect_dma source(%arg23 : memref<112x128xf32, #tpu.memory_space<vmem>>) target(%dma_start3A_157 : memref<10240x128xf32, #tpu.memory_space<vmem_shared>>) offsets(%arg20 : memref<112xi32, #tpu.memory_space<vmem>>) semaphore(%arg29 : memref<!tpu.dma_semaphore, #tpu.memory_space<semaphore_mem>>) {add = true}
        %add3A_158 = arith.constant 3 : i32
        %add3A_159 = arith.addi %add3A_151, %add3A_158 : i32
        %lt3A_160 = arith.constant 180 : i32
        %lt3A_161 = arith.cmpi slt, %add3A_159, %lt3A_160 : i32
        %convert_element_type3A_162 = arith.extui %lt3A_161 : i1 to i32
        %cond3A_163 = arith.constant 0 : i32
        %cond3A_164 = arith.cmpi ne, %convert_element_type3A_162, %cond3A_163 : i32
        scf.if %cond3A_164 {
          %add3A_202 = arith.addi %mul3A_11, %add3A_151 : i32
          %add3A_203 = arith.constant 3 : i32
          %add3A_204 = arith.addi %add3A_202, %add3A_203 : i32
          %dma_start3A_205 = arith.constant 0 : i32
          %dma_start3A_206 = tpu.memref_slice %arg2[%add3A_204, %dma_start3A_205] : memref<2880x112xi32, #tpu.memory_space<hbm>> -> memref<1x112xi32, #tpu.memory_space<hbm>>
          %dma_start3A_207 = tpu.memref_squeeze %dma_start3A_206 : memref<1x112xi32, #tpu.memory_space<hbm>> -> memref<112xi32, #tpu.memory_space<hbm>>
          %dma_start3A_208 = arith.constant 0 : i32
          %dma_start3A_209 = tpu.memref_slice %arg2[%add3A_204, %dma_start3A_208] : memref<2880x112xi32, #tpu.memory_space<hbm>> -> memref<1x112xi32, #tpu.memory_space<hbm>>
          %dma_start3A_210 = tpu.memref_squeeze %dma_start3A_209 : memref<1x112xi32, #tpu.memory_space<hbm>> -> memref<112xi32, #tpu.memory_space<hbm>>
          tpu.enqueue_dma source(%dma_start3A_210 : memref<112xi32, #tpu.memory_space<hbm>>) target(%arg11 : memref<112xi32, #tpu.memory_space<vmem>>) target_semaphore(%arg30 : memref<!tpu.dma_semaphore, #tpu.memory_space<semaphore_mem>>)
          %add3A_211 = arith.addi %mul3A_11, %add3A_151 : i32
          %add3A_212 = arith.constant 3 : i32
          %add3A_213 = arith.addi %add3A_211, %add3A_212 : i32
          %dma_start3A_214 = arith.constant 0 : i32
          %dma_start3A_215 = tpu.memref_slice %arg3[%add3A_213, %dma_start3A_214] : memref<2880x112xi32, #tpu.memory_space<hbm>> -> memref<1x112xi32, #tpu.memory_space<hbm>>
          %dma_start3A_216 = tpu.memref_squeeze %dma_start3A_215 : memref<1x112xi32, #tpu.memory_space<hbm>> -> memref<112xi32, #tpu.memory_space<hbm>>
          %dma_start3A_217 = arith.constant 0 : i32
          %dma_start3A_218 = tpu.memref_slice %arg3[%add3A_213, %dma_start3A_217] : memref<2880x112xi32, #tpu.memory_space<hbm>> -> memref<1x112xi32, #tpu.memory_space<hbm>>
          %dma_start3A_219 = tpu.memref_squeeze %dma_start3A_218 : memref<1x112xi32, #tpu.memory_space<hbm>> -> memref<112xi32, #tpu.memory_space<hbm>>
          tpu.enqueue_dma source(%dma_start3A_219 : memref<112xi32, #tpu.memory_space<hbm>>) target(%arg17 : memref<112xi32, #tpu.memory_space<vmem>>) target_semaphore(%arg30 : memref<!tpu.dma_semaphore, #tpu.memory_space<semaphore_mem>>)
        } else {
        }
        %dma_wait3A_165 = arith.constant 0 : i32
        %dma_wait3A_166 = arith.constant 0 : i32
        %dma_wait3A_167 = tpu.memref_slice %arg25[%dma_wait3A_165, %dma_wait3A_166] : memref<10240x128xf32, #tpu.memory_space<vmem_shared>> -> memref<10240x128xf32, #tpu.memory_space<vmem_shared>>
        tpu.wait_indirect_dma semaphore(%arg29 : memref<!tpu.dma_semaphore, #tpu.memory_space<semaphore_mem>>) src(%arg23 : memref<112x128xf32, #tpu.memory_space<vmem>>) dst(%dma_wait3A_167 : memref<10240x128xf32, #tpu.memory_space<vmem_shared>>)
        %add3A_168 = arith.constant 3 : i32
        %add3A_169 = arith.addi %add3A_151, %add3A_168 : i32
        %lt3A_170 = arith.constant 180 : i32
        %lt3A_171 = arith.cmpi slt, %add3A_169, %lt3A_170 : i32
        %convert_element_type3A_172 = arith.extui %lt3A_171 : i1 to i32
        %cond3A_173 = arith.constant 0 : i32
        %cond3A_174 = arith.cmpi ne, %convert_element_type3A_172, %cond3A_173 : i32
        scf.if %cond3A_174 {
          %dma_wait3A_202 = arith.constant 0 : i32
          %dma_wait3A_203 = tpu.memref_slice %arg2[%mul3A_11, %dma_wait3A_202] : memref<2880x112xi32, #tpu.memory_space<hbm>> -> memref<1x112xi32, #tpu.memory_space<hbm>>
          %dma_wait3A_204 = tpu.memref_squeeze %dma_wait3A_203 : memref<1x112xi32, #tpu.memory_space<hbm>> -> memref<112xi32, #tpu.memory_space<hbm>>
          %dma_wait3A_205 = arith.constant 0 : i32
          %dma_wait3A_206 = tpu.memref_slice %arg2[%mul3A_11, %dma_wait3A_205] : memref<2880x112xi32, #tpu.memory_space<hbm>> -> memref<1x112xi32, #tpu.memory_space<hbm>>
          %dma_wait3A_207 = tpu.memref_squeeze %dma_wait3A_206 : memref<1x112xi32, #tpu.memory_space<hbm>> -> memref<112xi32, #tpu.memory_space<hbm>>
          tpu.wait_dma2 semaphore(%arg30 : memref<!tpu.dma_semaphore, #tpu.memory_space<semaphore_mem>>) src(%dma_wait3A_207 : memref<112xi32, #tpu.memory_space<hbm>>) dst(%arg11 : memref<112xi32, #tpu.memory_space<vmem>>)
          %dma_wait3A_208 = arith.constant 0 : i32
          %dma_wait3A_209 = tpu.memref_slice %arg3[%mul3A_11, %dma_wait3A_208] : memref<2880x112xi32, #tpu.memory_space<hbm>> -> memref<1x112xi32, #tpu.memory_space<hbm>>
          %dma_wait3A_210 = tpu.memref_squeeze %dma_wait3A_209 : memref<1x112xi32, #tpu.memory_space<hbm>> -> memref<112xi32, #tpu.memory_space<hbm>>
          %dma_wait3A_211 = arith.constant 0 : i32
          %dma_wait3A_212 = tpu.memref_slice %arg3[%mul3A_11, %dma_wait3A_211] : memref<2880x112xi32, #tpu.memory_space<hbm>> -> memref<1x112xi32, #tpu.memory_space<hbm>>
          %dma_wait3A_213 = tpu.memref_squeeze %dma_wait3A_212 : memref<1x112xi32, #tpu.memory_space<hbm>> -> memref<112xi32, #tpu.memory_space<hbm>>
          tpu.wait_dma2 semaphore(%arg30 : memref<!tpu.dma_semaphore, #tpu.memory_space<semaphore_mem>>) src(%dma_wait3A_213 : memref<112xi32, #tpu.memory_space<hbm>>) dst(%arg17 : memref<112xi32, #tpu.memory_space<vmem>>)
          %dma_start3A_214 = arith.constant 0 : i32
          %dma_start3A_215 = arith.constant 0 : i32
          %dma_start3A_216 = tpu.memref_slice %arg4[%dma_start3A_214, %dma_start3A_215] : memref<10240x128xf32, #tpu.memory_space<hbm>> -> memref<10240x128xf32, #tpu.memory_space<hbm>>
          tpu.enqueue_indirect_dma source(%dma_start3A_216 : memref<10240x128xf32, #tpu.memory_space<hbm>>) target(%arg23 : memref<112x128xf32, #tpu.memory_space<vmem>>) offsets(%arg11 : memref<112xi32, #tpu.memory_space<vmem>>) semaphore(%arg27 : memref<!tpu.dma_semaphore, #tpu.memory_space<semaphore_mem>>)
        } else {
        }
        %mul3A_175 = arith.constant 6 : i32
        %mul3A_176 = arith.muli %mul3A_175, %scan3A_41 : i32
        %add3A_177 = arith.constant 5 : i32
        %add3A_178 = arith.addi %mul3A_176, %add3A_177 : i32
        %dma_wait3A_179 = arith.constant 0 : i32
        %dma_wait3A_180 = arith.constant 0 : i32
        %dma_wait3A_181 = tpu.memref_slice %arg4[%dma_wait3A_179, %dma_wait3A_180] : memref<10240x128xf32, #tpu.memory_space<hbm>> -> memref<10240x128xf32, #tpu.memory_space<hbm>>
        tpu.wait_indirect_dma semaphore(%arg28 : memref<!tpu.dma_semaphore, #tpu.memory_space<semaphore_mem>>) src(%dma_wait3A_181 : memref<10240x128xf32, #tpu.memory_space<hbm>>) dst(%arg24 : memref<112x128xf32, #tpu.memory_space<vmem>>)
        %dma_start3A_182 = arith.constant 0 : i32
        %dma_start3A_183 = arith.constant 0 : i32
        %dma_start3A_184 = tpu.memref_slice %arg25[%dma_start3A_182, %dma_start3A_183] : memref<10240x128xf32, #tpu.memory_space<vmem_shared>> -> memref<10240x128xf32, #tpu.memory_space<vmem_shared>>
        tpu.enqueue_indirect_dma source(%arg24 : memref<112x128xf32, #tpu.memory_space<vmem>>) target(%dma_start3A_184 : memref<10240x128xf32, #tpu.memory_space<vmem_shared>>) offsets(%arg21 : memref<112xi32, #tpu.memory_space<vmem>>) semaphore(%arg29 : memref<!tpu.dma_semaphore, #tpu.memory_space<semaphore_mem>>) {add = true}
        %add3A_185 = arith.constant 3 : i32
        %add3A_186 = arith.addi %add3A_178, %add3A_185 : i32
        %lt3A_187 = arith.constant 180 : i32
        %lt3A_188 = arith.cmpi slt, %add3A_186, %lt3A_187 : i32
        %convert_element_type3A_189 = arith.extui %lt3A_188 : i1 to i32
        %cond3A_190 = arith.constant 0 : i32
        %cond3A_191 = arith.cmpi ne, %convert_element_type3A_189, %cond3A_190 : i32
        scf.if %cond3A_191 {
          %add3A_202 = arith.addi %mul3A_11, %add3A_178 : i32
          %add3A_203 = arith.constant 3 : i32
          %add3A_204 = arith.addi %add3A_202, %add3A_203 : i32
          %dma_start3A_205 = arith.constant 0 : i32
          %dma_start3A_206 = tpu.memref_slice %arg2[%add3A_204, %dma_start3A_205] : memref<2880x112xi32, #tpu.memory_space<hbm>> -> memref<1x112xi32, #tpu.memory_space<hbm>>
          %dma_start3A_207 = tpu.memref_squeeze %dma_start3A_206 : memref<1x112xi32, #tpu.memory_space<hbm>> -> memref<112xi32, #tpu.memory_space<hbm>>
          %dma_start3A_208 = arith.constant 0 : i32
          %dma_start3A_209 = tpu.memref_slice %arg2[%add3A_204, %dma_start3A_208] : memref<2880x112xi32, #tpu.memory_space<hbm>> -> memref<1x112xi32, #tpu.memory_space<hbm>>
          %dma_start3A_210 = tpu.memref_squeeze %dma_start3A_209 : memref<1x112xi32, #tpu.memory_space<hbm>> -> memref<112xi32, #tpu.memory_space<hbm>>
          tpu.enqueue_dma source(%dma_start3A_210 : memref<112xi32, #tpu.memory_space<hbm>>) target(%arg12 : memref<112xi32, #tpu.memory_space<vmem>>) target_semaphore(%arg30 : memref<!tpu.dma_semaphore, #tpu.memory_space<semaphore_mem>>)
          %add3A_211 = arith.addi %mul3A_11, %add3A_178 : i32
          %add3A_212 = arith.constant 3 : i32
          %add3A_213 = arith.addi %add3A_211, %add3A_212 : i32
          %dma_start3A_214 = arith.constant 0 : i32
          %dma_start3A_215 = tpu.memref_slice %arg3[%add3A_213, %dma_start3A_214] : memref<2880x112xi32, #tpu.memory_space<hbm>> -> memref<1x112xi32, #tpu.memory_space<hbm>>
          %dma_start3A_216 = tpu.memref_squeeze %dma_start3A_215 : memref<1x112xi32, #tpu.memory_space<hbm>> -> memref<112xi32, #tpu.memory_space<hbm>>
          %dma_start3A_217 = arith.constant 0 : i32
          %dma_start3A_218 = tpu.memref_slice %arg3[%add3A_213, %dma_start3A_217] : memref<2880x112xi32, #tpu.memory_space<hbm>> -> memref<1x112xi32, #tpu.memory_space<hbm>>
          %dma_start3A_219 = tpu.memref_squeeze %dma_start3A_218 : memref<1x112xi32, #tpu.memory_space<hbm>> -> memref<112xi32, #tpu.memory_space<hbm>>
          tpu.enqueue_dma source(%dma_start3A_219 : memref<112xi32, #tpu.memory_space<hbm>>) target(%arg18 : memref<112xi32, #tpu.memory_space<vmem>>) target_semaphore(%arg30 : memref<!tpu.dma_semaphore, #tpu.memory_space<semaphore_mem>>)
        } else {
        }
        %dma_wait3A_192 = arith.constant 0 : i32
        %dma_wait3A_193 = arith.constant 0 : i32
        %dma_wait3A_194 = tpu.memref_slice %arg25[%dma_wait3A_192, %dma_wait3A_193] : memref<10240x128xf32, #tpu.memory_space<vmem_shared>> -> memref<10240x128xf32, #tpu.memory_space<vmem_shared>>
        tpu.wait_indirect_dma semaphore(%arg29 : memref<!tpu.dma_semaphore, #tpu.memory_space<semaphore_mem>>) src(%arg24 : memref<112x128xf32, #tpu.memory_space<vmem>>) dst(%dma_wait3A_194 : memref<10240x128xf32, #tpu.memory_space<vmem_shared>>)
        %add3A_195 = arith.constant 3 : i32
        %add3A_196 = arith.addi %add3A_178, %add3A_195 : i32
        %lt3A_197 = arith.constant 180 : i32
        %lt3A_198 = arith.cmpi slt, %add3A_196, %lt3A_197 : i32
        %convert_element_type3A_199 = arith.extui %lt3A_198 : i1 to i32
        %cond3A_200 = arith.constant 0 : i32
        %cond3A_201 = arith.cmpi ne, %convert_element_type3A_199, %cond3A_200 : i32
        scf.if %cond3A_201 {
          %dma_wait3A_202 = arith.constant 0 : i32
          %dma_wait3A_203 = tpu.memref_slice %arg2[%mul3A_11, %dma_wait3A_202] : memref<2880x112xi32, #tpu.memory_space<hbm>> -> memref<1x112xi32, #tpu.memory_space<hbm>>
          %dma_wait3A_204 = tpu.memref_squeeze %dma_wait3A_203 : memref<1x112xi32, #tpu.memory_space<hbm>> -> memref<112xi32, #tpu.memory_space<hbm>>
          %dma_wait3A_205 = arith.constant 0 : i32
          %dma_wait3A_206 = tpu.memref_slice %arg2[%mul3A_11, %dma_wait3A_205] : memref<2880x112xi32, #tpu.memory_space<hbm>> -> memref<1x112xi32, #tpu.memory_space<hbm>>
          %dma_wait3A_207 = tpu.memref_squeeze %dma_wait3A_206 : memref<1x112xi32, #tpu.memory_space<hbm>> -> memref<112xi32, #tpu.memory_space<hbm>>
          tpu.wait_dma2 semaphore(%arg30 : memref<!tpu.dma_semaphore, #tpu.memory_space<semaphore_mem>>) src(%dma_wait3A_207 : memref<112xi32, #tpu.memory_space<hbm>>) dst(%arg12 : memref<112xi32, #tpu.memory_space<vmem>>)
          %dma_wait3A_208 = arith.constant 0 : i32
          %dma_wait3A_209 = tpu.memref_slice %arg3[%mul3A_11, %dma_wait3A_208] : memref<2880x112xi32, #tpu.memory_space<hbm>> -> memref<1x112xi32, #tpu.memory_space<hbm>>
          %dma_wait3A_210 = tpu.memref_squeeze %dma_wait3A_209 : memref<1x112xi32, #tpu.memory_space<hbm>> -> memref<112xi32, #tpu.memory_space<hbm>>
          %dma_wait3A_211 = arith.constant 0 : i32
          %dma_wait3A_212 = tpu.memref_slice %arg3[%mul3A_11, %dma_wait3A_211] : memref<2880x112xi32, #tpu.memory_space<hbm>> -> memref<1x112xi32, #tpu.memory_space<hbm>>
          %dma_wait3A_213 = tpu.memref_squeeze %dma_wait3A_212 : memref<1x112xi32, #tpu.memory_space<hbm>> -> memref<112xi32, #tpu.memory_space<hbm>>
          tpu.wait_dma2 semaphore(%arg30 : memref<!tpu.dma_semaphore, #tpu.memory_space<semaphore_mem>>) src(%dma_wait3A_213 : memref<112xi32, #tpu.memory_space<hbm>>) dst(%arg18 : memref<112xi32, #tpu.memory_space<vmem>>)
          %dma_start3A_214 = arith.constant 0 : i32
          %dma_start3A_215 = arith.constant 0 : i32
          %dma_start3A_216 = tpu.memref_slice %arg4[%dma_start3A_214, %dma_start3A_215] : memref<10240x128xf32, #tpu.memory_space<hbm>> -> memref<10240x128xf32, #tpu.memory_space<hbm>>
          tpu.enqueue_indirect_dma source(%dma_start3A_216 : memref<10240x128xf32, #tpu.memory_space<hbm>>) target(%arg24 : memref<112x128xf32, #tpu.memory_space<vmem>>) offsets(%arg12 : memref<112xi32, #tpu.memory_space<vmem>>) semaphore(%arg28 : memref<!tpu.dma_semaphore, #tpu.memory_space<semaphore_mem>>)
        } else {
        }
      }
      %scan3A_35 = arith.constant 30 : i32
      %barrier3A_36 = arith.constant 0 : index
      tpu.barrier barrier_id(%barrier3A_36)
      %mul3A_37 = arith.constant 640 : i32
      %mul3A_38 = arith.muli %arg1, %mul3A_37 : i32
      %mul3A_39 = arith.constant 640 : i32
      %mul3A_40 = arith.muli %arg1, %mul3A_39 : i32
      "tpu.region"() ({
        %run_scoped3A = tpu.sem_alloc : memref<!tpu.dma_semaphore, #tpu.memory_space<semaphore_mem>>
        %dma_start3A_41 = arith.constant 0 : i32
        %dma_start3A_42 = tpu.memref_slice %arg8[%mul3A_40, %dma_start3A_41] : memref<10240x128xf32, #tpu.memory_space<hbm>> -> memref<640x128xf32, #tpu.memory_space<hbm>>
        %dma_start3A_43 = arith.constant 0 : i32
        %dma_start3A_44 = tpu.memref_slice %arg25[%mul3A_38, %dma_start3A_43] : memref<10240x128xf32, #tpu.memory_space<vmem_shared>> -> memref<640x128xf32, #tpu.memory_space<vmem_shared>>
        tpu.enqueue_dma source(%dma_start3A_44 : memref<640x128xf32, #tpu.memory_space<vmem_shared>>) target(%dma_start3A_42 : memref<640x128xf32, #tpu.memory_space<hbm>>) target_semaphore(%run_scoped3A : memref<!tpu.dma_semaphore, #tpu.memory_space<semaphore_mem>>)
        %dma_wait3A = arith.constant 0 : i32
        %dma_wait3A_45 = tpu.memref_slice %arg8[%mul3A_40, %dma_wait3A] : memref<10240x128xf32, #tpu.memory_space<hbm>> -> memref<640x128xf32, #tpu.memory_space<hbm>>
        %dma_wait3A_46 = arith.constant 0 : i32
        %dma_wait3A_47 = tpu.memref_slice %arg25[%mul3A_38, %dma_wait3A_46] : memref<10240x128xf32, #tpu.memory_space<vmem_shared>> -> memref<640x128xf32, #tpu.memory_space<vmem_shared>>
        tpu.wait_dma2 semaphore(%run_scoped3A : memref<!tpu.dma_semaphore, #tpu.memory_space<semaphore_mem>>) src(%dma_wait3A_47 : memref<640x128xf32, #tpu.memory_space<vmem_shared>>) dst(%dma_wait3A_45 : memref<640x128xf32, #tpu.memory_space<hbm>>)
        tpu.yield
      }) : () -> ()
    } else {
    }
    %eq3A_2 = arith.constant 1 : i32
    %eq3A_3 = arith.cmpi eq, %arg0, %eq3A_2 : i32
    %convert_element_type3A_4 = arith.extui %eq3A_3 : i1 to i32
    %cond3A_5 = arith.constant 0 : i32
    %cond3A_6 = arith.cmpi ne, %convert_element_type3A_4, %cond3A_5 : i32
    scf.if %cond3A_6 {
      %mul3A = arith.constant 640 : i32
      %mul3A_7 = arith.muli %arg1, %mul3A : i32
      %mul3A_8 = arith.constant 640 : i32
      %mul3A_9 = arith.muli %arg1, %mul3A_8 : i32
      "tpu.region"() ({
        %run_scoped3A = tpu.sem_alloc : memref<!tpu.dma_semaphore, #tpu.memory_space<semaphore_mem>>
        %dma_start3A_41 = arith.constant 0 : i32
        %dma_start3A_42 = tpu.memref_slice %arg25[%mul3A_9, %dma_start3A_41] : memref<10240x128xf32, #tpu.memory_space<vmem_shared>> -> memref<640x128xf32, #tpu.memory_space<vmem_shared>>
        %dma_start3A_43 = arith.constant 0 : i32
        %dma_start3A_44 = tpu.memref_slice %arg7[%mul3A_7, %dma_start3A_43] : memref<10240x128xf32, #tpu.memory_space<hbm>> -> memref<640x128xf32, #tpu.memory_space<hbm>>
        tpu.enqueue_dma source(%dma_start3A_44 : memref<640x128xf32, #tpu.memory_space<hbm>>) target(%dma_start3A_42 : memref<640x128xf32, #tpu.memory_space<vmem_shared>>) target_semaphore(%run_scoped3A : memref<!tpu.dma_semaphore, #tpu.memory_space<semaphore_mem>>)
        %dma_wait3A = arith.constant 0 : i32
        %dma_wait3A_45 = tpu.memref_slice %arg25[%mul3A_9, %dma_wait3A] : memref<10240x128xf32, #tpu.memory_space<vmem_shared>> -> memref<640x128xf32, #tpu.memory_space<vmem_shared>>
        %dma_wait3A_46 = arith.constant 0 : i32
        %dma_wait3A_47 = tpu.memref_slice %arg7[%mul3A_7, %dma_wait3A_46] : memref<10240x128xf32, #tpu.memory_space<hbm>> -> memref<640x128xf32, #tpu.memory_space<hbm>>
        tpu.wait_dma2 semaphore(%run_scoped3A : memref<!tpu.dma_semaphore, #tpu.memory_space<semaphore_mem>>) src(%dma_wait3A_47 : memref<640x128xf32, #tpu.memory_space<hbm>>) dst(%dma_wait3A_45 : memref<640x128xf32, #tpu.memory_space<vmem_shared>>)
        tpu.yield
      }) : () -> ()
      %barrier3A = arith.constant 0 : index
      tpu.barrier barrier_id(%barrier3A)
      %mul3A_10 = arith.constant 180 : i32
      %mul3A_11 = arith.muli %arg1, %mul3A_10 : i32
      %add3A = arith.constant 0 : i32
      %add3A_12 = arith.addi %mul3A_11, %add3A : i32
      "tpu.region"() ({
        %run_scoped3A = tpu.sem_alloc : memref<!tpu.dma_semaphore, #tpu.memory_space<semaphore_mem>>
        %dma_start3A_41 = arith.constant 0 : i32
        %dma_start3A_42 = tpu.memref_slice %arg5[%add3A_12, %dma_start3A_41] : memref<2880x112xi32, #tpu.memory_space<hbm>> -> memref<1x112xi32, #tpu.memory_space<hbm>>
        %dma_start3A_43 = tpu.memref_squeeze %dma_start3A_42 : memref<1x112xi32, #tpu.memory_space<hbm>> -> memref<112xi32, #tpu.memory_space<hbm>>
        %dma_start3A_44 = arith.constant 0 : i32
        %dma_start3A_45 = tpu.memref_slice %arg5[%add3A_12, %dma_start3A_44] : memref<2880x112xi32, #tpu.memory_space<hbm>> -> memref<1x112xi32, #tpu.memory_space<hbm>>
        %dma_start3A_46 = tpu.memref_squeeze %dma_start3A_45 : memref<1x112xi32, #tpu.memory_space<hbm>> -> memref<112xi32, #tpu.memory_space<hbm>>
        tpu.enqueue_dma source(%dma_start3A_46 : memref<112xi32, #tpu.memory_space<hbm>>) target(%arg10 : memref<112xi32, #tpu.memory_space<vmem>>) target_semaphore(%run_scoped3A : memref<!tpu.dma_semaphore, #tpu.memory_space<semaphore_mem>>)
        %dma_wait3A = arith.constant 0 : i32
        %dma_wait3A_47 = tpu.memref_slice %arg5[%add3A_12, %dma_wait3A] : memref<2880x112xi32, #tpu.memory_space<hbm>> -> memref<1x112xi32, #tpu.memory_space<hbm>>
        %dma_wait3A_48 = tpu.memref_squeeze %dma_wait3A_47 : memref<1x112xi32, #tpu.memory_space<hbm>> -> memref<112xi32, #tpu.memory_space<hbm>>
        %dma_wait3A_49 = arith.constant 0 : i32
        %dma_wait3A_50 = tpu.memref_slice %arg5[%add3A_12, %dma_wait3A_49] : memref<2880x112xi32, #tpu.memory_space<hbm>> -> memref<1x112xi32, #tpu.memory_space<hbm>>
        %dma_wait3A_51 = tpu.memref_squeeze %dma_wait3A_50 : memref<1x112xi32, #tpu.memory_space<hbm>> -> memref<112xi32, #tpu.memory_space<hbm>>
        tpu.wait_dma2 semaphore(%run_scoped3A : memref<!tpu.dma_semaphore, #tpu.memory_space<semaphore_mem>>) src(%dma_wait3A_51 : memref<112xi32, #tpu.memory_space<hbm>>) dst(%arg10 : memref<112xi32, #tpu.memory_space<vmem>>)
        tpu.yield
      }) : () -> ()
      %add3A_13 = arith.constant 0 : i32
      %add3A_14 = arith.addi %mul3A_11, %add3A_13 : i32
      "tpu.region"() ({
        %run_scoped3A = tpu.sem_alloc : memref<!tpu.dma_semaphore, #tpu.memory_space<semaphore_mem>>
        %dma_start3A_41 = arith.constant 0 : i32
        %dma_start3A_42 = tpu.memref_slice %arg6[%add3A_14, %dma_start3A_41] : memref<2880x112xi32, #tpu.memory_space<hbm>> -> memref<1x112xi32, #tpu.memory_space<hbm>>
        %dma_start3A_43 = tpu.memref_squeeze %dma_start3A_42 : memref<1x112xi32, #tpu.memory_space<hbm>> -> memref<112xi32, #tpu.memory_space<hbm>>
        %dma_start3A_44 = arith.constant 0 : i32
        %dma_start3A_45 = tpu.memref_slice %arg6[%add3A_14, %dma_start3A_44] : memref<2880x112xi32, #tpu.memory_space<hbm>> -> memref<1x112xi32, #tpu.memory_space<hbm>>
        %dma_start3A_46 = tpu.memref_squeeze %dma_start3A_45 : memref<1x112xi32, #tpu.memory_space<hbm>> -> memref<112xi32, #tpu.memory_space<hbm>>
        tpu.enqueue_dma source(%dma_start3A_46 : memref<112xi32, #tpu.memory_space<hbm>>) target(%arg16 : memref<112xi32, #tpu.memory_space<vmem>>) target_semaphore(%run_scoped3A : memref<!tpu.dma_semaphore, #tpu.memory_space<semaphore_mem>>)
        %dma_wait3A = arith.constant 0 : i32
        %dma_wait3A_47 = tpu.memref_slice %arg6[%add3A_14, %dma_wait3A] : memref<2880x112xi32, #tpu.memory_space<hbm>> -> memref<1x112xi32, #tpu.memory_space<hbm>>
        %dma_wait3A_48 = tpu.memref_squeeze %dma_wait3A_47 : memref<1x112xi32, #tpu.memory_space<hbm>> -> memref<112xi32, #tpu.memory_space<hbm>>
        %dma_wait3A_49 = arith.constant 0 : i32
        %dma_wait3A_50 = tpu.memref_slice %arg6[%add3A_14, %dma_wait3A_49] : memref<2880x112xi32, #tpu.memory_space<hbm>> -> memref<1x112xi32, #tpu.memory_space<hbm>>
        %dma_wait3A_51 = tpu.memref_squeeze %dma_wait3A_50 : memref<1x112xi32, #tpu.memory_space<hbm>> -> memref<112xi32, #tpu.memory_space<hbm>>
        tpu.wait_dma2 semaphore(%run_scoped3A : memref<!tpu.dma_semaphore, #tpu.memory_space<semaphore_mem>>) src(%dma_wait3A_51 : memref<112xi32, #tpu.memory_space<hbm>>) dst(%arg16 : memref<112xi32, #tpu.memory_space<vmem>>)
        tpu.yield
      }) : () -> ()
      %dma_start3A = arith.constant 0 : i32
      %dma_start3A_15 = arith.constant 0 : i32
      %dma_start3A_16 = tpu.memref_slice %arg7[%dma_start3A, %dma_start3A_15] : memref<10240x128xf32, #tpu.memory_space<hbm>> -> memref<10240x128xf32, #tpu.memory_space<hbm>>
      tpu.enqueue_indirect_dma source(%dma_start3A_16 : memref<10240x128xf32, #tpu.memory_space<hbm>>) target(%arg22 : memref<112x128xf32, #tpu.memory_space<vmem>>) offsets(%arg10 : memref<112xi32, #tpu.memory_space<vmem>>) semaphore(%arg26 : memref<!tpu.dma_semaphore, #tpu.memory_space<semaphore_mem>>)
      %add3A_17 = arith.constant 1 : i32
      %add3A_18 = arith.addi %mul3A_11, %add3A_17 : i32
      "tpu.region"() ({
        %run_scoped3A = tpu.sem_alloc : memref<!tpu.dma_semaphore, #tpu.memory_space<semaphore_mem>>
        %dma_start3A_41 = arith.constant 0 : i32
        %dma_start3A_42 = tpu.memref_slice %arg5[%add3A_18, %dma_start3A_41] : memref<2880x112xi32, #tpu.memory_space<hbm>> -> memref<1x112xi32, #tpu.memory_space<hbm>>
        %dma_start3A_43 = tpu.memref_squeeze %dma_start3A_42 : memref<1x112xi32, #tpu.memory_space<hbm>> -> memref<112xi32, #tpu.memory_space<hbm>>
        %dma_start3A_44 = arith.constant 0 : i32
        %dma_start3A_45 = tpu.memref_slice %arg5[%add3A_18, %dma_start3A_44] : memref<2880x112xi32, #tpu.memory_space<hbm>> -> memref<1x112xi32, #tpu.memory_space<hbm>>
        %dma_start3A_46 = tpu.memref_squeeze %dma_start3A_45 : memref<1x112xi32, #tpu.memory_space<hbm>> -> memref<112xi32, #tpu.memory_space<hbm>>
        tpu.enqueue_dma source(%dma_start3A_46 : memref<112xi32, #tpu.memory_space<hbm>>) target(%arg11 : memref<112xi32, #tpu.memory_space<vmem>>) target_semaphore(%run_scoped3A : memref<!tpu.dma_semaphore, #tpu.memory_space<semaphore_mem>>)
        %dma_wait3A = arith.constant 0 : i32
        %dma_wait3A_47 = tpu.memref_slice %arg5[%add3A_18, %dma_wait3A] : memref<2880x112xi32, #tpu.memory_space<hbm>> -> memref<1x112xi32, #tpu.memory_space<hbm>>
        %dma_wait3A_48 = tpu.memref_squeeze %dma_wait3A_47 : memref<1x112xi32, #tpu.memory_space<hbm>> -> memref<112xi32, #tpu.memory_space<hbm>>
        %dma_wait3A_49 = arith.constant 0 : i32
        %dma_wait3A_50 = tpu.memref_slice %arg5[%add3A_18, %dma_wait3A_49] : memref<2880x112xi32, #tpu.memory_space<hbm>> -> memref<1x112xi32, #tpu.memory_space<hbm>>
        %dma_wait3A_51 = tpu.memref_squeeze %dma_wait3A_50 : memref<1x112xi32, #tpu.memory_space<hbm>> -> memref<112xi32, #tpu.memory_space<hbm>>
        tpu.wait_dma2 semaphore(%run_scoped3A : memref<!tpu.dma_semaphore, #tpu.memory_space<semaphore_mem>>) src(%dma_wait3A_51 : memref<112xi32, #tpu.memory_space<hbm>>) dst(%arg11 : memref<112xi32, #tpu.memory_space<vmem>>)
        tpu.yield
      }) : () -> ()
      %add3A_19 = arith.constant 1 : i32
      %add3A_20 = arith.addi %mul3A_11, %add3A_19 : i32
      "tpu.region"() ({
        %run_scoped3A = tpu.sem_alloc : memref<!tpu.dma_semaphore, #tpu.memory_space<semaphore_mem>>
        %dma_start3A_41 = arith.constant 0 : i32
        %dma_start3A_42 = tpu.memref_slice %arg6[%add3A_20, %dma_start3A_41] : memref<2880x112xi32, #tpu.memory_space<hbm>> -> memref<1x112xi32, #tpu.memory_space<hbm>>
        %dma_start3A_43 = tpu.memref_squeeze %dma_start3A_42 : memref<1x112xi32, #tpu.memory_space<hbm>> -> memref<112xi32, #tpu.memory_space<hbm>>
        %dma_start3A_44 = arith.constant 0 : i32
        %dma_start3A_45 = tpu.memref_slice %arg6[%add3A_20, %dma_start3A_44] : memref<2880x112xi32, #tpu.memory_space<hbm>> -> memref<1x112xi32, #tpu.memory_space<hbm>>
        %dma_start3A_46 = tpu.memref_squeeze %dma_start3A_45 : memref<1x112xi32, #tpu.memory_space<hbm>> -> memref<112xi32, #tpu.memory_space<hbm>>
        tpu.enqueue_dma source(%dma_start3A_46 : memref<112xi32, #tpu.memory_space<hbm>>) target(%arg17 : memref<112xi32, #tpu.memory_space<vmem>>) target_semaphore(%run_scoped3A : memref<!tpu.dma_semaphore, #tpu.memory_space<semaphore_mem>>)
        %dma_wait3A = arith.constant 0 : i32
        %dma_wait3A_47 = tpu.memref_slice %arg6[%add3A_20, %dma_wait3A] : memref<2880x112xi32, #tpu.memory_space<hbm>> -> memref<1x112xi32, #tpu.memory_space<hbm>>
        %dma_wait3A_48 = tpu.memref_squeeze %dma_wait3A_47 : memref<1x112xi32, #tpu.memory_space<hbm>> -> memref<112xi32, #tpu.memory_space<hbm>>
        %dma_wait3A_49 = arith.constant 0 : i32
        %dma_wait3A_50 = tpu.memref_slice %arg6[%add3A_20, %dma_wait3A_49] : memref<2880x112xi32, #tpu.memory_space<hbm>> -> memref<1x112xi32, #tpu.memory_space<hbm>>
        %dma_wait3A_51 = tpu.memref_squeeze %dma_wait3A_50 : memref<1x112xi32, #tpu.memory_space<hbm>> -> memref<112xi32, #tpu.memory_space<hbm>>
        tpu.wait_dma2 semaphore(%run_scoped3A : memref<!tpu.dma_semaphore, #tpu.memory_space<semaphore_mem>>) src(%dma_wait3A_51 : memref<112xi32, #tpu.memory_space<hbm>>) dst(%arg17 : memref<112xi32, #tpu.memory_space<vmem>>)
        tpu.yield
      }) : () -> ()
      %dma_start3A_21 = arith.constant 0 : i32
      %dma_start3A_22 = arith.constant 0 : i32
      %dma_start3A_23 = tpu.memref_slice %arg7[%dma_start3A_21, %dma_start3A_22] : memref<10240x128xf32, #tpu.memory_space<hbm>> -> memref<10240x128xf32, #tpu.memory_space<hbm>>
      tpu.enqueue_indirect_dma source(%dma_start3A_23 : memref<10240x128xf32, #tpu.memory_space<hbm>>) target(%arg23 : memref<112x128xf32, #tpu.memory_space<vmem>>) offsets(%arg11 : memref<112xi32, #tpu.memory_space<vmem>>) semaphore(%arg27 : memref<!tpu.dma_semaphore, #tpu.memory_space<semaphore_mem>>)
      %add3A_24 = arith.constant 2 : i32
      %add3A_25 = arith.addi %mul3A_11, %add3A_24 : i32
      "tpu.region"() ({
        %run_scoped3A = tpu.sem_alloc : memref<!tpu.dma_semaphore, #tpu.memory_space<semaphore_mem>>
        %dma_start3A_41 = arith.constant 0 : i32
        %dma_start3A_42 = tpu.memref_slice %arg5[%add3A_25, %dma_start3A_41] : memref<2880x112xi32, #tpu.memory_space<hbm>> -> memref<1x112xi32, #tpu.memory_space<hbm>>
        %dma_start3A_43 = tpu.memref_squeeze %dma_start3A_42 : memref<1x112xi32, #tpu.memory_space<hbm>> -> memref<112xi32, #tpu.memory_space<hbm>>
        %dma_start3A_44 = arith.constant 0 : i32
        %dma_start3A_45 = tpu.memref_slice %arg5[%add3A_25, %dma_start3A_44] : memref<2880x112xi32, #tpu.memory_space<hbm>> -> memref<1x112xi32, #tpu.memory_space<hbm>>
        %dma_start3A_46 = tpu.memref_squeeze %dma_start3A_45 : memref<1x112xi32, #tpu.memory_space<hbm>> -> memref<112xi32, #tpu.memory_space<hbm>>
        tpu.enqueue_dma source(%dma_start3A_46 : memref<112xi32, #tpu.memory_space<hbm>>) target(%arg12 : memref<112xi32, #tpu.memory_space<vmem>>) target_semaphore(%run_scoped3A : memref<!tpu.dma_semaphore, #tpu.memory_space<semaphore_mem>>)
        %dma_wait3A = arith.constant 0 : i32
        %dma_wait3A_47 = tpu.memref_slice %arg5[%add3A_25, %dma_wait3A] : memref<2880x112xi32, #tpu.memory_space<hbm>> -> memref<1x112xi32, #tpu.memory_space<hbm>>
        %dma_wait3A_48 = tpu.memref_squeeze %dma_wait3A_47 : memref<1x112xi32, #tpu.memory_space<hbm>> -> memref<112xi32, #tpu.memory_space<hbm>>
        %dma_wait3A_49 = arith.constant 0 : i32
        %dma_wait3A_50 = tpu.memref_slice %arg5[%add3A_25, %dma_wait3A_49] : memref<2880x112xi32, #tpu.memory_space<hbm>> -> memref<1x112xi32, #tpu.memory_space<hbm>>
        %dma_wait3A_51 = tpu.memref_squeeze %dma_wait3A_50 : memref<1x112xi32, #tpu.memory_space<hbm>> -> memref<112xi32, #tpu.memory_space<hbm>>
        tpu.wait_dma2 semaphore(%run_scoped3A : memref<!tpu.dma_semaphore, #tpu.memory_space<semaphore_mem>>) src(%dma_wait3A_51 : memref<112xi32, #tpu.memory_space<hbm>>) dst(%arg12 : memref<112xi32, #tpu.memory_space<vmem>>)
        tpu.yield
      }) : () -> ()
      %add3A_26 = arith.constant 2 : i32
      %add3A_27 = arith.addi %mul3A_11, %add3A_26 : i32
      "tpu.region"() ({
        %run_scoped3A = tpu.sem_alloc : memref<!tpu.dma_semaphore, #tpu.memory_space<semaphore_mem>>
        %dma_start3A_41 = arith.constant 0 : i32
        %dma_start3A_42 = tpu.memref_slice %arg6[%add3A_27, %dma_start3A_41] : memref<2880x112xi32, #tpu.memory_space<hbm>> -> memref<1x112xi32, #tpu.memory_space<hbm>>
        %dma_start3A_43 = tpu.memref_squeeze %dma_start3A_42 : memref<1x112xi32, #tpu.memory_space<hbm>> -> memref<112xi32, #tpu.memory_space<hbm>>
        %dma_start3A_44 = arith.constant 0 : i32
        %dma_start3A_45 = tpu.memref_slice %arg6[%add3A_27, %dma_start3A_44] : memref<2880x112xi32, #tpu.memory_space<hbm>> -> memref<1x112xi32, #tpu.memory_space<hbm>>
        %dma_start3A_46 = tpu.memref_squeeze %dma_start3A_45 : memref<1x112xi32, #tpu.memory_space<hbm>> -> memref<112xi32, #tpu.memory_space<hbm>>
        tpu.enqueue_dma source(%dma_start3A_46 : memref<112xi32, #tpu.memory_space<hbm>>) target(%arg18 : memref<112xi32, #tpu.memory_space<vmem>>) target_semaphore(%run_scoped3A : memref<!tpu.dma_semaphore, #tpu.memory_space<semaphore_mem>>)
        %dma_wait3A = arith.constant 0 : i32
        %dma_wait3A_47 = tpu.memref_slice %arg6[%add3A_27, %dma_wait3A] : memref<2880x112xi32, #tpu.memory_space<hbm>> -> memref<1x112xi32, #tpu.memory_space<hbm>>
        %dma_wait3A_48 = tpu.memref_squeeze %dma_wait3A_47 : memref<1x112xi32, #tpu.memory_space<hbm>> -> memref<112xi32, #tpu.memory_space<hbm>>
        %dma_wait3A_49 = arith.constant 0 : i32
        %dma_wait3A_50 = tpu.memref_slice %arg6[%add3A_27, %dma_wait3A_49] : memref<2880x112xi32, #tpu.memory_space<hbm>> -> memref<1x112xi32, #tpu.memory_space<hbm>>
        %dma_wait3A_51 = tpu.memref_squeeze %dma_wait3A_50 : memref<1x112xi32, #tpu.memory_space<hbm>> -> memref<112xi32, #tpu.memory_space<hbm>>
        tpu.wait_dma2 semaphore(%run_scoped3A : memref<!tpu.dma_semaphore, #tpu.memory_space<semaphore_mem>>) src(%dma_wait3A_51 : memref<112xi32, #tpu.memory_space<hbm>>) dst(%arg18 : memref<112xi32, #tpu.memory_space<vmem>>)
        tpu.yield
      }) : () -> ()
      %dma_start3A_28 = arith.constant 0 : i32
      %dma_start3A_29 = arith.constant 0 : i32
      %dma_start3A_30 = tpu.memref_slice %arg7[%dma_start3A_28, %dma_start3A_29] : memref<10240x128xf32, #tpu.memory_space<hbm>> -> memref<10240x128xf32, #tpu.memory_space<hbm>>
      tpu.enqueue_indirect_dma source(%dma_start3A_30 : memref<10240x128xf32, #tpu.memory_space<hbm>>) target(%arg24 : memref<112x128xf32, #tpu.memory_space<vmem>>) offsets(%arg12 : memref<112xi32, #tpu.memory_space<vmem>>) semaphore(%arg28 : memref<!tpu.dma_semaphore, #tpu.memory_space<semaphore_mem>>)
      %scan3A = arith.constant 0 : i32
      %scan3A_31 = arith.constant 0 : i32
      %scan3A_32 = arith.constant 30 : i32
      %scan3A_33 = arith.addi %scan3A_31, %scan3A_32 : i32
      %scan3A_34 = arith.constant 1 : i32
      scf.for %scan3A_41 = %scan3A_31 to %scan3A_33 step %scan3A_34  : i32 {
        %mul3A_42 = arith.constant 6 : i32
        %mul3A_43 = arith.muli %mul3A_42, %scan3A_41 : i32
        %add3A_44 = arith.constant 0 : i32
        %add3A_45 = arith.addi %mul3A_43, %add3A_44 : i32
        %dma_wait3A = arith.constant 0 : i32
        %dma_wait3A_46 = arith.constant 0 : i32
        %dma_wait3A_47 = tpu.memref_slice %arg7[%dma_wait3A, %dma_wait3A_46] : memref<10240x128xf32, #tpu.memory_space<hbm>> -> memref<10240x128xf32, #tpu.memory_space<hbm>>
        tpu.wait_indirect_dma semaphore(%arg26 : memref<!tpu.dma_semaphore, #tpu.memory_space<semaphore_mem>>) src(%dma_wait3A_47 : memref<10240x128xf32, #tpu.memory_space<hbm>>) dst(%arg22 : memref<112x128xf32, #tpu.memory_space<vmem>>)
        %dma_start3A_48 = arith.constant 0 : i32
        %dma_start3A_49 = arith.constant 0 : i32
        %dma_start3A_50 = tpu.memref_slice %arg25[%dma_start3A_48, %dma_start3A_49] : memref<10240x128xf32, #tpu.memory_space<vmem_shared>> -> memref<10240x128xf32, #tpu.memory_space<vmem_shared>>
        tpu.enqueue_indirect_dma source(%arg22 : memref<112x128xf32, #tpu.memory_space<vmem>>) target(%dma_start3A_50 : memref<10240x128xf32, #tpu.memory_space<vmem_shared>>) offsets(%arg16 : memref<112xi32, #tpu.memory_space<vmem>>) semaphore(%arg29 : memref<!tpu.dma_semaphore, #tpu.memory_space<semaphore_mem>>) {add = true}
        %add3A_51 = arith.constant 3 : i32
        %add3A_52 = arith.addi %add3A_45, %add3A_51 : i32
        %lt3A = arith.constant 180 : i32
        %lt3A_53 = arith.cmpi slt, %add3A_52, %lt3A : i32
        %convert_element_type3A_54 = arith.extui %lt3A_53 : i1 to i32
        %cond3A_55 = arith.constant 0 : i32
        %cond3A_56 = arith.cmpi ne, %convert_element_type3A_54, %cond3A_55 : i32
        scf.if %cond3A_56 {
          %add3A_202 = arith.addi %mul3A_11, %add3A_45 : i32
          %add3A_203 = arith.constant 3 : i32
          %add3A_204 = arith.addi %add3A_202, %add3A_203 : i32
          %dma_start3A_205 = arith.constant 0 : i32
          %dma_start3A_206 = tpu.memref_slice %arg5[%add3A_204, %dma_start3A_205] : memref<2880x112xi32, #tpu.memory_space<hbm>> -> memref<1x112xi32, #tpu.memory_space<hbm>>
          %dma_start3A_207 = tpu.memref_squeeze %dma_start3A_206 : memref<1x112xi32, #tpu.memory_space<hbm>> -> memref<112xi32, #tpu.memory_space<hbm>>
          %dma_start3A_208 = arith.constant 0 : i32
          %dma_start3A_209 = tpu.memref_slice %arg5[%add3A_204, %dma_start3A_208] : memref<2880x112xi32, #tpu.memory_space<hbm>> -> memref<1x112xi32, #tpu.memory_space<hbm>>
          %dma_start3A_210 = tpu.memref_squeeze %dma_start3A_209 : memref<1x112xi32, #tpu.memory_space<hbm>> -> memref<112xi32, #tpu.memory_space<hbm>>
          tpu.enqueue_dma source(%dma_start3A_210 : memref<112xi32, #tpu.memory_space<hbm>>) target(%arg13 : memref<112xi32, #tpu.memory_space<vmem>>) target_semaphore(%arg30 : memref<!tpu.dma_semaphore, #tpu.memory_space<semaphore_mem>>)
          %add3A_211 = arith.addi %mul3A_11, %add3A_45 : i32
          %add3A_212 = arith.constant 3 : i32
          %add3A_213 = arith.addi %add3A_211, %add3A_212 : i32
          %dma_start3A_214 = arith.constant 0 : i32
          %dma_start3A_215 = tpu.memref_slice %arg6[%add3A_213, %dma_start3A_214] : memref<2880x112xi32, #tpu.memory_space<hbm>> -> memref<1x112xi32, #tpu.memory_space<hbm>>
          %dma_start3A_216 = tpu.memref_squeeze %dma_start3A_215 : memref<1x112xi32, #tpu.memory_space<hbm>> -> memref<112xi32, #tpu.memory_space<hbm>>
          %dma_start3A_217 = arith.constant 0 : i32
          %dma_start3A_218 = tpu.memref_slice %arg6[%add3A_213, %dma_start3A_217] : memref<2880x112xi32, #tpu.memory_space<hbm>> -> memref<1x112xi32, #tpu.memory_space<hbm>>
          %dma_start3A_219 = tpu.memref_squeeze %dma_start3A_218 : memref<1x112xi32, #tpu.memory_space<hbm>> -> memref<112xi32, #tpu.memory_space<hbm>>
          tpu.enqueue_dma source(%dma_start3A_219 : memref<112xi32, #tpu.memory_space<hbm>>) target(%arg19 : memref<112xi32, #tpu.memory_space<vmem>>) target_semaphore(%arg30 : memref<!tpu.dma_semaphore, #tpu.memory_space<semaphore_mem>>)
        } else {
        }
        %dma_wait3A_57 = arith.constant 0 : i32
        %dma_wait3A_58 = arith.constant 0 : i32
        %dma_wait3A_59 = tpu.memref_slice %arg25[%dma_wait3A_57, %dma_wait3A_58] : memref<10240x128xf32, #tpu.memory_space<vmem_shared>> -> memref<10240x128xf32, #tpu.memory_space<vmem_shared>>
        tpu.wait_indirect_dma semaphore(%arg29 : memref<!tpu.dma_semaphore, #tpu.memory_space<semaphore_mem>>) src(%arg22 : memref<112x128xf32, #tpu.memory_space<vmem>>) dst(%dma_wait3A_59 : memref<10240x128xf32, #tpu.memory_space<vmem_shared>>)
        %add3A_60 = arith.constant 3 : i32
        %add3A_61 = arith.addi %add3A_45, %add3A_60 : i32
        %lt3A_62 = arith.constant 180 : i32
        %lt3A_63 = arith.cmpi slt, %add3A_61, %lt3A_62 : i32
        %convert_element_type3A_64 = arith.extui %lt3A_63 : i1 to i32
        %cond3A_65 = arith.constant 0 : i32
        %cond3A_66 = arith.cmpi ne, %convert_element_type3A_64, %cond3A_65 : i32
        scf.if %cond3A_66 {
          %dma_wait3A_202 = arith.constant 0 : i32
          %dma_wait3A_203 = tpu.memref_slice %arg5[%mul3A_11, %dma_wait3A_202] : memref<2880x112xi32, #tpu.memory_space<hbm>> -> memref<1x112xi32, #tpu.memory_space<hbm>>
          %dma_wait3A_204 = tpu.memref_squeeze %dma_wait3A_203 : memref<1x112xi32, #tpu.memory_space<hbm>> -> memref<112xi32, #tpu.memory_space<hbm>>
          %dma_wait3A_205 = arith.constant 0 : i32
          %dma_wait3A_206 = tpu.memref_slice %arg5[%mul3A_11, %dma_wait3A_205] : memref<2880x112xi32, #tpu.memory_space<hbm>> -> memref<1x112xi32, #tpu.memory_space<hbm>>
          %dma_wait3A_207 = tpu.memref_squeeze %dma_wait3A_206 : memref<1x112xi32, #tpu.memory_space<hbm>> -> memref<112xi32, #tpu.memory_space<hbm>>
          tpu.wait_dma2 semaphore(%arg30 : memref<!tpu.dma_semaphore, #tpu.memory_space<semaphore_mem>>) src(%dma_wait3A_207 : memref<112xi32, #tpu.memory_space<hbm>>) dst(%arg13 : memref<112xi32, #tpu.memory_space<vmem>>)
          %dma_wait3A_208 = arith.constant 0 : i32
          %dma_wait3A_209 = tpu.memref_slice %arg6[%mul3A_11, %dma_wait3A_208] : memref<2880x112xi32, #tpu.memory_space<hbm>> -> memref<1x112xi32, #tpu.memory_space<hbm>>
          %dma_wait3A_210 = tpu.memref_squeeze %dma_wait3A_209 : memref<1x112xi32, #tpu.memory_space<hbm>> -> memref<112xi32, #tpu.memory_space<hbm>>
          %dma_wait3A_211 = arith.constant 0 : i32
          %dma_wait3A_212 = tpu.memref_slice %arg6[%mul3A_11, %dma_wait3A_211] : memref<2880x112xi32, #tpu.memory_space<hbm>> -> memref<1x112xi32, #tpu.memory_space<hbm>>
          %dma_wait3A_213 = tpu.memref_squeeze %dma_wait3A_212 : memref<1x112xi32, #tpu.memory_space<hbm>> -> memref<112xi32, #tpu.memory_space<hbm>>
          tpu.wait_dma2 semaphore(%arg30 : memref<!tpu.dma_semaphore, #tpu.memory_space<semaphore_mem>>) src(%dma_wait3A_213 : memref<112xi32, #tpu.memory_space<hbm>>) dst(%arg19 : memref<112xi32, #tpu.memory_space<vmem>>)
          %dma_start3A_214 = arith.constant 0 : i32
          %dma_start3A_215 = arith.constant 0 : i32
          %dma_start3A_216 = tpu.memref_slice %arg7[%dma_start3A_214, %dma_start3A_215] : memref<10240x128xf32, #tpu.memory_space<hbm>> -> memref<10240x128xf32, #tpu.memory_space<hbm>>
          tpu.enqueue_indirect_dma source(%dma_start3A_216 : memref<10240x128xf32, #tpu.memory_space<hbm>>) target(%arg22 : memref<112x128xf32, #tpu.memory_space<vmem>>) offsets(%arg13 : memref<112xi32, #tpu.memory_space<vmem>>) semaphore(%arg26 : memref<!tpu.dma_semaphore, #tpu.memory_space<semaphore_mem>>)
        } else {
        }
        %mul3A_67 = arith.constant 6 : i32
        %mul3A_68 = arith.muli %mul3A_67, %scan3A_41 : i32
        %add3A_69 = arith.constant 1 : i32
        %add3A_70 = arith.addi %mul3A_68, %add3A_69 : i32
        %dma_wait3A_71 = arith.constant 0 : i32
        %dma_wait3A_72 = arith.constant 0 : i32
        %dma_wait3A_73 = tpu.memref_slice %arg7[%dma_wait3A_71, %dma_wait3A_72] : memref<10240x128xf32, #tpu.memory_space<hbm>> -> memref<10240x128xf32, #tpu.memory_space<hbm>>
        tpu.wait_indirect_dma semaphore(%arg27 : memref<!tpu.dma_semaphore, #tpu.memory_space<semaphore_mem>>) src(%dma_wait3A_73 : memref<10240x128xf32, #tpu.memory_space<hbm>>) dst(%arg23 : memref<112x128xf32, #tpu.memory_space<vmem>>)
        %dma_start3A_74 = arith.constant 0 : i32
        %dma_start3A_75 = arith.constant 0 : i32
        %dma_start3A_76 = tpu.memref_slice %arg25[%dma_start3A_74, %dma_start3A_75] : memref<10240x128xf32, #tpu.memory_space<vmem_shared>> -> memref<10240x128xf32, #tpu.memory_space<vmem_shared>>
        tpu.enqueue_indirect_dma source(%arg23 : memref<112x128xf32, #tpu.memory_space<vmem>>) target(%dma_start3A_76 : memref<10240x128xf32, #tpu.memory_space<vmem_shared>>) offsets(%arg17 : memref<112xi32, #tpu.memory_space<vmem>>) semaphore(%arg29 : memref<!tpu.dma_semaphore, #tpu.memory_space<semaphore_mem>>) {add = true}
        %add3A_77 = arith.constant 3 : i32
        %add3A_78 = arith.addi %add3A_70, %add3A_77 : i32
        %lt3A_79 = arith.constant 180 : i32
        %lt3A_80 = arith.cmpi slt, %add3A_78, %lt3A_79 : i32
        %convert_element_type3A_81 = arith.extui %lt3A_80 : i1 to i32
        %cond3A_82 = arith.constant 0 : i32
        %cond3A_83 = arith.cmpi ne, %convert_element_type3A_81, %cond3A_82 : i32
        scf.if %cond3A_83 {
          %add3A_202 = arith.addi %mul3A_11, %add3A_70 : i32
          %add3A_203 = arith.constant 3 : i32
          %add3A_204 = arith.addi %add3A_202, %add3A_203 : i32
          %dma_start3A_205 = arith.constant 0 : i32
          %dma_start3A_206 = tpu.memref_slice %arg5[%add3A_204, %dma_start3A_205] : memref<2880x112xi32, #tpu.memory_space<hbm>> -> memref<1x112xi32, #tpu.memory_space<hbm>>
          %dma_start3A_207 = tpu.memref_squeeze %dma_start3A_206 : memref<1x112xi32, #tpu.memory_space<hbm>> -> memref<112xi32, #tpu.memory_space<hbm>>
          %dma_start3A_208 = arith.constant 0 : i32
          %dma_start3A_209 = tpu.memref_slice %arg5[%add3A_204, %dma_start3A_208] : memref<2880x112xi32, #tpu.memory_space<hbm>> -> memref<1x112xi32, #tpu.memory_space<hbm>>
          %dma_start3A_210 = tpu.memref_squeeze %dma_start3A_209 : memref<1x112xi32, #tpu.memory_space<hbm>> -> memref<112xi32, #tpu.memory_space<hbm>>
          tpu.enqueue_dma source(%dma_start3A_210 : memref<112xi32, #tpu.memory_space<hbm>>) target(%arg14 : memref<112xi32, #tpu.memory_space<vmem>>) target_semaphore(%arg30 : memref<!tpu.dma_semaphore, #tpu.memory_space<semaphore_mem>>)
          %add3A_211 = arith.addi %mul3A_11, %add3A_70 : i32
          %add3A_212 = arith.constant 3 : i32
          %add3A_213 = arith.addi %add3A_211, %add3A_212 : i32
          %dma_start3A_214 = arith.constant 0 : i32
          %dma_start3A_215 = tpu.memref_slice %arg6[%add3A_213, %dma_start3A_214] : memref<2880x112xi32, #tpu.memory_space<hbm>> -> memref<1x112xi32, #tpu.memory_space<hbm>>
          %dma_start3A_216 = tpu.memref_squeeze %dma_start3A_215 : memref<1x112xi32, #tpu.memory_space<hbm>> -> memref<112xi32, #tpu.memory_space<hbm>>
          %dma_start3A_217 = arith.constant 0 : i32
          %dma_start3A_218 = tpu.memref_slice %arg6[%add3A_213, %dma_start3A_217] : memref<2880x112xi32, #tpu.memory_space<hbm>> -> memref<1x112xi32, #tpu.memory_space<hbm>>
          %dma_start3A_219 = tpu.memref_squeeze %dma_start3A_218 : memref<1x112xi32, #tpu.memory_space<hbm>> -> memref<112xi32, #tpu.memory_space<hbm>>
          tpu.enqueue_dma source(%dma_start3A_219 : memref<112xi32, #tpu.memory_space<hbm>>) target(%arg20 : memref<112xi32, #tpu.memory_space<vmem>>) target_semaphore(%arg30 : memref<!tpu.dma_semaphore, #tpu.memory_space<semaphore_mem>>)
        } else {
        }
        %dma_wait3A_84 = arith.constant 0 : i32
        %dma_wait3A_85 = arith.constant 0 : i32
        %dma_wait3A_86 = tpu.memref_slice %arg25[%dma_wait3A_84, %dma_wait3A_85] : memref<10240x128xf32, #tpu.memory_space<vmem_shared>> -> memref<10240x128xf32, #tpu.memory_space<vmem_shared>>
        tpu.wait_indirect_dma semaphore(%arg29 : memref<!tpu.dma_semaphore, #tpu.memory_space<semaphore_mem>>) src(%arg23 : memref<112x128xf32, #tpu.memory_space<vmem>>) dst(%dma_wait3A_86 : memref<10240x128xf32, #tpu.memory_space<vmem_shared>>)
        %add3A_87 = arith.constant 3 : i32
        %add3A_88 = arith.addi %add3A_70, %add3A_87 : i32
        %lt3A_89 = arith.constant 180 : i32
        %lt3A_90 = arith.cmpi slt, %add3A_88, %lt3A_89 : i32
        %convert_element_type3A_91 = arith.extui %lt3A_90 : i1 to i32
        %cond3A_92 = arith.constant 0 : i32
        %cond3A_93 = arith.cmpi ne, %convert_element_type3A_91, %cond3A_92 : i32
        scf.if %cond3A_93 {
          %dma_wait3A_202 = arith.constant 0 : i32
          %dma_wait3A_203 = tpu.memref_slice %arg5[%mul3A_11, %dma_wait3A_202] : memref<2880x112xi32, #tpu.memory_space<hbm>> -> memref<1x112xi32, #tpu.memory_space<hbm>>
          %dma_wait3A_204 = tpu.memref_squeeze %dma_wait3A_203 : memref<1x112xi32, #tpu.memory_space<hbm>> -> memref<112xi32, #tpu.memory_space<hbm>>
          %dma_wait3A_205 = arith.constant 0 : i32
          %dma_wait3A_206 = tpu.memref_slice %arg5[%mul3A_11, %dma_wait3A_205] : memref<2880x112xi32, #tpu.memory_space<hbm>> -> memref<1x112xi32, #tpu.memory_space<hbm>>
          %dma_wait3A_207 = tpu.memref_squeeze %dma_wait3A_206 : memref<1x112xi32, #tpu.memory_space<hbm>> -> memref<112xi32, #tpu.memory_space<hbm>>
          tpu.wait_dma2 semaphore(%arg30 : memref<!tpu.dma_semaphore, #tpu.memory_space<semaphore_mem>>) src(%dma_wait3A_207 : memref<112xi32, #tpu.memory_space<hbm>>) dst(%arg14 : memref<112xi32, #tpu.memory_space<vmem>>)
          %dma_wait3A_208 = arith.constant 0 : i32
          %dma_wait3A_209 = tpu.memref_slice %arg6[%mul3A_11, %dma_wait3A_208] : memref<2880x112xi32, #tpu.memory_space<hbm>> -> memref<1x112xi32, #tpu.memory_space<hbm>>
          %dma_wait3A_210 = tpu.memref_squeeze %dma_wait3A_209 : memref<1x112xi32, #tpu.memory_space<hbm>> -> memref<112xi32, #tpu.memory_space<hbm>>
          %dma_wait3A_211 = arith.constant 0 : i32
          %dma_wait3A_212 = tpu.memref_slice %arg6[%mul3A_11, %dma_wait3A_211] : memref<2880x112xi32, #tpu.memory_space<hbm>> -> memref<1x112xi32, #tpu.memory_space<hbm>>
          %dma_wait3A_213 = tpu.memref_squeeze %dma_wait3A_212 : memref<1x112xi32, #tpu.memory_space<hbm>> -> memref<112xi32, #tpu.memory_space<hbm>>
          tpu.wait_dma2 semaphore(%arg30 : memref<!tpu.dma_semaphore, #tpu.memory_space<semaphore_mem>>) src(%dma_wait3A_213 : memref<112xi32, #tpu.memory_space<hbm>>) dst(%arg20 : memref<112xi32, #tpu.memory_space<vmem>>)
          %dma_start3A_214 = arith.constant 0 : i32
          %dma_start3A_215 = arith.constant 0 : i32
          %dma_start3A_216 = tpu.memref_slice %arg7[%dma_start3A_214, %dma_start3A_215] : memref<10240x128xf32, #tpu.memory_space<hbm>> -> memref<10240x128xf32, #tpu.memory_space<hbm>>
          tpu.enqueue_indirect_dma source(%dma_start3A_216 : memref<10240x128xf32, #tpu.memory_space<hbm>>) target(%arg23 : memref<112x128xf32, #tpu.memory_space<vmem>>) offsets(%arg14 : memref<112xi32, #tpu.memory_space<vmem>>) semaphore(%arg27 : memref<!tpu.dma_semaphore, #tpu.memory_space<semaphore_mem>>)
        } else {
        }
        %mul3A_94 = arith.constant 6 : i32
        %mul3A_95 = arith.muli %mul3A_94, %scan3A_41 : i32
        %add3A_96 = arith.constant 2 : i32
        %add3A_97 = arith.addi %mul3A_95, %add3A_96 : i32
        %dma_wait3A_98 = arith.constant 0 : i32
        %dma_wait3A_99 = arith.constant 0 : i32
        %dma_wait3A_100 = tpu.memref_slice %arg7[%dma_wait3A_98, %dma_wait3A_99] : memref<10240x128xf32, #tpu.memory_space<hbm>> -> memref<10240x128xf32, #tpu.memory_space<hbm>>
        tpu.wait_indirect_dma semaphore(%arg28 : memref<!tpu.dma_semaphore, #tpu.memory_space<semaphore_mem>>) src(%dma_wait3A_100 : memref<10240x128xf32, #tpu.memory_space<hbm>>) dst(%arg24 : memref<112x128xf32, #tpu.memory_space<vmem>>)
        %dma_start3A_101 = arith.constant 0 : i32
        %dma_start3A_102 = arith.constant 0 : i32
        %dma_start3A_103 = tpu.memref_slice %arg25[%dma_start3A_101, %dma_start3A_102] : memref<10240x128xf32, #tpu.memory_space<vmem_shared>> -> memref<10240x128xf32, #tpu.memory_space<vmem_shared>>
        tpu.enqueue_indirect_dma source(%arg24 : memref<112x128xf32, #tpu.memory_space<vmem>>) target(%dma_start3A_103 : memref<10240x128xf32, #tpu.memory_space<vmem_shared>>) offsets(%arg18 : memref<112xi32, #tpu.memory_space<vmem>>) semaphore(%arg29 : memref<!tpu.dma_semaphore, #tpu.memory_space<semaphore_mem>>) {add = true}
        %add3A_104 = arith.constant 3 : i32
        %add3A_105 = arith.addi %add3A_97, %add3A_104 : i32
        %lt3A_106 = arith.constant 180 : i32
        %lt3A_107 = arith.cmpi slt, %add3A_105, %lt3A_106 : i32
        %convert_element_type3A_108 = arith.extui %lt3A_107 : i1 to i32
        %cond3A_109 = arith.constant 0 : i32
        %cond3A_110 = arith.cmpi ne, %convert_element_type3A_108, %cond3A_109 : i32
        scf.if %cond3A_110 {
          %add3A_202 = arith.addi %mul3A_11, %add3A_97 : i32
          %add3A_203 = arith.constant 3 : i32
          %add3A_204 = arith.addi %add3A_202, %add3A_203 : i32
          %dma_start3A_205 = arith.constant 0 : i32
          %dma_start3A_206 = tpu.memref_slice %arg5[%add3A_204, %dma_start3A_205] : memref<2880x112xi32, #tpu.memory_space<hbm>> -> memref<1x112xi32, #tpu.memory_space<hbm>>
          %dma_start3A_207 = tpu.memref_squeeze %dma_start3A_206 : memref<1x112xi32, #tpu.memory_space<hbm>> -> memref<112xi32, #tpu.memory_space<hbm>>
          %dma_start3A_208 = arith.constant 0 : i32
          %dma_start3A_209 = tpu.memref_slice %arg5[%add3A_204, %dma_start3A_208] : memref<2880x112xi32, #tpu.memory_space<hbm>> -> memref<1x112xi32, #tpu.memory_space<hbm>>
          %dma_start3A_210 = tpu.memref_squeeze %dma_start3A_209 : memref<1x112xi32, #tpu.memory_space<hbm>> -> memref<112xi32, #tpu.memory_space<hbm>>
          tpu.enqueue_dma source(%dma_start3A_210 : memref<112xi32, #tpu.memory_space<hbm>>) target(%arg15 : memref<112xi32, #tpu.memory_space<vmem>>) target_semaphore(%arg30 : memref<!tpu.dma_semaphore, #tpu.memory_space<semaphore_mem>>)
          %add3A_211 = arith.addi %mul3A_11, %add3A_97 : i32
          %add3A_212 = arith.constant 3 : i32
          %add3A_213 = arith.addi %add3A_211, %add3A_212 : i32
          %dma_start3A_214 = arith.constant 0 : i32
          %dma_start3A_215 = tpu.memref_slice %arg6[%add3A_213, %dma_start3A_214] : memref<2880x112xi32, #tpu.memory_space<hbm>> -> memref<1x112xi32, #tpu.memory_space<hbm>>
          %dma_start3A_216 = tpu.memref_squeeze %dma_start3A_215 : memref<1x112xi32, #tpu.memory_space<hbm>> -> memref<112xi32, #tpu.memory_space<hbm>>
          %dma_start3A_217 = arith.constant 0 : i32
          %dma_start3A_218 = tpu.memref_slice %arg6[%add3A_213, %dma_start3A_217] : memref<2880x112xi32, #tpu.memory_space<hbm>> -> memref<1x112xi32, #tpu.memory_space<hbm>>
          %dma_start3A_219 = tpu.memref_squeeze %dma_start3A_218 : memref<1x112xi32, #tpu.memory_space<hbm>> -> memref<112xi32, #tpu.memory_space<hbm>>
          tpu.enqueue_dma source(%dma_start3A_219 : memref<112xi32, #tpu.memory_space<hbm>>) target(%arg21 : memref<112xi32, #tpu.memory_space<vmem>>) target_semaphore(%arg30 : memref<!tpu.dma_semaphore, #tpu.memory_space<semaphore_mem>>)
        } else {
        }
        %dma_wait3A_111 = arith.constant 0 : i32
        %dma_wait3A_112 = arith.constant 0 : i32
        %dma_wait3A_113 = tpu.memref_slice %arg25[%dma_wait3A_111, %dma_wait3A_112] : memref<10240x128xf32, #tpu.memory_space<vmem_shared>> -> memref<10240x128xf32, #tpu.memory_space<vmem_shared>>
        tpu.wait_indirect_dma semaphore(%arg29 : memref<!tpu.dma_semaphore, #tpu.memory_space<semaphore_mem>>) src(%arg24 : memref<112x128xf32, #tpu.memory_space<vmem>>) dst(%dma_wait3A_113 : memref<10240x128xf32, #tpu.memory_space<vmem_shared>>)
        %add3A_114 = arith.constant 3 : i32
        %add3A_115 = arith.addi %add3A_97, %add3A_114 : i32
        %lt3A_116 = arith.constant 180 : i32
        %lt3A_117 = arith.cmpi slt, %add3A_115, %lt3A_116 : i32
        %convert_element_type3A_118 = arith.extui %lt3A_117 : i1 to i32
        %cond3A_119 = arith.constant 0 : i32
        %cond3A_120 = arith.cmpi ne, %convert_element_type3A_118, %cond3A_119 : i32
        scf.if %cond3A_120 {
          %dma_wait3A_202 = arith.constant 0 : i32
          %dma_wait3A_203 = tpu.memref_slice %arg5[%mul3A_11, %dma_wait3A_202] : memref<2880x112xi32, #tpu.memory_space<hbm>> -> memref<1x112xi32, #tpu.memory_space<hbm>>
          %dma_wait3A_204 = tpu.memref_squeeze %dma_wait3A_203 : memref<1x112xi32, #tpu.memory_space<hbm>> -> memref<112xi32, #tpu.memory_space<hbm>>
          %dma_wait3A_205 = arith.constant 0 : i32
          %dma_wait3A_206 = tpu.memref_slice %arg5[%mul3A_11, %dma_wait3A_205] : memref<2880x112xi32, #tpu.memory_space<hbm>> -> memref<1x112xi32, #tpu.memory_space<hbm>>
          %dma_wait3A_207 = tpu.memref_squeeze %dma_wait3A_206 : memref<1x112xi32, #tpu.memory_space<hbm>> -> memref<112xi32, #tpu.memory_space<hbm>>
          tpu.wait_dma2 semaphore(%arg30 : memref<!tpu.dma_semaphore, #tpu.memory_space<semaphore_mem>>) src(%dma_wait3A_207 : memref<112xi32, #tpu.memory_space<hbm>>) dst(%arg15 : memref<112xi32, #tpu.memory_space<vmem>>)
          %dma_wait3A_208 = arith.constant 0 : i32
          %dma_wait3A_209 = tpu.memref_slice %arg6[%mul3A_11, %dma_wait3A_208] : memref<2880x112xi32, #tpu.memory_space<hbm>> -> memref<1x112xi32, #tpu.memory_space<hbm>>
          %dma_wait3A_210 = tpu.memref_squeeze %dma_wait3A_209 : memref<1x112xi32, #tpu.memory_space<hbm>> -> memref<112xi32, #tpu.memory_space<hbm>>
          %dma_wait3A_211 = arith.constant 0 : i32
          %dma_wait3A_212 = tpu.memref_slice %arg6[%mul3A_11, %dma_wait3A_211] : memref<2880x112xi32, #tpu.memory_space<hbm>> -> memref<1x112xi32, #tpu.memory_space<hbm>>
          %dma_wait3A_213 = tpu.memref_squeeze %dma_wait3A_212 : memref<1x112xi32, #tpu.memory_space<hbm>> -> memref<112xi32, #tpu.memory_space<hbm>>
          tpu.wait_dma2 semaphore(%arg30 : memref<!tpu.dma_semaphore, #tpu.memory_space<semaphore_mem>>) src(%dma_wait3A_213 : memref<112xi32, #tpu.memory_space<hbm>>) dst(%arg21 : memref<112xi32, #tpu.memory_space<vmem>>)
          %dma_start3A_214 = arith.constant 0 : i32
          %dma_start3A_215 = arith.constant 0 : i32
          %dma_start3A_216 = tpu.memref_slice %arg7[%dma_start3A_214, %dma_start3A_215] : memref<10240x128xf32, #tpu.memory_space<hbm>> -> memref<10240x128xf32, #tpu.memory_space<hbm>>
          tpu.enqueue_indirect_dma source(%dma_start3A_216 : memref<10240x128xf32, #tpu.memory_space<hbm>>) target(%arg24 : memref<112x128xf32, #tpu.memory_space<vmem>>) offsets(%arg15 : memref<112xi32, #tpu.memory_space<vmem>>) semaphore(%arg28 : memref<!tpu.dma_semaphore, #tpu.memory_space<semaphore_mem>>)
        } else {
        }
        %mul3A_121 = arith.constant 6 : i32
        %mul3A_122 = arith.muli %mul3A_121, %scan3A_41 : i32
        %add3A_123 = arith.constant 3 : i32
        %add3A_124 = arith.addi %mul3A_122, %add3A_123 : i32
        %dma_wait3A_125 = arith.constant 0 : i32
        %dma_wait3A_126 = arith.constant 0 : i32
        %dma_wait3A_127 = tpu.memref_slice %arg7[%dma_wait3A_125, %dma_wait3A_126] : memref<10240x128xf32, #tpu.memory_space<hbm>> -> memref<10240x128xf32, #tpu.memory_space<hbm>>
        tpu.wait_indirect_dma semaphore(%arg26 : memref<!tpu.dma_semaphore, #tpu.memory_space<semaphore_mem>>) src(%dma_wait3A_127 : memref<10240x128xf32, #tpu.memory_space<hbm>>) dst(%arg22 : memref<112x128xf32, #tpu.memory_space<vmem>>)
        %dma_start3A_128 = arith.constant 0 : i32
        %dma_start3A_129 = arith.constant 0 : i32
        %dma_start3A_130 = tpu.memref_slice %arg25[%dma_start3A_128, %dma_start3A_129] : memref<10240x128xf32, #tpu.memory_space<vmem_shared>> -> memref<10240x128xf32, #tpu.memory_space<vmem_shared>>
        tpu.enqueue_indirect_dma source(%arg22 : memref<112x128xf32, #tpu.memory_space<vmem>>) target(%dma_start3A_130 : memref<10240x128xf32, #tpu.memory_space<vmem_shared>>) offsets(%arg19 : memref<112xi32, #tpu.memory_space<vmem>>) semaphore(%arg29 : memref<!tpu.dma_semaphore, #tpu.memory_space<semaphore_mem>>) {add = true}
        %add3A_131 = arith.constant 3 : i32
        %add3A_132 = arith.addi %add3A_124, %add3A_131 : i32
        %lt3A_133 = arith.constant 180 : i32
        %lt3A_134 = arith.cmpi slt, %add3A_132, %lt3A_133 : i32
        %convert_element_type3A_135 = arith.extui %lt3A_134 : i1 to i32
        %cond3A_136 = arith.constant 0 : i32
        %cond3A_137 = arith.cmpi ne, %convert_element_type3A_135, %cond3A_136 : i32
        scf.if %cond3A_137 {
          %add3A_202 = arith.addi %mul3A_11, %add3A_124 : i32
          %add3A_203 = arith.constant 3 : i32
          %add3A_204 = arith.addi %add3A_202, %add3A_203 : i32
          %dma_start3A_205 = arith.constant 0 : i32
          %dma_start3A_206 = tpu.memref_slice %arg5[%add3A_204, %dma_start3A_205] : memref<2880x112xi32, #tpu.memory_space<hbm>> -> memref<1x112xi32, #tpu.memory_space<hbm>>
          %dma_start3A_207 = tpu.memref_squeeze %dma_start3A_206 : memref<1x112xi32, #tpu.memory_space<hbm>> -> memref<112xi32, #tpu.memory_space<hbm>>
          %dma_start3A_208 = arith.constant 0 : i32
          %dma_start3A_209 = tpu.memref_slice %arg5[%add3A_204, %dma_start3A_208] : memref<2880x112xi32, #tpu.memory_space<hbm>> -> memref<1x112xi32, #tpu.memory_space<hbm>>
          %dma_start3A_210 = tpu.memref_squeeze %dma_start3A_209 : memref<1x112xi32, #tpu.memory_space<hbm>> -> memref<112xi32, #tpu.memory_space<hbm>>
          tpu.enqueue_dma source(%dma_start3A_210 : memref<112xi32, #tpu.memory_space<hbm>>) target(%arg10 : memref<112xi32, #tpu.memory_space<vmem>>) target_semaphore(%arg30 : memref<!tpu.dma_semaphore, #tpu.memory_space<semaphore_mem>>)
          %add3A_211 = arith.addi %mul3A_11, %add3A_124 : i32
          %add3A_212 = arith.constant 3 : i32
          %add3A_213 = arith.addi %add3A_211, %add3A_212 : i32
          %dma_start3A_214 = arith.constant 0 : i32
          %dma_start3A_215 = tpu.memref_slice %arg6[%add3A_213, %dma_start3A_214] : memref<2880x112xi32, #tpu.memory_space<hbm>> -> memref<1x112xi32, #tpu.memory_space<hbm>>
          %dma_start3A_216 = tpu.memref_squeeze %dma_start3A_215 : memref<1x112xi32, #tpu.memory_space<hbm>> -> memref<112xi32, #tpu.memory_space<hbm>>
          %dma_start3A_217 = arith.constant 0 : i32
          %dma_start3A_218 = tpu.memref_slice %arg6[%add3A_213, %dma_start3A_217] : memref<2880x112xi32, #tpu.memory_space<hbm>> -> memref<1x112xi32, #tpu.memory_space<hbm>>
          %dma_start3A_219 = tpu.memref_squeeze %dma_start3A_218 : memref<1x112xi32, #tpu.memory_space<hbm>> -> memref<112xi32, #tpu.memory_space<hbm>>
          tpu.enqueue_dma source(%dma_start3A_219 : memref<112xi32, #tpu.memory_space<hbm>>) target(%arg16 : memref<112xi32, #tpu.memory_space<vmem>>) target_semaphore(%arg30 : memref<!tpu.dma_semaphore, #tpu.memory_space<semaphore_mem>>)
        } else {
        }
        %dma_wait3A_138 = arith.constant 0 : i32
        %dma_wait3A_139 = arith.constant 0 : i32
        %dma_wait3A_140 = tpu.memref_slice %arg25[%dma_wait3A_138, %dma_wait3A_139] : memref<10240x128xf32, #tpu.memory_space<vmem_shared>> -> memref<10240x128xf32, #tpu.memory_space<vmem_shared>>
        tpu.wait_indirect_dma semaphore(%arg29 : memref<!tpu.dma_semaphore, #tpu.memory_space<semaphore_mem>>) src(%arg22 : memref<112x128xf32, #tpu.memory_space<vmem>>) dst(%dma_wait3A_140 : memref<10240x128xf32, #tpu.memory_space<vmem_shared>>)
        %add3A_141 = arith.constant 3 : i32
        %add3A_142 = arith.addi %add3A_124, %add3A_141 : i32
        %lt3A_143 = arith.constant 180 : i32
        %lt3A_144 = arith.cmpi slt, %add3A_142, %lt3A_143 : i32
        %convert_element_type3A_145 = arith.extui %lt3A_144 : i1 to i32
        %cond3A_146 = arith.constant 0 : i32
        %cond3A_147 = arith.cmpi ne, %convert_element_type3A_145, %cond3A_146 : i32
        scf.if %cond3A_147 {
          %dma_wait3A_202 = arith.constant 0 : i32
          %dma_wait3A_203 = tpu.memref_slice %arg5[%mul3A_11, %dma_wait3A_202] : memref<2880x112xi32, #tpu.memory_space<hbm>> -> memref<1x112xi32, #tpu.memory_space<hbm>>
          %dma_wait3A_204 = tpu.memref_squeeze %dma_wait3A_203 : memref<1x112xi32, #tpu.memory_space<hbm>> -> memref<112xi32, #tpu.memory_space<hbm>>
          %dma_wait3A_205 = arith.constant 0 : i32
          %dma_wait3A_206 = tpu.memref_slice %arg5[%mul3A_11, %dma_wait3A_205] : memref<2880x112xi32, #tpu.memory_space<hbm>> -> memref<1x112xi32, #tpu.memory_space<hbm>>
          %dma_wait3A_207 = tpu.memref_squeeze %dma_wait3A_206 : memref<1x112xi32, #tpu.memory_space<hbm>> -> memref<112xi32, #tpu.memory_space<hbm>>
          tpu.wait_dma2 semaphore(%arg30 : memref<!tpu.dma_semaphore, #tpu.memory_space<semaphore_mem>>) src(%dma_wait3A_207 : memref<112xi32, #tpu.memory_space<hbm>>) dst(%arg10 : memref<112xi32, #tpu.memory_space<vmem>>)
          %dma_wait3A_208 = arith.constant 0 : i32
          %dma_wait3A_209 = tpu.memref_slice %arg6[%mul3A_11, %dma_wait3A_208] : memref<2880x112xi32, #tpu.memory_space<hbm>> -> memref<1x112xi32, #tpu.memory_space<hbm>>
          %dma_wait3A_210 = tpu.memref_squeeze %dma_wait3A_209 : memref<1x112xi32, #tpu.memory_space<hbm>> -> memref<112xi32, #tpu.memory_space<hbm>>
          %dma_wait3A_211 = arith.constant 0 : i32
          %dma_wait3A_212 = tpu.memref_slice %arg6[%mul3A_11, %dma_wait3A_211] : memref<2880x112xi32, #tpu.memory_space<hbm>> -> memref<1x112xi32, #tpu.memory_space<hbm>>
          %dma_wait3A_213 = tpu.memref_squeeze %dma_wait3A_212 : memref<1x112xi32, #tpu.memory_space<hbm>> -> memref<112xi32, #tpu.memory_space<hbm>>
          tpu.wait_dma2 semaphore(%arg30 : memref<!tpu.dma_semaphore, #tpu.memory_space<semaphore_mem>>) src(%dma_wait3A_213 : memref<112xi32, #tpu.memory_space<hbm>>) dst(%arg16 : memref<112xi32, #tpu.memory_space<vmem>>)
          %dma_start3A_214 = arith.constant 0 : i32
          %dma_start3A_215 = arith.constant 0 : i32
          %dma_start3A_216 = tpu.memref_slice %arg7[%dma_start3A_214, %dma_start3A_215] : memref<10240x128xf32, #tpu.memory_space<hbm>> -> memref<10240x128xf32, #tpu.memory_space<hbm>>
          tpu.enqueue_indirect_dma source(%dma_start3A_216 : memref<10240x128xf32, #tpu.memory_space<hbm>>) target(%arg22 : memref<112x128xf32, #tpu.memory_space<vmem>>) offsets(%arg10 : memref<112xi32, #tpu.memory_space<vmem>>) semaphore(%arg26 : memref<!tpu.dma_semaphore, #tpu.memory_space<semaphore_mem>>)
        } else {
        }
        %mul3A_148 = arith.constant 6 : i32
        %mul3A_149 = arith.muli %mul3A_148, %scan3A_41 : i32
        %add3A_150 = arith.constant 4 : i32
        %add3A_151 = arith.addi %mul3A_149, %add3A_150 : i32
        %dma_wait3A_152 = arith.constant 0 : i32
        %dma_wait3A_153 = arith.constant 0 : i32
        %dma_wait3A_154 = tpu.memref_slice %arg7[%dma_wait3A_152, %dma_wait3A_153] : memref<10240x128xf32, #tpu.memory_space<hbm>> -> memref<10240x128xf32, #tpu.memory_space<hbm>>
        tpu.wait_indirect_dma semaphore(%arg27 : memref<!tpu.dma_semaphore, #tpu.memory_space<semaphore_mem>>) src(%dma_wait3A_154 : memref<10240x128xf32, #tpu.memory_space<hbm>>) dst(%arg23 : memref<112x128xf32, #tpu.memory_space<vmem>>)
        %dma_start3A_155 = arith.constant 0 : i32
        %dma_start3A_156 = arith.constant 0 : i32
        %dma_start3A_157 = tpu.memref_slice %arg25[%dma_start3A_155, %dma_start3A_156] : memref<10240x128xf32, #tpu.memory_space<vmem_shared>> -> memref<10240x128xf32, #tpu.memory_space<vmem_shared>>
        tpu.enqueue_indirect_dma source(%arg23 : memref<112x128xf32, #tpu.memory_space<vmem>>) target(%dma_start3A_157 : memref<10240x128xf32, #tpu.memory_space<vmem_shared>>) offsets(%arg20 : memref<112xi32, #tpu.memory_space<vmem>>) semaphore(%arg29 : memref<!tpu.dma_semaphore, #tpu.memory_space<semaphore_mem>>) {add = true}
        %add3A_158 = arith.constant 3 : i32
        %add3A_159 = arith.addi %add3A_151, %add3A_158 : i32
        %lt3A_160 = arith.constant 180 : i32
        %lt3A_161 = arith.cmpi slt, %add3A_159, %lt3A_160 : i32
        %convert_element_type3A_162 = arith.extui %lt3A_161 : i1 to i32
        %cond3A_163 = arith.constant 0 : i32
        %cond3A_164 = arith.cmpi ne, %convert_element_type3A_162, %cond3A_163 : i32
        scf.if %cond3A_164 {
          %add3A_202 = arith.addi %mul3A_11, %add3A_151 : i32
          %add3A_203 = arith.constant 3 : i32
          %add3A_204 = arith.addi %add3A_202, %add3A_203 : i32
          %dma_start3A_205 = arith.constant 0 : i32
          %dma_start3A_206 = tpu.memref_slice %arg5[%add3A_204, %dma_start3A_205] : memref<2880x112xi32, #tpu.memory_space<hbm>> -> memref<1x112xi32, #tpu.memory_space<hbm>>
          %dma_start3A_207 = tpu.memref_squeeze %dma_start3A_206 : memref<1x112xi32, #tpu.memory_space<hbm>> -> memref<112xi32, #tpu.memory_space<hbm>>
          %dma_start3A_208 = arith.constant 0 : i32
          %dma_start3A_209 = tpu.memref_slice %arg5[%add3A_204, %dma_start3A_208] : memref<2880x112xi32, #tpu.memory_space<hbm>> -> memref<1x112xi32, #tpu.memory_space<hbm>>
          %dma_start3A_210 = tpu.memref_squeeze %dma_start3A_209 : memref<1x112xi32, #tpu.memory_space<hbm>> -> memref<112xi32, #tpu.memory_space<hbm>>
          tpu.enqueue_dma source(%dma_start3A_210 : memref<112xi32, #tpu.memory_space<hbm>>) target(%arg11 : memref<112xi32, #tpu.memory_space<vmem>>) target_semaphore(%arg30 : memref<!tpu.dma_semaphore, #tpu.memory_space<semaphore_mem>>)
          %add3A_211 = arith.addi %mul3A_11, %add3A_151 : i32
          %add3A_212 = arith.constant 3 : i32
          %add3A_213 = arith.addi %add3A_211, %add3A_212 : i32
          %dma_start3A_214 = arith.constant 0 : i32
          %dma_start3A_215 = tpu.memref_slice %arg6[%add3A_213, %dma_start3A_214] : memref<2880x112xi32, #tpu.memory_space<hbm>> -> memref<1x112xi32, #tpu.memory_space<hbm>>
          %dma_start3A_216 = tpu.memref_squeeze %dma_start3A_215 : memref<1x112xi32, #tpu.memory_space<hbm>> -> memref<112xi32, #tpu.memory_space<hbm>>
          %dma_start3A_217 = arith.constant 0 : i32
          %dma_start3A_218 = tpu.memref_slice %arg6[%add3A_213, %dma_start3A_217] : memref<2880x112xi32, #tpu.memory_space<hbm>> -> memref<1x112xi32, #tpu.memory_space<hbm>>
          %dma_start3A_219 = tpu.memref_squeeze %dma_start3A_218 : memref<1x112xi32, #tpu.memory_space<hbm>> -> memref<112xi32, #tpu.memory_space<hbm>>
          tpu.enqueue_dma source(%dma_start3A_219 : memref<112xi32, #tpu.memory_space<hbm>>) target(%arg17 : memref<112xi32, #tpu.memory_space<vmem>>) target_semaphore(%arg30 : memref<!tpu.dma_semaphore, #tpu.memory_space<semaphore_mem>>)
        } else {
        }
        %dma_wait3A_165 = arith.constant 0 : i32
        %dma_wait3A_166 = arith.constant 0 : i32
        %dma_wait3A_167 = tpu.memref_slice %arg25[%dma_wait3A_165, %dma_wait3A_166] : memref<10240x128xf32, #tpu.memory_space<vmem_shared>> -> memref<10240x128xf32, #tpu.memory_space<vmem_shared>>
        tpu.wait_indirect_dma semaphore(%arg29 : memref<!tpu.dma_semaphore, #tpu.memory_space<semaphore_mem>>) src(%arg23 : memref<112x128xf32, #tpu.memory_space<vmem>>) dst(%dma_wait3A_167 : memref<10240x128xf32, #tpu.memory_space<vmem_shared>>)
        %add3A_168 = arith.constant 3 : i32
        %add3A_169 = arith.addi %add3A_151, %add3A_168 : i32
        %lt3A_170 = arith.constant 180 : i32
        %lt3A_171 = arith.cmpi slt, %add3A_169, %lt3A_170 : i32
        %convert_element_type3A_172 = arith.extui %lt3A_171 : i1 to i32
        %cond3A_173 = arith.constant 0 : i32
        %cond3A_174 = arith.cmpi ne, %convert_element_type3A_172, %cond3A_173 : i32
        scf.if %cond3A_174 {
          %dma_wait3A_202 = arith.constant 0 : i32
          %dma_wait3A_203 = tpu.memref_slice %arg5[%mul3A_11, %dma_wait3A_202] : memref<2880x112xi32, #tpu.memory_space<hbm>> -> memref<1x112xi32, #tpu.memory_space<hbm>>
          %dma_wait3A_204 = tpu.memref_squeeze %dma_wait3A_203 : memref<1x112xi32, #tpu.memory_space<hbm>> -> memref<112xi32, #tpu.memory_space<hbm>>
          %dma_wait3A_205 = arith.constant 0 : i32
          %dma_wait3A_206 = tpu.memref_slice %arg5[%mul3A_11, %dma_wait3A_205] : memref<2880x112xi32, #tpu.memory_space<hbm>> -> memref<1x112xi32, #tpu.memory_space<hbm>>
          %dma_wait3A_207 = tpu.memref_squeeze %dma_wait3A_206 : memref<1x112xi32, #tpu.memory_space<hbm>> -> memref<112xi32, #tpu.memory_space<hbm>>
          tpu.wait_dma2 semaphore(%arg30 : memref<!tpu.dma_semaphore, #tpu.memory_space<semaphore_mem>>) src(%dma_wait3A_207 : memref<112xi32, #tpu.memory_space<hbm>>) dst(%arg11 : memref<112xi32, #tpu.memory_space<vmem>>)
          %dma_wait3A_208 = arith.constant 0 : i32
          %dma_wait3A_209 = tpu.memref_slice %arg6[%mul3A_11, %dma_wait3A_208] : memref<2880x112xi32, #tpu.memory_space<hbm>> -> memref<1x112xi32, #tpu.memory_space<hbm>>
          %dma_wait3A_210 = tpu.memref_squeeze %dma_wait3A_209 : memref<1x112xi32, #tpu.memory_space<hbm>> -> memref<112xi32, #tpu.memory_space<hbm>>
          %dma_wait3A_211 = arith.constant 0 : i32
          %dma_wait3A_212 = tpu.memref_slice %arg6[%mul3A_11, %dma_wait3A_211] : memref<2880x112xi32, #tpu.memory_space<hbm>> -> memref<1x112xi32, #tpu.memory_space<hbm>>
          %dma_wait3A_213 = tpu.memref_squeeze %dma_wait3A_212 : memref<1x112xi32, #tpu.memory_space<hbm>> -> memref<112xi32, #tpu.memory_space<hbm>>
          tpu.wait_dma2 semaphore(%arg30 : memref<!tpu.dma_semaphore, #tpu.memory_space<semaphore_mem>>) src(%dma_wait3A_213 : memref<112xi32, #tpu.memory_space<hbm>>) dst(%arg17 : memref<112xi32, #tpu.memory_space<vmem>>)
          %dma_start3A_214 = arith.constant 0 : i32
          %dma_start3A_215 = arith.constant 0 : i32
          %dma_start3A_216 = tpu.memref_slice %arg7[%dma_start3A_214, %dma_start3A_215] : memref<10240x128xf32, #tpu.memory_space<hbm>> -> memref<10240x128xf32, #tpu.memory_space<hbm>>
          tpu.enqueue_indirect_dma source(%dma_start3A_216 : memref<10240x128xf32, #tpu.memory_space<hbm>>) target(%arg23 : memref<112x128xf32, #tpu.memory_space<vmem>>) offsets(%arg11 : memref<112xi32, #tpu.memory_space<vmem>>) semaphore(%arg27 : memref<!tpu.dma_semaphore, #tpu.memory_space<semaphore_mem>>)
        } else {
        }
        %mul3A_175 = arith.constant 6 : i32
        %mul3A_176 = arith.muli %mul3A_175, %scan3A_41 : i32
        %add3A_177 = arith.constant 5 : i32
        %add3A_178 = arith.addi %mul3A_176, %add3A_177 : i32
        %dma_wait3A_179 = arith.constant 0 : i32
        %dma_wait3A_180 = arith.constant 0 : i32
        %dma_wait3A_181 = tpu.memref_slice %arg7[%dma_wait3A_179, %dma_wait3A_180] : memref<10240x128xf32, #tpu.memory_space<hbm>> -> memref<10240x128xf32, #tpu.memory_space<hbm>>
        tpu.wait_indirect_dma semaphore(%arg28 : memref<!tpu.dma_semaphore, #tpu.memory_space<semaphore_mem>>) src(%dma_wait3A_181 : memref<10240x128xf32, #tpu.memory_space<hbm>>) dst(%arg24 : memref<112x128xf32, #tpu.memory_space<vmem>>)
        %dma_start3A_182 = arith.constant 0 : i32
        %dma_start3A_183 = arith.constant 0 : i32
        %dma_start3A_184 = tpu.memref_slice %arg25[%dma_start3A_182, %dma_start3A_183] : memref<10240x128xf32, #tpu.memory_space<vmem_shared>> -> memref<10240x128xf32, #tpu.memory_space<vmem_shared>>
        tpu.enqueue_indirect_dma source(%arg24 : memref<112x128xf32, #tpu.memory_space<vmem>>) target(%dma_start3A_184 : memref<10240x128xf32, #tpu.memory_space<vmem_shared>>) offsets(%arg21 : memref<112xi32, #tpu.memory_space<vmem>>) semaphore(%arg29 : memref<!tpu.dma_semaphore, #tpu.memory_space<semaphore_mem>>) {add = true}
        %add3A_185 = arith.constant 3 : i32
        %add3A_186 = arith.addi %add3A_178, %add3A_185 : i32
        %lt3A_187 = arith.constant 180 : i32
        %lt3A_188 = arith.cmpi slt, %add3A_186, %lt3A_187 : i32
        %convert_element_type3A_189 = arith.extui %lt3A_188 : i1 to i32
        %cond3A_190 = arith.constant 0 : i32
        %cond3A_191 = arith.cmpi ne, %convert_element_type3A_189, %cond3A_190 : i32
        scf.if %cond3A_191 {
          %add3A_202 = arith.addi %mul3A_11, %add3A_178 : i32
          %add3A_203 = arith.constant 3 : i32
          %add3A_204 = arith.addi %add3A_202, %add3A_203 : i32
          %dma_start3A_205 = arith.constant 0 : i32
          %dma_start3A_206 = tpu.memref_slice %arg5[%add3A_204, %dma_start3A_205] : memref<2880x112xi32, #tpu.memory_space<hbm>> -> memref<1x112xi32, #tpu.memory_space<hbm>>
          %dma_start3A_207 = tpu.memref_squeeze %dma_start3A_206 : memref<1x112xi32, #tpu.memory_space<hbm>> -> memref<112xi32, #tpu.memory_space<hbm>>
          %dma_start3A_208 = arith.constant 0 : i32
          %dma_start3A_209 = tpu.memref_slice %arg5[%add3A_204, %dma_start3A_208] : memref<2880x112xi32, #tpu.memory_space<hbm>> -> memref<1x112xi32, #tpu.memory_space<hbm>>
          %dma_start3A_210 = tpu.memref_squeeze %dma_start3A_209 : memref<1x112xi32, #tpu.memory_space<hbm>> -> memref<112xi32, #tpu.memory_space<hbm>>
          tpu.enqueue_dma source(%dma_start3A_210 : memref<112xi32, #tpu.memory_space<hbm>>) target(%arg12 : memref<112xi32, #tpu.memory_space<vmem>>) target_semaphore(%arg30 : memref<!tpu.dma_semaphore, #tpu.memory_space<semaphore_mem>>)
          %add3A_211 = arith.addi %mul3A_11, %add3A_178 : i32
          %add3A_212 = arith.constant 3 : i32
          %add3A_213 = arith.addi %add3A_211, %add3A_212 : i32
          %dma_start3A_214 = arith.constant 0 : i32
          %dma_start3A_215 = tpu.memref_slice %arg6[%add3A_213, %dma_start3A_214] : memref<2880x112xi32, #tpu.memory_space<hbm>> -> memref<1x112xi32, #tpu.memory_space<hbm>>
          %dma_start3A_216 = tpu.memref_squeeze %dma_start3A_215 : memref<1x112xi32, #tpu.memory_space<hbm>> -> memref<112xi32, #tpu.memory_space<hbm>>
          %dma_start3A_217 = arith.constant 0 : i32
          %dma_start3A_218 = tpu.memref_slice %arg6[%add3A_213, %dma_start3A_217] : memref<2880x112xi32, #tpu.memory_space<hbm>> -> memref<1x112xi32, #tpu.memory_space<hbm>>
          %dma_start3A_219 = tpu.memref_squeeze %dma_start3A_218 : memref<1x112xi32, #tpu.memory_space<hbm>> -> memref<112xi32, #tpu.memory_space<hbm>>
          tpu.enqueue_dma source(%dma_start3A_219 : memref<112xi32, #tpu.memory_space<hbm>>) target(%arg18 : memref<112xi32, #tpu.memory_space<vmem>>) target_semaphore(%arg30 : memref<!tpu.dma_semaphore, #tpu.memory_space<semaphore_mem>>)
        } else {
        }
        %dma_wait3A_192 = arith.constant 0 : i32
        %dma_wait3A_193 = arith.constant 0 : i32
        %dma_wait3A_194 = tpu.memref_slice %arg25[%dma_wait3A_192, %dma_wait3A_193] : memref<10240x128xf32, #tpu.memory_space<vmem_shared>> -> memref<10240x128xf32, #tpu.memory_space<vmem_shared>>
        tpu.wait_indirect_dma semaphore(%arg29 : memref<!tpu.dma_semaphore, #tpu.memory_space<semaphore_mem>>) src(%arg24 : memref<112x128xf32, #tpu.memory_space<vmem>>) dst(%dma_wait3A_194 : memref<10240x128xf32, #tpu.memory_space<vmem_shared>>)
        %add3A_195 = arith.constant 3 : i32
        %add3A_196 = arith.addi %add3A_178, %add3A_195 : i32
        %lt3A_197 = arith.constant 180 : i32
        %lt3A_198 = arith.cmpi slt, %add3A_196, %lt3A_197 : i32
        %convert_element_type3A_199 = arith.extui %lt3A_198 : i1 to i32
        %cond3A_200 = arith.constant 0 : i32
        %cond3A_201 = arith.cmpi ne, %convert_element_type3A_199, %cond3A_200 : i32
        scf.if %cond3A_201 {
          %dma_wait3A_202 = arith.constant 0 : i32
          %dma_wait3A_203 = tpu.memref_slice %arg5[%mul3A_11, %dma_wait3A_202] : memref<2880x112xi32, #tpu.memory_space<hbm>> -> memref<1x112xi32, #tpu.memory_space<hbm>>
          %dma_wait3A_204 = tpu.memref_squeeze %dma_wait3A_203 : memref<1x112xi32, #tpu.memory_space<hbm>> -> memref<112xi32, #tpu.memory_space<hbm>>
          %dma_wait3A_205 = arith.constant 0 : i32
          %dma_wait3A_206 = tpu.memref_slice %arg5[%mul3A_11, %dma_wait3A_205] : memref<2880x112xi32, #tpu.memory_space<hbm>> -> memref<1x112xi32, #tpu.memory_space<hbm>>
          %dma_wait3A_207 = tpu.memref_squeeze %dma_wait3A_206 : memref<1x112xi32, #tpu.memory_space<hbm>> -> memref<112xi32, #tpu.memory_space<hbm>>
          tpu.wait_dma2 semaphore(%arg30 : memref<!tpu.dma_semaphore, #tpu.memory_space<semaphore_mem>>) src(%dma_wait3A_207 : memref<112xi32, #tpu.memory_space<hbm>>) dst(%arg12 : memref<112xi32, #tpu.memory_space<vmem>>)
          %dma_wait3A_208 = arith.constant 0 : i32
          %dma_wait3A_209 = tpu.memref_slice %arg6[%mul3A_11, %dma_wait3A_208] : memref<2880x112xi32, #tpu.memory_space<hbm>> -> memref<1x112xi32, #tpu.memory_space<hbm>>
          %dma_wait3A_210 = tpu.memref_squeeze %dma_wait3A_209 : memref<1x112xi32, #tpu.memory_space<hbm>> -> memref<112xi32, #tpu.memory_space<hbm>>
          %dma_wait3A_211 = arith.constant 0 : i32
          %dma_wait3A_212 = tpu.memref_slice %arg6[%mul3A_11, %dma_wait3A_211] : memref<2880x112xi32, #tpu.memory_space<hbm>> -> memref<1x112xi32, #tpu.memory_space<hbm>>
          %dma_wait3A_213 = tpu.memref_squeeze %dma_wait3A_212 : memref<1x112xi32, #tpu.memory_space<hbm>> -> memref<112xi32, #tpu.memory_space<hbm>>
          tpu.wait_dma2 semaphore(%arg30 : memref<!tpu.dma_semaphore, #tpu.memory_space<semaphore_mem>>) src(%dma_wait3A_213 : memref<112xi32, #tpu.memory_space<hbm>>) dst(%arg18 : memref<112xi32, #tpu.memory_space<vmem>>)
          %dma_start3A_214 = arith.constant 0 : i32
          %dma_start3A_215 = arith.constant 0 : i32
          %dma_start3A_216 = tpu.memref_slice %arg7[%dma_start3A_214, %dma_start3A_215] : memref<10240x128xf32, #tpu.memory_space<hbm>> -> memref<10240x128xf32, #tpu.memory_space<hbm>>
          tpu.enqueue_indirect_dma source(%dma_start3A_216 : memref<10240x128xf32, #tpu.memory_space<hbm>>) target(%arg24 : memref<112x128xf32, #tpu.memory_space<vmem>>) offsets(%arg12 : memref<112xi32, #tpu.memory_space<vmem>>) semaphore(%arg28 : memref<!tpu.dma_semaphore, #tpu.memory_space<semaphore_mem>>)
        } else {
        }
      }
      %scan3A_35 = arith.constant 30 : i32
      %barrier3A_36 = arith.constant 0 : index
      tpu.barrier barrier_id(%barrier3A_36)
      %mul3A_37 = arith.constant 640 : i32
      %mul3A_38 = arith.muli %arg1, %mul3A_37 : i32
      %mul3A_39 = arith.constant 640 : i32
      %mul3A_40 = arith.muli %arg1, %mul3A_39 : i32
      "tpu.region"() ({
        %run_scoped3A = tpu.sem_alloc : memref<!tpu.dma_semaphore, #tpu.memory_space<semaphore_mem>>
        %dma_start3A_41 = arith.constant 0 : i32
        %dma_start3A_42 = tpu.memref_slice %arg9[%mul3A_40, %dma_start3A_41] : memref<10240x128xf32, #tpu.memory_space<hbm>> -> memref<640x128xf32, #tpu.memory_space<hbm>>
        %dma_start3A_43 = arith.constant 0 : i32
        %dma_start3A_44 = tpu.memref_slice %arg25[%mul3A_38, %dma_start3A_43] : memref<10240x128xf32, #tpu.memory_space<vmem_shared>> -> memref<640x128xf32, #tpu.memory_space<vmem_shared>>
        tpu.enqueue_dma source(%dma_start3A_44 : memref<640x128xf32, #tpu.memory_space<vmem_shared>>) target(%dma_start3A_42 : memref<640x128xf32, #tpu.memory_space<hbm>>) target_semaphore(%run_scoped3A : memref<!tpu.dma_semaphore, #tpu.memory_space<semaphore_mem>>)
        %dma_wait3A = arith.constant 0 : i32
        %dma_wait3A_45 = tpu.memref_slice %arg9[%mul3A_40, %dma_wait3A] : memref<10240x128xf32, #tpu.memory_space<hbm>> -> memref<640x128xf32, #tpu.memory_space<hbm>>
        %dma_wait3A_46 = arith.constant 0 : i32
        %dma_wait3A_47 = tpu.memref_slice %arg25[%mul3A_38, %dma_wait3A_46] : memref<10240x128xf32, #tpu.memory_space<vmem_shared>> -> memref<640x128xf32, #tpu.memory_space<vmem_shared>>
        tpu.wait_dma2 semaphore(%run_scoped3A : memref<!tpu.dma_semaphore, #tpu.memory_space<semaphore_mem>>) src(%dma_wait3A_47 : memref<640x128xf32, #tpu.memory_space<vmem_shared>>) dst(%dma_wait3A_45 : memref<640x128xf32, #tpu.memory_space<hbm>>)
        tpu.yield
      }) : () -> ()
    } else {
    }
    return
  }
}

module attributes {stable_mosaic.version = 14 : i64} {
  func.func @_xw_body(%arg0: i32, %arg1: memref<512x128xf32, #tpu.memory_space<vmem>>, %arg2: memref<128x128xf32, #tpu.memory_space<vmem>>, %arg3: memref<512x128xf32, #tpu.memory_space<vmem>>, %arg4: memref<512x128xf32, #tpu.memory_space<vmem>>, %arg5: memref<128x128xf32, #tpu.memory_space<vmem>>, %arg6: memref<512x128xf32, #tpu.memory_space<vmem>>, %arg7: memref<512x128xf32, #tpu.memory_space<vmem>>, %arg8: memref<512x128xf32, #tpu.memory_space<vmem>>) attributes {dimension_semantics = [#tpu.dimension_semantics<arbitrary>], iteration_bounds = array<i64: 20>, scalar_prefetch = 0 : i64, scratch_operands = 0 : i64, tpu.core_type = #tpu.core_type<tc>, window_params = [{transform_indices = @transform_0, window_bounds = array<i64: 512, 128>}, {pipeline_mode = #tpu.pipeline_mode<synchronous>, transform_indices = @transform_1, window_bounds = array<i64: 128, 128>}, {transform_indices = @transform_2, window_bounds = array<i64: 512, 128>}, {transform_indices = @transform_3, window_bounds = array<i64: 512, 128>}, {pipeline_mode = #tpu.pipeline_mode<synchronous>, transform_indices = @transform_4, window_bounds = array<i64: 128, 128>}, {transform_indices = @transform_5, window_bounds = array<i64: 512, 128>}, {transform_indices = @transform_6, window_bounds = array<i64: 512, 128>}, {transform_indices = @transform_7, window_bounds = array<i64: 512, 128>}]} {
    %get3A = arith.constant 0 : index
    %get3A_0 = arith.constant 0 : index
    %get3A_1 = vector.load %arg3[%get3A, %get3A_0] : memref<512x128xf32, #tpu.memory_space<vmem>>, vector<512x128xf32>
    %add3A = arith.constant 1.000000e+00 : f32
    %add3A_2 = vector.broadcast %add3A : f32 to vector<512x128xf32>
    %add3A_3 = arith.addf %get3A_1, %add3A_2 : vector<512x128xf32>
    %rsqrt3A = math.rsqrt %add3A_3 : vector<512x128xf32>
    %get3A_4 = arith.constant 0 : index
    %get3A_5 = arith.constant 0 : index
    %get3A_6 = vector.load %arg6[%get3A_4, %get3A_5] : memref<512x128xf32, #tpu.memory_space<vmem>>, vector<512x128xf32>
    %add3A_7 = arith.constant 1.000000e+00 : f32
    %add3A_8 = vector.broadcast %add3A_7 : f32 to vector<512x128xf32>
    %add3A_9 = arith.addf %get3A_6, %add3A_8 : vector<512x128xf32>
    %rsqrt3A_10 = math.rsqrt %add3A_9 : vector<512x128xf32>
    %get3A_11 = arith.constant 0 : index
    %get3A_12 = arith.constant 0 : index
    %get3A_13 = vector.load %arg1[%get3A_11, %get3A_12] : memref<512x128xf32, #tpu.memory_space<vmem>>, vector<512x128xf32>
    %get3A_14 = arith.constant 0 : index
    %get3A_15 = arith.constant 0 : index
    %get3A_16 = vector.load %arg2[%get3A_14, %get3A_15] : memref<128x128xf32, #tpu.memory_space<vmem>>, vector<128x128xf32>
    %dot_general3A = arith.constant dense<0.000000e+00> : vector<512x128xf32>
    %dot_general3A_17 = tpu.matmul %get3A_13, %get3A_16, %dot_general3A {dimension_numbers = #tpu.dot_dimension_numbers<[1], [0], [0], [1], [0, 0, 1, 1], [], []>, transpose_lhs_hint = false} : vector<512x128xf32>, vector<128x128xf32>, vector<512x128xf32> -> vector<512x128xf32>
    %mul3A = arith.mulf %dot_general3A_17, %rsqrt3A : vector<512x128xf32>
    %swap3A = arith.constant 0 : index
    %swap3A_18 = arith.constant 0 : index
    %swap3A_19 = vector.load %arg7[%swap3A, %swap3A_18] : memref<512x128xf32, #tpu.memory_space<vmem>>, vector<512x128xf32>
    tpu.vector_store %arg7[%swap3A, %swap3A_18], %mul3A {strides = array<i32>} : memref<512x128xf32, #tpu.memory_space<vmem>>, vector<512x128xf32>,
    %get3A_20 = arith.constant 0 : index
    %get3A_21 = arith.constant 0 : index
    %get3A_22 = vector.load %arg4[%get3A_20, %get3A_21] : memref<512x128xf32, #tpu.memory_space<vmem>>, vector<512x128xf32>
    %get3A_23 = arith.constant 0 : index
    %get3A_24 = arith.constant 0 : index
    %get3A_25 = vector.load %arg5[%get3A_23, %get3A_24] : memref<128x128xf32, #tpu.memory_space<vmem>>, vector<128x128xf32>
    %dot_general3A_26 = arith.constant dense<0.000000e+00> : vector<512x128xf32>
    %dot_general3A_27 = tpu.matmul %get3A_22, %get3A_25, %dot_general3A_26 {dimension_numbers = #tpu.dot_dimension_numbers<[1], [0], [0], [1], [0, 0, 1, 1], [], []>, transpose_lhs_hint = false} : vector<512x128xf32>, vector<128x128xf32>, vector<512x128xf32> -> vector<512x128xf32>
    %mul3A_28 = arith.mulf %dot_general3A_27, %rsqrt3A_10 : vector<512x128xf32>
    %swap3A_29 = arith.constant 0 : index
    %swap3A_30 = arith.constant 0 : index
    %swap3A_31 = vector.load %arg8[%swap3A_29, %swap3A_30] : memref<512x128xf32, #tpu.memory_space<vmem>>, vector<512x128xf32>
    tpu.vector_store %arg8[%swap3A_29, %swap3A_30], %mul3A_28 {strides = array<i32>} : memref<512x128xf32, #tpu.memory_space<vmem>>, vector<512x128xf32>,
    return
  }
  func.func @transform_0(%arg0: i32) -> (i32, i32) {
    %c0_i32 = arith.constant 0 : i32
    %c0_i32_0 = arith.constant 0 : i32
    return %arg0, %c0_i32 : i32, i32
  }
  func.func @transform_1(%arg0: i32) -> (i32, i32) {
    %c0_i32 = arith.constant 0 : i32
    %c0_i32_0 = arith.constant 0 : i32
    %c0_i32_1 = arith.constant 0 : i32
    return %c0_i32, %c0_i32_0 : i32, i32
  }
  func.func @transform_2(%arg0: i32) -> (i32, i32) {
    %c0_i32 = arith.constant 0 : i32
    %c0_i32_0 = arith.constant 0 : i32
    return %arg0, %c0_i32 : i32, i32
  }
  func.func @transform_3(%arg0: i32) -> (i32, i32) {
    %c0_i32 = arith.constant 0 : i32
    %c0_i32_0 = arith.constant 0 : i32
    return %arg0, %c0_i32 : i32, i32
  }
  func.func @transform_4(%arg0: i32) -> (i32, i32) {
    %c0_i32 = arith.constant 0 : i32
    %c0_i32_0 = arith.constant 0 : i32
    %c0_i32_1 = arith.constant 0 : i32
    return %c0_i32, %c0_i32_0 : i32, i32
  }
  func.func @transform_5(%arg0: i32) -> (i32, i32) {
    %c0_i32 = arith.constant 0 : i32
    %c0_i32_0 = arith.constant 0 : i32
    return %arg0, %c0_i32 : i32, i32
  }
  func.func @transform_6(%arg0: i32) -> (i32, i32) {
    %c0_i32 = arith.constant 0 : i32
    %c0_i32_0 = arith.constant 0 : i32
    return %arg0, %c0_i32 : i32, i32
  }
  func.func @transform_7(%arg0: i32) -> (i32, i32) {
    %c0_i32 = arith.constant 0 : i32
    %c0_i32_0 = arith.constant 0 : i32
    return %arg0, %c0_i32 : i32, i32
  }
}

module attributes {stable_mosaic.version = 14 : i64} {
  func.func @body(%arg0: i32, %arg1: memref<512x128xf32, #tpu.memory_space<vmem>>, %arg2: memref<512x128xf32, #tpu.memory_space<vmem>>, %arg3: memref<512x1xi32, #tpu.memory_space<vmem>>, %arg4: memref<512x128xf32, #tpu.memory_space<vmem>>, %arg5: memref<512x128xf32, #tpu.memory_space<vmem>>, %arg6: memref<512x1xi32, #tpu.memory_space<vmem>>, %arg7: memref<1x128xf32, #tpu.memory_space<vmem>>, %arg8: memref<1x128xf32, #tpu.memory_space<vmem>>, %arg9: memref<128x128xf32, #tpu.memory_space<vmem>>, %arg10: memref<1x128xf32, #tpu.memory_space<vmem>>, %arg11: memref<128x128xf32, #tpu.memory_space<vmem>>, %arg12: memref<1x128xf32, #tpu.memory_space<vmem>>, %arg13: memref<256x256xf32, #tpu.memory_space<vmem>>, %arg14: memref<1x256xf32, #tpu.memory_space<vmem>>, %arg15: memref<256x64xf32, #tpu.memory_space<vmem>>, %arg16: memref<1x64xf32, #tpu.memory_space<vmem>>, %arg17: memref<64x1xf32, #tpu.memory_space<vmem>>, %arg18: memref<1x1xf32, #tpu.memory_space<vmem>>, %arg19: memref<64x1xf32, #tpu.memory_space<vmem>>, %arg20: memref<65x128xf32, #tpu.memory_space<vmem>>, %arg21: memref<65x128xf32, #tpu.memory_space<vmem>>) attributes {dimension_semantics = [#tpu.dimension_semantics<arbitrary>], iteration_bounds = array<i64: 20>, scalar_prefetch = 0 : i64, scratch_operands = 2 : i64, tpu.core_type = #tpu.core_type<tc>, window_params = [{transform_indices = @transform_0, window_bounds = array<i64: 512, 128>}, {transform_indices = @transform_1, window_bounds = array<i64: 512, 128>}, {transform_indices = @transform_2, window_bounds = array<i64: 512, 1>}, {transform_indices = @transform_3, window_bounds = array<i64: 512, 128>}, {transform_indices = @transform_4, window_bounds = array<i64: 512, 128>}, {transform_indices = @transform_5, window_bounds = array<i64: 512, 1>}, {pipeline_mode = #tpu.pipeline_mode<synchronous>, transform_indices = @transform_6, window_bounds = array<i64: 1, 128>}, {pipeline_mode = #tpu.pipeline_mode<synchronous>, transform_indices = @transform_7, window_bounds = array<i64: 1, 128>}, {pipeline_mode = #tpu.pipeline_mode<synchronous>, transform_indices = @transform_8, window_bounds = array<i64: 128, 128>}, {pipeline_mode = #tpu.pipeline_mode<synchronous>, transform_indices = @transform_9, window_bounds = array<i64: 1, 128>}, {pipeline_mode = #tpu.pipeline_mode<synchronous>, transform_indices = @transform_10, window_bounds = array<i64: 128, 128>}, {pipeline_mode = #tpu.pipeline_mode<synchronous>, transform_indices = @transform_11, window_bounds = array<i64: 1, 128>}, {pipeline_mode = #tpu.pipeline_mode<synchronous>, transform_indices = @transform_12, window_bounds = array<i64: 256, 256>}, {pipeline_mode = #tpu.pipeline_mode<synchronous>, transform_indices = @transform_13, window_bounds = array<i64: 1, 256>}, {pipeline_mode = #tpu.pipeline_mode<synchronous>, transform_indices = @transform_14, window_bounds = array<i64: 256, 64>}, {pipeline_mode = #tpu.pipeline_mode<synchronous>, transform_indices = @transform_15, window_bounds = array<i64: 1, 64>}, {pipeline_mode = #tpu.pipeline_mode<synchronous>, transform_indices = @transform_16, window_bounds = array<i64: 64, 1>}, {pipeline_mode = #tpu.pipeline_mode<synchronous>, transform_indices = @transform_17, window_bounds = array<i64: 1, 1>}, {pipeline_mode = #tpu.pipeline_mode<synchronous>, transform_indices = @transform_18, window_bounds = array<i64: 64, 1>}]} {
    %eq3A = arith.constant 0 : i32
    %eq3A_0 = arith.cmpi eq, %arg0, %eq3A : i32
    %convert_element_type3A = arith.extui %eq3A_0 : i1 to i32
    %cond3A = arith.constant 0 : i32
    %cond3A_1 = arith.cmpi ne, %convert_element_type3A, %cond3A : i32
    scf.if %cond3A_1 {
      %broadcast_in_dim3A = arith.constant 0xFF800000 : f32
      %broadcast_in_dim3A_92 = vector.broadcast %broadcast_in_dim3A : f32 to vector<65x128xf32>
      %swap3A = arith.constant 0 : index
      %swap3A_93 = arith.constant 0 : index
      %swap3A_94 = vector.load %arg20[%swap3A, %swap3A_93] : memref<65x128xf32, #tpu.memory_space<vmem>>, vector<65x128xf32>
      tpu.vector_store %arg20[%swap3A, %swap3A_93], %broadcast_in_dim3A_92 {strides = array<i32>} : memref<65x128xf32, #tpu.memory_space<vmem>>, vector<65x128xf32>,
      %broadcast_in_dim3A_95 = arith.constant 0xFF800000 : f32
      %broadcast_in_dim3A_96 = vector.broadcast %broadcast_in_dim3A_95 : f32 to vector<65x128xf32>
      %swap3A_97 = arith.constant 0 : index
      %swap3A_98 = arith.constant 0 : index
      %swap3A_99 = vector.load %arg21[%swap3A_97, %swap3A_98] : memref<65x128xf32, #tpu.memory_space<vmem>>, vector<65x128xf32>
      tpu.vector_store %arg21[%swap3A_97, %swap3A_98], %broadcast_in_dim3A_96 {strides = array<i32>} : memref<65x128xf32, #tpu.memory_space<vmem>>, vector<65x128xf32>,
    } else {
    }
    %get3A = arith.constant 0 : index
    %get3A_2 = arith.constant 0 : index
    %get3A_3 = vector.load %arg2[%get3A, %get3A_2] : memref<512x128xf32, #tpu.memory_space<vmem>>, vector<512x128xf32>
    %add3A = arith.constant 1.000000e+00 : f32
    %add3A_4 = vector.broadcast %add3A : f32 to vector<512x128xf32>
    %add3A_5 = arith.addf %get3A_3, %add3A_4 : vector<512x128xf32>
    %rsqrt3A = math.rsqrt %add3A_5 : vector<512x128xf32>
    %get3A_6 = arith.constant 0 : index
    %get3A_7 = arith.constant 0 : index
    %get3A_8 = vector.load %arg1[%get3A_6, %get3A_7] : memref<512x128xf32, #tpu.memory_space<vmem>>, vector<512x128xf32>
    %mul3A = arith.mulf %rsqrt3A, %get3A_8 : vector<512x128xf32>
    %get3A_9 = arith.constant 0 : index
    %get3A_10 = arith.constant 0 : index
    %get3A_11 = vector.load %arg7[%get3A_9, %get3A_10] : memref<1x128xf32, #tpu.memory_space<vmem>>, vector<1x128xf32>
    %add3A_12 = vector.broadcast %get3A_11 : vector<1x128xf32> to vector<512x128xf32>
    %add3A_13 = arith.addf %mul3A, %add3A_12 : vector<512x128xf32>
    %ge3A = arith.constant 0.000000e+00 : f32
    %ge3A_14 = vector.broadcast %ge3A : f32 to vector<512x128xf32>
    %ge3A_15 = arith.cmpf oge, %add3A_13, %ge3A_14 : vector<512x128xf32>
    %mul3A_16 = arith.constant 0.00999999977 : f32
    %mul3A_17 = vector.broadcast %mul3A_16 : f32 to vector<512x128xf32>
    %mul3A_18 = arith.mulf %mul3A_17, %add3A_13 : vector<512x128xf32>
    %select_n3A = arith.select %ge3A_15, %add3A_13, %mul3A_18 : vector<512x128xi1>, vector<512x128xf32>
    %get3A_19 = arith.constant 0 : index
    %get3A_20 = arith.constant 0 : index
    %get3A_21 = vector.load %arg3[%get3A_19, %get3A_20] : memref<512x1xi32, #tpu.memory_space<vmem>>, vector<512x1xi32>
    %reduce_min3A = vector.shape_cast %get3A_21 : vector<512x1xi32> to vector<1x512x1xi32>
    %reduce_min3A_22 = arith.constant dense<2147483647> : vector<1xi32>
    %reduce_min3A_23 = vector.multi_reduction <minsi>, %reduce_min3A, %reduce_min3A_22 [1, 2] : vector<1x512x1xi32> to vector<1xi32>
    %reduce_min3A_24 = vector.shape_cast %reduce_min3A_23 : vector<1xi32> to vector<1x1x1xi32>
    %reduce_min3A_25 = vector.extract %reduce_min3A_24[0, 0, 0] : i32 from vector<1x1x1xi32>
    %reduce_max3A = vector.shape_cast %get3A_21 : vector<512x1xi32> to vector<1x512x1xi32>
    %reduce_max3A_26 = arith.constant dense<-2147483648> : vector<1xi32>
    %reduce_max3A_27 = vector.multi_reduction <maxsi>, %reduce_max3A, %reduce_max3A_26 [1, 2] : vector<1x512x1xi32> to vector<1xi32>
    %reduce_max3A_28 = vector.shape_cast %reduce_max3A_27 : vector<1xi32> to vector<1x1x1xi32>
    %reduce_max3A_29 = vector.extract %reduce_max3A_28[0, 0, 0] : i32 from vector<1x1x1xi32>
    %add3A_30 = arith.constant 1 : i32
    %add3A_31 = arith.addi %reduce_max3A_29, %add3A_30 : i32
    %while3A = arith.constant 0 : i32
    %while3A_32 = arith.subi %add3A_31, %reduce_min3A_25 : i32
    %while3A_33 = arith.addi %reduce_min3A_25, %while3A_32 : i32
    %while3A_34 = arith.constant 1 : i32
    %while3A_35 = arith.divsi %while3A_32, %while3A_34 : i32
    %while3A_36 = arith.muli %while3A_35, %while3A_34 : i32
    %while3A_37 = arith.addi %reduce_min3A_25, %while3A_36 : i32
    %while3A_38 = arith.constant 1 : i32
    scf.for %while3A_92 = %reduce_min3A_25 to %while3A_37 step %while3A_38  : i32 {
      %eq3A_93 = vector.broadcast %while3A_92 : i32 to vector<512x1xi32>
      %eq3A_94 = arith.cmpi eq, %get3A_21, %eq3A_93 : vector<512x1xi32>
      %jit3A = arith.constant 0xFF800000 : f32
      %broadcast_in_dim3A = vector.shape_cast %eq3A_94 : vector<512x1xi1> to vector<512x1xi1>
      %broadcast_in_dim3A_95 = vector.broadcast %broadcast_in_dim3A : vector<512x1xi1> to vector<512x128xi1>
      %broadcast_in_dim3A_96 = vector.broadcast %jit3A : f32 to vector<512x128xf32>
      %select_n3A_97 = arith.select %broadcast_in_dim3A_95, %select_n3A, %broadcast_in_dim3A_96 : vector<512x128xi1>, vector<512x128xf32>
      %reduce_max3A_98 = arith.constant dense<0xFF800000> : vector<128xf32>
      %reduce_max3A_99 = vector.multi_reduction <maximumf>, %select_n3A_97, %reduce_max3A_98 [0] : vector<512x128xf32> to vector<128xf32>
      %broadcast_in_dim3A_100 = vector.shape_cast %reduce_max3A_99 : vector<128xf32> to vector<1x128xf32>
      %get3A_101 = arith.index_cast %while3A_92 : i32 to index
      %get3A_102 = arith.constant 0 : index
      %get3A_103 = vector.load %arg20[%get3A_101, %get3A_102] : memref<65x128xf32, #tpu.memory_space<vmem>>, vector<1x128xf32>
      %max3A = arith.maximumf %get3A_103, %broadcast_in_dim3A_100 : vector<1x128xf32>
      %swap3A = arith.index_cast %while3A_92 : i32 to index
      %swap3A_104 = arith.constant 0 : index
      %swap3A_105 = vector.load %arg20[%swap3A, %swap3A_104] : memref<65x128xf32, #tpu.memory_space<vmem>>, vector<1x128xf32>
      tpu.vector_store %arg20[%swap3A, %swap3A_104], %max3A {strides = array<i32>} : memref<65x128xf32, #tpu.memory_space<vmem>>, vector<1x128xf32>,
    }
    %while3A_39 = arith.constant 1 : i32
    scf.for %while3A_92 = %while3A_37 to %while3A_33 step %while3A_39  : i32 {
      %eq3A_93 = vector.broadcast %while3A_92 : i32 to vector<512x1xi32>
      %eq3A_94 = arith.cmpi eq, %get3A_21, %eq3A_93 : vector<512x1xi32>
      %jit3A = arith.constant 0xFF800000 : f32
      %broadcast_in_dim3A = vector.shape_cast %eq3A_94 : vector<512x1xi1> to vector<512x1xi1>
      %broadcast_in_dim3A_95 = vector.broadcast %broadcast_in_dim3A : vector<512x1xi1> to vector<512x128xi1>
      %broadcast_in_dim3A_96 = vector.broadcast %jit3A : f32 to vector<512x128xf32>
      %select_n3A_97 = arith.select %broadcast_in_dim3A_95, %select_n3A, %broadcast_in_dim3A_96 : vector<512x128xi1>, vector<512x128xf32>
      %reduce_max3A_98 = arith.constant dense<0xFF800000> : vector<128xf32>
      %reduce_max3A_99 = vector.multi_reduction <maximumf>, %select_n3A_97, %reduce_max3A_98 [0] : vector<512x128xf32> to vector<128xf32>
      %broadcast_in_dim3A_100 = vector.shape_cast %reduce_max3A_99 : vector<128xf32> to vector<1x128xf32>
      %get3A_101 = arith.index_cast %while3A_92 : i32 to index
      %get3A_102 = arith.constant 0 : index
      %get3A_103 = vector.load %arg20[%get3A_101, %get3A_102] : memref<65x128xf32, #tpu.memory_space<vmem>>, vector<1x128xf32>
      %max3A = arith.maximumf %get3A_103, %broadcast_in_dim3A_100 : vector<1x128xf32>
      %swap3A = arith.index_cast %while3A_92 : i32 to index
      %swap3A_104 = arith.constant 0 : index
      %swap3A_105 = vector.load %arg20[%swap3A, %swap3A_104] : memref<65x128xf32, #tpu.memory_space<vmem>>, vector<1x128xf32>
      tpu.vector_store %arg20[%swap3A, %swap3A_104], %max3A {strides = array<i32>} : memref<65x128xf32, #tpu.memory_space<vmem>>, vector<1x128xf32>,
    }
    %get3A_40 = arith.constant 0 : index
    %get3A_41 = arith.constant 0 : index
    %get3A_42 = vector.load %arg5[%get3A_40, %get3A_41] : memref<512x128xf32, #tpu.memory_space<vmem>>, vector<512x128xf32>
    %add3A_43 = arith.constant 1.000000e+00 : f32
    %add3A_44 = vector.broadcast %add3A_43 : f32 to vector<512x128xf32>
    %add3A_45 = arith.addf %get3A_42, %add3A_44 : vector<512x128xf32>
    %rsqrt3A_46 = math.rsqrt %add3A_45 : vector<512x128xf32>
    %get3A_47 = arith.constant 0 : index
    %get3A_48 = arith.constant 0 : index
    %get3A_49 = vector.load %arg4[%get3A_47, %get3A_48] : memref<512x128xf32, #tpu.memory_space<vmem>>, vector<512x128xf32>
    %mul3A_50 = arith.mulf %rsqrt3A_46, %get3A_49 : vector<512x128xf32>
    %get3A_51 = arith.constant 0 : index
    %get3A_52 = arith.constant 0 : index
    %get3A_53 = vector.load %arg8[%get3A_51, %get3A_52] : memref<1x128xf32, #tpu.memory_space<vmem>>, vector<1x128xf32>
    %add3A_54 = vector.broadcast %get3A_53 : vector<1x128xf32> to vector<512x128xf32>
    %add3A_55 = arith.addf %mul3A_50, %add3A_54 : vector<512x128xf32>
    %ge3A_56 = arith.constant 0.000000e+00 : f32
    %ge3A_57 = vector.broadcast %ge3A_56 : f32 to vector<512x128xf32>
    %ge3A_58 = arith.cmpf oge, %add3A_55, %ge3A_57 : vector<512x128xf32>
    %mul3A_59 = arith.constant 0.00999999977 : f32
    %mul3A_60 = vector.broadcast %mul3A_59 : f32 to vector<512x128xf32>
    %mul3A_61 = arith.mulf %mul3A_60, %add3A_55 : vector<512x128xf32>
    %select_n3A_62 = arith.select %ge3A_58, %add3A_55, %mul3A_61 : vector<512x128xi1>, vector<512x128xf32>
    %get3A_63 = arith.constant 0 : index
    %get3A_64 = arith.constant 0 : index
    %get3A_65 = vector.load %arg6[%get3A_63, %get3A_64] : memref<512x1xi32, #tpu.memory_space<vmem>>, vector<512x1xi32>
    %reduce_min3A_66 = vector.shape_cast %get3A_65 : vector<512x1xi32> to vector<1x512x1xi32>
    %reduce_min3A_67 = arith.constant dense<2147483647> : vector<1xi32>
    %reduce_min3A_68 = vector.multi_reduction <minsi>, %reduce_min3A_66, %reduce_min3A_67 [1, 2] : vector<1x512x1xi32> to vector<1xi32>
    %reduce_min3A_69 = vector.shape_cast %reduce_min3A_68 : vector<1xi32> to vector<1x1x1xi32>
    %reduce_min3A_70 = vector.extract %reduce_min3A_69[0, 0, 0] : i32 from vector<1x1x1xi32>
    %reduce_max3A_71 = vector.shape_cast %get3A_65 : vector<512x1xi32> to vector<1x512x1xi32>
    %reduce_max3A_72 = arith.constant dense<-2147483648> : vector<1xi32>
    %reduce_max3A_73 = vector.multi_reduction <maxsi>, %reduce_max3A_71, %reduce_max3A_72 [1, 2] : vector<1x512x1xi32> to vector<1xi32>
    %reduce_max3A_74 = vector.shape_cast %reduce_max3A_73 : vector<1xi32> to vector<1x1x1xi32>
    %reduce_max3A_75 = vector.extract %reduce_max3A_74[0, 0, 0] : i32 from vector<1x1x1xi32>
    %add3A_76 = arith.constant 1 : i32
    %add3A_77 = arith.addi %reduce_max3A_75, %add3A_76 : i32
    %while3A_78 = arith.constant 0 : i32
    %while3A_79 = arith.subi %add3A_77, %reduce_min3A_70 : i32
    %while3A_80 = arith.addi %reduce_min3A_70, %while3A_79 : i32
    %while3A_81 = arith.constant 1 : i32
    %while3A_82 = arith.divsi %while3A_79, %while3A_81 : i32
    %while3A_83 = arith.muli %while3A_82, %while3A_81 : i32
    %while3A_84 = arith.addi %reduce_min3A_70, %while3A_83 : i32
    %while3A_85 = arith.constant 1 : i32
    scf.for %while3A_92 = %reduce_min3A_70 to %while3A_84 step %while3A_85  : i32 {
      %eq3A_93 = vector.broadcast %while3A_92 : i32 to vector<512x1xi32>
      %eq3A_94 = arith.cmpi eq, %get3A_65, %eq3A_93 : vector<512x1xi32>
      %jit3A = arith.constant 0xFF800000 : f32
      %broadcast_in_dim3A = vector.shape_cast %eq3A_94 : vector<512x1xi1> to vector<512x1xi1>
      %broadcast_in_dim3A_95 = vector.broadcast %broadcast_in_dim3A : vector<512x1xi1> to vector<512x128xi1>
      %broadcast_in_dim3A_96 = vector.broadcast %jit3A : f32 to vector<512x128xf32>
      %select_n3A_97 = arith.select %broadcast_in_dim3A_95, %select_n3A_62, %broadcast_in_dim3A_96 : vector<512x128xi1>, vector<512x128xf32>
      %reduce_max3A_98 = arith.constant dense<0xFF800000> : vector<128xf32>
      %reduce_max3A_99 = vector.multi_reduction <maximumf>, %select_n3A_97, %reduce_max3A_98 [0] : vector<512x128xf32> to vector<128xf32>
      %broadcast_in_dim3A_100 = vector.shape_cast %reduce_max3A_99 : vector<128xf32> to vector<1x128xf32>
      %get3A_101 = arith.index_cast %while3A_92 : i32 to index
      %get3A_102 = arith.constant 0 : index
      %get3A_103 = vector.load %arg21[%get3A_101, %get3A_102] : memref<65x128xf32, #tpu.memory_space<vmem>>, vector<1x128xf32>
      %max3A = arith.maximumf %get3A_103, %broadcast_in_dim3A_100 : vector<1x128xf32>
      %swap3A = arith.index_cast %while3A_92 : i32 to index
      %swap3A_104 = arith.constant 0 : index
      %swap3A_105 = vector.load %arg21[%swap3A, %swap3A_104] : memref<65x128xf32, #tpu.memory_space<vmem>>, vector<1x128xf32>
      tpu.vector_store %arg21[%swap3A, %swap3A_104], %max3A {strides = array<i32>} : memref<65x128xf32, #tpu.memory_space<vmem>>, vector<1x128xf32>,
    }
    %while3A_86 = arith.constant 1 : i32
    scf.for %while3A_92 = %while3A_84 to %while3A_80 step %while3A_86  : i32 {
      %eq3A_93 = vector.broadcast %while3A_92 : i32 to vector<512x1xi32>
      %eq3A_94 = arith.cmpi eq, %get3A_65, %eq3A_93 : vector<512x1xi32>
      %jit3A = arith.constant 0xFF800000 : f32
      %broadcast_in_dim3A = vector.shape_cast %eq3A_94 : vector<512x1xi1> to vector<512x1xi1>
      %broadcast_in_dim3A_95 = vector.broadcast %broadcast_in_dim3A : vector<512x1xi1> to vector<512x128xi1>
      %broadcast_in_dim3A_96 = vector.broadcast %jit3A : f32 to vector<512x128xf32>
      %select_n3A_97 = arith.select %broadcast_in_dim3A_95, %select_n3A_62, %broadcast_in_dim3A_96 : vector<512x128xi1>, vector<512x128xf32>
      %reduce_max3A_98 = arith.constant dense<0xFF800000> : vector<128xf32>
      %reduce_max3A_99 = vector.multi_reduction <maximumf>, %select_n3A_97, %reduce_max3A_98 [0] : vector<512x128xf32> to vector<128xf32>
      %broadcast_in_dim3A_100 = vector.shape_cast %reduce_max3A_99 : vector<128xf32> to vector<1x128xf32>
      %get3A_101 = arith.index_cast %while3A_92 : i32 to index
      %get3A_102 = arith.constant 0 : index
      %get3A_103 = vector.load %arg21[%get3A_101, %get3A_102] : memref<65x128xf32, #tpu.memory_space<vmem>>, vector<1x128xf32>
      %max3A = arith.maximumf %get3A_103, %broadcast_in_dim3A_100 : vector<1x128xf32>
      %swap3A = arith.index_cast %while3A_92 : i32 to index
      %swap3A_104 = arith.constant 0 : index
      %swap3A_105 = vector.load %arg21[%swap3A, %swap3A_104] : memref<65x128xf32, #tpu.memory_space<vmem>>, vector<1x128xf32>
      tpu.vector_store %arg21[%swap3A, %swap3A_104], %max3A {strides = array<i32>} : memref<65x128xf32, #tpu.memory_space<vmem>>, vector<1x128xf32>,
    }
    %eq3A_87 = arith.constant 19 : i32
    %eq3A_88 = arith.cmpi eq, %arg0, %eq3A_87 : i32
    %convert_element_type3A_89 = arith.extui %eq3A_88 : i1 to i32
    %cond3A_90 = arith.constant 0 : i32
    %cond3A_91 = arith.cmpi ne, %convert_element_type3A_89, %cond3A_90 : i32
    scf.if %cond3A_91 {
      %get3A_92 = arith.constant 0 : index
      %get3A_93 = arith.constant 0 : index
      %get3A_94 = vector.load %arg20[%get3A_92, %get3A_93] : memref<65x128xf32, #tpu.memory_space<vmem>>, vector<64x128xf32>
      %is_finite3A = tpu.weird %get3A_94 : vector<64x128xf32> -> vector<64x128xi1>
      %is_finite3A_95 = arith.constant dense<true> : vector<64x128xi1>
      %is_finite3A_96 = arith.xori %is_finite3A, %is_finite3A_95 : vector<64x128xi1>
      %jit3A = arith.constant 0.000000e+00 : f32
      %broadcast_in_dim3A = vector.broadcast %jit3A : f32 to vector<64x128xf32>
      %select_n3A_97 = arith.select %is_finite3A_96, %get3A_94, %broadcast_in_dim3A : vector<64x128xi1>, vector<64x128xf32>
      %get3A_98 = arith.constant 0 : index
      %get3A_99 = arith.constant 0 : index
      %get3A_100 = vector.load %arg21[%get3A_98, %get3A_99] : memref<65x128xf32, #tpu.memory_space<vmem>>, vector<64x128xf32>
      %is_finite3A_101 = tpu.weird %get3A_100 : vector<64x128xf32> -> vector<64x128xi1>
      %is_finite3A_102 = arith.constant dense<true> : vector<64x128xi1>
      %is_finite3A_103 = arith.xori %is_finite3A_101, %is_finite3A_102 : vector<64x128xi1>
      %jit3A_104 = arith.constant 0.000000e+00 : f32
      %broadcast_in_dim3A_105 = vector.broadcast %jit3A_104 : f32 to vector<64x128xf32>
      %select_n3A_106 = arith.select %is_finite3A_103, %get3A_100, %broadcast_in_dim3A_105 : vector<64x128xi1>, vector<64x128xf32>
      %get3A_107 = arith.constant 0 : index
      %get3A_108 = arith.constant 0 : index
      %get3A_109 = vector.load %arg9[%get3A_107, %get3A_108] : memref<128x128xf32, #tpu.memory_space<vmem>>, vector<128x128xf32>
      %dot_general3A = arith.constant dense<0.000000e+00> : vector<64x128xf32>
      %dot_general3A_110 = tpu.matmul %select_n3A_97, %get3A_109, %dot_general3A {dimension_numbers = #tpu.dot_dimension_numbers<[1], [0], [0], [1], [0, 0, 1, 1], [], []>, transpose_lhs_hint = false} : vector<64x128xf32>, vector<128x128xf32>, vector<64x128xf32> -> vector<64x128xf32>
      %get3A_111 = arith.constant 0 : index
      %get3A_112 = arith.constant 0 : index
      %get3A_113 = vector.load %arg10[%get3A_111, %get3A_112] : memref<1x128xf32, #tpu.memory_space<vmem>>, vector<1x128xf32>
      %add3A_114 = vector.broadcast %get3A_113 : vector<1x128xf32> to vector<64x128xf32>
      %add3A_115 = arith.addf %dot_general3A_110, %add3A_114 : vector<64x128xf32>
      %ge3A_116 = arith.constant 0.000000e+00 : f32
      %ge3A_117 = vector.broadcast %ge3A_116 : f32 to vector<64x128xf32>
      %ge3A_118 = arith.cmpf oge, %add3A_115, %ge3A_117 : vector<64x128xf32>
      %mul3A_119 = arith.constant 0.00999999977 : f32
      %mul3A_120 = vector.broadcast %mul3A_119 : f32 to vector<64x128xf32>
      %mul3A_121 = arith.mulf %mul3A_120, %add3A_115 : vector<64x128xf32>
      %select_n3A_122 = arith.select %ge3A_118, %add3A_115, %mul3A_121 : vector<64x128xi1>, vector<64x128xf32>
      %get3A_123 = arith.constant 0 : index
      %get3A_124 = arith.constant 0 : index
      %get3A_125 = vector.load %arg11[%get3A_123, %get3A_124] : memref<128x128xf32, #tpu.memory_space<vmem>>, vector<128x128xf32>
      %dot_general3A_126 = arith.constant dense<0.000000e+00> : vector<64x128xf32>
      %dot_general3A_127 = tpu.matmul %select_n3A_106, %get3A_125, %dot_general3A_126 {dimension_numbers = #tpu.dot_dimension_numbers<[1], [0], [0], [1], [0, 0, 1, 1], [], []>, transpose_lhs_hint = false} : vector<64x128xf32>, vector<128x128xf32>, vector<64x128xf32> -> vector<64x128xf32>
      %get3A_128 = arith.constant 0 : index
      %get3A_129 = arith.constant 0 : index
      %get3A_130 = vector.load %arg12[%get3A_128, %get3A_129] : memref<1x128xf32, #tpu.memory_space<vmem>>, vector<1x128xf32>
      %add3A_131 = vector.broadcast %get3A_130 : vector<1x128xf32> to vector<64x128xf32>
      %add3A_132 = arith.addf %dot_general3A_127, %add3A_131 : vector<64x128xf32>
      %ge3A_133 = arith.constant 0.000000e+00 : f32
      %ge3A_134 = vector.broadcast %ge3A_133 : f32 to vector<64x128xf32>
      %ge3A_135 = arith.cmpf oge, %add3A_132, %ge3A_134 : vector<64x128xf32>
      %mul3A_136 = arith.constant 0.00999999977 : f32
      %mul3A_137 = vector.broadcast %mul3A_136 : f32 to vector<64x128xf32>
      %mul3A_138 = arith.mulf %mul3A_137, %add3A_132 : vector<64x128xf32>
      %select_n3A_139 = arith.select %ge3A_135, %add3A_132, %mul3A_138 : vector<64x128xi1>, vector<64x128xf32>
      %concatenate3A = tpu.concatenate %select_n3A_122, %select_n3A_139 in 1 : vector<64x128xf32>, vector<64x128xf32> -> vector<64x256xf32>
      %get3A_140 = arith.constant 0 : index
      %get3A_141 = arith.constant 0 : index
      %get3A_142 = vector.load %arg13[%get3A_140, %get3A_141] : memref<256x256xf32, #tpu.memory_space<vmem>>, vector<256x256xf32>
      %dot_general3A_143 = arith.constant dense<0.000000e+00> : vector<64x256xf32>
      %dot_general3A_144 = tpu.matmul %concatenate3A, %get3A_142, %dot_general3A_143 {dimension_numbers = #tpu.dot_dimension_numbers<[1], [0], [0], [1], [0, 0, 1, 1], [], []>, transpose_lhs_hint = false} : vector<64x256xf32>, vector<256x256xf32>, vector<64x256xf32> -> vector<64x256xf32>
      %get3A_145 = arith.constant 0 : index
      %get3A_146 = arith.constant 0 : index
      %get3A_147 = vector.load %arg14[%get3A_145, %get3A_146] : memref<1x256xf32, #tpu.memory_space<vmem>>, vector<1x256xf32>
      %add3A_148 = vector.broadcast %get3A_147 : vector<1x256xf32> to vector<64x256xf32>
      %add3A_149 = arith.addf %dot_general3A_144, %add3A_148 : vector<64x256xf32>
      %ge3A_150 = arith.constant 0.000000e+00 : f32
      %ge3A_151 = vector.broadcast %ge3A_150 : f32 to vector<64x256xf32>
      %ge3A_152 = arith.cmpf oge, %add3A_149, %ge3A_151 : vector<64x256xf32>
      %mul3A_153 = arith.constant 0.00999999977 : f32
      %mul3A_154 = vector.broadcast %mul3A_153 : f32 to vector<64x256xf32>
      %mul3A_155 = arith.mulf %mul3A_154, %add3A_149 : vector<64x256xf32>
      %select_n3A_156 = arith.select %ge3A_152, %add3A_149, %mul3A_155 : vector<64x256xi1>, vector<64x256xf32>
      %get3A_157 = arith.constant 0 : index
      %get3A_158 = arith.constant 0 : index
      %get3A_159 = vector.load %arg15[%get3A_157, %get3A_158] : memref<256x64xf32, #tpu.memory_space<vmem>>, vector<256x64xf32>
      %dot_general3A_160 = arith.constant dense<0.000000e+00> : vector<64x64xf32>
      %dot_general3A_161 = tpu.matmul %select_n3A_156, %get3A_159, %dot_general3A_160 {dimension_numbers = #tpu.dot_dimension_numbers<[1], [0], [0], [1], [0, 0, 1, 1], [], []>, transpose_lhs_hint = false} : vector<64x256xf32>, vector<256x64xf32>, vector<64x64xf32> -> vector<64x64xf32>
      %get3A_162 = arith.constant 0 : index
      %get3A_163 = arith.constant 0 : index
      %get3A_164 = vector.load %arg16[%get3A_162, %get3A_163] : memref<1x64xf32, #tpu.memory_space<vmem>>, vector<1x64xf32>
      %add3A_165 = vector.broadcast %get3A_164 : vector<1x64xf32> to vector<64x64xf32>
      %add3A_166 = arith.addf %dot_general3A_161, %add3A_165 : vector<64x64xf32>
      %ge3A_167 = arith.constant 0.000000e+00 : f32
      %ge3A_168 = vector.broadcast %ge3A_167 : f32 to vector<64x64xf32>
      %ge3A_169 = arith.cmpf oge, %add3A_166, %ge3A_168 : vector<64x64xf32>
      %mul3A_170 = arith.constant 0.00999999977 : f32
      %mul3A_171 = vector.broadcast %mul3A_170 : f32 to vector<64x64xf32>
      %mul3A_172 = arith.mulf %mul3A_171, %add3A_166 : vector<64x64xf32>
      %select_n3A_173 = arith.select %ge3A_169, %add3A_166, %mul3A_172 : vector<64x64xi1>, vector<64x64xf32>
      %get3A_174 = arith.constant 0 : index
      %get3A_175 = arith.constant 0 : index
      %get3A_176 = vector.load %arg17[%get3A_174, %get3A_175] : memref<64x1xf32, #tpu.memory_space<vmem>>, vector<64x1xf32>
      %dot_general3A_177 = arith.constant dense<0.000000e+00> : vector<64x1xf32>
      %dot_general3A_178 = tpu.matmul %select_n3A_173, %get3A_176, %dot_general3A_177 {dimension_numbers = #tpu.dot_dimension_numbers<[1], [0], [0], [1], [0, 0, 1, 1], [], []>, transpose_lhs_hint = false} : vector<64x64xf32>, vector<64x1xf32>, vector<64x1xf32> -> vector<64x1xf32>
      %get3A_179 = arith.constant 0 : index
      %get3A_180 = arith.constant 0 : index
      %get3A_181 = vector.load %arg18[%get3A_179, %get3A_180] : memref<1x1xf32, #tpu.memory_space<vmem>>, vector<1x1xf32>
      %add3A_182 = vector.broadcast %get3A_181 : vector<1x1xf32> to vector<64x1xf32>
      %add3A_183 = arith.addf %dot_general3A_178, %add3A_182 : vector<64x1xf32>
      %neg3A = arith.constant 0.000000e+00 : f32
      %neg3A_184 = vector.broadcast %neg3A : f32 to vector<64x1xf32>
      %neg3A_185 = arith.subf %neg3A_184, %add3A_183 : vector<64x1xf32>
      %exp3A = math.exp %neg3A_185 : vector<64x1xf32>
      %add3A_186 = arith.constant 1.000000e+00 : f32
      %add3A_187 = vector.broadcast %add3A_186 : f32 to vector<64x1xf32>
      %add3A_188 = arith.addf %add3A_187, %exp3A : vector<64x1xf32>
      %div3A = arith.constant 1.000000e+00 : f32
      %div3A_189 = vector.broadcast %div3A : f32 to vector<64x1xf32>
      %div3A_190 = arith.divf %div3A_189, %add3A_188 : vector<64x1xf32>
      %swap3A = arith.constant 0 : index
      %swap3A_191 = arith.constant 0 : index
      %swap3A_192 = vector.load %arg19[%swap3A, %swap3A_191] : memref<64x1xf32, #tpu.memory_space<vmem>>, vector<64x1xf32>
      tpu.vector_store %arg19[%swap3A, %swap3A_191], %div3A_190 {strides = array<i32>} : memref<64x1xf32, #tpu.memory_space<vmem>>, vector<64x1xf32>,
    } else {
    }
    return
  }
  func.func @transform_0(%arg0: i32) -> (i32, i32) {
    %c0_i32 = arith.constant 0 : i32
    %c0_i32_0 = arith.constant 0 : i32
    return %arg0, %c0_i32 : i32, i32
  }
  func.func @transform_1(%arg0: i32) -> (i32, i32) {
    %c0_i32 = arith.constant 0 : i32
    %c0_i32_0 = arith.constant 0 : i32
    return %arg0, %c0_i32 : i32, i32
  }
  func.func @transform_2(%arg0: i32) -> (i32, i32) {
    %c0_i32 = arith.constant 0 : i32
    %c0_i32_0 = arith.constant 0 : i32
    return %arg0, %c0_i32 : i32, i32
  }
  func.func @transform_3(%arg0: i32) -> (i32, i32) {
    %c0_i32 = arith.constant 0 : i32
    %c0_i32_0 = arith.constant 0 : i32
    return %arg0, %c0_i32 : i32, i32
  }
  func.func @transform_4(%arg0: i32) -> (i32, i32) {
    %c0_i32 = arith.constant 0 : i32
    %c0_i32_0 = arith.constant 0 : i32
    return %arg0, %c0_i32 : i32, i32
  }
  func.func @transform_5(%arg0: i32) -> (i32, i32) {
    %c0_i32 = arith.constant 0 : i32
    %c0_i32_0 = arith.constant 0 : i32
    return %arg0, %c0_i32 : i32, i32
  }
  func.func @transform_6(%arg0: i32) -> (i32, i32) {
    %c0_i32 = arith.constant 0 : i32
    %c0_i32_0 = arith.constant 0 : i32
    %c0_i32_1 = arith.constant 0 : i32
    return %c0_i32, %c0_i32_0 : i32, i32
  }
  func.func @transform_7(%arg0: i32) -> (i32, i32) {
    %c0_i32 = arith.constant 0 : i32
    %c0_i32_0 = arith.constant 0 : i32
    %c0_i32_1 = arith.constant 0 : i32
    return %c0_i32, %c0_i32_0 : i32, i32
  }
  func.func @transform_8(%arg0: i32) -> (i32, i32) {
    %c0_i32 = arith.constant 0 : i32
    %c0_i32_0 = arith.constant 0 : i32
    %c0_i32_1 = arith.constant 0 : i32
    return %c0_i32, %c0_i32_0 : i32, i32
  }
  func.func @transform_9(%arg0: i32) -> (i32, i32) {
    %c0_i32 = arith.constant 0 : i32
    %c0_i32_0 = arith.constant 0 : i32
    %c0_i32_1 = arith.constant 0 : i32
    return %c0_i32, %c0_i32_0 : i32, i32
  }
  func.func @transform_10(%arg0: i32) -> (i32, i32) {
    %c0_i32 = arith.constant 0 : i32
    %c0_i32_0 = arith.constant 0 : i32
    %c0_i32_1 = arith.constant 0 : i32
    return %c0_i32, %c0_i32_0 : i32, i32
  }
  func.func @transform_11(%arg0: i32) -> (i32, i32) {
    %c0_i32 = arith.constant 0 : i32
    %c0_i32_0 = arith.constant 0 : i32
    %c0_i32_1 = arith.constant 0 : i32
    return %c0_i32, %c0_i32_0 : i32, i32
  }
  func.func @transform_12(%arg0: i32) -> (i32, i32) {
    %c0_i32 = arith.constant 0 : i32
    %c0_i32_0 = arith.constant 0 : i32
    %c0_i32_1 = arith.constant 0 : i32
    return %c0_i32, %c0_i32_0 : i32, i32
  }
  func.func @transform_13(%arg0: i32) -> (i32, i32) {
    %c0_i32 = arith.constant 0 : i32
    %c0_i32_0 = arith.constant 0 : i32
    %c0_i32_1 = arith.constant 0 : i32
    return %c0_i32, %c0_i32_0 : i32, i32
  }
  func.func @transform_14(%arg0: i32) -> (i32, i32) {
    %c0_i32 = arith.constant 0 : i32
    %c0_i32_0 = arith.constant 0 : i32
    %c0_i32_1 = arith.constant 0 : i32
    return %c0_i32, %c0_i32_0 : i32, i32
  }
  func.func @transform_15(%arg0: i32) -> (i32, i32) {
    %c0_i32 = arith.constant 0 : i32
    %c0_i32_0 = arith.constant 0 : i32
    %c0_i32_1 = arith.constant 0 : i32
    return %c0_i32, %c0_i32_0 : i32, i32
  }
  func.func @transform_16(%arg0: i32) -> (i32, i32) {
    %c0_i32 = arith.constant 0 : i32
    %c0_i32_0 = arith.constant 0 : i32
    %c0_i32_1 = arith.constant 0 : i32
    return %c0_i32, %c0_i32_0 : i32, i32
  }
  func.func @transform_17(%arg0: i32) -> (i32, i32) {
    %c0_i32 = arith.constant 0 : i32
    %c0_i32_0 = arith.constant 0 : i32
    %c0_i32_1 = arith.constant 0 : i32
    return %c0_i32, %c0_i32_0 : i32, i32
  }
  func.func @transform_18(%arg0: i32) -> (i32, i32) {
    %c0_i32 = arith.constant 0 : i32
    %c0_i32_0 = arith.constant 0 : i32
    %c0_i32_1 = arith.constant 0 : i32
    return %c0_i32, %c0_i32_0 : i32, i32
  }
}

</mosaic_0001>

<sc_bundles>
// kernel: kernel.6.cloned.1.call-start
scs
__scs_entry_jumppad:
0x0: {  	(pc) =	sbr.rel $0x88, $3  }
0x1: {  	(tag) =	ssettag $0x0;
	lr =	simm.s32 $0x1  }
0x2: {  	[smem:$0x3F8D] =	sst lr;
	_ =	strace $0xD0000000  }
0x3: {  	_ = 	snop  }
0x4: {  	_ = 	snop  }
0x5: {  	_ = 	snop  }
0x6: {  	_ = 	snop  }
0x7: {  	_ = 	snop  }
__scs_overlays_trampoline_lowered:
0x8: {  	[smem:$0x3F9C] =	sst s0  }
0x9: {  	[smem:$0x3F9D] =	sst s1  }
0xa: {  	[smem:$0x3F9E] =	sst s2  }
0xb: {  	[smem:$0x3F9F] =	sst s3  }
0xc: {  	[smem:$0x3FA0] =	sst s4  }
0xd: {  	[smem:$0x3FA1] =	sst s5  }
0xe: {  	[smem:$0x3FA2] =	sst s6  }
0xf: {  	[smem:$0x3FA3] =	sst s7  }
0x10: {  	[smem:$0x3FA4] =	sst s8  }
0x11: {  	[smem:$0x3FA5] =	sst s9;
	s0 =	simm.s32 @!p0 $0x0  }
0x12: {  	s1 =	sld [smem:$0x3F8B];
	s0 =	simm.s32 @p0 $0x1  }
0x13: {  	[smem:$0x3FA6] =	sst s0;
	s0 =	simm.s32 @!p1 $0x0  }
0x14: {  	s2 =	sld [smem:$0x3F8A];
	s0 =	simm.s32 @p1 $0x1  }
0x15: {  	[smem:$0x3FA7] =	sst s0;
	s0 =	simm.s32 @!p2 $0x0  }
0x16: {  	s3 =	sld [smem:$0x3FDB];
	s0 =	simm.s32 @p2 $0x1  }
0x17: {  	s4 =	simm.s32 $0x1BF5;
	[smem:$0x3FA9] =	sst s0  }
0x18: {  	s0 =	sld [smem:$0x3F8C];
	_ =	swait.ge [sflag:s4], $0x0  }
0x19: {  	s7 =	sld [smem:$0x3F8D]  }
0x1a: {  	s8 =	sadd.s32 $0xFFFFE003, lr  }
0x1b: {  	s9 =	sadd.s32 $0xFFFFFEF7, lr;
	s5 =	simm.s32 $0xFFFFFFFF;
	p2 =	slt.u32 s8, $0xFFFFF086  }
0x1c: {  	p1 =	slt.u32 s9, $0xF7A;
	s5 =	simm.s32 @!p2 $0x0  }
0x1d: {  	s5 =	simm.s32 @p1 $0x1;
	p0 =	seq.s32 s7, s2  }
0x1e: {  	s7 =	smul.u32 @!p0 $0xF7A, s2;
	p2 =	seq.s32 @!p0 s5, $0x0  }
0x1f: {  	s9 =	smul.u32 $0xF7A, s1;
	s8 =	simm.s32 @!p0 $0x1BF5;
	p2 =	por !p2, p0  }
0x20: {  	[sflag:s8] =	ssyncset.s32 @!p0 $0xFFFFF086;
	s6 =	sadd.s32 @!p0 s3, s7;
	s7 =	simm.s32 @!p0 $0x108  }
0x21: {  	s3 =	sadd.s32 s3, s9;
	s6 =	sadd.s32 @!p0 $0x88, s6;
	s7 =	simm.s32 @p2 $0x1082  }
0x22: {  	[simem:s7], [sflag:s8] =	dma.local @!p0 [hbm:s6], $0xF7A  }
0x23: {  	s9 =	sor.u32 $0xD0000000, s2;
	s6 =	simm.s32 $0x108;
	_ =	swait.ge @!p0 [sflag:s8], $0x0  }
0x24: {  	s3 =	sadd.s32 $0x88, s3;
	s6 =	simm.s32 @!p1 $0x1082;
	[sflag:s4] =	ssyncset.s32 $0xFFFFF086  }
0x25: {  	[simem:s6], [sflag:s4] =	dma.local [hbm:s3], $0xF7A  }
0x26: {  	[smem:$0x3F8D] =	sst s1;
	(tag) =	ssettag s2;
	_ =	strace s9  }
0x27: {  	s1 =	sld [smem:$0x3F9D]  }
0x28: {  	s2 =	sld [smem:$0x3F9E]  }
0x29: {  	s4 =	sld [smem:$0x3FA0]  }
0x2a: {  	p0 =	seq.s32 s5, $0x0;
	s5 =	sld [smem:$0x3FA1]  }
0x2b: {  	s6 =	sld [smem:$0x3FA2]  }
0x2c: {  	s7 =	sld [smem:$0x3FA3]  }
0x2d: {  	s3 =	simm.s32 $0x108;
	s8 =	sld [smem:$0x3FA4]  }
0x2e: {  	s3 =	simm.s32 @!p0 $0x1082;
	s9 =	sld [smem:$0x3FA5]  }
0x2f: {  	lr =	sadd.s32 s0, s3;
	s0 =	sld [smem:$0x3F9C]  }
0x30: {  	s3 =	sld [smem:$0x3F9F]  }
0x31: {  	[smem:$0x3FA8] =	sst s10  }
0x32: {  	s10 =	sld [smem:$0x3FA6];
	_ =	sdelay $0x3  }
0x33: {  	p0 =	seq.s32 s10, $0x1;
	s10 =	sld [smem:$0x3FA8];
	_ =	sdelay $0x3  }
0x34: {  	[smem:$0x3FA8] =	sst s10  }
0x35: {  	s10 =	sld [smem:$0x3FA7];
	_ =	sdelay $0x3  }
0x36: {  	p1 =	seq.s32 s10, $0x1;
	s10 =	sld [smem:$0x3FA8];
	_ =	sdelay $0x3  }
0x37: {  	[smem:$0x3FA8] =	sst s10  }
0x38: {  	s10 =	sld [smem:$0x3FA9]  }
0x39: {  	_ = 	snop;
	(pc) =	sbr.ind lr, $3  }
0x3a: {  	_ = 	snop  }
0x3b: {  	_ = 	snop  }
0x3c: {  	p2 =	seq.s32 s10, $0x1;
	s10 =	sld [smem:$0x3FA8]  }
0x3d: {  	_ =	shalt  }
0x3e: {  	_ =	shalt  }
0x3f: {  	_ =	shalt  }
0x40: {  	_ =	shalt  }
0x41: {  	_ =	shalt  }
0x42: {  	_ =	shalt  }
0x43: {  	_ =	shalt  }
0x44: {  	_ =	shalt  }
0x45: {  	_ =	shalt  }
0x46: {  	_ =	shalt  }
0x47: {  	_ =	shalt  }
0x48: {  	_ =	shalt  }
0x49: {  	_ =	shalt  }
0x4a: {  	_ =	shalt  }
0x4b: {  	_ =	shalt  }
0x4c: {  	_ =	shalt  }
0x4d: {  	_ =	shalt  }
0x4e: {  	_ =	shalt  }
0x4f: {  	_ =	shalt  }
0x50: {  	_ =	shalt  }
0x51: {  	_ =	shalt  }
0x52: {  	_ =	shalt  }
0x53: {  	_ =	shalt  }
0x54: {  	_ =	shalt  }
0x55: {  	_ =	shalt  }
0x56: {  	_ =	shalt  }
0x57: {  	_ =	shalt  }
0x58: {  	_ =	shalt  }
0x59: {  	_ =	shalt  }
0x5a: {  	_ =	shalt  }
0x5b: {  	_ =	shalt  }
0x5c: {  	_ =	shalt  }
0x5d: {  	_ =	shalt  }
0x5e: {  	_ =	shalt  }
0x5f: {  	_ =	shalt  }
0x60: {  	_ =	shalt  }
0x61: {  	_ =	shalt  }
0x62: {  	_ =	shalt  }
0x63: {  	_ =	shalt  }
0x64: {  	_ =	shalt  }
0x65: {  	_ =	shalt  }
0x66: {  	_ =	shalt  }
0x67: {  	_ =	shalt  }
0x68: {  	_ =	shalt  }
0x69: {  	_ =	shalt  }
0x6a: {  	_ =	shalt  }
0x6b: {  	_ =	shalt  }
0x6c: {  	_ =	shalt  }
0x6d: {  	_ =	shalt  }
0x6e: {  	_ =	shalt  }
0x6f: {  	_ =	shalt  }
0x70: {  	_ =	shalt  }
0x71: {  	_ =	shalt  }
0x72: {  	_ =	shalt  }
0x73: {  	_ =	shalt  }
0x74: {  	_ =	shalt  }
0x75: {  	_ =	shalt  }
0x76: {  	_ =	shalt  }
0x77: {  	_ =	shalt  }
0x78: {  	_ =	shalt  }
0x79: {  	_ =	shalt  }
0x7a: {  	_ =	shalt  }
0x7b: {  	_ =	shalt  }
0x7c: {  	_ =	shalt  }
0x7d: {  	_ =	shalt  }
0x7e: {  	_ =	shalt  }
0x7f: {  	_ =	shalt  }
0x80: {  	_ =	shalt  }
0x81: {  	_ =	shalt  }
0x82: {  	_ =	shalt  }
0x83: {  	_ =	shalt  }
0x84: {  	_ =	shalt  }
0x85: {  	_ =	shalt  }
0x86: {  	_ =	shalt  }
0x87: {  	_ =	shalt  }
.Lfunc_end0:
.L_simem_size_0:
called_computation_lowered:
.L_overlay_start_0:
0x88: {  	s2 =	sld [smem:$0x3FD9]  }
0x89: {  	s3 =	sld [smem:$0x3FFE];
	_ =	sdelay $0x1  }
0x8a: {  	s1 =	srdreg.scid  }
0x8b: {  	s0 =	sand.u32 $0x1, s1  }
0x8c: {  	s16 =	sshll.u32 s0, $0xA;
	s2 =	sadd.s32 s3, s2  }
0x8d: {  	s2 =	sadd.s32 s2, s16  }
0x8e: {  	[smem:$0x3FB4] =	sst s2  }
0x8f: {  	_ = 	snop  }
0x90: {  	(tm) =	ssettm $0x1  }
0x91: {  	s17 =	sld [smem:$0x3FFB];
	_ =	sdelay $0x3  }
0x92: {  	_ =	strace s17  }
0x93: {  	s2 =	sld [smem:$0x3FFC];
	_ =	sdelay $0x3  }
0x94: {  	_ =	strace s2  }
0x95: {  	s2 =	sld [smem:$0x3FFD];
	_ =	sdelay $0x3  }
0x96: {  	_ =	strace s2  }
0x97: {  	_ =	strace $0x8FFFFFFF  }
0x98: {  	s18 =	sld [smem:$0x3FDB];
	_ =	sdelay $0x1  }
0x99: {  	s19 =	simm.s32 $_scs_section_size  }
0x9a: {  	s4 =	simm.s32 $_size__tile_overlayer_lowered;
	s5 =	simm.s32 $_tile_overlayer_lowered  }
0x9b: {  	s22 =	simm.s32 $0x1BFF;
	s21 =	sshll.u32 s5, $0x1;
	s2 =	sadd.s32 s19, s18  }
0x9c: {  	s6 =	simm.s32 $0x0;
	s20 =	sshll.u32 s4, $0x1;
	s4 =	sadd.s32 s21, s2  }
0x9d: {  	[timem:s6], [sflag:s22] =	dma.local [hbm:s4], s20  }
0x9e: {  	_ =	swait.ge [sflag:s22], s20  }
0x9f: {  	s3 =	ssub.s32 $0x0, s20;
	[sflag:s22] =	ssyncset.done $0x0  }
0xa0: {  	[sflag:s22] =	ssyncadd.s32 s3;
	_ =	sdelay $0x1  }
0xa1: {  	s23 =	simm.s32 $0x1B8B  }
0xa2: {  	_ =	swait.ge [sflag:s23], $0x1  }
0xa3: {  	[sflag:s23] =	ssyncset.done $0x0  }
0xa4: {  	s25 =	simm.s32 $0x1B8E;
	s24 =	sld [smem:$0x3FFE];
	[sflag:s23] =	ssyncadd.s32 $0xFFFFFFFF  }
0xa5: {  	s26 =	simm.s32 $execute0_lowered;
	[smem:$0x3FD2] =	sst s25  }
0xa6: {  	s4 =	sshll.u32 s26, $0x1;
	_ =	strace $0x80000046;
	[dreg:$0x1] =	wrdreg $0xFFFFFFFF  }
0xa7: {  	s28 =	simm.s32 $_size_execute0_lowered;
	s2 =	sadd.s32 s2, s4;
	[dreg:$0x0] =	wrdreg $0x0  }
0xa8: {  	s4 =	sshll.u32 s28, $0x1;
	[dreg:$0x2] =	wrdreg s2  }
0xa9: {  	[dreg:$0x3] =	wrdreg s4  }
0xaa: {  	[dreg:$0x4] =	wrdreg $0xC0  }
0xab: {  	_ =	task [dreg:s6], $0x5FFFF  }
0xac: {  	[dreg:$0x1] =	wrdreg $0xFFFFFFFF  }
0xad: {  	[dreg:$0x0] =	wrdreg $0x60  }
0xae: {  	[dreg:$0x2] =	wrdreg s24  }
0xaf: {  	[dreg:$0x3] =	wrdreg $0x191000  }
0xb0: {  	[dreg:$0x4] =	wrdreg $0x9  }
0xb1: {  	_ =	task.clear_ibuf [dreg:s6], $0x5FFFF;
	_ =	strace $0x90000046  }
0xb2: {  	s29 =	simm.s32 $0x9;
	_ =	strace $0x80000048  }
0xb3: {  	_ =	swait.ge [sflag:s29], $0x1  }
0xb4: {  	[sflag:s29] =	ssyncadd.s32 $0xFFFFFFFF  }
0xb5: {  	_ =	strace $0x90000048  }
0xb6: {  	_ =	sfence  }
0xb7: {  	s30 =	sld [smem:$0x0];
	_ =	sdelay $0x2  }
0xb8: {  	s31 =	sshll.u32 s1, $0xD;
	s1 =	sshrl.u32 s1, $0x2  }
0xb9: {  	s3 =	sand.u32 $0x4000, s31;
	s1 =	sadd.s32 s1, s30  }
0xba: {  	s0 =	sor.u32 s3, s0;
	s1 =	sshll.u32 s1, $0x11  }
0xbb: {  	s0 =	sor.u32 s1, s0  }
0xbc: {  	s0 =	sadd.s32 $0x8F2B, s0  }
0xbd: {  	[sflag:s0] =	ssyncadd.remote.s32 $0x1  }
0xbe: {  	_ =	sfence.sel $0xFFFF  }
0xbf: {  	[dreg:$0x0] =	wrdreg $0xFFFFFFFF;
	(pc) =	sbr.abs _section_cstart, $3  }
0xc0: {  	[dreg:$0x1] =	wrdreg $0xFFFFFFFF  }
0xc1: {  	_ =	task.clear_ibuf [dreg:s6], $0x2FFFF;
	_ =	strace $0x9FFFFFFF  }
0xc2: {  	(tm) =	ssettm $0x7FFFFFFF  }
0xc3: {  	_ =	shalt  }
tec
execute0_lowered:
.L_overlay_start_1:
0x0: {  	(tag) =	ssettag $0x1  }
0x1: {  	s0 =	rddreg [dreg:$0x0]  }
0x2: {  	s8 =	rddreg [dreg:$0x1];
	s1 =	simm.s32 $0x0  }
0x3: {  	s2 =	stileid.u32;
	s5 =	srdreg.scid;
	s16 =	simm.s32 $0x80  }
0x4: {  	s17 =	simm.s32 $0x100;
	s18 =	simm.s32 $0x2;
	s19 =	simm.s32 $0x1  }
0x5: {  	s20 =	simm.s32 $0x400;
	s21 =	simm.s32 $0x1400;
	s22 =	simm.s32 $0x14000  }
0x6: {  	s23 =	simm.s32 $0x2900;
	[smem:$0x7FF] =	sst s1;
	s13 =	sadd.s32 $0x3A00, s0  }
0x7: {  	s14 =	sadd.s32 $0xEE00, s0;
	s3 =	sadd.s32 $0x1A200, s0;
	s6 =	smul.u32 $0x5A00, s2  }
0x8: {  	s4 =	sadd.s32 $0x42200, s0;
	s24 =	sand.u32 $0x1, s5;
	s25 =	sshll.u32 s2, $0x9  }
0x9: {  	s26 =	sshrl.u32 s2, $0x3;
	s29 =	sshll.u32 s2, $0x7;
	s11 =	smul.u32 $0x5000, s2  }
0xa: {  	s15 =	smul.u32 $0xB40, s2;
	_ =	strace $0x80000047;
	s7 =	ssub.s32 $0x2, s24  }
0xb: {  	s5 =	sand.u32 $0x200, s25;
	p0 =	seq.s32 s24, $0x1;
	s24 =	simm.s32 $0x5100  }
0xc: {  	s25 =	simm.s32 $0x0;
	s6 =	sand.u32 $0x7FC00, s6;
	s9 =	sshrl.u32 s7, $0x1  }
0xd: {  	s31 =	sshrl.u32 s11, $0x2;
	s5 =	sor.u32 s5, s6;
	s12 =	ssub.s32 s7, s9  }
0xe: {  	s6 =	smul.u32 $0x50000, s26;
	s7 =	sand.u32 $0x380, s29;
	s10 =	sshrl.u32 s5, $0x3  }
.Ltmp0:
0xf: {  	s12 =	smax.u32 s12, $0x1;
	s5 =	sadd.s32 s13, s10;
	(pc) =	sbr.rel .LBB2_1-.Ltmp0, $4  }
0x10: {  	s28 =	sor.u32 $0x10, s10;
	s30 =	sshrl.u32 s6, $0x2;
	s10 =	sadd.s32 s14, s10  }
0x11: {  	s6 =	sadd.s32 s13, s28;
	s9 =	sadd.s32 s30, s8;
	s8 =	sadd.s32 s31, s8  }
0x12: {  	s11 =	sadd.s32 s14, s28;
	s13 =	sadd.s32 s15, s13;
	s14 =	sadd.s32 s15, s14  }
0x13: {  	v0 =	vimm.f32 $0.0e+00;
	v1 =	vimm.f32 $1.000000000e+00;
	s15 =	simm.s32 $0x3;
	s7 =	sadd.s32 s7, s9;
	s9 =	smul.u32 $0x2800, s2  }
.LBB2_17:
0x14: {  	[tilespmem:s26+$0x0] =	vst v2  }
0x15: {  	[tilespmem:s26+$0x10] =	vst v2  }
0x16: {  	[tilespmem:s26+$0x20] =	vst v2  }
0x17: {  	[tilespmem:s26+$0x30] =	vst v2  }
0x18: {  	v2 =	vld.idx.msk [tilespmem:v3+s17+$0x0], $0xffff;
	_ =	sdelay $0x3  }
0x19: {  	s0 =	sadd.s32 $0x80, s26  }
0x1a: {  	[tilespmem:s0+$0xFFFFFFC0] =	vst v2  }
0x1b: {  	[tilespmem:s0+$0xFFFFFFD0] =	vst v2  }
0x1c: {  	[tilespmem:s0+$0xFFFFFFE0] =	vst v2  }
0x1d: {  	[tilespmem:s0+$0xFFFFFFF0] =	vst v2  }
0x1e: {  	[tilespmem:s0+$0x0] =	vst v2  }
0x1f: {  	[tilespmem:s0+$0x10] =	vst v2  }
0x20: {  	[tilespmem:s0+$0x20] =	vst v2  }
0x21: {  	[tilespmem:s0+$0x30] =	vst v2;
	s0 =	smov.u32 s4  }
.LBB2_18:
0x22: {  	s25 =	sadd.s32 $0x1, s25  }
0x23: {  	p1 =	sne.s32 s25, s12  }
.Ltmp1:
0x24: {  	s0 =	sadd.s32 s0, s9;
	(pc) =	sbr.rel @!p1 .LBB2_19-.Ltmp1, $4  }
0x25: {  	[hbm4b:s0+s1] =	stream.linear.scatter [tilespmem:s24], [sflag:$0x3], $0x14000, $0x38;
	[tilespmem:$0x1B900] =	vst v63  }
0x26: {  	_ =	swait.ge [sflag:s15], $0x14000  }
0x27: {  	[sflag:s15] =	ssyncset.done $0x0  }
0x28: {  	[sflag:s15] =	ssyncadd.s32 $0xFFFEC000  }
.LBB2_1:
.Ltmp2:
0x29: {  	(pc) =	sbr.rel @!p0 .LBB2_2-.Ltmp2, $2  }
0x2a: {  	_ =	sdelay $0x2  }
0x2b: {  	s26 =	simm.s32 $0x40;
	s0 =	simm.s32 $0x0  }
.LBB2_10:
0x2c: {  	p1 =	sne.s32 s26, $0x9FC0;
	[tilespmem:s0+$0x100] =	vst v0;
	s0 =	smov.u32 s26;
	s26 =	sadd.s32 $0x40, s26  }
.Ltmp3:
0x2d: {  	(pc) =	sbr.rel @p1 .LBB2_10-.Ltmp3, $2  }
0x2e: {  	_ =	sdelay $0x2  }
0x2f: {  	s0 =	sshra.s32 s0, $0x2  }
0x30: {  	[tilespmem:s0+$0x100] =	vst v0  }
0x31: {  	[tilespmem:s1], [sflag:$0x3] =	stream.linear.gather [hbm4b:s10+s1], $0x80, $0x38;
	[tilespmem:$0x1B900] =	vst v63  }
0x32: {  	_ =	swait.ge [sflag:s15], $0x80  }
0x33: {  	[sflag:s15] =	ssyncset.done $0x0  }
0x34: {  	s26 =	simm.s32 $0xFFFFF4E0;
	[sflag:s15] =	ssyncadd.s32 $0xFFFFFF80  }
0x35: {  	[tilespmem:s16], [sflag:$0x2] =	stream.linear.gather [hbm4b:s11+s1], $0x80, $0x38;
	[tilespmem:$0x1B900] =	vst v63  }
.LBB2_12:
0x36: {  	v2 =	vld [tilespmem:$0x0];
	_ =	sdelay $0x7  }
0x37: {  	[tilespmem:v2+s17+$0x0] =	vst.idx.add.f32.msk $0xffff, v1  }
0x38: {  	v2 =	vld [tilespmem:$0x10];
	_ =	sdelay $0x7  }
0x39: {  	[tilespmem:v2+s17+$0x0] =	vst.idx.add.f32.msk $0xffff, v1  }
0x3a: {  	v2 =	vld [tilespmem:$0x20];
	_ =	sdelay $0x7  }
0x3b: {  	[tilespmem:v2+s17+$0x0] =	vst.idx.add.f32.msk $0xffff, v1  }
0x3c: {  	v2 =	vld [tilespmem:$0x30];
	_ =	sdelay $0x7  }
0x3d: {  	[tilespmem:v2+s17+$0x0] =	vst.idx.add.f32.msk $0xffff, v1  }
0x3e: {  	v2 =	vld [tilespmem:$0x40];
	_ =	sdelay $0x7  }
0x3f: {  	[tilespmem:v2+s17+$0x0] =	vst.idx.add.f32.msk $0xffff, v1  }
0x40: {  	v2 =	vld [tilespmem:$0x50];
	_ =	sdelay $0x7  }
0x41: {  	[tilespmem:v2+s17+$0x0] =	vst.idx.add.f32.msk $0xffff, v1  }
0x42: {  	v2 =	vld [tilespmem:$0x60];
	_ =	sdelay $0x6  }
0x43: {  	s0 =	sadd.s32 s26, s14  }
0x44: {  	s28 =	sadd.s32 $0xB40, s0;
	[tilespmem:v2+s17+$0x0] =	vst.idx.add.f32.msk $0xffff, v1  }
0x45: {  	[tilespmem:s1], [sflag:$0x1] =	stream.linear.gather [hbm4b:s28+s1], $0x80, $0x38;
	[tilespmem:$0x1B900] =	vst v63  }
0x46: {  	_ =	swait.ge [sflag:s18], $0x80  }
0x47: {  	[sflag:s18] =	ssyncset.done $0x0  }
0x48: {  	[sflag:s18] =	ssyncadd.s32 $0xFFFFFF80  }
0x49: {  	v2 =	vld [tilespmem:$0x80];
	_ =	sdelay $0x7  }
0x4a: {  	[tilespmem:v2+s17+$0x0] =	vst.idx.add.f32.msk $0xffff, v1  }
0x4b: {  	v2 =	vld [tilespmem:$0x90];
	_ =	sdelay $0x7  }
0x4c: {  	[tilespmem:v2+s17+$0x0] =	vst.idx.add.f32.msk $0xffff, v1  }
0x4d: {  	v2 =	vld [tilespmem:$0xA0];
	_ =	sdelay $0x7  }
0x4e: {  	[tilespmem:v2+s17+$0x0] =	vst.idx.add.f32.msk $0xffff, v1  }
0x4f: {  	v2 =	vld [tilespmem:$0xB0];
	_ =	sdelay $0x7  }
0x50: {  	[tilespmem:v2+s17+$0x0] =	vst.idx.add.f32.msk $0xffff, v1  }
0x51: {  	v2 =	vld [tilespmem:$0xC0];
	_ =	sdelay $0x7  }
0x52: {  	[tilespmem:v2+s17+$0x0] =	vst.idx.add.f32.msk $0xffff, v1  }
0x53: {  	v2 =	vld [tilespmem:$0xD0];
	_ =	sdelay $0x7  }
0x54: {  	[tilespmem:v2+s17+$0x0] =	vst.idx.add.f32.msk $0xffff, v1  }
0x55: {  	v2 =	vld [tilespmem:$0xE0];
	_ =	sdelay $0x6  }
0x56: {  	p1 =	sne.s32 s26, $0xFFFFFFE0  }
.Ltmp4:
0x57: {  	s0 =	sadd.s32 $0xB50, s0;
	[tilespmem:v2+s17+$0x0] =	vst.idx.add.f32.msk $0xffff, v1;
	(pc) =	sbr.rel @p1 .LBB2_12-.Ltmp4, $4  }
0x58: {  	[tilespmem:s16], [sflag:$0x2] =	stream.linear.gather [hbm4b:s0+s1], $0x80, $0x38;
	[tilespmem:$0x1B900] =	vst v63  }
0x59: {  	_ =	swait.ge [sflag:s19], $0x80  }
0x5a: {  	[sflag:s19] =	ssyncset.done $0x0  }
0x5b: {  	s26 =	sadd.s32 $0x20, s26;
	[sflag:s19] =	ssyncadd.s32 $0xFFFFFF80  }
0x5c: {  	v2 =	vld [tilespmem:$0x0];
	_ =	sdelay $0x6  }
0x5d: {  	s26 =	simm.s32 $0x100  }
0x5e: {  	[tilespmem:v2+s26+$0x0] =	vst.idx.add.f32.msk $0xffff, v1  }
0x5f: {  	v2 =	vld [tilespmem:$0x10];
	_ =	sdelay $0x7  }
0x60: {  	[tilespmem:v2+s26+$0x0] =	vst.idx.add.f32.msk $0xffff, v1  }
0x61: {  	v2 =	vld [tilespmem:$0x20];
	_ =	sdelay $0x7  }
0x62: {  	[tilespmem:v2+s26+$0x0] =	vst.idx.add.f32.msk $0xffff, v1  }
0x63: {  	v2 =	vld [tilespmem:$0x30];
	_ =	sdelay $0x7  }
0x64: {  	[tilespmem:v2+s26+$0x0] =	vst.idx.add.f32.msk $0xffff, v1  }
0x65: {  	v2 =	vld [tilespmem:$0x40];
	_ =	sdelay $0x7  }
0x66: {  	[tilespmem:v2+s26+$0x0] =	vst.idx.add.f32.msk $0xffff, v1  }
0x67: {  	v2 =	vld [tilespmem:$0x50];
	_ =	sdelay $0x7  }
0x68: {  	[tilespmem:v2+s26+$0x0] =	vst.idx.add.f32.msk $0xffff, v1  }
0x69: {  	v2 =	vld [tilespmem:$0x60];
	_ =	sdelay $0x7  }
0x6a: {  	[tilespmem:v2+s26+$0x0] =	vst.idx.add.f32.msk $0xffff, v1  }
0x6b: {  	_ =	swait.ge [sflag:s18], $0x80  }
0x6c: {  	[sflag:s18] =	ssyncset.done $0x0  }
0x6d: {  	[sflag:s18] =	ssyncadd.s32 $0xFFFFFF80  }
0x6e: {  	v2 =	vld [tilespmem:$0x80];
	_ =	sdelay $0x7  }
0x6f: {  	[tilespmem:v2+s26+$0x0] =	vst.idx.add.f32.msk $0xffff, v1  }
0x70: {  	v2 =	vld [tilespmem:$0x90];
	_ =	sdelay $0x7  }
0x71: {  	[tilespmem:v2+s26+$0x0] =	vst.idx.add.f32.msk $0xffff, v1  }
0x72: {  	v2 =	vld [tilespmem:$0xA0];
	_ =	sdelay $0x7  }
0x73: {  	[tilespmem:v2+s26+$0x0] =	vst.idx.add.f32.msk $0xffff, v1  }
0x74: {  	v2 =	vld [tilespmem:$0xB0];
	_ =	sdelay $0x7  }
0x75: {  	[tilespmem:v2+s26+$0x0] =	vst.idx.add.f32.msk $0xffff, v1  }
0x76: {  	v2 =	vld [tilespmem:$0xC0];
	_ =	sdelay $0x7  }
0x77: {  	[tilespmem:v2+s26+$0x0] =	vst.idx.add.f32.msk $0xffff, v1  }
0x78: {  	v2 =	vld [tilespmem:$0xD0];
	_ =	sdelay $0x7  }
0x79: {  	[tilespmem:v2+s26+$0x0] =	vst.idx.add.f32.msk $0xffff, v1  }
0x7a: {  	v2 =	vld [tilespmem:$0xE0];
	_ =	sdelay $0x7  }
0x7b: {  	[tilespmem:v2+s26+$0x0] =	vst.idx.add.f32.msk $0xffff, v1  }
0x7c: {  	[spmem:s7] =	stream.strided.scatter [tilespmem:s26], [sflag:$0x3], $0x2800, s20, s16, $0x38;
	[tilespmem:$0x1B900] =	vst v63  }
0x7d: {  	_ =	swait.ge [sflag:s15], $0x2800  }
0x7e: {  	[sflag:s15] =	ssyncset.done $0x0  }
0x7f: {  	[sflag:s15] =	ssyncadd.s32 $0xFFFFD800  }
0x80: {  	[bflag:$0x0] =	sbarrier.arrive $0xFFFF  }
0x81: {  	[tilespmem:s23], [sflag:$0x3] =	stream.strided.gather [spmem:s8], $0x2800, s22, s21, $0x38;
	[tilespmem:$0x1B900] =	vst v63  }
0x82: {  	s28 =	simm.s32 $0x0;
	_ =	swait.ge [sflag:s15], $0x2800  }
0x83: {  	s0 =	sand.u32 $0x70, s28;
	s29 =	sand.u32 $0x1C00, s28;
	[sflag:s15] =	ssyncset.done $0x0  }
0x84: {  	s0 =	sor.u32 s0, s29;
	[sflag:s15] =	ssyncadd.s32 $0xFFFFD800  }
0x85: {  	v2 =	vld [tilespmem:s0+$0x2900];
	_ =	sdelay $0x1  }
0x86: {  	v3 =	vld [tilespmem:s0+$0x2980];
	_ =	sdelay $0x1  }
0x87: {  	v4 =	vld [tilespmem:s0+$0x2A00]  }
0x88: {  	v2 =	vadd.f32 $0.0e+00, v2  }
0x89: {  	v5 =	vld [tilespmem:s0+$0x2A80]  }
0x8a: {  	v2 =	vadd.f32 v3, v2  }
0x8b: {  	v3 =	vld [tilespmem:s0+$0x2B00]  }
0x8c: {  	v2 =	vadd.f32 v4, v2  }
0x8d: {  	v56 =	vld [tilespmem:s0+$0x2B80]  }
0x8e: {  	v2 =	vadd.f32 v5, v2  }
0x8f: {  	v57 =	vld [tilespmem:s0+$0x2C00]  }
0x90: {  	v2 =	vadd.f32 v3, v2  }
0x91: {  	v3 =	vld [tilespmem:s0+$0x2C80]  }
0x92: {  	v2 =	vadd.f32 v56, v2  }
0x93: {  	v58 =	vld [tilespmem:s0+$0x3D00]  }
0x94: {  	v2 =	vadd.f32 v57, v2  }
0x95: {  	v59 =	vld [tilespmem:s0+$0x3D80]  }
0x96: {  	v2 =	vadd.f32 v3, v2  }
0x97: {  	v3 =	vld [tilespmem:s0+$0x3E00]  }
0x98: {  	v2 =	vadd.f32 v58, v2  }
0x99: {  	v60 =	vld [tilespmem:s0+$0x3E80]  }
0x9a: {  	v2 =	vadd.f32 v59, v2  }
0x9b: {  	v61 =	vld [tilespmem:s0+$0x3F00]  }
0x9c: {  	v2 =	vadd.f32 v3, v2  }
0x9d: {  	v3 =	vld [tilespmem:s0+$0x3F80]  }
0x9e: {  	v2 =	vadd.f32 v60, v2  }
0x9f: {  	v62 =	vld [tilespmem:s0+$0x4000]  }
0xa0: {  	v2 =	vadd.f32 v61, v2  }
0xa1: {  	v63 =	vld [tilespmem:s0+$0x4080]  }
0xa2: {  	v2 =	vadd.f32 v3, v2;
	_ =	sdelay $0x1  }
0xa3: {  	v2 =	vadd.f32 v62, v2;
	_ =	sdelay $0x1  }
0xa4: {  	s29 =	simm.s32 $0x80;
	s0 =	simm.s32 $0x10;
	v2 =	vadd.f32 v63, v2  }
0xa5: {  	s30 =	simm.s32 $0x20;
	s31 =	sand.u32 $0x70, s0;
	s0 =	sand.u32 $0x1C00, s29  }
.LBB2_14:
0xa6: {  	p1 =	sne.s32 s30, $0x270;
	s0 =	sor.u32 s31, s0;
	[tilespmem:s26+$0x0] =	vst v2  }
0xa7: {  	v2 =	vld [tilespmem:s0+$0x2900];
	_ =	sdelay $0x1  }
0xa8: {  	v3 =	vld [tilespmem:s0+$0x2980];
	_ =	sdelay $0x1  }
0xa9: {  	v4 =	vld [tilespmem:s0+$0x2A00]  }
0xaa: {  	v2 =	vadd.f32 $0.0e+00, v2  }
0xab: {  	v5 =	vld [tilespmem:s0+$0x2A80]  }
0xac: {  	v2 =	vadd.f32 v3, v2  }
0xad: {  	v3 =	vld [tilespmem:s0+$0x2B00]  }
0xae: {  	v2 =	vadd.f32 v4, v2  }
0xaf: {  	v4 =	vld [tilespmem:s0+$0x2B80]  }
0xb0: {  	v2 =	vadd.f32 v5, v2  }
0xb1: {  	v5 =	vld [tilespmem:s0+$0x2C00]  }
0xb2: {  	v2 =	vadd.f32 v3, v2  }
0xb3: {  	v3 =	vld [tilespmem:s0+$0x2C80]  }
0xb4: {  	v2 =	vadd.f32 v4, v2  }
0xb5: {  	v4 =	vld [tilespmem:s0+$0x3D00]  }
0xb6: {  	v2 =	vadd.f32 v5, v2  }
0xb7: {  	v5 =	vld [tilespmem:s0+$0x3D80]  }
0xb8: {  	v2 =	vadd.f32 v3, v2  }
0xb9: {  	v3 =	vld [tilespmem:s0+$0x3E00]  }
0xba: {  	v2 =	vadd.f32 v4, v2  }
0xbb: {  	v4 =	vld [tilespmem:s0+$0x3E80]  }
0xbc: {  	v2 =	vadd.f32 v5, v2  }
0xbd: {  	v5 =	vld [tilespmem:s0+$0x3F00]  }
0xbe: {  	v2 =	vadd.f32 v3, v2  }
0xbf: {  	v3 =	vld [tilespmem:s0+$0x3F80]  }
0xc0: {  	v2 =	vadd.f32 v4, v2  }
0xc1: {  	v4 =	vld [tilespmem:s0+$0x4000]  }
0xc2: {  	v2 =	vadd.f32 v5, v2  }
0xc3: {  	v5 =	vld [tilespmem:s0+$0x4080]  }
0xc4: {  	v2 =	vadd.f32 v3, v2  }
.Ltmp5:
0xc5: {  	(pc) =	sbr.rel @p1 .LBB2_14-.Ltmp5, $3  }
0xc6: {  	v2 =	vadd.f32 v4, v2;
	_ =	sdelay $0x1  }
0xc7: {  	s29 =	sadd.s32 $0x80, s29;
	s26 =	sadd.s32 $0x10, s26;
	v2 =	vadd.f32 v5, v2  }
0xc8: {  	s31 =	sand.u32 $0x70, s30;
	s30 =	sadd.s32 $0x10, s30;
	s0 =	sand.u32 $0x1C00, s29  }
0xc9: {  	s0 =	sor.u32 s31, s0;
	[tilespmem:s26+$0x0] =	vst v2  }
0xca: {  	v2 =	vld [tilespmem:s0+$0x2900];
	_ =	sdelay $0x1  }
0xcb: {  	v3 =	vld [tilespmem:s0+$0x2980];
	_ =	sdelay $0x1  }
0xcc: {  	v4 =	vld [tilespmem:s0+$0x2A00]  }
0xcd: {  	v2 =	vadd.f32 $0.0e+00, v2  }
0xce: {  	v5 =	vld [tilespmem:s0+$0x2A80]  }
0xcf: {  	v2 =	vadd.f32 v3, v2  }
0xd0: {  	v3 =	vld [tilespmem:s0+$0x2B00]  }
0xd1: {  	v2 =	vadd.f32 v4, v2  }
0xd2: {  	v4 =	vld [tilespmem:s0+$0x2B80]  }
0xd3: {  	v2 =	vadd.f32 v5, v2  }
0xd4: {  	v5 =	vld [tilespmem:s0+$0x2C00]  }
0xd5: {  	v2 =	vadd.f32 v3, v2  }
0xd6: {  	v3 =	vld [tilespmem:s0+$0x2C80]  }
0xd7: {  	v2 =	vadd.f32 v4, v2  }
0xd8: {  	v4 =	vld [tilespmem:s0+$0x3D00]  }
0xd9: {  	v2 =	vadd.f32 v5, v2  }
0xda: {  	v5 =	vld [tilespmem:s0+$0x3D80]  }
0xdb: {  	v2 =	vadd.f32 v3, v2  }
0xdc: {  	v3 =	vld [tilespmem:s0+$0x3E00]  }
0xdd: {  	v2 =	vadd.f32 v4, v2  }
0xde: {  	v4 =	vld [tilespmem:s0+$0x3E80]  }
0xdf: {  	v2 =	vadd.f32 v5, v2  }
0xe0: {  	v5 =	vld [tilespmem:s0+$0x3F00]  }
0xe1: {  	v2 =	vadd.f32 v3, v2  }
0xe2: {  	v3 =	vld [tilespmem:s0+$0x3F80]  }
0xe3: {  	v2 =	vadd.f32 v4, v2  }
0xe4: {  	v4 =	vld [tilespmem:s0+$0x4000]  }
0xe5: {  	v2 =	vadd.f32 v5, v2  }
0xe6: {  	v5 =	vld [tilespmem:s0+$0x4080]  }
0xe7: {  	v2 =	vadd.f32 v3, v2;
	_ =	sdelay $0x1  }
0xe8: {  	v3 =	vmov s28;
	v2 =	vadd.f32 v4, v2;
	_ =	sdelay $0x1  }
0xe9: {  	v2 =	vadd.f32 v5, v2  }
0xea: {  	s30 =	sadd.s32 $0x10, s26  }
0xeb: {  	[tilespmem:s30+$0x0] =	vst v2  }
0xec: {  	v2 =	vld.idx.msk [tilespmem:v3+s17+$0x0], $0xffff;
	_ =	sdelay $0x3  }
0xed: {  	s26 =	simm.s32 $0x5140  }
0xee: {  	[tilespmem:s26+$0xFFFFFFC0] =	vst v2  }
0xef: {  	[tilespmem:s26+$0xFFFFFFD0] =	vst v2  }
0xf0: {  	s31 =	simm.s32 $0x1;
	[tilespmem:s26+$0xFFFFFFE0] =	vst v2  }
0xf1: {  	s28 =	simm.s32 $0x2;
	v3 =	vmov s31;
	[tilespmem:s26+$0xFFFFFFF0] =	vst v2  }
.LBB2_16:
0xf2: {  	p1 =	sne.s32 s28, $0x27F;
	[tilespmem:s26+$0x0] =	vst v2  }
0xf3: {  	[tilespmem:s26+$0x10] =	vst v2  }
0xf4: {  	[tilespmem:s26+$0x20] =	vst v2  }
0xf5: {  	[tilespmem:s26+$0x30] =	vst v2  }
0xf6: {  	v2 =	vld.idx.msk [tilespmem:v3+s17+$0x0], $0xffff;
	_ =	sdelay $0x4  }
.Ltmp6:
0xf7: {  	s26 =	sadd.s32 $0x80, s26;
	(pc) =	sbr.rel @p1 .LBB2_16-.Ltmp6, $4  }
0xf8: {  	[tilespmem:s26+$0xFFFFFFC0] =	vst v2  }
0xf9: {  	[tilespmem:s26+$0xFFFFFFD0] =	vst v2  }
0xfa: {  	[tilespmem:s26+$0xFFFFFFE0] =	vst v2  }
0xfb: {  	v3 =	vmov s28;
	s28 =	sadd.s32 $0x1, s28;
	[tilespmem:s26+$0xFFFFFFF0] =	vst v2  }
.Ltmp7:
0xfc: {  	_ = 	snop;
	(pc) =	sbr.rel .LBB2_17-.Ltmp7, $1  }
0xfd: {  	_ =	sdelay $0x3  }
.LBB2_2:
0xfe: {  	p1 =	sne.s32 s26, $0x9FC0;
	[tilespmem:s0+$0x100] =	vst v0;
	s0 =	smov.u32 s26;
	s26 =	sadd.s32 $0x40, s26  }
.Ltmp8:
0xff: {  	(pc) =	sbr.rel @p1 .LBB2_2-.Ltmp8, $2  }
0x100: {  	_ =	sdelay $0x2  }
0x101: {  	s0 =	sshra.s32 s0, $0x2  }
0x102: {  	[tilespmem:s0+$0x100] =	vst v0  }
0x103: {  	[tilespmem:s1], [sflag:$0x3] =	stream.linear.gather [hbm4b:s5+s1], $0x80, $0x38;
	[tilespmem:$0x1B900] =	vst v63  }
0x104: {  	_ =	swait.ge [sflag:s15], $0x80  }
0x105: {  	[sflag:s15] =	ssyncset.done $0x0  }
0x106: {  	s26 =	simm.s32 $0xFFFFF4E0;
	[sflag:s15] =	ssyncadd.s32 $0xFFFFFF80  }
0x107: {  	[tilespmem:s16], [sflag:$0x2] =	stream.linear.gather [hbm4b:s6+s1], $0x80, $0x38;
	[tilespmem:$0x1B900] =	vst v63  }
.LBB2_4:
0x108: {  	v2 =	vld [tilespmem:$0x0];
	_ =	sdelay $0x7  }
0x109: {  	[tilespmem:v2+s17+$0x0] =	vst.idx.add.f32.msk $0xffff, v1  }
0x10a: {  	v2 =	vld [tilespmem:$0x10];
	_ =	sdelay $0x7  }
0x10b: {  	[tilespmem:v2+s17+$0x0] =	vst.idx.add.f32.msk $0xffff, v1  }
0x10c: {  	v2 =	vld [tilespmem:$0x20];
	_ =	sdelay $0x7  }
0x10d: {  	[tilespmem:v2+s17+$0x0] =	vst.idx.add.f32.msk $0xffff, v1  }
0x10e: {  	v2 =	vld [tilespmem:$0x30];
	_ =	sdelay $0x7  }
0x10f: {  	[tilespmem:v2+s17+$0x0] =	vst.idx.add.f32.msk $0xffff, v1  }
0x110: {  	v2 =	vld [tilespmem:$0x40];
	_ =	sdelay $0x7  }
0x111: {  	[tilespmem:v2+s17+$0x0] =	vst.idx.add.f32.msk $0xffff, v1  }
0x112: {  	v2 =	vld [tilespmem:$0x50];
	_ =	sdelay $0x7  }
0x113: {  	[tilespmem:v2+s17+$0x0] =	vst.idx.add.f32.msk $0xffff, v1  }
0x114: {  	v2 =	vld [tilespmem:$0x60];
	_ =	sdelay $0x6  }
0x115: {  	s0 =	sadd.s32 s26, s13  }
0x116: {  	s28 =	sadd.s32 $0xB40, s0;
	[tilespmem:v2+s17+$0x0] =	vst.idx.add.f32.msk $0xffff, v1  }
0x117: {  	[tilespmem:s1], [sflag:$0x1] =	stream.linear.gather [hbm4b:s28+s1], $0x80, $0x38;
	[tilespmem:$0x1B900] =	vst v63  }
0x118: {  	_ =	swait.ge [sflag:s18], $0x80  }
0x119: {  	[sflag:s18] =	ssyncset.done $0x0  }
0x11a: {  	[sflag:s18] =	ssyncadd.s32 $0xFFFFFF80  }
0x11b: {  	v2 =	vld [tilespmem:$0x80];
	_ =	sdelay $0x7  }
0x11c: {  	[tilespmem:v2+s17+$0x0] =	vst.idx.add.f32.msk $0xffff, v1  }
0x11d: {  	v2 =	vld [tilespmem:$0x90];
	_ =	sdelay $0x7  }
0x11e: {  	[tilespmem:v2+s17+$0x0] =	vst.idx.add.f32.msk $0xffff, v1  }
0x11f: {  	v2 =	vld [tilespmem:$0xA0];
	_ =	sdelay $0x7  }
0x120: {  	[tilespmem:v2+s17+$0x0] =	vst.idx.add.f32.msk $0xffff, v1  }
0x121: {  	v2 =	vld [tilespmem:$0xB0];
	_ =	sdelay $0x7  }
0x122: {  	[tilespmem:v2+s17+$0x0] =	vst.idx.add.f32.msk $0xffff, v1  }
0x123: {  	v2 =	vld [tilespmem:$0xC0];
	_ =	sdelay $0x7  }
0x124: {  	[tilespmem:v2+s17+$0x0] =	vst.idx.add.f32.msk $0xffff, v1  }
0x125: {  	v2 =	vld [tilespmem:$0xD0];
	_ =	sdelay $0x7  }
0x126: {  	[tilespmem:v2+s17+$0x0] =	vst.idx.add.f32.msk $0xffff, v1  }
0x127: {  	v2 =	vld [tilespmem:$0xE0];
	_ =	sdelay $0x6  }
0x128: {  	p1 =	sne.s32 s26, $0xFFFFFFE0  }
.Ltmp9:
0x129: {  	s0 =	sadd.s32 $0xB50, s0;
	[tilespmem:v2+s17+$0x0] =	vst.idx.add.f32.msk $0xffff, v1;
	(pc) =	sbr.rel @p1 .LBB2_4-.Ltmp9, $4  }
0x12a: {  	[tilespmem:s16], [sflag:$0x2] =	stream.linear.gather [hbm4b:s0+s1], $0x80, $0x38;
	[tilespmem:$0x1B900] =	vst v63  }
0x12b: {  	_ =	swait.ge [sflag:s19], $0x80  }
0x12c: {  	[sflag:s19] =	ssyncset.done $0x0  }
0x12d: {  	s26 =	sadd.s32 $0x20, s26;
	[sflag:s19] =	ssyncadd.s32 $0xFFFFFF80  }
0x12e: {  	v2 =	vld [tilespmem:$0x0];
	_ =	sdelay $0x6  }
0x12f: {  	s26 =	simm.s32 $0x100  }
0x130: {  	[tilespmem:v2+s26+$0x0] =	vst.idx.add.f32.msk $0xffff, v1  }
0x131: {  	v2 =	vld [tilespmem:$0x10];
	_ =	sdelay $0x7  }
0x132: {  	[tilespmem:v2+s26+$0x0] =	vst.idx.add.f32.msk $0xffff, v1  }
0x133: {  	v2 =	vld [tilespmem:$0x20];
	_ =	sdelay $0x7  }
0x134: {  	[tilespmem:v2+s26+$0x0] =	vst.idx.add.f32.msk $0xffff, v1  }
0x135: {  	v2 =	vld [tilespmem:$0x30];
	_ =	sdelay $0x7  }
0x136: {  	[tilespmem:v2+s26+$0x0] =	vst.idx.add.f32.msk $0xffff, v1  }
0x137: {  	v2 =	vld [tilespmem:$0x40];
	_ =	sdelay $0x7  }
0x138: {  	[tilespmem:v2+s26+$0x0] =	vst.idx.add.f32.msk $0xffff, v1  }
0x139: {  	v2 =	vld [tilespmem:$0x50];
	_ =	sdelay $0x7  }
0x13a: {  	[tilespmem:v2+s26+$0x0] =	vst.idx.add.f32.msk $0xffff, v1  }
0x13b: {  	v2 =	vld [tilespmem:$0x60];
	_ =	sdelay $0x7  }
0x13c: {  	[tilespmem:v2+s26+$0x0] =	vst.idx.add.f32.msk $0xffff, v1  }
0x13d: {  	_ =	swait.ge [sflag:s18], $0x80  }
0x13e: {  	[sflag:s18] =	ssyncset.done $0x0  }
0x13f: {  	[sflag:s18] =	ssyncadd.s32 $0xFFFFFF80  }
0x140: {  	v2 =	vld [tilespmem:$0x80];
	_ =	sdelay $0x7  }
0x141: {  	[tilespmem:v2+s26+$0x0] =	vst.idx.add.f32.msk $0xffff, v1  }
0x142: {  	v2 =	vld [tilespmem:$0x90];
	_ =	sdelay $0x7  }
0x143: {  	[tilespmem:v2+s26+$0x0] =	vst.idx.add.f32.msk $0xffff, v1  }
0x144: {  	v2 =	vld [tilespmem:$0xA0];
	_ =	sdelay $0x7  }
0x145: {  	[tilespmem:v2+s26+$0x0] =	vst.idx.add.f32.msk $0xffff, v1  }
0x146: {  	v2 =	vld [tilespmem:$0xB0];
	_ =	sdelay $0x7  }
0x147: {  	[tilespmem:v2+s26+$0x0] =	vst.idx.add.f32.msk $0xffff, v1  }
0x148: {  	v2 =	vld [tilespmem:$0xC0];
	_ =	sdelay $0x7  }
0x149: {  	[tilespmem:v2+s26+$0x0] =	vst.idx.add.f32.msk $0xffff, v1  }
0x14a: {  	v2 =	vld [tilespmem:$0xD0];
	_ =	sdelay $0x7  }
0x14b: {  	[tilespmem:v2+s26+$0x0] =	vst.idx.add.f32.msk $0xffff, v1  }
0x14c: {  	v2 =	vld [tilespmem:$0xE0];
	_ =	sdelay $0x7  }
0x14d: {  	[tilespmem:v2+s26+$0x0] =	vst.idx.add.f32.msk $0xffff, v1  }
0x14e: {  	[spmem:s7] =	stream.strided.scatter [tilespmem:s26], [sflag:$0x3], $0x2800, s20, s16, $0x38;
	[tilespmem:$0x1B900] =	vst v63  }
0x14f: {  	_ =	swait.ge [sflag:s15], $0x2800  }
0x150: {  	[sflag:s15] =	ssyncset.done $0x0  }
0x151: {  	[sflag:s15] =	ssyncadd.s32 $0xFFFFD800  }
0x152: {  	[bflag:$0x0] =	sbarrier.arrive $0xFFFF  }
0x153: {  	[tilespmem:s23], [sflag:$0x3] =	stream.strided.gather [spmem:s8], $0x2800, s22, s21, $0x38;
	[tilespmem:$0x1B900] =	vst v63  }
0x154: {  	s28 =	simm.s32 $0x0;
	_ =	swait.ge [sflag:s15], $0x2800  }
0x155: {  	s0 =	sand.u32 $0x70, s28;
	s29 =	sand.u32 $0x1C00, s28;
	[sflag:s15] =	ssyncset.done $0x0  }
0x156: {  	s0 =	sor.u32 s0, s29;
	[sflag:s15] =	ssyncadd.s32 $0xFFFFD800  }
0x157: {  	v2 =	vld [tilespmem:s0+$0x2900];
	_ =	sdelay $0x1  }
0x158: {  	v3 =	vld [tilespmem:s0+$0x2980];
	_ =	sdelay $0x1  }
0x159: {  	v4 =	vld [tilespmem:s0+$0x2A00]  }
0x15a: {  	v2 =	vadd.f32 $0.0e+00, v2  }
0x15b: {  	v5 =	vld [tilespmem:s0+$0x2A80]  }
0x15c: {  	v2 =	vadd.f32 v3, v2  }
0x15d: {  	v3 =	vld [tilespmem:s0+$0x2B00]  }
0x15e: {  	v2 =	vadd.f32 v4, v2  }
0x15f: {  	v56 =	vld [tilespmem:s0+$0x2B80]  }
0x160: {  	v2 =	vadd.f32 v5, v2  }
0x161: {  	v57 =	vld [tilespmem:s0+$0x2C00]  }
0x162: {  	v2 =	vadd.f32 v3, v2  }
0x163: {  	v3 =	vld [tilespmem:s0+$0x2C80]  }
0x164: {  	v2 =	vadd.f32 v56, v2  }
0x165: {  	v58 =	vld [tilespmem:s0+$0x3D00]  }
0x166: {  	v2 =	vadd.f32 v57, v2  }
0x167: {  	v59 =	vld [tilespmem:s0+$0x3D80]  }
0x168: {  	v2 =	vadd.f32 v3, v2  }
0x169: {  	v3 =	vld [tilespmem:s0+$0x3E00]  }
0x16a: {  	v2 =	vadd.f32 v58, v2  }
0x16b: {  	v60 =	vld [tilespmem:s0+$0x3E80]  }
0x16c: {  	v2 =	vadd.f32 v59, v2  }
0x16d: {  	v61 =	vld [tilespmem:s0+$0x3F00]  }
0x16e: {  	v2 =	vadd.f32 v3, v2  }
0x16f: {  	v3 =	vld [tilespmem:s0+$0x3F80]  }
0x170: {  	v2 =	vadd.f32 v60, v2  }
0x171: {  	v62 =	vld [tilespmem:s0+$0x4000]  }
0x172: {  	v2 =	vadd.f32 v61, v2  }
0x173: {  	v63 =	vld [tilespmem:s0+$0x4080]  }
0x174: {  	v2 =	vadd.f32 v3, v2;
	_ =	sdelay $0x1  }
0x175: {  	v2 =	vadd.f32 v62, v2;
	_ =	sdelay $0x1  }
0x176: {  	s29 =	simm.s32 $0x80;
	s0 =	simm.s32 $0x10;
	v2 =	vadd.f32 v63, v2  }
0x177: {  	s30 =	simm.s32 $0x20;
	s31 =	sand.u32 $0x70, s0;
	s0 =	sand.u32 $0x1C00, s29  }
.LBB2_6:
0x178: {  	p1 =	sne.s32 s30, $0x270;
	s0 =	sor.u32 s31, s0;
	[tilespmem:s26+$0x0] =	vst v2  }
0x179: {  	v2 =	vld [tilespmem:s0+$0x2900];
	_ =	sdelay $0x1  }
0x17a: {  	v3 =	vld [tilespmem:s0+$0x2980];
	_ =	sdelay $0x1  }
0x17b: {  	v4 =	vld [tilespmem:s0+$0x2A00]  }
0x17c: {  	v2 =	vadd.f32 $0.0e+00, v2  }
0x17d: {  	v5 =	vld [tilespmem:s0+$0x2A80]  }
0x17e: {  	v2 =	vadd.f32 v3, v2  }
0x17f: {  	v3 =	vld [tilespmem:s0+$0x2B00]  }
0x180: {  	v2 =	vadd.f32 v4, v2  }
0x181: {  	v4 =	vld [tilespmem:s0+$0x2B80]  }
0x182: {  	v2 =	vadd.f32 v5, v2  }
0x183: {  	v5 =	vld [tilespmem:s0+$0x2C00]  }
0x184: {  	v2 =	vadd.f32 v3, v2  }
0x185: {  	v3 =	vld [tilespmem:s0+$0x2C80]  }
0x186: {  	v2 =	vadd.f32 v4, v2  }
0x187: {  	v4 =	vld [tilespmem:s0+$0x3D00]  }
0x188: {  	v2 =	vadd.f32 v5, v2  }
0x189: {  	v5 =	vld [tilespmem:s0+$0x3D80]  }
0x18a: {  	v2 =	vadd.f32 v3, v2  }
0x18b: {  	v3 =	vld [tilespmem:s0+$0x3E00]  }
0x18c: {  	v2 =	vadd.f32 v4, v2  }
0x18d: {  	v4 =	vld [tilespmem:s0+$0x3E80]  }
0x18e: {  	v2 =	vadd.f32 v5, v2  }
0x18f: {  	v5 =	vld [tilespmem:s0+$0x3F00]  }
0x190: {  	v2 =	vadd.f32 v3, v2  }
0x191: {  	v3 =	vld [tilespmem:s0+$0x3F80]  }
0x192: {  	v2 =	vadd.f32 v4, v2  }
0x193: {  	v4 =	vld [tilespmem:s0+$0x4000]  }
0x194: {  	v2 =	vadd.f32 v5, v2  }
0x195: {  	v5 =	vld [tilespmem:s0+$0x4080]  }
0x196: {  	v2 =	vadd.f32 v3, v2  }
.Ltmp10:
0x197: {  	(pc) =	sbr.rel @p1 .LBB2_6-.Ltmp10, $3  }
0x198: {  	v2 =	vadd.f32 v4, v2;
	_ =	sdelay $0x1  }
0x199: {  	s29 =	sadd.s32 $0x80, s29;
	s26 =	sadd.s32 $0x10, s26;
	v2 =	vadd.f32 v5, v2  }
0x19a: {  	s31 =	sand.u32 $0x70, s30;
	s30 =	sadd.s32 $0x10, s30;
	s0 =	sand.u32 $0x1C00, s29  }
0x19b: {  	s0 =	sor.u32 s31, s0;
	[tilespmem:s26+$0x0] =	vst v2  }
0x19c: {  	v2 =	vld [tilespmem:s0+$0x2900];
	_ =	sdelay $0x1  }
0x19d: {  	v3 =	vld [tilespmem:s0+$0x2980];
	_ =	sdelay $0x1  }
0x19e: {  	v4 =	vld [tilespmem:s0+$0x2A00]  }
0x19f: {  	v2 =	vadd.f32 $0.0e+00, v2  }
0x1a0: {  	v5 =	vld [tilespmem:s0+$0x2A80]  }
0x1a1: {  	v2 =	vadd.f32 v3, v2  }
0x1a2: {  	v3 =	vld [tilespmem:s0+$0x2B00]  }
0x1a3: {  	v2 =	vadd.f32 v4, v2  }
0x1a4: {  	v4 =	vld [tilespmem:s0+$0x2B80]  }
0x1a5: {  	v2 =	vadd.f32 v5, v2  }
0x1a6: {  	v5 =	vld [tilespmem:s0+$0x2C00]  }
0x1a7: {  	v2 =	vadd.f32 v3, v2  }
0x1a8: {  	v3 =	vld [tilespmem:s0+$0x2C80]  }
0x1a9: {  	v2 =	vadd.f32 v4, v2  }
0x1aa: {  	v4 =	vld [tilespmem:s0+$0x3D00]  }
0x1ab: {  	v2 =	vadd.f32 v5, v2  }
0x1ac: {  	v5 =	vld [tilespmem:s0+$0x3D80]  }
0x1ad: {  	v2 =	vadd.f32 v3, v2  }
0x1ae: {  	v3 =	vld [tilespmem:s0+$0x3E00]  }
0x1af: {  	v2 =	vadd.f32 v4, v2  }
0x1b0: {  	v4 =	vld [tilespmem:s0+$0x3E80]  }
0x1b1: {  	v2 =	vadd.f32 v5, v2  }
0x1b2: {  	v5 =	vld [tilespmem:s0+$0x3F00]  }
0x1b3: {  	v2 =	vadd.f32 v3, v2  }
0x1b4: {  	v3 =	vld [tilespmem:s0+$0x3F80]  }
0x1b5: {  	v2 =	vadd.f32 v4, v2  }
0x1b6: {  	v4 =	vld [tilespmem:s0+$0x4000]  }
0x1b7: {  	v2 =	vadd.f32 v5, v2  }
0x1b8: {  	v5 =	vld [tilespmem:s0+$0x4080]  }
0x1b9: {  	v2 =	vadd.f32 v3, v2;
	_ =	sdelay $0x1  }
0x1ba: {  	v3 =	vmov s28;
	v2 =	vadd.f32 v4, v2;
	_ =	sdelay $0x1  }
0x1bb: {  	v2 =	vadd.f32 v5, v2  }
0x1bc: {  	s30 =	sadd.s32 $0x10, s26  }
0x1bd: {  	[tilespmem:s30+$0x0] =	vst v2  }
0x1be: {  	v2 =	vld.idx.msk [tilespmem:v3+s17+$0x0], $0xffff;
	_ =	sdelay $0x3  }
0x1bf: {  	s26 =	simm.s32 $0x5140  }
0x1c0: {  	[tilespmem:s26+$0xFFFFFFC0] =	vst v2  }
0x1c1: {  	[tilespmem:s26+$0xFFFFFFD0] =	vst v2  }
0x1c2: {  	s31 =	simm.s32 $0x1;
	[tilespmem:s26+$0xFFFFFFE0] =	vst v2  }
0x1c3: {  	s28 =	simm.s32 $0x2;
	v3 =	vmov s31;
	[tilespmem:s26+$0xFFFFFFF0] =	vst v2  }
.LBB2_8:
0x1c4: {  	p1 =	seq.s32 s28, $0x27F;
	[tilespmem:s26+$0x0] =	vst v2  }
0x1c5: {  	[tilespmem:s26+$0x10] =	vst v2  }
0x1c6: {  	[tilespmem:s26+$0x20] =	vst v2  }
0x1c7: {  	[tilespmem:s26+$0x30] =	vst v2  }
0x1c8: {  	v2 =	vld.idx.msk [tilespmem:v3+s17+$0x0], $0xffff;
	_ =	sdelay $0x4  }
.Ltmp11:
0x1c9: {  	s26 =	sadd.s32 $0x80, s26;
	(pc) =	sbr.rel @!p1 .LBB2_8-.Ltmp11, $4  }
0x1ca: {  	[tilespmem:s26+$0xFFFFFFC0] =	vst v2  }
0x1cb: {  	[tilespmem:s26+$0xFFFFFFD0] =	vst v2  }
0x1cc: {  	[tilespmem:s26+$0xFFFFFFE0] =	vst v2  }
0x1cd: {  	v3 =	vmov s28;
	s28 =	sadd.s32 $0x1, s28;
	[tilespmem:s26+$0xFFFFFFF0] =	vst v2  }
0x1ce: {  	[tilespmem:s26+$0x0] =	vst v2  }
0x1cf: {  	[tilespmem:s26+$0x10] =	vst v2  }
0x1d0: {  	[tilespmem:s26+$0x20] =	vst v2  }
0x1d1: {  	[tilespmem:s26+$0x30] =	vst v2  }
0x1d2: {  	v2 =	vld.idx.msk [tilespmem:v3+s17+$0x0], $0xffff;
	_ =	sdelay $0x3  }
0x1d3: {  	s0 =	sadd.s32 $0x80, s26  }
0x1d4: {  	[tilespmem:s0+$0xFFFFFFC0] =	vst v2  }
0x1d5: {  	[tilespmem:s0+$0xFFFFFFD0] =	vst v2  }
0x1d6: {  	[tilespmem:s0+$0xFFFFFFE0] =	vst v2  }
.Ltmp12:
0x1d7: {  	[tilespmem:s0+$0xFFFFFFF0] =	vst v2;
	(pc) =	sbr.rel .LBB2_18-.Ltmp12, $4  }
0x1d8: {  	[tilespmem:s0+$0x0] =	vst v2  }
0x1d9: {  	[tilespmem:s0+$0x10] =	vst v2  }
0x1da: {  	[tilespmem:s0+$0x20] =	vst v2  }
0x1db: {  	[tilespmem:s0+$0x30] =	vst v2;
	s0 =	smov.u32 s3  }
.LBB2_19:
0x1dc: {  	_ =	sfence.sel $0x180000  }
0x1dd: {  	[bflag:$0x0] =	sbarrier.arrive $0xFFFF  }
0x1de: {  	_ =	strace $0x90000047  }
0x1df: {  	[bflag:$0x2] =	sbarrier.arrive $0xFFFF  }
0x1e0: {  	p0 =	sne.s32 s2, $0x0;
	s0 =	rddreg [dreg:$0x2]  }
0x1e1: {  	s0 =	sadd.s32 @!p0 $0x100000, s0  }
0x1e2: {  	[sflag:s0] =	ssyncadd.tile.s32 @!p0 $0x1;
	_ =	shalt  }
.Lfunc_end2:
_tile_overlayer_lowered:
.L_overlay_start_2:
0x1e3: {  	(tag) =	ssettag $0x2  }
0x1e4: {  	s0 =	rddreg [dreg:$0x0];
	s2 =	stileid.u32  }
0x1e5: {  	s1 =	rddreg [dreg:$0x1];
	p0 =	sne.s32 s2, $0x0  }
0x1e6: {  	s3 =	rddreg [dreg:$0x2];
	[bflag:$0x3] =	sbarrier.arrive $0xFFFF;
	s2 =	simm.s32 @!p0 $0x1C03  }
0x1e7: {  	[timem:s3], [sflag:s2] =	dma.local @!p0 [hbm:s0], s1  }
0x1e8: {  	s0 =	simm.s32 @!p0 $0x3  }
0x1e9: {  	_ =	swait.ge @!p0 [sflag:s0], s1  }
0x1ea: {  	s1 =	ssub.s32 @!p0 $0x0, s1;
	[sflag:s0] =	ssyncset.done @!p0 $0x0  }
0x1eb: {  	[sflag:s0] =	ssyncadd.s32 @!p0 s1  }
0x1ec: {  	[bflag:$0x3] =	sbarrier.arrive $0xFFFF  }
0x1ed: {  	_ =	shalt  }

// kernel: kernel.9.cloned.1.call-start
scs
__scs_entry_jumppad:
0x0: {  	(pc) =	sbr.rel $0x88, $3  }
0x1: {  	(tag) =	ssettag $0x0;
	lr =	simm.s32 $0x1  }
0x2: {  	[smem:$0x3F8D] =	sst lr;
	_ =	strace $0xD0000000  }
0x3: {  	_ = 	snop  }
0x4: {  	_ = 	snop  }
0x5: {  	_ = 	snop  }
0x6: {  	_ = 	snop  }
0x7: {  	_ = 	snop  }
__scs_overlays_trampoline_lowered:
0x8: {  	[smem:$0x3F9C] =	sst s0  }
0x9: {  	[smem:$0x3F9D] =	sst s1  }
0xa: {  	[smem:$0x3F9E] =	sst s2  }
0xb: {  	[smem:$0x3F9F] =	sst s3  }
0xc: {  	[smem:$0x3FA0] =	sst s4  }
0xd: {  	[smem:$0x3FA1] =	sst s5  }
0xe: {  	[smem:$0x3FA2] =	sst s6  }
0xf: {  	[smem:$0x3FA3] =	sst s7  }
0x10: {  	[smem:$0x3FA4] =	sst s8  }
0x11: {  	[smem:$0x3FA5] =	sst s9;
	s0 =	simm.s32 @!p0 $0x0  }
0x12: {  	s1 =	sld [smem:$0x3F8B];
	s0 =	simm.s32 @p0 $0x1  }
0x13: {  	[smem:$0x3FA6] =	sst s0;
	s0 =	simm.s32 @!p1 $0x0  }
0x14: {  	s2 =	sld [smem:$0x3F8A];
	s0 =	simm.s32 @p1 $0x1  }
0x15: {  	[smem:$0x3FA7] =	sst s0;
	s0 =	simm.s32 @!p2 $0x0  }
0x16: {  	s3 =	sld [smem:$0x3FDB];
	s0 =	simm.s32 @p2 $0x1  }
0x17: {  	s4 =	simm.s32 $0x1BF5;
	[smem:$0x3FA9] =	sst s0  }
0x18: {  	s0 =	sld [smem:$0x3F8C];
	_ =	swait.ge [sflag:s4], $0x0  }
0x19: {  	s7 =	sld [smem:$0x3F8D]  }
0x1a: {  	s8 =	sadd.s32 $0xFFFFE003, lr  }
0x1b: {  	s9 =	sadd.s32 $0xFFFFFEF7, lr;
	s5 =	simm.s32 $0xFFFFFFFF;
	p2 =	slt.u32 s8, $0xFFFFF086  }
0x1c: {  	p1 =	slt.u32 s9, $0xF7A;
	s5 =	simm.s32 @!p2 $0x0  }
0x1d: {  	s5 =	simm.s32 @p1 $0x1;
	p0 =	seq.s32 s7, s2  }
0x1e: {  	s7 =	smul.u32 @!p0 $0xF7A, s2;
	p2 =	seq.s32 @!p0 s5, $0x0  }
0x1f: {  	s9 =	smul.u32 $0xF7A, s1;
	s8 =	simm.s32 @!p0 $0x1BF5;
	p2 =	por !p2, p0  }
0x20: {  	[sflag:s8] =	ssyncset.s32 @!p0 $0xFFFFF086;
	s6 =	sadd.s32 @!p0 s3, s7;
	s7 =	simm.s32 @!p0 $0x108  }
0x21: {  	s3 =	sadd.s32 s3, s9;
	s6 =	sadd.s32 @!p0 $0x88, s6;
	s7 =	simm.s32 @p2 $0x1082  }
0x22: {  	[simem:s7], [sflag:s8] =	dma.local @!p0 [hbm:s6], $0xF7A  }
0x23: {  	s9 =	sor.u32 $0xD0000000, s2;
	s6 =	simm.s32 $0x108;
	_ =	swait.ge @!p0 [sflag:s8], $0x0  }
0x24: {  	s3 =	sadd.s32 $0x88, s3;
	s6 =	simm.s32 @!p1 $0x1082;
	[sflag:s4] =	ssyncset.s32 $0xFFFFF086  }
0x25: {  	[simem:s6], [sflag:s4] =	dma.local [hbm:s3], $0xF7A  }
0x26: {  	[smem:$0x3F8D] =	sst s1;
	(tag) =	ssettag s2;
	_ =	strace s9  }
0x27: {  	s1 =	sld [smem:$0x3F9D]  }
0x28: {  	s2 =	sld [smem:$0x3F9E]  }
0x29: {  	s4 =	sld [smem:$0x3FA0]  }
0x2a: {  	p0 =	seq.s32 s5, $0x0;
	s5 =	sld [smem:$0x3FA1]  }
0x2b: {  	s6 =	sld [smem:$0x3FA2]  }
0x2c: {  	s7 =	sld [smem:$0x3FA3]  }
0x2d: {  	s3 =	simm.s32 $0x108;
	s8 =	sld [smem:$0x3FA4]  }
0x2e: {  	s3 =	simm.s32 @!p0 $0x1082;
	s9 =	sld [smem:$0x3FA5]  }
0x2f: {  	lr =	sadd.s32 s0, s3;
	s0 =	sld [smem:$0x3F9C]  }
0x30: {  	s3 =	sld [smem:$0x3F9F]  }
0x31: {  	[smem:$0x3FA8] =	sst s10  }
0x32: {  	s10 =	sld [smem:$0x3FA6];
	_ =	sdelay $0x3  }
0x33: {  	p0 =	seq.s32 s10, $0x1;
	s10 =	sld [smem:$0x3FA8];
	_ =	sdelay $0x3  }
0x34: {  	[smem:$0x3FA8] =	sst s10  }
0x35: {  	s10 =	sld [smem:$0x3FA7];
	_ =	sdelay $0x3  }
0x36: {  	p1 =	seq.s32 s10, $0x1;
	s10 =	sld [smem:$0x3FA8];
	_ =	sdelay $0x3  }
0x37: {  	[smem:$0x3FA8] =	sst s10  }
0x38: {  	s10 =	sld [smem:$0x3FA9]  }
0x39: {  	_ = 	snop;
	(pc) =	sbr.ind lr, $3  }
0x3a: {  	_ = 	snop  }
0x3b: {  	_ = 	snop  }
0x3c: {  	p2 =	seq.s32 s10, $0x1;
	s10 =	sld [smem:$0x3FA8]  }
0x3d: {  	_ =	shalt  }
0x3e: {  	_ =	shalt  }
0x3f: {  	_ =	shalt  }
0x40: {  	_ =	shalt  }
0x41: {  	_ =	shalt  }
0x42: {  	_ =	shalt  }
0x43: {  	_ =	shalt  }
0x44: {  	_ =	shalt  }
0x45: {  	_ =	shalt  }
0x46: {  	_ =	shalt  }
0x47: {  	_ =	shalt  }
0x48: {  	_ =	shalt  }
0x49: {  	_ =	shalt  }
0x4a: {  	_ =	shalt  }
0x4b: {  	_ =	shalt  }
0x4c: {  	_ =	shalt  }
0x4d: {  	_ =	shalt  }
0x4e: {  	_ =	shalt  }
0x4f: {  	_ =	shalt  }
0x50: {  	_ =	shalt  }
0x51: {  	_ =	shalt  }
0x52: {  	_ =	shalt  }
0x53: {  	_ =	shalt  }
0x54: {  	_ =	shalt  }
0x55: {  	_ =	shalt  }
0x56: {  	_ =	shalt  }
0x57: {  	_ =	shalt  }
0x58: {  	_ =	shalt  }
0x59: {  	_ =	shalt  }
0x5a: {  	_ =	shalt  }
0x5b: {  	_ =	shalt  }
0x5c: {  	_ =	shalt  }
0x5d: {  	_ =	shalt  }
0x5e: {  	_ =	shalt  }
0x5f: {  	_ =	shalt  }
0x60: {  	_ =	shalt  }
0x61: {  	_ =	shalt  }
0x62: {  	_ =	shalt  }
0x63: {  	_ =	shalt  }
0x64: {  	_ =	shalt  }
0x65: {  	_ =	shalt  }
0x66: {  	_ =	shalt  }
0x67: {  	_ =	shalt  }
0x68: {  	_ =	shalt  }
0x69: {  	_ =	shalt  }
0x6a: {  	_ =	shalt  }
0x6b: {  	_ =	shalt  }
0x6c: {  	_ =	shalt  }
0x6d: {  	_ =	shalt  }
0x6e: {  	_ =	shalt  }
0x6f: {  	_ =	shalt  }
0x70: {  	_ =	shalt  }
0x71: {  	_ =	shalt  }
0x72: {  	_ =	shalt  }
0x73: {  	_ =	shalt  }
0x74: {  	_ =	shalt  }
0x75: {  	_ =	shalt  }
0x76: {  	_ =	shalt  }
0x77: {  	_ =	shalt  }
0x78: {  	_ =	shalt  }
0x79: {  	_ =	shalt  }
0x7a: {  	_ =	shalt  }
0x7b: {  	_ =	shalt  }
0x7c: {  	_ =	shalt  }
0x7d: {  	_ =	shalt  }
0x7e: {  	_ =	shalt  }
0x7f: {  	_ =	shalt  }
0x80: {  	_ =	shalt  }
0x81: {  	_ =	shalt  }
0x82: {  	_ =	shalt  }
0x83: {  	_ =	shalt  }
0x84: {  	_ =	shalt  }
0x85: {  	_ =	shalt  }
0x86: {  	_ =	shalt  }
0x87: {  	_ =	shalt  }
.Lfunc_end0:
.L_simem_size_0:
called_computation.1_lowered:
.L_overlay_start_0:
0x88: {  	s2 =	sld [smem:$0x3FD9]  }
0x89: {  	s3 =	sld [smem:$0x3FFE];
	_ =	sdelay $0x1  }
0x8a: {  	s1 =	srdreg.scid  }
0x8b: {  	s0 =	sand.u32 $0x1, s1  }
0x8c: {  	s16 =	sshll.u32 s0, $0xA;
	s2 =	sadd.s32 s3, s2  }
0x8d: {  	s2 =	sadd.s32 s2, s16  }
0x8e: {  	[smem:$0x3FB4] =	sst s2  }
0x8f: {  	_ = 	snop  }
0x90: {  	(tm) =	ssettm $0x1  }
0x91: {  	s17 =	sld [smem:$0x3FFB];
	_ =	sdelay $0x3  }
0x92: {  	_ =	strace s17  }
0x93: {  	s2 =	sld [smem:$0x3FFC];
	_ =	sdelay $0x3  }
0x94: {  	_ =	strace s2  }
0x95: {  	s2 =	sld [smem:$0x3FFD];
	_ =	sdelay $0x3  }
0x96: {  	_ =	strace s2  }
0x97: {  	_ =	strace $0x8FFFFFFF  }
0x98: {  	s18 =	sld [smem:$0x3FDB];
	_ =	sdelay $0x1  }
0x99: {  	s19 =	simm.s32 $_scs_section_size  }
0x9a: {  	s4 =	simm.s32 $_size__tile_overlayer_lowered;
	s5 =	simm.s32 $_tile_overlayer_lowered  }
0x9b: {  	s22 =	simm.s32 $0x1BFF;
	s21 =	sshll.u32 s5, $0x1;
	s2 =	sadd.s32 s19, s18  }
0x9c: {  	s6 =	simm.s32 $0x0;
	s20 =	sshll.u32 s4, $0x1;
	s4 =	sadd.s32 s21, s2  }
0x9d: {  	[timem:s6], [sflag:s22] =	dma.local [hbm:s4], s20  }
0x9e: {  	_ =	swait.ge [sflag:s22], s20  }
0x9f: {  	s3 =	ssub.s32 $0x0, s20;
	[sflag:s22] =	ssyncset.done $0x0  }
0xa0: {  	[sflag:s22] =	ssyncadd.s32 s3;
	_ =	sdelay $0x1  }
0xa1: {  	s23 =	simm.s32 $0x1B8B  }
0xa2: {  	_ =	swait.ge [sflag:s23], $0x1  }
0xa3: {  	[sflag:s23] =	ssyncset.done $0x0  }
0xa4: {  	s25 =	simm.s32 $0x1B8E;
	s24 =	sld [smem:$0x3FFE];
	[sflag:s23] =	ssyncadd.s32 $0xFFFFFFFF  }
0xa5: {  	s26 =	simm.s32 $execute0_lowered;
	[smem:$0x3FD2] =	sst s25  }
0xa6: {  	s4 =	sshll.u32 s26, $0x1;
	_ =	strace $0x80000049;
	[dreg:$0x1] =	wrdreg $0xFFFFFFFF  }
0xa7: {  	s28 =	simm.s32 $_size_execute0_lowered;
	s2 =	sadd.s32 s2, s4;
	[dreg:$0x0] =	wrdreg $0x0  }
0xa8: {  	s4 =	sshll.u32 s28, $0x1;
	[dreg:$0x2] =	wrdreg s2  }
0xa9: {  	[dreg:$0x3] =	wrdreg s4  }
0xaa: {  	[dreg:$0x4] =	wrdreg $0xC0  }
0xab: {  	_ =	task [dreg:s6], $0x5FFFF  }
0xac: {  	[dreg:$0x1] =	wrdreg $0xFFFFFFFF  }
0xad: {  	[dreg:$0x0] =	wrdreg $0x60  }
0xae: {  	[dreg:$0x2] =	wrdreg s24  }
0xaf: {  	[dreg:$0x3] =	wrdreg $0xAE000  }
0xb0: {  	[dreg:$0x4] =	wrdreg $0x9  }
0xb1: {  	_ =	task.clear_ibuf [dreg:s6], $0x5FFFF;
	_ =	strace $0x90000049  }
0xb2: {  	s29 =	simm.s32 $0x9;
	_ =	strace $0x8000004B  }
0xb3: {  	_ =	swait.ge [sflag:s29], $0x1  }
0xb4: {  	[sflag:s29] =	ssyncadd.s32 $0xFFFFFFFF  }
0xb5: {  	_ =	strace $0x9000004B  }
0xb6: {  	_ =	sfence  }
0xb7: {  	s30 =	sld [smem:$0x0];
	_ =	sdelay $0x2  }
0xb8: {  	s31 =	sshll.u32 s1, $0xD;
	s1 =	sshrl.u32 s1, $0x2  }
0xb9: {  	s3 =	sand.u32 $0x4000, s31;
	s1 =	sadd.s32 s1, s30  }
0xba: {  	s0 =	sor.u32 s3, s0;
	s1 =	sshll.u32 s1, $0x11  }
0xbb: {  	s0 =	sor.u32 s1, s0  }
0xbc: {  	s0 =	sadd.s32 $0x8F2B, s0  }
0xbd: {  	[sflag:s0] =	ssyncadd.remote.s32 $0x1  }
0xbe: {  	_ =	sfence.sel $0xFFFF  }
0xbf: {  	[dreg:$0x0] =	wrdreg $0xFFFFFFFF;
	(pc) =	sbr.abs _section_cstart, $3  }
0xc0: {  	[dreg:$0x1] =	wrdreg $0xFFFFFFFF  }
0xc1: {  	_ =	task.clear_ibuf [dreg:s6], $0x2FFFF;
	_ =	strace $0x9FFFFFFF  }
0xc2: {  	(tm) =	ssettm $0x7FFFFFFF  }
0xc3: {  	_ =	shalt  }
tec
execute0_lowered:
.L_overlay_start_1:
0x0: {  	(tag) =	ssettag $0x1  }
0x1: {  	s0 =	rddreg [dreg:$0x0]  }
0x2: {  	s1 =	rddreg [dreg:$0x1];
	s2 =	simm.s32 $0x0;
	s15 =	stileid.u32  }
0x3: {  	s5 =	srdreg.scid;
	s28 =	simm.s32 $0x200;
	s7 =	smul.u32 $0x5A00, s15  }
0x4: {  	[smem:$0x7FF] =	sst s2;
	s9 =	sand.u32 $0x1, s5;
	s19 =	sshll.u32 s15, $0x9  }
0x5: {  	s30 =	smul.u32 $0xB40, s15;
	s5 =	sand.u32 $0x200, s19;
	s7 =	sand.u32 $0x7FC00, s7  }
0x6: {  	s3 =	sadd.s32 $0x92200, s0;
	s6 =	sadd.s32 $0x3A00, s0;
	s7 =	sor.u32 s5, s7  }
0x7: {  	s8 =	sadd.s32 $0x9D600, s0;
	s19 =	sadd.s32 s30, s6;
	s7 =	sshrl.u32 s7, $0x3  }
0x8: {  	_ =	strace $0x8000004A;
	[dreg:$0x10] =	wrdreg s19;
	s20 =	sadd.s32 s3, s7  }
0x9: {  	s11 =	sadd.s32 $0xEE00, s0;
	s21 =	sadd.s32 s6, s7;
	[dreg:$0x3] =	wrdreg s20  }
0xa: {  	s22 =	sor.u32 $0x10, s7;
	s26 =	sadd.s32 s8, s7;
	[dreg:$0x4] =	wrdreg s21  }
0xb: {  	s13 =	sor.u32 $0x20, s7;
	s7 =	sadd.s32 s11, s7;
	[dreg:$0x9] =	wrdreg s26  }
0xc: {  	s29 =	simm.s32 $0x500;
	s14 =	sadd.s32 s3, s22;
	[dreg:$0xa] =	wrdreg s7  }
0xd: {  	s4 =	sadd.s32 $0x1A200, s0;
	s23 =	sadd.s32 s6, s22;
	[dreg:$0x5] =	wrdreg s14  }
0xe: {  	s10 =	ssub.s32 $0x2, s9;
	s24 =	sadd.s32 s3, s13;
	[dreg:$0x6] =	wrdreg s23  }
0xf: {  	p0 =	seq.s32 s9, $0x1;
	s25 =	sadd.s32 s6, s13;
	[dreg:$0x7] =	wrdreg s24  }
0x10: {  	s9 =	smul.u32 $0x50000, s15;
	s31 =	sadd.s32 s8, s22;
	[dreg:$0x8] =	wrdreg s25  }
0x11: {  	s12 =	sshrl.u32 s10, $0x1;
	s16 =	sadd.s32 s11, s22;
	[dreg:$0xb] =	wrdreg s31  }
0x12: {  	s5 =	sadd.s32 $0x6A200, s0;
	s17 =	sadd.s32 s8, s13;
	[dreg:$0xc] =	wrdreg s16  }
0x13: {  	s10 =	ssub.s32 s10, s12;
	s18 =	sadd.s32 s11, s13;
	[dreg:$0xd] =	wrdreg s17  }
0x14: {  	s12 =	simm.s32 $0x7600;
	s3 =	sadd.s32 s30, s3;
	[dreg:$0xe] =	wrdreg s18  }
0x15: {  	s20 =	sadd.s32 s30, s8;
	s21 =	sadd.s32 s30, s11;
	[dreg:$0xf] =	wrdreg s3  }
0x16: {  	s22 =	sadd.s32 $0xA8A00, s0;
	s0 =	sadd.s32 $0xD0A00, s0;
	[dreg:$0x11] =	wrdreg s20  }
0x17: {  	s26 =	smax.u32 s10, $0x1;
	s10 =	simm.s32 $0x6;
	[dreg:$0x12] =	wrdreg s21  }
0x18: {  	s6 =	simm.s32 $0x600;
	s11 =	simm.s32 $0x400;
	[dreg:$0x13] =	wrdreg s22  }
0x19: {  	s13 =	simm.s32 $0x1;
	s23 =	sshrl.u32 s9, $0x2;
	[dreg:$0x15] =	wrdreg s0  }
0x1a: {  	s24 =	smul.u32 $0x2800, s15;
	[dreg:$0x17] =	wrdreg s26;
	s0 =	simm.s32 $0x70  }
0x1b: {  	s9 =	simm.s32 $0x3E00;
	s14 =	simm.s32 $0x180;
	s15 =	simm.s32 $0x480  }
.Ltmp0:
0x1c: {  	s16 =	simm.s32 $0x4;
	s25 =	sadd.s32 s23, s1;
	(pc) =	sbr.rel .LBB2_1-.Ltmp0, $4  }
0x1d: {  	s17 =	simm.s32 $0x5;
	s22 =	simm.s32 $0x2;
	[dreg:$0x16] =	wrdreg s25  }
0x1e: {  	s3 =	simm.s32 $0x280;
	s30 =	sadd.s32 s4, s24;
	[dreg:$0x14] =	wrdreg s24  }
0x1f: {  	s18 =	simm.s32 $0x0;
	s31 =	sadd.s32 s5, s24;
	[dreg:$0x18] =	wrdreg s30  }
0x20: {  	s24 =	simm.s32 $0x3;
	s25 =	simm.s32 $0x580;
	[dreg:$0x19] =	wrdreg s31  }
.LBB2_8:
0x21: {  	s7 =	rddreg [dreg:$0x15]  }
0x22: {  	s10 =	simm.s32 $0x6;
	s18 =	rddreg [dreg:$0x1a]  }
.LBB2_9:
0x23: {  	_ =	swait.ge [sflag:s16], $0x3800  }
0x24: {  	[sflag:s16] =	ssyncset.done $0x0  }
0x25: {  	[sflag:s16] =	ssyncadd.s32 $0xFFFFC800  }
0x26: {  	s8 =	rddreg [dreg:$0x14];
	[bflag:$0x0] =	sbarrier.arrive $0xFFFF  }
0x27: {  	s30 =	rddreg [dreg:$0x1b]  }
0x28: {  	s7 =	sadd.s32 s7, s8;
	s19 =	rddreg [dreg:$0x1c]  }
0x29: {  	[hbm:s7], [sflag:s19] =	dma.local [spmem:s30], $0x2800  }
0x2a: {  	_ =	swait.ge [sflag:s10], $0x2800  }
0x2b: {  	s18 =	sadd.s32 $0x1, s18;
	s31 =	rddreg [dreg:$0x17]  }
0x2c: {  	p1 =	sne.s32 s18, s31  }
.Ltmp1:
0x2d: {  	_ = 	snop;
	(pc) =	sbr.rel @!p1 .LBB2_10-.Ltmp1, $3  }
0x2e: {  	_ =	sdelay $0x1  }
0x2f: {  	[sflag:s10] =	ssyncset.done $0x0  }
0x30: {  	[sflag:s10] =	ssyncadd.s32 $0xFFFFD800  }
.LBB2_1:
.Ltmp2:
0x31: {  	(pc) =	sbr.rel @!p0 .LBB2_2-.Ltmp2, $4  }
0x32: {  	_ = 	snop  }
0x33: {  	s7 =	stileid.u32;
	s8 =	rddreg [dreg:$0x16]  }
0x34: {  	[dreg:$0x1a] =	wrdreg s18;
	s7 =	sshll.u32 s7, $0x6;
	s8 =	sshrl.u32 s8, $0x3  }
0x35: {  	s18 =	sor.u32 $0x1C06, s7;
	[dreg:$0x1b] =	wrdreg s8  }
0x36: {  	s18 =	sor.u32 $0x1C06, s7;
	s30 =	rddreg [dreg:$0x19]  }
0x37: {  	[dreg:$0x1c] =	wrdreg s18  }
0x38: {  	[spmem:s8], [sflag:s18] =	dma.local [hbm:s30], $0x2800  }
0x39: {  	_ =	swait.ge [sflag:s10], $0x2800  }
0x3a: {  	[sflag:s10] =	ssyncset.done $0x0  }
0x3b: {  	[sflag:s10] =	ssyncadd.s32 $0xFFFFD800  }
0x3c: {  	[bflag:$0x0] =	sbarrier.arrive $0xFFFF  }
0x3d: {  	s7 =	simm.s32 $0x0;
	s31 =	rddreg [dreg:$0x9]  }
0x3e: {  	[tilespmem:s7], [sflag:$0x6] =	stream.linear.gather [hbm4b:s31+s7], $0x80, $0x38;
	[tilespmem:$0x1EE00] =	vst v63  }
0x3f: {  	_ =	swait.ge [sflag:s10], $0x80  }
0x40: {  	[sflag:s10] =	ssyncset.done $0x0  }
0x41: {  	s19 =	simm.s32 $0x300;
	s18 =	rddreg [dreg:$0xa];
	[sflag:s10] =	ssyncadd.s32 $0xFFFFFF80  }
0x42: {  	[tilespmem:s19], [sflag:$0x6] =	stream.linear.gather [hbm4b:s18+s7], $0x80, $0x38;
	[tilespmem:$0x1EE00] =	vst v63  }
0x43: {  	_ =	swait.ge [sflag:s10], $0x80  }
0x44: {  	[sflag:s10] =	ssyncset.done $0x0  }
0x45: {  	[sflag:s10] =	ssyncadd.s32 $0xFFFFFF80  }
0x46: {  	[tilespmem:s6], [sflag:$0x1] =	stream.indirect.gather [hbm4b:s5+s0], $0x80, s7, s0, $0xb8;
	[tilespmem:$0x1EE00] =	vst v63  }
0x47: {  	s21 =	simm.s32 $0x80;
	s20 =	rddreg [dreg:$0xb]  }
0x48: {  	[tilespmem:s21], [sflag:$0x6] =	stream.linear.gather [hbm4b:s20+s7], $0x80, $0x38;
	[tilespmem:$0x1EE00] =	vst v63  }
0x49: {  	_ =	swait.ge [sflag:s10], $0x80  }
0x4a: {  	[sflag:s10] =	ssyncset.done $0x0  }
0x4b: {  	s19 =	simm.s32 $0x380;
	s23 =	rddreg [dreg:$0xc];
	[sflag:s10] =	ssyncadd.s32 $0xFFFFFF80  }
0x4c: {  	[tilespmem:s19], [sflag:$0x6] =	stream.linear.gather [hbm4b:s23+s7], $0x80, $0x38;
	[tilespmem:$0x1EE00] =	vst v63  }
0x4d: {  	_ =	swait.ge [sflag:s10], $0x80  }
0x4e: {  	[sflag:s10] =	ssyncset.done $0x0  }
0x4f: {  	[sflag:s10] =	ssyncadd.s32 $0xFFFFFF80  }
0x50: {  	[tilespmem:s9], [sflag:$0x2] =	stream.indirect.gather [hbm4b:s5+s0], $0x80, s21, s0, $0xb8;
	[tilespmem:$0x1EE00] =	vst v63  }
0x51: {  	s30 =	simm.s32 $0x100;
	s26 =	rddreg [dreg:$0xd]  }
0x52: {  	[tilespmem:s30], [sflag:$0x6] =	stream.linear.gather [hbm4b:s26+s7], $0x80, $0x38;
	[tilespmem:$0x1EE00] =	vst v63  }
0x53: {  	_ =	swait.ge [sflag:s10], $0x80  }
0x54: {  	[sflag:s10] =	ssyncset.done $0x0  }
0x55: {  	s31 =	rddreg [dreg:$0xe];
	[sflag:s10] =	ssyncadd.s32 $0xFFFFFF80  }
0x56: {  	[tilespmem:s11], [sflag:$0x6] =	stream.linear.gather [hbm4b:s31+s7], $0x80, $0x38;
	[tilespmem:$0x1EE00] =	vst v63  }
0x57: {  	_ =	swait.ge [sflag:s10], $0x80  }
0x58: {  	[sflag:s10] =	ssyncset.done $0x0  }
0x59: {  	[sflag:s10] =	ssyncadd.s32 $0xFFFFFF80  }
0x5a: {  	[tilespmem:s12], [sflag:$0x3] =	stream.indirect.gather [hbm4b:s5+s0], $0x80, s30, s0, $0xb8;
	[tilespmem:$0x1EE00] =	vst v63  }
.LBB2_7:
0x5b: {  	_ =	swait.ge [sflag:s13], $0x3800  }
0x5c: {  	s8 =	simm.s32 $0x300;
	[sflag:s13] =	ssyncset.done $0x0;
	s10 =	rddreg [dreg:$0x11]  }
0x5d: {  	s20 =	rddreg [dreg:$0x12];
	[sflag:s13] =	ssyncadd.s32 $0xFFFFC800;
	s23 =	sadd.s32 s7, s10  }
0x5e: {  	[spmem:s1] =	stream.indirect.scatter.add.f32 [tilespmem:s6], [sflag:$0x4], $0x80, s8, s0, $0xb8;
	[tilespmem:$0x1EE00] =	vst v63  }
0x5f: {  	s26 =	sadd.s32 s7, s20;
	s30 =	sadd.s32 $0x30, s23  }
0x60: {  	[tilespmem:s14], [sflag:$0x5] =	stream.linear.gather [hbm4b:s30+s2], $0x80, $0x38;
	[tilespmem:$0x1EE00] =	vst v63  }
0x61: {  	s31 =	sadd.s32 $0x30, s26  }
0x62: {  	[tilespmem:s15], [sflag:$0x5] =	stream.linear.gather [hbm4b:s31+s2], $0x80, $0x38;
	[tilespmem:$0x1EE00] =	vst v63  }
0x63: {  	_ =	swait.ge [sflag:s16], $0x3800  }
0x64: {  	[sflag:s16] =	ssyncset.done $0x0  }
0x65: {  	[sflag:s16] =	ssyncadd.s32 $0xFFFFC800  }
0x66: {  	_ =	swait.ge [sflag:s17], $0x80  }
0x67: {  	[sflag:s17] =	ssyncset.done $0x0  }
0x68: {  	[sflag:s17] =	ssyncadd.s32 $0xFFFFFF80  }
0x69: {  	_ =	swait.ge [sflag:s17], $0x80  }
0x6a: {  	[sflag:s17] =	ssyncset.done $0x0  }
0x6b: {  	[sflag:s17] =	ssyncadd.s32 $0xFFFFFF80  }
0x6c: {  	[tilespmem:s6], [sflag:$0x1] =	stream.indirect.gather [hbm4b:s5+s0], $0x80, s14, s0, $0xb8;
	[tilespmem:$0x1EE00] =	vst v63  }
0x6d: {  	_ =	swait.ge [sflag:s22], $0x3800  }
0x6e: {  	[sflag:s22] =	ssyncset.done $0x0  }
0x6f: {  	s18 =	simm.s32 $0x380;
	[sflag:s22] =	ssyncadd.s32 $0xFFFFC800  }
0x70: {  	[spmem:s1] =	stream.indirect.scatter.add.f32 [tilespmem:s9], [sflag:$0x4], $0x80, s18, s0, $0xb8;
	[tilespmem:$0x1EE00] =	vst v63  }
0x71: {  	s19 =	sadd.s32 $0x40, s23  }
0x72: {  	[tilespmem:s28], [sflag:$0x5] =	stream.linear.gather [hbm4b:s19+s2], $0x80, $0x38;
	[tilespmem:$0x1EE00] =	vst v63  }
0x73: {  	s21 =	sadd.s32 $0x40, s26  }
0x74: {  	[tilespmem:s29], [sflag:$0x5] =	stream.linear.gather [hbm4b:s21+s2], $0x80, $0x38;
	[tilespmem:$0x1EE00] =	vst v63  }
0x75: {  	_ =	swait.ge [sflag:s16], $0x3800  }
0x76: {  	[sflag:s16] =	ssyncset.done $0x0  }
0x77: {  	[sflag:s16] =	ssyncadd.s32 $0xFFFFC800  }
0x78: {  	_ =	swait.ge [sflag:s17], $0x80  }
0x79: {  	[sflag:s17] =	ssyncset.done $0x0  }
0x7a: {  	[sflag:s17] =	ssyncadd.s32 $0xFFFFFF80  }
0x7b: {  	_ =	swait.ge [sflag:s17], $0x80  }
0x7c: {  	[sflag:s17] =	ssyncset.done $0x0  }
0x7d: {  	[sflag:s17] =	ssyncadd.s32 $0xFFFFFF80  }
0x7e: {  	[tilespmem:s9], [sflag:$0x2] =	stream.indirect.gather [hbm4b:s5+s0], $0x80, s28, s0, $0xb8;
	[tilespmem:$0x1EE00] =	vst v63  }
0x7f: {  	_ =	swait.ge [sflag:s24], $0x3800  }
0x80: {  	[sflag:s24] =	ssyncset.done $0x0  }
0x81: {  	[sflag:s24] =	ssyncadd.s32 $0xFFFFC800  }
0x82: {  	[spmem:s1] =	stream.indirect.scatter.add.f32 [tilespmem:s12], [sflag:$0x4], $0x80, s11, s0, $0xb8;
	[tilespmem:$0x1EE00] =	vst v63  }
0x83: {  	s30 =	sadd.s32 $0x50, s23  }
0x84: {  	[tilespmem:s3], [sflag:$0x5] =	stream.linear.gather [hbm4b:s30+s2], $0x80, $0x38;
	[tilespmem:$0x1EE00] =	vst v63  }
0x85: {  	s31 =	sadd.s32 $0x50, s26  }
0x86: {  	[tilespmem:s25], [sflag:$0x5] =	stream.linear.gather [hbm4b:s31+s2], $0x80, $0x38;
	[tilespmem:$0x1EE00] =	vst v63  }
0x87: {  	_ =	swait.ge [sflag:s16], $0x3800  }
0x88: {  	[sflag:s16] =	ssyncset.done $0x0  }
0x89: {  	[sflag:s16] =	ssyncadd.s32 $0xFFFFC800  }
0x8a: {  	_ =	swait.ge [sflag:s17], $0x80  }
0x8b: {  	[sflag:s17] =	ssyncset.done $0x0  }
0x8c: {  	[sflag:s17] =	ssyncadd.s32 $0xFFFFFF80  }
0x8d: {  	_ =	swait.ge [sflag:s17], $0x80  }
0x8e: {  	[sflag:s17] =	ssyncset.done $0x0  }
0x8f: {  	[sflag:s17] =	ssyncadd.s32 $0xFFFFFF80  }
0x90: {  	[tilespmem:s12], [sflag:$0x3] =	stream.indirect.gather [hbm4b:s5+s0], $0x80, s3, s0, $0xb8;
	[tilespmem:$0x1EE00] =	vst v63  }
0x91: {  	_ =	swait.ge [sflag:s13], $0x3800  }
0x92: {  	p1 =	seq.s32 s7, $0xAE0;
	[sflag:s13] =	ssyncset.done $0x0  }
0x93: {  	s8 =	simm.s32 @p1 $0x4;
	[sflag:s13] =	ssyncadd.s32 $0xFFFFC800  }
0x94: {  	[spmem:s1] =	stream.indirect.scatter.add.f32 [tilespmem:s6], [sflag:$0x4], $0x80, s15, s0, $0xb8;
	[tilespmem:$0x1EE00] =	vst v63  }
0x95: {  	_ =	swait.ge @p1 [sflag:s8], $0x3800  }
0x96: {  	s10 =	sadd.s32 @!p1 s7, s10;
	[sflag:s8] =	ssyncset.done @p1 $0x0  }
0x97: {  	s18 =	sadd.s32 @!p1 $0x60, s10;
	s19 =	simm.s32 @!p1 $0x0;
	[sflag:s8] =	ssyncadd.s32 @p1 $0xFFFFC800  }
0x98: {  	[tilespmem:s19], [sflag:$0x5] =	stream.linear.gather @!p1 [hbm4b:s18+s19], $0x80, $0x38;
	[tilespmem:$0x1EE00] =	vst v63  }
0x99: {  	s18 =	sadd.s32 @!p1 s7, s20  }
0x9a: {  	s21 =	simm.s32 @!p1 $0x300;
	s20 =	sadd.s32 @!p1 $0x60, s18  }
0x9b: {  	[tilespmem:s21], [sflag:$0x5] =	stream.linear.gather @!p1 [hbm4b:s20+s19], $0x80, $0x38;
	[tilespmem:$0x1EE00] =	vst v63  }
0x9c: {  	s20 =	simm.s32 @!p1 $0x4  }
0x9d: {  	_ =	swait.ge @!p1 [sflag:s20], $0x3800  }
0x9e: {  	[sflag:s20] =	ssyncset.done @!p1 $0x0  }
0x9f: {  	s21 =	simm.s32 @!p1 $0x5;
	[sflag:s20] =	ssyncadd.s32 @!p1 $0xFFFFC800  }
0xa0: {  	_ =	swait.ge @!p1 [sflag:s21], $0x80  }
0xa1: {  	[sflag:s21] =	ssyncset.done @!p1 $0x0  }
0xa2: {  	[sflag:s21] =	ssyncadd.s32 @!p1 $0xFFFFFF80  }
0xa3: {  	_ =	swait.ge @!p1 [sflag:s21], $0x80  }
0xa4: {  	[sflag:s21] =	ssyncset.done @!p1 $0x0  }
0xa5: {  	s30 =	simm.s32 @!p1 $0x70;
	s31 =	simm.s32 @!p1 $0x600;
	[sflag:s21] =	ssyncadd.s32 @!p1 $0xFFFFFF80  }
0xa6: {  	[tilespmem:s31], [sflag:$0x1] =	stream.indirect.gather @!p1 [hbm4b:s5+s30], $0x80, s19, s30, $0xb8;
	[tilespmem:$0x1EE00] =	vst v63  }
0xa7: {  	_ =	swait.ge [sflag:s22], $0x3800  }
0xa8: {  	[sflag:s22] =	ssyncset.done $0x0  }
0xa9: {  	[sflag:s22] =	ssyncadd.s32 $0xFFFFC800  }
0xaa: {  	[spmem:s1] =	stream.indirect.scatter.add.f32 [tilespmem:s9], [sflag:$0x4], $0x80, s29, s0, $0xb8;
	[tilespmem:$0x1EE00] =	vst v63  }
0xab: {  	_ =	swait.ge @p1 [sflag:s8], $0x3800  }
0xac: {  	[sflag:s8] =	ssyncset.done @p1 $0x0  }
0xad: {  	[sflag:s8] =	ssyncadd.s32 @p1 $0xFFFFC800;
	s8 =	sadd.s32 @!p1 $0x70, s10;
	s10 =	simm.s32 @!p1 $0x80  }
0xae: {  	[tilespmem:s10], [sflag:$0x5] =	stream.linear.gather @!p1 [hbm4b:s8+s19], $0x80, $0x38;
	[tilespmem:$0x1EE00] =	vst v63  }
0xaf: {  	s8 =	sadd.s32 @!p1 $0x70, s18;
	s18 =	simm.s32 @!p1 $0x380  }
0xb0: {  	[tilespmem:s18], [sflag:$0x5] =	stream.linear.gather @!p1 [hbm4b:s8+s19], $0x80, $0x38;
	[tilespmem:$0x1EE00] =	vst v63  }
0xb1: {  	_ =	swait.ge @!p1 [sflag:s20], $0x3800  }
0xb2: {  	[sflag:s20] =	ssyncset.done @!p1 $0x0  }
0xb3: {  	[sflag:s20] =	ssyncadd.s32 @!p1 $0xFFFFC800  }
0xb4: {  	_ =	swait.ge @!p1 [sflag:s21], $0x80  }
0xb5: {  	[sflag:s21] =	ssyncset.done @!p1 $0x0  }
0xb6: {  	[sflag:s21] =	ssyncadd.s32 @!p1 $0xFFFFFF80  }
0xb7: {  	_ =	swait.ge @!p1 [sflag:s21], $0x80  }
0xb8: {  	[sflag:s21] =	ssyncset.done @!p1 $0x0  }
0xb9: {  	s8 =	simm.s32 @!p1 $0x3E00;
	[sflag:s21] =	ssyncadd.s32 @!p1 $0xFFFFFF80  }
0xba: {  	[tilespmem:s8], [sflag:$0x2] =	stream.indirect.gather @!p1 [hbm4b:s5+s30], $0x80, s10, s30, $0xb8;
	[tilespmem:$0x1EE00] =	vst v63  }
.Ltmp3:
0xbb: {  	_ = 	snop;
	(pc) =	sbr.rel @p1 .LBB2_8-.Ltmp3, $4  }
0xbc: {  	_ =	swait.ge [sflag:s24], $0x3800  }
0xbd: {  	[sflag:s24] =	ssyncset.done $0x0  }
0xbe: {  	[sflag:s24] =	ssyncadd.s32 $0xFFFFC800  }
0xbf: {  	[spmem:s1] =	stream.indirect.scatter.add.f32 [tilespmem:s12], [sflag:$0x4], $0x80, s25, s0, $0xb8;
	[tilespmem:$0x1EE00] =	vst v63  }
0xc0: {  	s8 =	sadd.s32 $0x80, s23;
	s10 =	simm.s32 $0x100  }
0xc1: {  	[tilespmem:s10], [sflag:$0x5] =	stream.linear.gather [hbm4b:s8+s2], $0x80, $0x38;
	[tilespmem:$0x1EE00] =	vst v63  }
0xc2: {  	s31 =	sadd.s32 $0x80, s26  }
0xc3: {  	[tilespmem:s11], [sflag:$0x5] =	stream.linear.gather [hbm4b:s31+s2], $0x80, $0x38;
	[tilespmem:$0x1EE00] =	vst v63  }
0xc4: {  	_ =	swait.ge [sflag:s16], $0x3800  }
0xc5: {  	[sflag:s16] =	ssyncset.done $0x0  }
0xc6: {  	[sflag:s16] =	ssyncadd.s32 $0xFFFFC800  }
0xc7: {  	_ =	swait.ge [sflag:s17], $0x80  }
0xc8: {  	[sflag:s17] =	ssyncset.done $0x0  }
.Ltmp4:
0xc9: {  	[sflag:s17] =	ssyncadd.s32 $0xFFFFFF80;
	(pc) =	sbr.rel .LBB2_7-.Ltmp4, $4  }
0xca: {  	_ =	swait.ge [sflag:s17], $0x80  }
0xcb: {  	[sflag:s17] =	ssyncset.done $0x0  }
0xcc: {  	s7 =	sadd.s32 $0x60, s7;
	[sflag:s17] =	ssyncadd.s32 $0xFFFFFF80  }
0xcd: {  	[tilespmem:s12], [sflag:$0x3] =	stream.indirect.gather [hbm4b:s5+s0], $0x80, s10, s0, $0xb8;
	[tilespmem:$0x1EE00] =	vst v63  }
.LBB2_2:
0xce: {  	s7 =	rddreg [dreg:$0x18]  }
0xcf: {  	[dreg:$0x1c] =	wrdreg s18  }
0xd0: {  	[spmem:s8], [sflag:s18] =	dma.local [hbm:s7], $0x2800  }
0xd1: {  	_ =	swait.ge [sflag:s10], $0x2800  }
0xd2: {  	[sflag:s10] =	ssyncset.done $0x0  }
0xd3: {  	[sflag:s10] =	ssyncadd.s32 $0xFFFFD800  }
0xd4: {  	[bflag:$0x0] =	sbarrier.arrive $0xFFFF  }
0xd5: {  	s7 =	simm.s32 $0x0;
	s31 =	rddreg [dreg:$0x3]  }
0xd6: {  	[tilespmem:s7], [sflag:$0x6] =	stream.linear.gather [hbm4b:s31+s7], $0x80, $0x38;
	[tilespmem:$0x1EE00] =	vst v63  }
0xd7: {  	_ =	swait.ge [sflag:s10], $0x80  }
0xd8: {  	[sflag:s10] =	ssyncset.done $0x0  }
0xd9: {  	s19 =	simm.s32 $0x300;
	s18 =	rddreg [dreg:$0x4];
	[sflag:s10] =	ssyncadd.s32 $0xFFFFFF80  }
0xda: {  	[tilespmem:s19], [sflag:$0x6] =	stream.linear.gather [hbm4b:s18+s7], $0x80, $0x38;
	[tilespmem:$0x1EE00] =	vst v63  }
0xdb: {  	_ =	swait.ge [sflag:s10], $0x80  }
0xdc: {  	[sflag:s10] =	ssyncset.done $0x0  }
0xdd: {  	[sflag:s10] =	ssyncadd.s32 $0xFFFFFF80  }
0xde: {  	[tilespmem:s6], [sflag:$0x1] =	stream.indirect.gather [hbm4b:s4+s0], $0x80, s7, s0, $0xb8;
	[tilespmem:$0x1EE00] =	vst v63  }
0xdf: {  	s21 =	simm.s32 $0x80;
	s20 =	rddreg [dreg:$0x5]  }
0xe0: {  	[tilespmem:s21], [sflag:$0x6] =	stream.linear.gather [hbm4b:s20+s7], $0x80, $0x38;
	[tilespmem:$0x1EE00] =	vst v63  }
0xe1: {  	_ =	swait.ge [sflag:s10], $0x80  }
0xe2: {  	[sflag:s10] =	ssyncset.done $0x0  }
0xe3: {  	s19 =	simm.s32 $0x380;
	s23 =	rddreg [dreg:$0x6];
	[sflag:s10] =	ssyncadd.s32 $0xFFFFFF80  }
0xe4: {  	[tilespmem:s19], [sflag:$0x6] =	stream.linear.gather [hbm4b:s23+s7], $0x80, $0x38;
	[tilespmem:$0x1EE00] =	vst v63  }
0xe5: {  	_ =	swait.ge [sflag:s10], $0x80  }
0xe6: {  	[sflag:s10] =	ssyncset.done $0x0  }
0xe7: {  	[sflag:s10] =	ssyncadd.s32 $0xFFFFFF80  }
0xe8: {  	[tilespmem:s9], [sflag:$0x2] =	stream.indirect.gather [hbm4b:s4+s0], $0x80, s21, s0, $0xb8;
	[tilespmem:$0x1EE00] =	vst v63  }
0xe9: {  	s30 =	simm.s32 $0x100;
	s26 =	rddreg [dreg:$0x7]  }
0xea: {  	[tilespmem:s30], [sflag:$0x6] =	stream.linear.gather [hbm4b:s26+s7], $0x80, $0x38;
	[tilespmem:$0x1EE00] =	vst v63  }
0xeb: {  	_ =	swait.ge [sflag:s10], $0x80  }
0xec: {  	[sflag:s10] =	ssyncset.done $0x0  }
0xed: {  	s31 =	rddreg [dreg:$0x8];
	[sflag:s10] =	ssyncadd.s32 $0xFFFFFF80  }
0xee: {  	[tilespmem:s11], [sflag:$0x6] =	stream.linear.gather [hbm4b:s31+s7], $0x80, $0x38;
	[tilespmem:$0x1EE00] =	vst v63  }
0xef: {  	_ =	swait.ge [sflag:s10], $0x80  }
0xf0: {  	[sflag:s10] =	ssyncset.done $0x0  }
0xf1: {  	[sflag:s10] =	ssyncadd.s32 $0xFFFFFF80  }
0xf2: {  	[tilespmem:s12], [sflag:$0x3] =	stream.indirect.gather [hbm4b:s4+s0], $0x80, s30, s0, $0xb8;
	[tilespmem:$0x1EE00] =	vst v63  }
.LBB2_3:
0xf3: {  	_ =	swait.ge [sflag:s13], $0x3800  }
0xf4: {  	[sflag:s13] =	ssyncset.done $0x0  }
0xf5: {  	s8 =	simm.s32 $0x300;
	[sflag:s13] =	ssyncadd.s32 $0xFFFFC800  }
0xf6: {  	[spmem:s1] =	stream.indirect.scatter.add.f32 [tilespmem:s6], [sflag:$0x4], $0x80, s8, s0, $0xb8;
	[tilespmem:$0x1EE00] =	vst v63  }
0xf7: {  	s8 =	rddreg [dreg:$0xf]  }
0xf8: {  	s23 =	sadd.s32 s7, s8  }
0xf9: {  	s10 =	rddreg [dreg:$0x10];
	s26 =	sadd.s32 $0x30, s23  }
0xfa: {  	[tilespmem:s14], [sflag:$0x5] =	stream.linear.gather [hbm4b:s26+s2], $0x80, $0x38;
	[tilespmem:$0x1EE00] =	vst v63  }
0xfb: {  	s26 =	sadd.s32 s7, s10  }
0xfc: {  	s30 =	sadd.s32 $0x30, s26  }
0xfd: {  	[tilespmem:s15], [sflag:$0x5] =	stream.linear.gather [hbm4b:s30+s2], $0x80, $0x38;
	[tilespmem:$0x1EE00] =	vst v63  }
0xfe: {  	_ =	swait.ge [sflag:s16], $0x3800  }
0xff: {  	[sflag:s16] =	ssyncset.done $0x0  }
0x100: {  	[sflag:s16] =	ssyncadd.s32 $0xFFFFC800  }
0x101: {  	_ =	swait.ge [sflag:s17], $0x80  }
0x102: {  	[sflag:s17] =	ssyncset.done $0x0  }
0x103: {  	[sflag:s17] =	ssyncadd.s32 $0xFFFFFF80  }
0x104: {  	_ =	swait.ge [sflag:s17], $0x80  }
0x105: {  	[sflag:s17] =	ssyncset.done $0x0  }
0x106: {  	[sflag:s17] =	ssyncadd.s32 $0xFFFFFF80  }
0x107: {  	[tilespmem:s6], [sflag:$0x1] =	stream.indirect.gather [hbm4b:s4+s0], $0x80, s14, s0, $0xb8;
	[tilespmem:$0x1EE00] =	vst v63  }
0x108: {  	_ =	swait.ge [sflag:s22], $0x3800  }
0x109: {  	[sflag:s22] =	ssyncset.done $0x0  }
0x10a: {  	s18 =	simm.s32 $0x380;
	[sflag:s22] =	ssyncadd.s32 $0xFFFFC800  }
0x10b: {  	[spmem:s1] =	stream.indirect.scatter.add.f32 [tilespmem:s9], [sflag:$0x4], $0x80, s18, s0, $0xb8;
	[tilespmem:$0x1EE00] =	vst v63  }
0x10c: {  	s19 =	sadd.s32 $0x40, s23  }
0x10d: {  	[tilespmem:s28], [sflag:$0x5] =	stream.linear.gather [hbm4b:s19+s2], $0x80, $0x38;
	[tilespmem:$0x1EE00] =	vst v63  }
0x10e: {  	s20 =	sadd.s32 $0x40, s26  }
0x10f: {  	[tilespmem:s29], [sflag:$0x5] =	stream.linear.gather [hbm4b:s20+s2], $0x80, $0x38;
	[tilespmem:$0x1EE00] =	vst v63  }
0x110: {  	_ =	swait.ge [sflag:s16], $0x3800  }
0x111: {  	[sflag:s16] =	ssyncset.done $0x0  }
0x112: {  	[sflag:s16] =	ssyncadd.s32 $0xFFFFC800  }
0x113: {  	_ =	swait.ge [sflag:s17], $0x80  }
0x114: {  	[sflag:s17] =	ssyncset.done $0x0  }
0x115: {  	[sflag:s17] =	ssyncadd.s32 $0xFFFFFF80  }
0x116: {  	_ =	swait.ge [sflag:s17], $0x80  }
0x117: {  	[sflag:s17] =	ssyncset.done $0x0  }
0x118: {  	[sflag:s17] =	ssyncadd.s32 $0xFFFFFF80  }
0x119: {  	[tilespmem:s9], [sflag:$0x2] =	stream.indirect.gather [hbm4b:s4+s0], $0x80, s28, s0, $0xb8;
	[tilespmem:$0x1EE00] =	vst v63  }
0x11a: {  	_ =	swait.ge [sflag:s24], $0x3800  }
0x11b: {  	[sflag:s24] =	ssyncset.done $0x0  }
0x11c: {  	[sflag:s24] =	ssyncadd.s32 $0xFFFFC800  }
0x11d: {  	[spmem:s1] =	stream.indirect.scatter.add.f32 [tilespmem:s12], [sflag:$0x4], $0x80, s11, s0, $0xb8;
	[tilespmem:$0x1EE00] =	vst v63  }
0x11e: {  	s21 =	sadd.s32 $0x50, s23  }
0x11f: {  	[tilespmem:s3], [sflag:$0x5] =	stream.linear.gather [hbm4b:s21+s2], $0x80, $0x38;
	[tilespmem:$0x1EE00] =	vst v63  }
0x120: {  	s31 =	sadd.s32 $0x50, s26  }
0x121: {  	[tilespmem:s25], [sflag:$0x5] =	stream.linear.gather [hbm4b:s31+s2], $0x80, $0x38;
	[tilespmem:$0x1EE00] =	vst v63  }
0x122: {  	_ =	swait.ge [sflag:s16], $0x3800  }
0x123: {  	[sflag:s16] =	ssyncset.done $0x0  }
0x124: {  	[sflag:s16] =	ssyncadd.s32 $0xFFFFC800  }
0x125: {  	_ =	swait.ge [sflag:s17], $0x80  }
0x126: {  	[sflag:s17] =	ssyncset.done $0x0  }
0x127: {  	[sflag:s17] =	ssyncadd.s32 $0xFFFFFF80  }
0x128: {  	_ =	swait.ge [sflag:s17], $0x80  }
0x129: {  	[sflag:s17] =	ssyncset.done $0x0  }
0x12a: {  	[sflag:s17] =	ssyncadd.s32 $0xFFFFFF80  }
0x12b: {  	[tilespmem:s12], [sflag:$0x3] =	stream.indirect.gather [hbm4b:s4+s0], $0x80, s3, s0, $0xb8;
	[tilespmem:$0x1EE00] =	vst v63  }
0x12c: {  	_ =	swait.ge [sflag:s13], $0x3800  }
0x12d: {  	p1 =	seq.s32 s7, $0xAE0;
	[sflag:s13] =	ssyncset.done $0x0  }
0x12e: {  	s30 =	simm.s32 @p1 $0x4;
	[sflag:s13] =	ssyncadd.s32 $0xFFFFC800  }
0x12f: {  	[spmem:s1] =	stream.indirect.scatter.add.f32 [tilespmem:s6], [sflag:$0x4], $0x80, s15, s0, $0xb8;
	[tilespmem:$0x1EE00] =	vst v63  }
0x130: {  	_ =	swait.ge @p1 [sflag:s30], $0x3800  }
0x131: {  	s31 =	sadd.s32 @!p1 s7, s8;
	[sflag:s30] =	ssyncset.done @p1 $0x0  }
0x132: {  	s18 =	simm.s32 @!p1 $0x0;
	s8 =	sadd.s32 @!p1 $0x60, s31;
	[sflag:s30] =	ssyncadd.s32 @p1 $0xFFFFC800  }
0x133: {  	[tilespmem:s18], [sflag:$0x5] =	stream.linear.gather @!p1 [hbm4b:s8+s18], $0x80, $0x38;
	[tilespmem:$0x1EE00] =	vst v63  }
0x134: {  	s8 =	sadd.s32 @!p1 s7, s10  }
0x135: {  	s20 =	simm.s32 @!p1 $0x300;
	s19 =	sadd.s32 @!p1 $0x60, s8  }
0x136: {  	[tilespmem:s20], [sflag:$0x5] =	stream.linear.gather @!p1 [hbm4b:s19+s18], $0x80, $0x38;
	[tilespmem:$0x1EE00] =	vst v63  }
0x137: {  	s19 =	simm.s32 @!p1 $0x4  }
0x138: {  	_ =	swait.ge @!p1 [sflag:s19], $0x3800  }
0x139: {  	[sflag:s19] =	ssyncset.done @!p1 $0x0  }
0x13a: {  	s20 =	simm.s32 @!p1 $0x5;
	[sflag:s19] =	ssyncadd.s32 @!p1 $0xFFFFC800  }
0x13b: {  	_ =	swait.ge @!p1 [sflag:s20], $0x80  }
0x13c: {  	[sflag:s20] =	ssyncset.done @!p1 $0x0  }
0x13d: {  	[sflag:s20] =	ssyncadd.s32 @!p1 $0xFFFFFF80  }
0x13e: {  	_ =	swait.ge @!p1 [sflag:s20], $0x80  }
0x13f: {  	[sflag:s20] =	ssyncset.done @!p1 $0x0  }
0x140: {  	s21 =	simm.s32 @!p1 $0x70;
	s10 =	simm.s32 @!p1 $0x600;
	[sflag:s20] =	ssyncadd.s32 @!p1 $0xFFFFFF80  }
0x141: {  	[tilespmem:s10], [sflag:$0x1] =	stream.indirect.gather @!p1 [hbm4b:s4+s21], $0x80, s18, s21, $0xb8;
	[tilespmem:$0x1EE00] =	vst v63  }
0x142: {  	_ =	swait.ge [sflag:s22], $0x3800  }
0x143: {  	[sflag:s22] =	ssyncset.done $0x0  }
0x144: {  	[sflag:s22] =	ssyncadd.s32 $0xFFFFC800  }
0x145: {  	[spmem:s1] =	stream.indirect.scatter.add.f32 [tilespmem:s9], [sflag:$0x4], $0x80, s29, s0, $0xb8;
	[tilespmem:$0x1EE00] =	vst v63  }
0x146: {  	_ =	swait.ge @p1 [sflag:s30], $0x3800  }
0x147: {  	[sflag:s30] =	ssyncset.done @p1 $0x0  }
0x148: {  	s10 =	sadd.s32 @!p1 $0x70, s31;
	[sflag:s30] =	ssyncadd.s32 @p1 $0xFFFFC800;
	s30 =	simm.s32 @!p1 $0x80  }
0x149: {  	[tilespmem:s30], [sflag:$0x5] =	stream.linear.gather @!p1 [hbm4b:s10+s18], $0x80, $0x38;
	[tilespmem:$0x1EE00] =	vst v63  }
0x14a: {  	s8 =	sadd.s32 @!p1 $0x70, s8;
	s10 =	simm.s32 @!p1 $0x380  }
0x14b: {  	[tilespmem:s10], [sflag:$0x5] =	stream.linear.gather @!p1 [hbm4b:s8+s18], $0x80, $0x38;
	[tilespmem:$0x1EE00] =	vst v63  }
0x14c: {  	_ =	swait.ge @!p1 [sflag:s19], $0x3800  }
0x14d: {  	[sflag:s19] =	ssyncset.done @!p1 $0x0  }
0x14e: {  	[sflag:s19] =	ssyncadd.s32 @!p1 $0xFFFFC800  }
0x14f: {  	_ =	swait.ge @!p1 [sflag:s20], $0x80  }
0x150: {  	[sflag:s20] =	ssyncset.done @!p1 $0x0  }
0x151: {  	[sflag:s20] =	ssyncadd.s32 @!p1 $0xFFFFFF80  }
0x152: {  	_ =	swait.ge @!p1 [sflag:s20], $0x80  }
0x153: {  	[sflag:s20] =	ssyncset.done @!p1 $0x0  }
0x154: {  	s8 =	simm.s32 @!p1 $0x3E00;
	[sflag:s20] =	ssyncadd.s32 @!p1 $0xFFFFFF80  }
0x155: {  	[tilespmem:s8], [sflag:$0x2] =	stream.indirect.gather @!p1 [hbm4b:s4+s21], $0x80, s30, s21, $0xb8;
	[tilespmem:$0x1EE00] =	vst v63  }
.Ltmp5:
0x156: {  	_ = 	snop;
	(pc) =	sbr.rel @p1 .LBB2_4-.Ltmp5, $4  }
0x157: {  	_ =	swait.ge [sflag:s24], $0x3800  }
0x158: {  	[sflag:s24] =	ssyncset.done $0x0  }
0x159: {  	[sflag:s24] =	ssyncadd.s32 $0xFFFFC800  }
0x15a: {  	[spmem:s1] =	stream.indirect.scatter.add.f32 [tilespmem:s12], [sflag:$0x4], $0x80, s25, s0, $0xb8;
	[tilespmem:$0x1EE00] =	vst v63  }
0x15b: {  	s8 =	sadd.s32 $0x80, s23;
	s10 =	simm.s32 $0x100  }
0x15c: {  	[tilespmem:s10], [sflag:$0x5] =	stream.linear.gather [hbm4b:s8+s2], $0x80, $0x38;
	[tilespmem:$0x1EE00] =	vst v63  }
0x15d: {  	s31 =	sadd.s32 $0x80, s26  }
0x15e: {  	[tilespmem:s11], [sflag:$0x5] =	stream.linear.gather [hbm4b:s31+s2], $0x80, $0x38;
	[tilespmem:$0x1EE00] =	vst v63  }
0x15f: {  	_ =	swait.ge [sflag:s16], $0x3800  }
0x160: {  	[sflag:s16] =	ssyncset.done $0x0  }
0x161: {  	[sflag:s16] =	ssyncadd.s32 $0xFFFFC800  }
0x162: {  	_ =	swait.ge [sflag:s17], $0x80  }
0x163: {  	[sflag:s17] =	ssyncset.done $0x0  }
.Ltmp6:
0x164: {  	[sflag:s17] =	ssyncadd.s32 $0xFFFFFF80;
	(pc) =	sbr.rel .LBB2_3-.Ltmp6, $4  }
0x165: {  	_ =	swait.ge [sflag:s17], $0x80  }
0x166: {  	[sflag:s17] =	ssyncset.done $0x0  }
0x167: {  	s7 =	sadd.s32 $0x60, s7;
	[sflag:s17] =	ssyncadd.s32 $0xFFFFFF80  }
0x168: {  	[tilespmem:s12], [sflag:$0x3] =	stream.indirect.gather [hbm4b:s4+s0], $0x80, s10, s0, $0xb8;
	[tilespmem:$0x1EE00] =	vst v63  }
.LBB2_4:
.Ltmp7:
0x169: {  	(pc) =	sbr.rel .LBB2_9-.Ltmp7, $3  }
0x16a: {  	_ =	sdelay $0x1  }
0x16b: {  	s7 =	rddreg [dreg:$0x13]  }
0x16c: {  	s10 =	simm.s32 $0x6;
	s18 =	rddreg [dreg:$0x1a]  }
.LBB2_10:
0x16d: {  	_ =	sfence.sel $0x180000  }
0x16e: {  	[bflag:$0x0] =	sbarrier.arrive $0xFFFF  }
0x16f: {  	_ =	strace $0x9000004A  }
0x170: {  	s0 =	stileid.u32;
	[bflag:$0x2] =	sbarrier.arrive $0xFFFF  }
0x171: {  	p0 =	sne.s32 s0, $0x0;
	s0 =	rddreg [dreg:$0x2]  }
0x172: {  	s0 =	sadd.s32 @!p0 $0x100000, s0  }
0x173: {  	[sflag:s0] =	ssyncadd.tile.s32 @!p0 $0x1;
	_ =	shalt  }
.Lfunc_end2:
_tile_overlayer_lowered:
.L_overlay_start_2:
0x174: {  	(tag) =	ssettag $0x2  }
0x175: {  	s0 =	rddreg [dreg:$0x0];
	s2 =	stileid.u32  }
0x176: {  	s1 =	rddreg [dreg:$0x1];
	p0 =	sne.s32 s2, $0x0  }
0x177: {  	s3 =	rddreg [dreg:$0x2];
	[bflag:$0x3] =	sbarrier.arrive $0xFFFF;
	s2 =	simm.s32 @!p0 $0x1C06  }
0x178: {  	[timem:s3], [sflag:s2] =	dma.local @!p0 [hbm:s0], s1  }
0x179: {  	s0 =	simm.s32 @!p0 $0x6  }
0x17a: {  	_ =	swait.ge @!p0 [sflag:s0], s1  }
0x17b: {  	s1 =	ssub.s32 @!p0 $0x0, s1;
	[sflag:s0] =	ssyncset.done @!p0 $0x0  }
0x17c: {  	[sflag:s0] =	ssyncadd.s32 @!p0 s1  }
0x17d: {  	[bflag:$0x3] =	sbarrier.arrive $0xFFFF  }
0x17e: {  	_ =	shalt  }

</sc_bundles>
